<compile_context>
chip_gen: v7x
topology: tpu7x:2x2x1
jax: 0.10.2.dev20260603
libtpu: 0.0.44.dev20260713+nightly
codegen_flags: <defaults>
</compile_context>

<pallas_src>
import jax
import jax.numpy as jnp
import numpy as np
from jax import lax
from jax.experimental import pallas as pl
from jax.experimental.pallas import tpu as pltpu
from jax.experimental.pallas import tpu_sc as plsc

N = 100000
E = 3200000
K = 3
T = 4

NC = 2
NS = 16
NW = NC * NS
L = 16

EPW = E // NW
CHUNK = 800
GRP = 80
NSUB = CHUNK // GRP
NG16 = GRP // L
NCHUNKS = EPW // CHUNK

NPAD = 131072
NQ = NPAD // 8
W = 16
RPT = 6256
RPT_LAST = 6160

_F32 = jnp.float32
_I32 = jnp.int32


def _radial_body(d_ref, cut_ref, mean_ref, scal_ref, o_ref):
    d = d_ref[...]
    pi = np.float32(np.pi)
    for k in range(K):
        c = cut_ref[k]
        m = mean_ref[k]
        s = scal_ref[k]
        rbf = jnp.exp(-s * (d - m) ** 2)
        cosv = 0.5 * (jnp.cos(pi * d / c) + 1.0)
        w = jnp.where(d <= c, cosv, jnp.zeros_like(cosv))
        o_ref[k] = rbf * w


def _radial(d2, cut, mean, scal):
    nrows = d2.shape[0]
    grid = nrows // 8
    return pl.pallas_call(
        _radial_body,
        out_shape=jax.ShapeDtypeStruct((K, nrows, d2.shape[1]), _F32),
        grid=(grid,),
        in_specs=[
            pl.BlockSpec((8, d2.shape[1]), lambda i: (i, 0)),
            pl.BlockSpec(memory_space=pltpu.SMEM),
            pl.BlockSpec(memory_space=pltpu.SMEM),
            pl.BlockSpec(memory_space=pltpu.SMEM),
        ],
        out_specs=pl.BlockSpec((K, 8, d2.shape[1]), lambda i: (0, i, 0)),
    )(d2, cut, mean, scal)


def _colmap_body(f_ref, ftu_ref, o_ref):
    w = jnp.zeros((8, 128), _I32)
    for j in range(8):
        f = f_ref[j]
        slot = jnp.full(f.shape, 15, _I32)
        for t in range(T - 1, -1, -1):
            slot = jnp.where(f == ftu_ref[t], jnp.full_like(slot, t), slot)
        w = w | (slot << (4 * j))
    o_ref[...] = w


def _colmap(fpad3, ftu):
    grid = fpad3.shape[1] // 8
    return pl.pallas_call(
        _colmap_body,
        out_shape=jax.ShapeDtypeStruct((fpad3.shape[1], 128), _I32),
        grid=(grid,),
        in_specs=[
            pl.BlockSpec((8, 8, 128), lambda i: (0, i, 0)),
            pl.BlockSpec(memory_space=pltpu.SMEM),
        ],
        out_specs=pl.BlockSpec((8, 128), lambda i: (i, 0)),
    )(fpad3, ftu)


def _sc_body(colq_hbm, src_hbm, dst_hbm, he_hbm, out_hbm,
             colq_v, src_v, dst_v, he_v, dst80_v, contrib_v, acc_sh,
             sem_ld, sem_sc):
    cid = lax.axis_index("c")
    sid = lax.axis_index("s")
    wid = cid * NS + sid

    for p in range(2):
        for i in range(GRP):
            contrib_v[p, i, :] = jnp.zeros((L,), _F32)
        for g in range(NG16):
            dst80_v[p, pl.ds(g * L, L)] = jnp.zeros((L,), _I32)

    r0 = pl.multiple_of(sid * RPT, 16)
    z0 = contrib_v.at[0]

    def _zero(i, carry):
        pltpu.sync_copy(z0, acc_sh.at[pl.ds(r0 + i * GRP, GRP)])
        return carry

    lax.fori_loop(0, 77, _zero, 0)

    @pl.when(sid < NS - 1)
    def _zero_tail():
        pltpu.sync_copy(z0, acc_sh.at[pl.ds(r0 + 6160, 80)])
        pltpu.sync_copy(z0.at[pl.ds(0, 16)], acc_sh.at[pl.ds(r0 + 6240, 16)])

    pltpu.sync_copy(colq_hbm, colq_v)
    plsc.subcore_barrier()

    e0 = wid * EPW
    iota = lax.iota(_I32, L)

    def _issue_loads(ch, p):
        off = pl.multiple_of(e0 + ch * CHUNK, 8)
        pltpu.async_copy(src_hbm.at[pl.ds(off, CHUNK)], src_v.at[p],
                         sem_ld.at[p])
        pltpu.async_copy(dst_hbm.at[pl.ds(off, CHUNK)], dst_v.at[p],
                         sem_ld.at[p])
        pltpu.async_copy(
            he_hbm.at[pl.ds(pl.multiple_of(3 * (e0 + ch * CHUNK), 8),
                            3 * CHUNK)],
            he_v.at[p], sem_ld.at[p])

    def _wait_loads(ch, p):
        off = pl.multiple_of(e0 + ch * CHUNK, 8)
        pltpu.make_async_copy(src_hbm.at[pl.ds(off, CHUNK)], src_v.at[p],
                              sem_ld.at[p]).wait()
        pltpu.make_async_copy(dst_hbm.at[pl.ds(off, CHUNK)], dst_v.at[p],
                              sem_ld.at[p]).wait()
        pltpu.make_async_copy(
            he_hbm.at[pl.ds(pl.multiple_of(3 * (e0 + ch * CHUNK), 8),
                            3 * CHUNK)],
            he_v.at[p], sem_ld.at[p]).wait()

    def _issue_scatter(p):
        pltpu.async_copy(contrib_v.at[p], acc_sh.at[dst80_v.at[p]],
                         sem_sc.at[p], add=True)

    def _wait_scatter(p):
        pltpu.make_async_copy(contrib_v.at[p], acc_sh.at[dst80_v.at[p]],
                              sem_sc.at[p]).wait()

    _issue_scatter(0)
    _issue_scatter(1)
    _issue_loads(0, 0)

    def _chunk(ch, carry):
        cp = ch & 1
        _wait_loads(ch, cp)

        @pl.when(ch < NCHUNKS - 1)
        def _prefetch():
            _issue_loads(ch + 1, 1 - cp)

        srcc = src_v.at[cp]
        dstc = dst_v.at[cp]
        hec = he_v.at[cp]

        def _sub(j, carry2):
            p = (ch * NSUB + j) & 1
            _wait_scatter(p)
            b0 = j * GRP
            for g in range(NG16):
                b = b0 + g * L
                ev = iota + b
                srcv = srcc[pl.ds(b, L)]
                wq = plsc.load_gather(colq_v, [srcv & 16383])
                shift = (srcv >> 12) & 28
                colv = ((wq >> shift) & 15) * 3
                he0 = plsc.load_gather(hec, [3 * ev])
                he1 = plsc.load_gather(hec, [3 * ev + 1])
                he2 = plsc.load_gather(hec, [3 * ev + 2])
                hek = (he0, he1, he2)
                row = iota + g * L
                for t in range(T):
                    msk = colv == 3 * t
                    for k in range(K):
                        v = jnp.where(msk, hek[k], jnp.zeros((L,), _F32))
                        colc = jnp.full((L,), 3 * t + k, _I32)
                        plsc.store_scatter(contrib_v.at[p], [row, colc], v)
                dst80_v[p, pl.ds(g * L, L)] = dstc[pl.ds(b, L)]
            _issue_scatter(p)
            return carry2

        lax.fori_loop(0, NSUB, _sub, 0)
        return carry

    lax.fori_loop(0, NCHUNKS, _chunk, 0)

    _wait_scatter(0)
    _wait_scatter(1)
    plsc.subcore_barrier()

    o0 = pl.multiple_of(cid * N + r0, 16)
    stg = contrib_v.at[0]

    def _wb(i, carry):
        pltpu.sync_copy(acc_sh.at[pl.ds(r0 + i * GRP, GRP)], stg)
        pltpu.sync_copy(stg, out_hbm.at[pl.ds(o0 + i * GRP, GRP)])
        return carry

    lax.fori_loop(0, 77, _wb, 0)

    @pl.when(sid < NS - 1)
    def _wb_tail():
        pltpu.sync_copy(acc_sh.at[pl.ds(r0 + 6160, 80)], stg)
        pltpu.sync_copy(stg, out_hbm.at[pl.ds(o0 + 6160, 80)])
        pltpu.sync_copy(acc_sh.at[pl.ds(r0 + 6240, 16)], stg.at[pl.ds(0, 16)])
        pltpu.sync_copy(stg.at[pl.ds(0, 16)], out_hbm.at[pl.ds(o0 + 6240, 16)])


def _sc_call(colq, src, dst, he_flat):
    mesh = plsc.VectorSubcoreMesh(core_axis_name="c", subcore_axis_name="s")
    k = pl.kernel(
        _sc_body,
        out_type=jax.ShapeDtypeStruct((NC * N, W), _F32),
        mesh=mesh,
        scratch_types=[
            pltpu.VMEM((NQ,), _I32),
            pltpu.VMEM((2, CHUNK), _I32),
            pltpu.VMEM((2, CHUNK), _I32),
            pltpu.VMEM((2, 3 * CHUNK), _F32),
            pltpu.VMEM((2, GRP), _I32),
            pltpu.VMEM((2, GRP, W), _F32),
            pltpu.VMEM_SHARED((N, W), _F32),
            pltpu.SemaphoreType.DMA((2,)),
            pltpu.SemaphoreType.DMA((2,)),
        ],
        compiler_params=pltpu.CompilerParams(needs_layout_passes=False,
                                             use_tc_tiling_on_sc=False),
    )
    return k(colq, src, dst, he_flat)


def _reduce_body(p_ref, o_ref):
    o_ref[...] = p_ref[0] + p_ref[1]


def _reduce(parts3):
    nrows = parts3.shape[1]
    return pl.pallas_call(
        _reduce_body,
        out_shape=jax.ShapeDtypeStruct((nrows, 128), _F32),
    )(parts3)


def kernel(feat, edge_index, distances, interaction_cutoffs, rbf_kernel_means,
           rbf_kernel_scaling, features_to_use):
    d2 = distances.reshape(1000, 3200)
    cut = interaction_cutoffs.reshape(K)
    mean = rbf_kernel_means.reshape(K)
    scal = rbf_kernel_scaling.reshape(K)
    radial = _radial(d2, cut, mean, scal)
    he_flat = radial.reshape(3 * E)

    fpad = jnp.pad(feat.reshape(N), (0, NPAD - N)).reshape(8, NQ // 128, 128)
    colq = _colmap(fpad, features_to_use).reshape(NQ)

    src = edge_index[0].astype(_I32)
    dst = edge_index[1].astype(_I32)

    parts = _sc_call(colq, src, dst, he_flat)
    s = _reduce(parts.reshape(2, (N * W) // 128, 128))
    return s.reshape(N, W)[:, :12]

# --- scband reference (transcript-rebuilt; emitter-appended) ---
"""Pipeline reference for scband-atomic-conv-22754736734663 (READ-ONLY COPY).

The authoritative reference and input builder live on the scoring server;
editing this copy changes nothing except your own understanding.
"""

import jax, jax.numpy as jnp
import numpy as np

N = 100000
E = 3200000
K = 3
T = 4

def setup_inputs(seed: int = 0) -> dict:
    key = jax.random.key(seed)
    k1, k2, k3 = jax.random.split(key, 3)
    feat = jax.random.randint(k1, (N, 1), 0, 9).astype(jnp.float32)
    edge_index = jax.random.randint(k2, (2, E), 0, N)
    distances = jax.random.uniform(k3, (E, 1), dtype=jnp.float32)
    radial_params = jnp.array([[12.0, 0.0, 4.0], [12.0, 4.0, 4.0], [12.0, 8.0, 4.0]], dtype=jnp.float32)
    interaction_cutoffs = radial_params[:, 0].reshape(-1, 1, 1)
    rbf_kernel_means = radial_params[:, 1].reshape(-1, 1, 1)
    rbf_kernel_scaling = radial_params[:, 2].reshape(-1, 1, 1)
    features_to_use = jnp.array([1.0, 6.0, 7.0, 8.0], dtype=jnp.float32)
    return {"feat": feat, "edge_index": edge_index, "distances": distances,
            "interaction_cutoffs": interaction_cutoffs, "rbf_kernel_means": rbf_kernel_means,
            "rbf_kernel_scaling": rbf_kernel_scaling, "features_to_use": features_to_use}

def reference(feat, edge_index, distances, interaction_cutoffs, rbf_kernel_means, rbf_kernel_scaling, features_to_use):
    # RadialPooling: distances (E,1) broadcast against (K,1,1) params -> (K,E,1)
    scaled_euclidean_distance = -rbf_kernel_scaling * (distances - rbf_kernel_means) ** 2
    rbf_kernel_results = jnp.exp(scaled_euclidean_distance)
    cos_values = 0.5 * (jnp.cos(np.pi * distances / interaction_cutoffs) + 1.0)
    cutoff_values = jnp.where(distances <= interaction_cutoffs, cos_values, jnp.zeros_like(cos_values))
    radial_pooled_values = rbf_kernel_results * cutoff_values  # (K, E, 1)
    # one-hot encode atomic numbers against features_to_use
    flattened_feat = (feat.reshape(-1, 1) == features_to_use).astype(jnp.float32)  # (N*1, T)
    feat_enc = flattened_feat.reshape(feat.shape[0], -1)  # (N, T)
    hv = feat_enc[:, :, None]  # (N, T, 1)
    # faithful to torch: raw row-major reshape of (K,E,1) -> (E,K)
    he = radial_pooled_values.reshape(E, -1)  # (E, K)
    src = edge_index[0]
    dst = edge_index[1]
    # src_mul_edge with DGL broadcasting: (E,T,1) * (E,1,K) -> (E,T,K)
    m = hv[src] * he[:, None, :]
    hv_new = jax.ops.segment_sum(m, dst, num_segments=feat.shape[0])  # (N, T, K)
    return hv_new.reshape(feat.shape[0], -1)

if __name__ == "__main__":
    import jax
    _d = setup_inputs()
    print(jax.jit(kernel)(*tuple(_d.values())))

</pallas_src>

<mosaic_0001>
#map = affine_map<(d0, d1) -> (0)>
#map1 = affine_map<(d0, d1) -> (0, 0)>
module attributes {stable_mosaic.version = 14 : i64} {
  func.func @_sc_body(%arg0: i32, %arg1: i32, %arg2: memref<16384xi32, #tpu.memory_space<hbm>>, %arg3: memref<3200000xi32, #tpu.memory_space<hbm>>, %arg4: memref<3200000xi32, #tpu.memory_space<hbm>>, %arg5: memref<9600000xf32, #tpu.memory_space<hbm>>, %arg6: memref<200000x16xf32, #tpu.memory_space<hbm>>, %arg7: memref<16384xi32, #tpu.memory_space<vmem>>, %arg8: memref<2x800xi32, #tpu.memory_space<vmem>>, %arg9: memref<2x800xi32, #tpu.memory_space<vmem>>, %arg10: memref<2x2400xf32, #tpu.memory_space<vmem>>, %arg11: memref<2x80xi32, #tpu.memory_space<vmem>>, %arg12: memref<2x80x16xf32, #tpu.memory_space<vmem>>, %arg13: memref<100000x16xf32, #tpu.memory_space<vmem_shared>>, %arg14: memref<2x!tpu.dma_semaphore, #tpu.memory_space<semaphore_mem>>, %arg15: memref<2x!tpu.dma_semaphore, #tpu.memory_space<semaphore_mem>>) attributes {dimension_semantics = [#tpu.dimension_semantics<core_parallel>, #tpu.dimension_semantics<subcore_parallel>], iteration_bounds = array<i64: 2, 16>, scalar_prefetch = 0 : i64, scratch_operands = 9 : i64, tpu.core_type = #tpu.core_type<sc_vector_subcore>, window_params = [{transform_indices = #map}, {transform_indices = #map}, {transform_indices = #map}, {transform_indices = #map}, {transform_indices = #map1}]} {
    %mul3A = arith.constant 16 : i32
    %mul3A_0 = arith.muli %arg0, %mul3A : i32
    %add3A = arith.addi %mul3A_0, %arg1 : i32
    %broadcast_in_dim3A = arith.constant 0.000000e+00 : f32
    %broadcast_in_dim3A_1 = vector.broadcast %broadcast_in_dim3A : f32 to vector<16xf32>
    %swap3A = arith.constant 0 : i32
    %swap3A_2 = arith.constant 0 : i32
    %swap3A_3 = arith.index_cast %swap3A : i32 to index
    %swap3A_4 = arith.index_cast %swap3A_2 : i32 to index
    %swap3A_5 = arith.constant 0 : index
    %swap3A_6 = tpu.vector_load %arg12[%swap3A_3, %swap3A_4, %swap3A_5] {strides = array<i32>} : memref<2x80x16xf32, #tpu.memory_space<vmem>>, vector<16xf32>,
    tpu.vector_store %arg12[%swap3A_3, %swap3A_4, %swap3A_5], %broadcast_in_dim3A_1 {strides = array<i32>} : memref<2x80x16xf32, #tpu.memory_space<vmem>>, vector<16xf32>,
    %broadcast_in_dim3A_7 = arith.constant 0.000000e+00 : f32
    %broadcast_in_dim3A_8 = vector.broadcast %broadcast_in_dim3A_7 : f32 to vector<16xf32>
    %swap3A_9 = arith.constant 0 : i32
    %swap3A_10 = arith.constant 1 : i32
    %swap3A_11 = arith.index_cast %swap3A_9 : i32 to index
    %swap3A_12 = arith.index_cast %swap3A_10 : i32 to index
    %swap3A_13 = arith.constant 0 : index
    %swap3A_14 = tpu.vector_load %arg12[%swap3A_11, %swap3A_12, %swap3A_13] {strides = array<i32>} : memref<2x80x16xf32, #tpu.memory_space<vmem>>, vector<16xf32>,
    tpu.vector_store %arg12[%swap3A_11, %swap3A_12, %swap3A_13], %broadcast_in_dim3A_8 {strides = array<i32>} : memref<2x80x16xf32, #tpu.memory_space<vmem>>, vector<16xf32>,
    %broadcast_in_dim3A_15 = arith.constant 0.000000e+00 : f32
    %broadcast_in_dim3A_16 = vector.broadcast %broadcast_in_dim3A_15 : f32 to vector<16xf32>
    %swap3A_17 = arith.constant 0 : i32
    %swap3A_18 = arith.constant 2 : i32
    %swap3A_19 = arith.index_cast %swap3A_17 : i32 to index
    %swap3A_20 = arith.index_cast %swap3A_18 : i32 to index
    %swap3A_21 = arith.constant 0 : index
    %swap3A_22 = tpu.vector_load %arg12[%swap3A_19, %swap3A_20, %swap3A_21] {strides = array<i32>} : memref<2x80x16xf32, #tpu.memory_space<vmem>>, vector<16xf32>,
    tpu.vector_store %arg12[%swap3A_19, %swap3A_20, %swap3A_21], %broadcast_in_dim3A_16 {strides = array<i32>} : memref<2x80x16xf32, #tpu.memory_space<vmem>>, vector<16xf32>,
    %broadcast_in_dim3A_23 = arith.constant 0.000000e+00 : f32
    %broadcast_in_dim3A_24 = vector.broadcast %broadcast_in_dim3A_23 : f32 to vector<16xf32>
    %swap3A_25 = arith.constant 0 : i32
    %swap3A_26 = arith.constant 3 : i32
    %swap3A_27 = arith.index_cast %swap3A_25 : i32 to index
    %swap3A_28 = arith.index_cast %swap3A_26 : i32 to index
    %swap3A_29 = arith.constant 0 : index
    %swap3A_30 = tpu.vector_load %arg12[%swap3A_27, %swap3A_28, %swap3A_29] {strides = array<i32>} : memref<2x80x16xf32, #tpu.memory_space<vmem>>, vector<16xf32>,
    tpu.vector_store %arg12[%swap3A_27, %swap3A_28, %swap3A_29], %broadcast_in_dim3A_24 {strides = array<i32>} : memref<2x80x16xf32, #tpu.memory_space<vmem>>, vector<16xf32>,
    %broadcast_in_dim3A_31 = arith.constant 0.000000e+00 : f32
    %broadcast_in_dim3A_32 = vector.broadcast %broadcast_in_dim3A_31 : f32 to vector<16xf32>
    %swap3A_33 = arith.constant 0 : i32
    %swap3A_34 = arith.constant 4 : i32
    %swap3A_35 = arith.index_cast %swap3A_33 : i32 to index
    %swap3A_36 = arith.index_cast %swap3A_34 : i32 to index
    %swap3A_37 = arith.constant 0 : index
    %swap3A_38 = tpu.vector_load %arg12[%swap3A_35, %swap3A_36, %swap3A_37] {strides = array<i32>} : memref<2x80x16xf32, #tpu.memory_space<vmem>>, vector<16xf32>,
    tpu.vector_store %arg12[%swap3A_35, %swap3A_36, %swap3A_37], %broadcast_in_dim3A_32 {strides = array<i32>} : memref<2x80x16xf32, #tpu.memory_space<vmem>>, vector<16xf32>,
    %broadcast_in_dim3A_39 = arith.constant 0.000000e+00 : f32
    %broadcast_in_dim3A_40 = vector.broadcast %broadcast_in_dim3A_39 : f32 to vector<16xf32>
    %swap3A_41 = arith.constant 0 : i32
    %swap3A_42 = arith.constant 5 : i32
    %swap3A_43 = arith.index_cast %swap3A_41 : i32 to index
    %swap3A_44 = arith.index_cast %swap3A_42 : i32 to index
    %swap3A_45 = arith.constant 0 : index
    %swap3A_46 = tpu.vector_load %arg12[%swap3A_43, %swap3A_44, %swap3A_45] {strides = array<i32>} : memref<2x80x16xf32, #tpu.memory_space<vmem>>, vector<16xf32>,
    tpu.vector_store %arg12[%swap3A_43, %swap3A_44, %swap3A_45], %broadcast_in_dim3A_40 {strides = array<i32>} : memref<2x80x16xf32, #tpu.memory_space<vmem>>, vector<16xf32>,
    %broadcast_in_dim3A_47 = arith.constant 0.000000e+00 : f32
    %broadcast_in_dim3A_48 = vector.broadcast %broadcast_in_dim3A_47 : f32 to vector<16xf32>
    %swap3A_49 = arith.constant 0 : i32
    %swap3A_50 = arith.constant 6 : i32
    %swap3A_51 = arith.index_cast %swap3A_49 : i32 to index
    %swap3A_52 = arith.index_cast %swap3A_50 : i32 to index
    %swap3A_53 = arith.constant 0 : index
    %swap3A_54 = tpu.vector_load %arg12[%swap3A_51, %swap3A_52, %swap3A_53] {strides = array<i32>} : memref<2x80x16xf32, #tpu.memory_space<vmem>>, vector<16xf32>,
    tpu.vector_store %arg12[%swap3A_51, %swap3A_52, %swap3A_53], %broadcast_in_dim3A_48 {strides = array<i32>} : memref<2x80x16xf32, #tpu.memory_space<vmem>>, vector<16xf32>,
    %broadcast_in_dim3A_55 = arith.constant 0.000000e+00 : f32
    %broadcast_in_dim3A_56 = vector.broadcast %broadcast_in_dim3A_55 : f32 to vector<16xf32>
    %swap3A_57 = arith.constant 0 : i32
    %swap3A_58 = arith.constant 7 : i32
    %swap3A_59 = arith.index_cast %swap3A_57 : i32 to index
    %swap3A_60 = arith.index_cast %swap3A_58 : i32 to index
    %swap3A_61 = arith.constant 0 : index
    %swap3A_62 = tpu.vector_load %arg12[%swap3A_59, %swap3A_60, %swap3A_61] {strides = array<i32>} : memref<2x80x16xf32, #tpu.memory_space<vmem>>, vector<16xf32>,
    tpu.vector_store %arg12[%swap3A_59, %swap3A_60, %swap3A_61], %broadcast_in_dim3A_56 {strides = array<i32>} : memref<2x80x16xf32, #tpu.memory_space<vmem>>, vector<16xf32>,
    %broadcast_in_dim3A_63 = arith.constant 0.000000e+00 : f32
    %broadcast_in_dim3A_64 = vector.broadcast %broadcast_in_dim3A_63 : f32 to vector<16xf32>
    %swap3A_65 = arith.constant 0 : i32
    %swap3A_66 = arith.constant 8 : i32
    %swap3A_67 = arith.index_cast %swap3A_65 : i32 to index
    %swap3A_68 = arith.index_cast %swap3A_66 : i32 to index
    %swap3A_69 = arith.constant 0 : index
    %swap3A_70 = tpu.vector_load %arg12[%swap3A_67, %swap3A_68, %swap3A_69] {strides = array<i32>} : memref<2x80x16xf32, #tpu.memory_space<vmem>>, vector<16xf32>,
    tpu.vector_store %arg12[%swap3A_67, %swap3A_68, %swap3A_69], %broadcast_in_dim3A_64 {strides = array<i32>} : memref<2x80x16xf32, #tpu.memory_space<vmem>>, vector<16xf32>,
    %broadcast_in_dim3A_71 = arith.constant 0.000000e+00 : f32
    %broadcast_in_dim3A_72 = vector.broadcast %broadcast_in_dim3A_71 : f32 to vector<16xf32>
    %swap3A_73 = arith.constant 0 : i32
    %swap3A_74 = arith.constant 9 : i32
    %swap3A_75 = arith.index_cast %swap3A_73 : i32 to index
    %swap3A_76 = arith.index_cast %swap3A_74 : i32 to index
    %swap3A_77 = arith.constant 0 : index
    %swap3A_78 = tpu.vector_load %arg12[%swap3A_75, %swap3A_76, %swap3A_77] {strides = array<i32>} : memref<2x80x16xf32, #tpu.memory_space<vmem>>, vector<16xf32>,
    tpu.vector_store %arg12[%swap3A_75, %swap3A_76, %swap3A_77], %broadcast_in_dim3A_72 {strides = array<i32>} : memref<2x80x16xf32, #tpu.memory_space<vmem>>, vector<16xf32>,
    %broadcast_in_dim3A_79 = arith.constant 0.000000e+00 : f32
    %broadcast_in_dim3A_80 = vector.broadcast %broadcast_in_dim3A_79 : f32 to vector<16xf32>
    %swap3A_81 = arith.constant 0 : i32
    %swap3A_82 = arith.constant 10 : i32
    %swap3A_83 = arith.index_cast %swap3A_81 : i32 to index
    %swap3A_84 = arith.index_cast %swap3A_82 : i32 to index
    %swap3A_85 = arith.constant 0 : index
    %swap3A_86 = tpu.vector_load %arg12[%swap3A_83, %swap3A_84, %swap3A_85] {strides = array<i32>} : memref<2x80x16xf32, #tpu.memory_space<vmem>>, vector<16xf32>,
    tpu.vector_store %arg12[%swap3A_83, %swap3A_84, %swap3A_85], %broadcast_in_dim3A_80 {strides = array<i32>} : memref<2x80x16xf32, #tpu.memory_space<vmem>>, vector<16xf32>,
    %broadcast_in_dim3A_87 = arith.constant 0.000000e+00 : f32
    %broadcast_in_dim3A_88 = vector.broadcast %broadcast_in_dim3A_87 : f32 to vector<16xf32>
    %swap3A_89 = arith.constant 0 : i32
    %swap3A_90 = arith.constant 11 : i32
    %swap3A_91 = arith.index_cast %swap3A_89 : i32 to index
    %swap3A_92 = arith.index_cast %swap3A_90 : i32 to index
    %swap3A_93 = arith.constant 0 : index
    %swap3A_94 = tpu.vector_load %arg12[%swap3A_91, %swap3A_92, %swap3A_93] {strides = array<i32>} : memref<2x80x16xf32, #tpu.memory_space<vmem>>, vector<16xf32>,
    tpu.vector_store %arg12[%swap3A_91, %swap3A_92, %swap3A_93], %broadcast_in_dim3A_88 {strides = array<i32>} : memref<2x80x16xf32, #tpu.memory_space<vmem>>, vector<16xf32>,
    %broadcast_in_dim3A_95 = arith.constant 0.000000e+00 : f32
    %broadcast_in_dim3A_96 = vector.broadcast %broadcast_in_dim3A_95 : f32 to vector<16xf32>
    %swap3A_97 = arith.constant 0 : i32
    %swap3A_98 = arith.constant 12 : i32
    %swap3A_99 = arith.index_cast %swap3A_97 : i32 to index
    %swap3A_100 = arith.index_cast %swap3A_98 : i32 to index
    %swap3A_101 = arith.constant 0 : index
    %swap3A_102 = tpu.vector_load %arg12[%swap3A_99, %swap3A_100, %swap3A_101] {strides = array<i32>} : memref<2x80x16xf32, #tpu.memory_space<vmem>>, vector<16xf32>,
    tpu.vector_store %arg12[%swap3A_99, %swap3A_100, %swap3A_101], %broadcast_in_dim3A_96 {strides = array<i32>} : memref<2x80x16xf32, #tpu.memory_space<vmem>>, vector<16xf32>,
    %broadcast_in_dim3A_103 = arith.constant 0.000000e+00 : f32
    %broadcast_in_dim3A_104 = vector.broadcast %broadcast_in_dim3A_103 : f32 to vector<16xf32>
    %swap3A_105 = arith.constant 0 : i32
    %swap3A_106 = arith.constant 13 : i32
    %swap3A_107 = arith.index_cast %swap3A_105 : i32 to index
    %swap3A_108 = arith.index_cast %swap3A_106 : i32 to index
    %swap3A_109 = arith.constant 0 : index
    %swap3A_110 = tpu.vector_load %arg12[%swap3A_107, %swap3A_108, %swap3A_109] {strides = array<i32>} : memref<2x80x16xf32, #tpu.memory_space<vmem>>, vector<16xf32>,
    tpu.vector_store %arg12[%swap3A_107, %swap3A_108, %swap3A_109], %broadcast_in_dim3A_104 {strides = array<i32>} : memref<2x80x16xf32, #tpu.memory_space<vmem>>, vector<16xf32>,
    %broadcast_in_dim3A_111 = arith.constant 0.000000e+00 : f32
    %broadcast_in_dim3A_112 = vector.broadcast %broadcast_in_dim3A_111 : f32 to vector<16xf32>
    %swap3A_113 = arith.constant 0 : i32
    %swap3A_114 = arith.constant 14 : i32
    %swap3A_115 = arith.index_cast %swap3A_113 : i32 to index
    %swap3A_116 = arith.index_cast %swap3A_114 : i32 to index
    %swap3A_117 = arith.constant 0 : index
    %swap3A_118 = tpu.vector_load %arg12[%swap3A_115, %swap3A_116, %swap3A_117] {strides = array<i32>} : memref<2x80x16xf32, #tpu.memory_space<vmem>>, vector<16xf32>,
    tpu.vector_store %arg12[%swap3A_115, %swap3A_116, %swap3A_117], %broadcast_in_dim3A_112 {strides = array<i32>} : memref<2x80x16xf32, #tpu.memory_space<vmem>>, vector<16xf32>,
    %broadcast_in_dim3A_119 = arith.constant 0.000000e+00 : f32
    %broadcast_in_dim3A_120 = vector.broadcast %broadcast_in_dim3A_119 : f32 to vector<16xf32>
    %swap3A_121 = arith.constant 0 : i32
    %swap3A_122 = arith.constant 15 : i32
    %swap3A_123 = arith.index_cast %swap3A_121 : i32 to index
    %swap3A_124 = arith.index_cast %swap3A_122 : i32 to index
    %swap3A_125 = arith.constant 0 : index
    %swap3A_126 = tpu.vector_load %arg12[%swap3A_123, %swap3A_124, %swap3A_125] {strides = array<i32>} : memref<2x80x16xf32, #tpu.memory_space<vmem>>, vector<16xf32>,
    tpu.vector_store %arg12[%swap3A_123, %swap3A_124, %swap3A_125], %broadcast_in_dim3A_120 {strides = array<i32>} : memref<2x80x16xf32, #tpu.memory_space<vmem>>, vector<16xf32>,
    %broadcast_in_dim3A_127 = arith.constant 0.000000e+00 : f32
    %broadcast_in_dim3A_128 = vector.broadcast %broadcast_in_dim3A_127 : f32 to vector<16xf32>
    %swap3A_129 = arith.constant 0 : i32
    %swap3A_130 = arith.constant 16 : i32
    %swap3A_131 = arith.index_cast %swap3A_129 : i32 to index
    %swap3A_132 = arith.index_cast %swap3A_130 : i32 to index
    %swap3A_133 = arith.constant 0 : index
    %swap3A_134 = tpu.vector_load %arg12[%swap3A_131, %swap3A_132, %swap3A_133] {strides = array<i32>} : memref<2x80x16xf32, #tpu.memory_space<vmem>>, vector<16xf32>,
    tpu.vector_store %arg12[%swap3A_131, %swap3A_132, %swap3A_133], %broadcast_in_dim3A_128 {strides = array<i32>} : memref<2x80x16xf32, #tpu.memory_space<vmem>>, vector<16xf32>,
    %broadcast_in_dim3A_135 = arith.constant 0.000000e+00 : f32
    %broadcast_in_dim3A_136 = vector.broadcast %broadcast_in_dim3A_135 : f32 to vector<16xf32>
    %swap3A_137 = arith.constant 0 : i32
    %swap3A_138 = arith.constant 17 : i32
    %swap3A_139 = arith.index_cast %swap3A_137 : i32 to index
    %swap3A_140 = arith.index_cast %swap3A_138 : i32 to index
    %swap3A_141 = arith.constant 0 : index
    %swap3A_142 = tpu.vector_load %arg12[%swap3A_139, %swap3A_140, %swap3A_141] {strides = array<i32>} : memref<2x80x16xf32, #tpu.memory_space<vmem>>, vector<16xf32>,
    tpu.vector_store %arg12[%swap3A_139, %swap3A_140, %swap3A_141], %broadcast_in_dim3A_136 {strides = array<i32>} : memref<2x80x16xf32, #tpu.memory_space<vmem>>, vector<16xf32>,
    %broadcast_in_dim3A_143 = arith.constant 0.000000e+00 : f32
    %broadcast_in_dim3A_144 = vector.broadcast %broadcast_in_dim3A_143 : f32 to vector<16xf32>
    %swap3A_145 = arith.constant 0 : i32
    %swap3A_146 = arith.constant 18 : i32
    %swap3A_147 = arith.index_cast %swap3A_145 : i32 to index
    %swap3A_148 = arith.index_cast %swap3A_146 : i32 to index
    %swap3A_149 = arith.constant 0 : index
    %swap3A_150 = tpu.vector_load %arg12[%swap3A_147, %swap3A_148, %swap3A_149] {strides = array<i32>} : memref<2x80x16xf32, #tpu.memory_space<vmem>>, vector<16xf32>,
    tpu.vector_store %arg12[%swap3A_147, %swap3A_148, %swap3A_149], %broadcast_in_dim3A_144 {strides = array<i32>} : memref<2x80x16xf32, #tpu.memory_space<vmem>>, vector<16xf32>,
    %broadcast_in_dim3A_151 = arith.constant 0.000000e+00 : f32
    %broadcast_in_dim3A_152 = vector.broadcast %broadcast_in_dim3A_151 : f32 to vector<16xf32>
    %swap3A_153 = arith.constant 0 : i32
    %swap3A_154 = arith.constant 19 : i32
    %swap3A_155 = arith.index_cast %swap3A_153 : i32 to index
    %swap3A_156 = arith.index_cast %swap3A_154 : i32 to index
    %swap3A_157 = arith.constant 0 : index
    %swap3A_158 = tpu.vector_load %arg12[%swap3A_155, %swap3A_156, %swap3A_157] {strides = array<i32>} : memref<2x80x16xf32, #tpu.memory_space<vmem>>, vector<16xf32>,
    tpu.vector_store %arg12[%swap3A_155, %swap3A_156, %swap3A_157], %broadcast_in_dim3A_152 {strides = array<i32>} : memref<2x80x16xf32, #tpu.memory_space<vmem>>, vector<16xf32>,
    %broadcast_in_dim3A_159 = arith.constant 0.000000e+00 : f32
    %broadcast_in_dim3A_160 = vector.broadcast %broadcast_in_dim3A_159 : f32 to vector<16xf32>
    %swap3A_161 = arith.constant 0 : i32
    %swap3A_162 = arith.constant 20 : i32
    %swap3A_163 = arith.index_cast %swap3A_161 : i32 to index
    %swap3A_164 = arith.index_cast %swap3A_162 : i32 to index
    %swap3A_165 = arith.constant 0 : index
    %swap3A_166 = tpu.vector_load %arg12[%swap3A_163, %swap3A_164, %swap3A_165] {strides = array<i32>} : memref<2x80x16xf32, #tpu.memory_space<vmem>>, vector<16xf32>,
    tpu.vector_store %arg12[%swap3A_163, %swap3A_164, %swap3A_165], %broadcast_in_dim3A_160 {strides = array<i32>} : memref<2x80x16xf32, #tpu.memory_space<vmem>>, vector<16xf32>,
    %broadcast_in_dim3A_167 = arith.constant 0.000000e+00 : f32
    %broadcast_in_dim3A_168 = vector.broadcast %broadcast_in_dim3A_167 : f32 to vector<16xf32>
    %swap3A_169 = arith.constant 0 : i32
    %swap3A_170 = arith.constant 21 : i32
    %swap3A_171 = arith.index_cast %swap3A_169 : i32 to index
    %swap3A_172 = arith.index_cast %swap3A_170 : i32 to index
    %swap3A_173 = arith.constant 0 : index
    %swap3A_174 = tpu.vector_load %arg12[%swap3A_171, %swap3A_172, %swap3A_173] {strides = array<i32>} : memref<2x80x16xf32, #tpu.memory_space<vmem>>, vector<16xf32>,
    tpu.vector_store %arg12[%swap3A_171, %swap3A_172, %swap3A_173], %broadcast_in_dim3A_168 {strides = array<i32>} : memref<2x80x16xf32, #tpu.memory_space<vmem>>, vector<16xf32>,
    %broadcast_in_dim3A_175 = arith.constant 0.000000e+00 : f32
    %broadcast_in_dim3A_176 = vector.broadcast %broadcast_in_dim3A_175 : f32 to vector<16xf32>
    %swap3A_177 = arith.constant 0 : i32
    %swap3A_178 = arith.constant 22 : i32
    %swap3A_179 = arith.index_cast %swap3A_177 : i32 to index
    %swap3A_180 = arith.index_cast %swap3A_178 : i32 to index
    %swap3A_181 = arith.constant 0 : index
    %swap3A_182 = tpu.vector_load %arg12[%swap3A_179, %swap3A_180, %swap3A_181] {strides = array<i32>} : memref<2x80x16xf32, #tpu.memory_space<vmem>>, vector<16xf32>,
    tpu.vector_store %arg12[%swap3A_179, %swap3A_180, %swap3A_181], %broadcast_in_dim3A_176 {strides = array<i32>} : memref<2x80x16xf32, #tpu.memory_space<vmem>>, vector<16xf32>,
    %broadcast_in_dim3A_183 = arith.constant 0.000000e+00 : f32
    %broadcast_in_dim3A_184 = vector.broadcast %broadcast_in_dim3A_183 : f32 to vector<16xf32>
    %swap3A_185 = arith.constant 0 : i32
    %swap3A_186 = arith.constant 23 : i32
    %swap3A_187 = arith.index_cast %swap3A_185 : i32 to index
    %swap3A_188 = arith.index_cast %swap3A_186 : i32 to index
    %swap3A_189 = arith.constant 0 : index
    %swap3A_190 = tpu.vector_load %arg12[%swap3A_187, %swap3A_188, %swap3A_189] {strides = array<i32>} : memref<2x80x16xf32, #tpu.memory_space<vmem>>, vector<16xf32>,
    tpu.vector_store %arg12[%swap3A_187, %swap3A_188, %swap3A_189], %broadcast_in_dim3A_184 {strides = array<i32>} : memref<2x80x16xf32, #tpu.memory_space<vmem>>, vector<16xf32>,
    %broadcast_in_dim3A_191 = arith.constant 0.000000e+00 : f32
    %broadcast_in_dim3A_192 = vector.broadcast %broadcast_in_dim3A_191 : f32 to vector<16xf32>
    %swap3A_193 = arith.constant 0 : i32
    %swap3A_194 = arith.constant 24 : i32
    %swap3A_195 = arith.index_cast %swap3A_193 : i32 to index
    %swap3A_196 = arith.index_cast %swap3A_194 : i32 to index
    %swap3A_197 = arith.constant 0 : index
    %swap3A_198 = tpu.vector_load %arg12[%swap3A_195, %swap3A_196, %swap3A_197] {strides = array<i32>} : memref<2x80x16xf32, #tpu.memory_space<vmem>>, vector<16xf32>,
    tpu.vector_store %arg12[%swap3A_195, %swap3A_196, %swap3A_197], %broadcast_in_dim3A_192 {strides = array<i32>} : memref<2x80x16xf32, #tpu.memory_space<vmem>>, vector<16xf32>,
    %broadcast_in_dim3A_199 = arith.constant 0.000000e+00 : f32
    %broadcast_in_dim3A_200 = vector.broadcast %broadcast_in_dim3A_199 : f32 to vector<16xf32>
    %swap3A_201 = arith.constant 0 : i32
    %swap3A_202 = arith.constant 25 : i32
    %swap3A_203 = arith.index_cast %swap3A_201 : i32 to index
    %swap3A_204 = arith.index_cast %swap3A_202 : i32 to index
    %swap3A_205 = arith.constant 0 : index
    %swap3A_206 = tpu.vector_load %arg12[%swap3A_203, %swap3A_204, %swap3A_205] {strides = array<i32>} : memref<2x80x16xf32, #tpu.memory_space<vmem>>, vector<16xf32>,
    tpu.vector_store %arg12[%swap3A_203, %swap3A_204, %swap3A_205], %broadcast_in_dim3A_200 {strides = array<i32>} : memref<2x80x16xf32, #tpu.memory_space<vmem>>, vector<16xf32>,
    %broadcast_in_dim3A_207 = arith.constant 0.000000e+00 : f32
    %broadcast_in_dim3A_208 = vector.broadcast %broadcast_in_dim3A_207 : f32 to vector<16xf32>
    %swap3A_209 = arith.constant 0 : i32
    %swap3A_210 = arith.constant 26 : i32
    %swap3A_211 = arith.index_cast %swap3A_209 : i32 to index
    %swap3A_212 = arith.index_cast %swap3A_210 : i32 to index
    %swap3A_213 = arith.constant 0 : index
    %swap3A_214 = tpu.vector_load %arg12[%swap3A_211, %swap3A_212, %swap3A_213] {strides = array<i32>} : memref<2x80x16xf32, #tpu.memory_space<vmem>>, vector<16xf32>,
    tpu.vector_store %arg12[%swap3A_211, %swap3A_212, %swap3A_213], %broadcast_in_dim3A_208 {strides = array<i32>} : memref<2x80x16xf32, #tpu.memory_space<vmem>>, vector<16xf32>,
    %broadcast_in_dim3A_215 = arith.constant 0.000000e+00 : f32
    %broadcast_in_dim3A_216 = vector.broadcast %broadcast_in_dim3A_215 : f32 to vector<16xf32>
    %swap3A_217 = arith.constant 0 : i32
    %swap3A_218 = arith.constant 27 : i32
    %swap3A_219 = arith.index_cast %swap3A_217 : i32 to index
    %swap3A_220 = arith.index_cast %swap3A_218 : i32 to index
    %swap3A_221 = arith.constant 0 : index
    %swap3A_222 = tpu.vector_load %arg12[%swap3A_219, %swap3A_220, %swap3A_221] {strides = array<i32>} : memref<2x80x16xf32, #tpu.memory_space<vmem>>, vector<16xf32>,
    tpu.vector_store %arg12[%swap3A_219, %swap3A_220, %swap3A_221], %broadcast_in_dim3A_216 {strides = array<i32>} : memref<2x80x16xf32, #tpu.memory_space<vmem>>, vector<16xf32>,
    %broadcast_in_dim3A_223 = arith.constant 0.000000e+00 : f32
    %broadcast_in_dim3A_224 = vector.broadcast %broadcast_in_dim3A_223 : f32 to vector<16xf32>
    %swap3A_225 = arith.constant 0 : i32
    %swap3A_226 = arith.constant 28 : i32
    %swap3A_227 = arith.index_cast %swap3A_225 : i32 to index
    %swap3A_228 = arith.index_cast %swap3A_226 : i32 to index
    %swap3A_229 = arith.constant 0 : index
    %swap3A_230 = tpu.vector_load %arg12[%swap3A_227, %swap3A_228, %swap3A_229] {strides = array<i32>} : memref<2x80x16xf32, #tpu.memory_space<vmem>>, vector<16xf32>,
    tpu.vector_store %arg12[%swap3A_227, %swap3A_228, %swap3A_229], %broadcast_in_dim3A_224 {strides = array<i32>} : memref<2x80x16xf32, #tpu.memory_space<vmem>>, vector<16xf32>,
    %broadcast_in_dim3A_231 = arith.constant 0.000000e+00 : f32
    %broadcast_in_dim3A_232 = vector.broadcast %broadcast_in_dim3A_231 : f32 to vector<16xf32>
    %swap3A_233 = arith.constant 0 : i32
    %swap3A_234 = arith.constant 29 : i32
    %swap3A_235 = arith.index_cast %swap3A_233 : i32 to index
    %swap3A_236 = arith.index_cast %swap3A_234 : i32 to index
    %swap3A_237 = arith.constant 0 : index
    %swap3A_238 = tpu.vector_load %arg12[%swap3A_235, %swap3A_236, %swap3A_237] {strides = array<i32>} : memref<2x80x16xf32, #tpu.memory_space<vmem>>, vector<16xf32>,
    tpu.vector_store %arg12[%swap3A_235, %swap3A_236, %swap3A_237], %broadcast_in_dim3A_232 {strides = array<i32>} : memref<2x80x16xf32, #tpu.memory_space<vmem>>, vector<16xf32>,
    %broadcast_in_dim3A_239 = arith.constant 0.000000e+00 : f32
    %broadcast_in_dim3A_240 = vector.broadcast %broadcast_in_dim3A_239 : f32 to vector<16xf32>
    %swap3A_241 = arith.constant 0 : i32
    %swap3A_242 = arith.constant 30 : i32
    %swap3A_243 = arith.index_cast %swap3A_241 : i32 to index
    %swap3A_244 = arith.index_cast %swap3A_242 : i32 to index
    %swap3A_245 = arith.constant 0 : index
    %swap3A_246 = tpu.vector_load %arg12[%swap3A_243, %swap3A_244, %swap3A_245] {strides = array<i32>} : memref<2x80x16xf32, #tpu.memory_space<vmem>>, vector<16xf32>,
    tpu.vector_store %arg12[%swap3A_243, %swap3A_244, %swap3A_245], %broadcast_in_dim3A_240 {strides = array<i32>} : memref<2x80x16xf32, #tpu.memory_space<vmem>>, vector<16xf32>,
    %broadcast_in_dim3A_247 = arith.constant 0.000000e+00 : f32
    %broadcast_in_dim3A_248 = vector.broadcast %broadcast_in_dim3A_247 : f32 to vector<16xf32>
    %swap3A_249 = arith.constant 0 : i32
    %swap3A_250 = arith.constant 31 : i32
    %swap3A_251 = arith.index_cast %swap3A_249 : i32 to index
    %swap3A_252 = arith.index_cast %swap3A_250 : i32 to index
    %swap3A_253 = arith.constant 0 : index
    %swap3A_254 = tpu.vector_load %arg12[%swap3A_251, %swap3A_252, %swap3A_253] {strides = array<i32>} : memref<2x80x16xf32, #tpu.memory_space<vmem>>, vector<16xf32>,
    tpu.vector_store %arg12[%swap3A_251, %swap3A_252, %swap3A_253], %broadcast_in_dim3A_248 {strides = array<i32>} : memref<2x80x16xf32, #tpu.memory_space<vmem>>, vector<16xf32>,
    %broadcast_in_dim3A_255 = arith.constant 0.000000e+00 : f32
    %broadcast_in_dim3A_256 = vector.broadcast %broadcast_in_dim3A_255 : f32 to vector<16xf32>
    %swap3A_257 = arith.constant 0 : i32
    %swap3A_258 = arith.constant 32 : i32
    %swap3A_259 = arith.index_cast %swap3A_257 : i32 to index
    %swap3A_260 = arith.index_cast %swap3A_258 : i32 to index
    %swap3A_261 = arith.constant 0 : index
    %swap3A_262 = tpu.vector_load %arg12[%swap3A_259, %swap3A_260, %swap3A_261] {strides = array<i32>} : memref<2x80x16xf32, #tpu.memory_space<vmem>>, vector<16xf32>,
    tpu.vector_store %arg12[%swap3A_259, %swap3A_260, %swap3A_261], %broadcast_in_dim3A_256 {strides = array<i32>} : memref<2x80x16xf32, #tpu.memory_space<vmem>>, vector<16xf32>,
    %broadcast_in_dim3A_263 = arith.constant 0.000000e+00 : f32
    %broadcast_in_dim3A_264 = vector.broadcast %broadcast_in_dim3A_263 : f32 to vector<16xf32>
    %swap3A_265 = arith.constant 0 : i32
    %swap3A_266 = arith.constant 33 : i32
    %swap3A_267 = arith.index_cast %swap3A_265 : i32 to index
    %swap3A_268 = arith.index_cast %swap3A_266 : i32 to index
    %swap3A_269 = arith.constant 0 : index
    %swap3A_270 = tpu.vector_load %arg12[%swap3A_267, %swap3A_268, %swap3A_269] {strides = array<i32>} : memref<2x80x16xf32, #tpu.memory_space<vmem>>, vector<16xf32>,
    tpu.vector_store %arg12[%swap3A_267, %swap3A_268, %swap3A_269], %broadcast_in_dim3A_264 {strides = array<i32>} : memref<2x80x16xf32, #tpu.memory_space<vmem>>, vector<16xf32>,
    %broadcast_in_dim3A_271 = arith.constant 0.000000e+00 : f32
    %broadcast_in_dim3A_272 = vector.broadcast %broadcast_in_dim3A_271 : f32 to vector<16xf32>
    %swap3A_273 = arith.constant 0 : i32
    %swap3A_274 = arith.constant 34 : i32
    %swap3A_275 = arith.index_cast %swap3A_273 : i32 to index
    %swap3A_276 = arith.index_cast %swap3A_274 : i32 to index
    %swap3A_277 = arith.constant 0 : index
    %swap3A_278 = tpu.vector_load %arg12[%swap3A_275, %swap3A_276, %swap3A_277] {strides = array<i32>} : memref<2x80x16xf32, #tpu.memory_space<vmem>>, vector<16xf32>,
    tpu.vector_store %arg12[%swap3A_275, %swap3A_276, %swap3A_277], %broadcast_in_dim3A_272 {strides = array<i32>} : memref<2x80x16xf32, #tpu.memory_space<vmem>>, vector<16xf32>,
    %broadcast_in_dim3A_279 = arith.constant 0.000000e+00 : f32
    %broadcast_in_dim3A_280 = vector.broadcast %broadcast_in_dim3A_279 : f32 to vector<16xf32>
    %swap3A_281 = arith.constant 0 : i32
    %swap3A_282 = arith.constant 35 : i32
    %swap3A_283 = arith.index_cast %swap3A_281 : i32 to index
    %swap3A_284 = arith.index_cast %swap3A_282 : i32 to index
    %swap3A_285 = arith.constant 0 : index
    %swap3A_286 = tpu.vector_load %arg12[%swap3A_283, %swap3A_284, %swap3A_285] {strides = array<i32>} : memref<2x80x16xf32, #tpu.memory_space<vmem>>, vector<16xf32>,
    tpu.vector_store %arg12[%swap3A_283, %swap3A_284, %swap3A_285], %broadcast_in_dim3A_280 {strides = array<i32>} : memref<2x80x16xf32, #tpu.memory_space<vmem>>, vector<16xf32>,
    %broadcast_in_dim3A_287 = arith.constant 0.000000e+00 : f32
    %broadcast_in_dim3A_288 = vector.broadcast %broadcast_in_dim3A_287 : f32 to vector<16xf32>
    %swap3A_289 = arith.constant 0 : i32
    %swap3A_290 = arith.constant 36 : i32
    %swap3A_291 = arith.index_cast %swap3A_289 : i32 to index
    %swap3A_292 = arith.index_cast %swap3A_290 : i32 to index
    %swap3A_293 = arith.constant 0 : index
    %swap3A_294 = tpu.vector_load %arg12[%swap3A_291, %swap3A_292, %swap3A_293] {strides = array<i32>} : memref<2x80x16xf32, #tpu.memory_space<vmem>>, vector<16xf32>,
    tpu.vector_store %arg12[%swap3A_291, %swap3A_292, %swap3A_293], %broadcast_in_dim3A_288 {strides = array<i32>} : memref<2x80x16xf32, #tpu.memory_space<vmem>>, vector<16xf32>,
    %broadcast_in_dim3A_295 = arith.constant 0.000000e+00 : f32
    %broadcast_in_dim3A_296 = vector.broadcast %broadcast_in_dim3A_295 : f32 to vector<16xf32>
    %swap3A_297 = arith.constant 0 : i32
    %swap3A_298 = arith.constant 37 : i32
    %swap3A_299 = arith.index_cast %swap3A_297 : i32 to index
    %swap3A_300 = arith.index_cast %swap3A_298 : i32 to index
    %swap3A_301 = arith.constant 0 : index
    %swap3A_302 = tpu.vector_load %arg12[%swap3A_299, %swap3A_300, %swap3A_301] {strides = array<i32>} : memref<2x80x16xf32, #tpu.memory_space<vmem>>, vector<16xf32>,
    tpu.vector_store %arg12[%swap3A_299, %swap3A_300, %swap3A_301], %broadcast_in_dim3A_296 {strides = array<i32>} : memref<2x80x16xf32, #tpu.memory_space<vmem>>, vector<16xf32>,
    %broadcast_in_dim3A_303 = arith.constant 0.000000e+00 : f32
    %broadcast_in_dim3A_304 = vector.broadcast %broadcast_in_dim3A_303 : f32 to vector<16xf32>
    %swap3A_305 = arith.constant 0 : i32
    %swap3A_306 = arith.constant 38 : i32
    %swap3A_307 = arith.index_cast %swap3A_305 : i32 to index
    %swap3A_308 = arith.index_cast %swap3A_306 : i32 to index
    %swap3A_309 = arith.constant 0 : index
    %swap3A_310 = tpu.vector_load %arg12[%swap3A_307, %swap3A_308, %swap3A_309] {strides = array<i32>} : memref<2x80x16xf32, #tpu.memory_space<vmem>>, vector<16xf32>,
    tpu.vector_store %arg12[%swap3A_307, %swap3A_308, %swap3A_309], %broadcast_in_dim3A_304 {strides = array<i32>} : memref<2x80x16xf32, #tpu.memory_space<vmem>>, vector<16xf32>,
    %broadcast_in_dim3A_311 = arith.constant 0.000000e+00 : f32
    %broadcast_in_dim3A_312 = vector.broadcast %broadcast_in_dim3A_311 : f32 to vector<16xf32>
    %swap3A_313 = arith.constant 0 : i32
    %swap3A_314 = arith.constant 39 : i32
    %swap3A_315 = arith.index_cast %swap3A_313 : i32 to index
    %swap3A_316 = arith.index_cast %swap3A_314 : i32 to index
    %swap3A_317 = arith.constant 0 : index
    %swap3A_318 = tpu.vector_load %arg12[%swap3A_315, %swap3A_316, %swap3A_317] {strides = array<i32>} : memref<2x80x16xf32, #tpu.memory_space<vmem>>, vector<16xf32>,
    tpu.vector_store %arg12[%swap3A_315, %swap3A_316, %swap3A_317], %broadcast_in_dim3A_312 {strides = array<i32>} : memref<2x80x16xf32, #tpu.memory_space<vmem>>, vector<16xf32>,
    %broadcast_in_dim3A_319 = arith.constant 0.000000e+00 : f32
    %broadcast_in_dim3A_320 = vector.broadcast %broadcast_in_dim3A_319 : f32 to vector<16xf32>
    %swap3A_321 = arith.constant 0 : i32
    %swap3A_322 = arith.constant 40 : i32
    %swap3A_323 = arith.index_cast %swap3A_321 : i32 to index
    %swap3A_324 = arith.index_cast %swap3A_322 : i32 to index
    %swap3A_325 = arith.constant 0 : index
    %swap3A_326 = tpu.vector_load %arg12[%swap3A_323, %swap3A_324, %swap3A_325] {strides = array<i32>} : memref<2x80x16xf32, #tpu.memory_space<vmem>>, vector<16xf32>,
    tpu.vector_store %arg12[%swap3A_323, %swap3A_324, %swap3A_325], %broadcast_in_dim3A_320 {strides = array<i32>} : memref<2x80x16xf32, #tpu.memory_space<vmem>>, vector<16xf32>,
    %broadcast_in_dim3A_327 = arith.constant 0.000000e+00 : f32
    %broadcast_in_dim3A_328 = vector.broadcast %broadcast_in_dim3A_327 : f32 to vector<16xf32>
    %swap3A_329 = arith.constant 0 : i32
    %swap3A_330 = arith.constant 41 : i32
    %swap3A_331 = arith.index_cast %swap3A_329 : i32 to index
    %swap3A_332 = arith.index_cast %swap3A_330 : i32 to index
    %swap3A_333 = arith.constant 0 : index
    %swap3A_334 = tpu.vector_load %arg12[%swap3A_331, %swap3A_332, %swap3A_333] {strides = array<i32>} : memref<2x80x16xf32, #tpu.memory_space<vmem>>, vector<16xf32>,
    tpu.vector_store %arg12[%swap3A_331, %swap3A_332, %swap3A_333], %broadcast_in_dim3A_328 {strides = array<i32>} : memref<2x80x16xf32, #tpu.memory_space<vmem>>, vector<16xf32>,
    %broadcast_in_dim3A_335 = arith.constant 0.000000e+00 : f32
    %broadcast_in_dim3A_336 = vector.broadcast %broadcast_in_dim3A_335 : f32 to vector<16xf32>
    %swap3A_337 = arith.constant 0 : i32
    %swap3A_338 = arith.constant 42 : i32
    %swap3A_339 = arith.index_cast %swap3A_337 : i32 to index
    %swap3A_340 = arith.index_cast %swap3A_338 : i32 to index
    %swap3A_341 = arith.constant 0 : index
    %swap3A_342 = tpu.vector_load %arg12[%swap3A_339, %swap3A_340, %swap3A_341] {strides = array<i32>} : memref<2x80x16xf32, #tpu.memory_space<vmem>>, vector<16xf32>,
    tpu.vector_store %arg12[%swap3A_339, %swap3A_340, %swap3A_341], %broadcast_in_dim3A_336 {strides = array<i32>} : memref<2x80x16xf32, #tpu.memory_space<vmem>>, vector<16xf32>,
    %broadcast_in_dim3A_343 = arith.constant 0.000000e+00 : f32
    %broadcast_in_dim3A_344 = vector.broadcast %broadcast_in_dim3A_343 : f32 to vector<16xf32>
    %swap3A_345 = arith.constant 0 : i32
    %swap3A_346 = arith.constant 43 : i32
    %swap3A_347 = arith.index_cast %swap3A_345 : i32 to index
    %swap3A_348 = arith.index_cast %swap3A_346 : i32 to index
    %swap3A_349 = arith.constant 0 : index
    %swap3A_350 = tpu.vector_load %arg12[%swap3A_347, %swap3A_348, %swap3A_349] {strides = array<i32>} : memref<2x80x16xf32, #tpu.memory_space<vmem>>, vector<16xf32>,
    tpu.vector_store %arg12[%swap3A_347, %swap3A_348, %swap3A_349], %broadcast_in_dim3A_344 {strides = array<i32>} : memref<2x80x16xf32, #tpu.memory_space<vmem>>, vector<16xf32>,
    %broadcast_in_dim3A_351 = arith.constant 0.000000e+00 : f32
    %broadcast_in_dim3A_352 = vector.broadcast %broadcast_in_dim3A_351 : f32 to vector<16xf32>
    %swap3A_353 = arith.constant 0 : i32
    %swap3A_354 = arith.constant 44 : i32
    %swap3A_355 = arith.index_cast %swap3A_353 : i32 to index
    %swap3A_356 = arith.index_cast %swap3A_354 : i32 to index
    %swap3A_357 = arith.constant 0 : index
    %swap3A_358 = tpu.vector_load %arg12[%swap3A_355, %swap3A_356, %swap3A_357] {strides = array<i32>} : memref<2x80x16xf32, #tpu.memory_space<vmem>>, vector<16xf32>,
    tpu.vector_store %arg12[%swap3A_355, %swap3A_356, %swap3A_357], %broadcast_in_dim3A_352 {strides = array<i32>} : memref<2x80x16xf32, #tpu.memory_space<vmem>>, vector<16xf32>,
    %broadcast_in_dim3A_359 = arith.constant 0.000000e+00 : f32
    %broadcast_in_dim3A_360 = vector.broadcast %broadcast_in_dim3A_359 : f32 to vector<16xf32>
    %swap3A_361 = arith.constant 0 : i32
    %swap3A_362 = arith.constant 45 : i32
    %swap3A_363 = arith.index_cast %swap3A_361 : i32 to index
    %swap3A_364 = arith.index_cast %swap3A_362 : i32 to index
    %swap3A_365 = arith.constant 0 : index
    %swap3A_366 = tpu.vector_load %arg12[%swap3A_363, %swap3A_364, %swap3A_365] {strides = array<i32>} : memref<2x80x16xf32, #tpu.memory_space<vmem>>, vector<16xf32>,
    tpu.vector_store %arg12[%swap3A_363, %swap3A_364, %swap3A_365], %broadcast_in_dim3A_360 {strides = array<i32>} : memref<2x80x16xf32, #tpu.memory_space<vmem>>, vector<16xf32>,
    %broadcast_in_dim3A_367 = arith.constant 0.000000e+00 : f32
    %broadcast_in_dim3A_368 = vector.broadcast %broadcast_in_dim3A_367 : f32 to vector<16xf32>
    %swap3A_369 = arith.constant 0 : i32
    %swap3A_370 = arith.constant 46 : i32
    %swap3A_371 = arith.index_cast %swap3A_369 : i32 to index
    %swap3A_372 = arith.index_cast %swap3A_370 : i32 to index
    %swap3A_373 = arith.constant 0 : index
    %swap3A_374 = tpu.vector_load %arg12[%swap3A_371, %swap3A_372, %swap3A_373] {strides = array<i32>} : memref<2x80x16xf32, #tpu.memory_space<vmem>>, vector<16xf32>,
    tpu.vector_store %arg12[%swap3A_371, %swap3A_372, %swap3A_373], %broadcast_in_dim3A_368 {strides = array<i32>} : memref<2x80x16xf32, #tpu.memory_space<vmem>>, vector<16xf32>,
    %broadcast_in_dim3A_375 = arith.constant 0.000000e+00 : f32
    %broadcast_in_dim3A_376 = vector.broadcast %broadcast_in_dim3A_375 : f32 to vector<16xf32>
    %swap3A_377 = arith.constant 0 : i32
    %swap3A_378 = arith.constant 47 : i32
    %swap3A_379 = arith.index_cast %swap3A_377 : i32 to index
    %swap3A_380 = arith.index_cast %swap3A_378 : i32 to index
    %swap3A_381 = arith.constant 0 : index
    %swap3A_382 = tpu.vector_load %arg12[%swap3A_379, %swap3A_380, %swap3A_381] {strides = array<i32>} : memref<2x80x16xf32, #tpu.memory_space<vmem>>, vector<16xf32>,
    tpu.vector_store %arg12[%swap3A_379, %swap3A_380, %swap3A_381], %broadcast_in_dim3A_376 {strides = array<i32>} : memref<2x80x16xf32, #tpu.memory_space<vmem>>, vector<16xf32>,
    %broadcast_in_dim3A_383 = arith.constant 0.000000e+00 : f32
    %broadcast_in_dim3A_384 = vector.broadcast %broadcast_in_dim3A_383 : f32 to vector<16xf32>
    %swap3A_385 = arith.constant 0 : i32
    %swap3A_386 = arith.constant 48 : i32
    %swap3A_387 = arith.index_cast %swap3A_385 : i32 to index
    %swap3A_388 = arith.index_cast %swap3A_386 : i32 to index
    %swap3A_389 = arith.constant 0 : index
    %swap3A_390 = tpu.vector_load %arg12[%swap3A_387, %swap3A_388, %swap3A_389] {strides = array<i32>} : memref<2x80x16xf32, #tpu.memory_space<vmem>>, vector<16xf32>,
    tpu.vector_store %arg12[%swap3A_387, %swap3A_388, %swap3A_389], %broadcast_in_dim3A_384 {strides = array<i32>} : memref<2x80x16xf32, #tpu.memory_space<vmem>>, vector<16xf32>,
    %broadcast_in_dim3A_391 = arith.constant 0.000000e+00 : f32
    %broadcast_in_dim3A_392 = vector.broadcast %broadcast_in_dim3A_391 : f32 to vector<16xf32>
    %swap3A_393 = arith.constant 0 : i32
    %swap3A_394 = arith.constant 49 : i32
    %swap3A_395 = arith.index_cast %swap3A_393 : i32 to index
    %swap3A_396 = arith.index_cast %swap3A_394 : i32 to index
    %swap3A_397 = arith.constant 0 : index
    %swap3A_398 = tpu.vector_load %arg12[%swap3A_395, %swap3A_396, %swap3A_397] {strides = array<i32>} : memref<2x80x16xf32, #tpu.memory_space<vmem>>, vector<16xf32>,
    tpu.vector_store %arg12[%swap3A_395, %swap3A_396, %swap3A_397], %broadcast_in_dim3A_392 {strides = array<i32>} : memref<2x80x16xf32, #tpu.memory_space<vmem>>, vector<16xf32>,
    %broadcast_in_dim3A_399 = arith.constant 0.000000e+00 : f32
    %broadcast_in_dim3A_400 = vector.broadcast %broadcast_in_dim3A_399 : f32 to vector<16xf32>
    %swap3A_401 = arith.constant 0 : i32
    %swap3A_402 = arith.constant 50 : i32
    %swap3A_403 = arith.index_cast %swap3A_401 : i32 to index
    %swap3A_404 = arith.index_cast %swap3A_402 : i32 to index
    %swap3A_405 = arith.constant 0 : index
    %swap3A_406 = tpu.vector_load %arg12[%swap3A_403, %swap3A_404, %swap3A_405] {strides = array<i32>} : memref<2x80x16xf32, #tpu.memory_space<vmem>>, vector<16xf32>,
    tpu.vector_store %arg12[%swap3A_403, %swap3A_404, %swap3A_405], %broadcast_in_dim3A_400 {strides = array<i32>} : memref<2x80x16xf32, #tpu.memory_space<vmem>>, vector<16xf32>,
    %broadcast_in_dim3A_407 = arith.constant 0.000000e+00 : f32
    %broadcast_in_dim3A_408 = vector.broadcast %broadcast_in_dim3A_407 : f32 to vector<16xf32>
    %swap3A_409 = arith.constant 0 : i32
    %swap3A_410 = arith.constant 51 : i32
    %swap3A_411 = arith.index_cast %swap3A_409 : i32 to index
    %swap3A_412 = arith.index_cast %swap3A_410 : i32 to index
    %swap3A_413 = arith.constant 0 : index
    %swap3A_414 = tpu.vector_load %arg12[%swap3A_411, %swap3A_412, %swap3A_413] {strides = array<i32>} : memref<2x80x16xf32, #tpu.memory_space<vmem>>, vector<16xf32>,
    tpu.vector_store %arg12[%swap3A_411, %swap3A_412, %swap3A_413], %broadcast_in_dim3A_408 {strides = array<i32>} : memref<2x80x16xf32, #tpu.memory_space<vmem>>, vector<16xf32>,
    %broadcast_in_dim3A_415 = arith.constant 0.000000e+00 : f32
    %broadcast_in_dim3A_416 = vector.broadcast %broadcast_in_dim3A_415 : f32 to vector<16xf32>
    %swap3A_417 = arith.constant 0 : i32
    %swap3A_418 = arith.constant 52 : i32
    %swap3A_419 = arith.index_cast %swap3A_417 : i32 to index
    %swap3A_420 = arith.index_cast %swap3A_418 : i32 to index
    %swap3A_421 = arith.constant 0 : index
    %swap3A_422 = tpu.vector_load %arg12[%swap3A_419, %swap3A_420, %swap3A_421] {strides = array<i32>} : memref<2x80x16xf32, #tpu.memory_space<vmem>>, vector<16xf32>,
    tpu.vector_store %arg12[%swap3A_419, %swap3A_420, %swap3A_421], %broadcast_in_dim3A_416 {strides = array<i32>} : memref<2x80x16xf32, #tpu.memory_space<vmem>>, vector<16xf32>,
    %broadcast_in_dim3A_423 = arith.constant 0.000000e+00 : f32
    %broadcast_in_dim3A_424 = vector.broadcast %broadcast_in_dim3A_423 : f32 to vector<16xf32>
    %swap3A_425 = arith.constant 0 : i32
    %swap3A_426 = arith.constant 53 : i32
    %swap3A_427 = arith.index_cast %swap3A_425 : i32 to index
    %swap3A_428 = arith.index_cast %swap3A_426 : i32 to index
    %swap3A_429 = arith.constant 0 : index
    %swap3A_430 = tpu.vector_load %arg12[%swap3A_427, %swap3A_428, %swap3A_429] {strides = array<i32>} : memref<2x80x16xf32, #tpu.memory_space<vmem>>, vector<16xf32>,
    tpu.vector_store %arg12[%swap3A_427, %swap3A_428, %swap3A_429], %broadcast_in_dim3A_424 {strides = array<i32>} : memref<2x80x16xf32, #tpu.memory_space<vmem>>, vector<16xf32>,
    %broadcast_in_dim3A_431 = arith.constant 0.000000e+00 : f32
    %broadcast_in_dim3A_432 = vector.broadcast %broadcast_in_dim3A_431 : f32 to vector<16xf32>
    %swap3A_433 = arith.constant 0 : i32
    %swap3A_434 = arith.constant 54 : i32
    %swap3A_435 = arith.index_cast %swap3A_433 : i32 to index
    %swap3A_436 = arith.index_cast %swap3A_434 : i32 to index
    %swap3A_437 = arith.constant 0 : index
    %swap3A_438 = tpu.vector_load %arg12[%swap3A_435, %swap3A_436, %swap3A_437] {strides = array<i32>} : memref<2x80x16xf32, #tpu.memory_space<vmem>>, vector<16xf32>,
    tpu.vector_store %arg12[%swap3A_435, %swap3A_436, %swap3A_437], %broadcast_in_dim3A_432 {strides = array<i32>} : memref<2x80x16xf32, #tpu.memory_space<vmem>>, vector<16xf32>,
    %broadcast_in_dim3A_439 = arith.constant 0.000000e+00 : f32
    %broadcast_in_dim3A_440 = vector.broadcast %broadcast_in_dim3A_439 : f32 to vector<16xf32>
    %swap3A_441 = arith.constant 0 : i32
    %swap3A_442 = arith.constant 55 : i32
    %swap3A_443 = arith.index_cast %swap3A_441 : i32 to index
    %swap3A_444 = arith.index_cast %swap3A_442 : i32 to index
    %swap3A_445 = arith.constant 0 : index
    %swap3A_446 = tpu.vector_load %arg12[%swap3A_443, %swap3A_444, %swap3A_445] {strides = array<i32>} : memref<2x80x16xf32, #tpu.memory_space<vmem>>, vector<16xf32>,
    tpu.vector_store %arg12[%swap3A_443, %swap3A_444, %swap3A_445], %broadcast_in_dim3A_440 {strides = array<i32>} : memref<2x80x16xf32, #tpu.memory_space<vmem>>, vector<16xf32>,
    %broadcast_in_dim3A_447 = arith.constant 0.000000e+00 : f32
    %broadcast_in_dim3A_448 = vector.broadcast %broadcast_in_dim3A_447 : f32 to vector<16xf32>
    %swap3A_449 = arith.constant 0 : i32
    %swap3A_450 = arith.constant 56 : i32
    %swap3A_451 = arith.index_cast %swap3A_449 : i32 to index
    %swap3A_452 = arith.index_cast %swap3A_450 : i32 to index
    %swap3A_453 = arith.constant 0 : index
    %swap3A_454 = tpu.vector_load %arg12[%swap3A_451, %swap3A_452, %swap3A_453] {strides = array<i32>} : memref<2x80x16xf32, #tpu.memory_space<vmem>>, vector<16xf32>,
    tpu.vector_store %arg12[%swap3A_451, %swap3A_452, %swap3A_453], %broadcast_in_dim3A_448 {strides = array<i32>} : memref<2x80x16xf32, #tpu.memory_space<vmem>>, vector<16xf32>,
    %broadcast_in_dim3A_455 = arith.constant 0.000000e+00 : f32
    %broadcast_in_dim3A_456 = vector.broadcast %broadcast_in_dim3A_455 : f32 to vector<16xf32>
    %swap3A_457 = arith.constant 0 : i32
    %swap3A_458 = arith.constant 57 : i32
    %swap3A_459 = arith.index_cast %swap3A_457 : i32 to index
    %swap3A_460 = arith.index_cast %swap3A_458 : i32 to index
    %swap3A_461 = arith.constant 0 : index
    %swap3A_462 = tpu.vector_load %arg12[%swap3A_459, %swap3A_460, %swap3A_461] {strides = array<i32>} : memref<2x80x16xf32, #tpu.memory_space<vmem>>, vector<16xf32>,
    tpu.vector_store %arg12[%swap3A_459, %swap3A_460, %swap3A_461], %broadcast_in_dim3A_456 {strides = array<i32>} : memref<2x80x16xf32, #tpu.memory_space<vmem>>, vector<16xf32>,
    %broadcast_in_dim3A_463 = arith.constant 0.000000e+00 : f32
    %broadcast_in_dim3A_464 = vector.broadcast %broadcast_in_dim3A_463 : f32 to vector<16xf32>
    %swap3A_465 = arith.constant 0 : i32
    %swap3A_466 = arith.constant 58 : i32
    %swap3A_467 = arith.index_cast %swap3A_465 : i32 to index
    %swap3A_468 = arith.index_cast %swap3A_466 : i32 to index
    %swap3A_469 = arith.constant 0 : index
    %swap3A_470 = tpu.vector_load %arg12[%swap3A_467, %swap3A_468, %swap3A_469] {strides = array<i32>} : memref<2x80x16xf32, #tpu.memory_space<vmem>>, vector<16xf32>,
    tpu.vector_store %arg12[%swap3A_467, %swap3A_468, %swap3A_469], %broadcast_in_dim3A_464 {strides = array<i32>} : memref<2x80x16xf32, #tpu.memory_space<vmem>>, vector<16xf32>,
    %broadcast_in_dim3A_471 = arith.constant 0.000000e+00 : f32
    %broadcast_in_dim3A_472 = vector.broadcast %broadcast_in_dim3A_471 : f32 to vector<16xf32>
    %swap3A_473 = arith.constant 0 : i32
    %swap3A_474 = arith.constant 59 : i32
    %swap3A_475 = arith.index_cast %swap3A_473 : i32 to index
    %swap3A_476 = arith.index_cast %swap3A_474 : i32 to index
    %swap3A_477 = arith.constant 0 : index
    %swap3A_478 = tpu.vector_load %arg12[%swap3A_475, %swap3A_476, %swap3A_477] {strides = array<i32>} : memref<2x80x16xf32, #tpu.memory_space<vmem>>, vector<16xf32>,
    tpu.vector_store %arg12[%swap3A_475, %swap3A_476, %swap3A_477], %broadcast_in_dim3A_472 {strides = array<i32>} : memref<2x80x16xf32, #tpu.memory_space<vmem>>, vector<16xf32>,
    %broadcast_in_dim3A_479 = arith.constant 0.000000e+00 : f32
    %broadcast_in_dim3A_480 = vector.broadcast %broadcast_in_dim3A_479 : f32 to vector<16xf32>
    %swap3A_481 = arith.constant 0 : i32
    %swap3A_482 = arith.constant 60 : i32
    %swap3A_483 = arith.index_cast %swap3A_481 : i32 to index
    %swap3A_484 = arith.index_cast %swap3A_482 : i32 to index
    %swap3A_485 = arith.constant 0 : index
    %swap3A_486 = tpu.vector_load %arg12[%swap3A_483, %swap3A_484, %swap3A_485] {strides = array<i32>} : memref<2x80x16xf32, #tpu.memory_space<vmem>>, vector<16xf32>,
    tpu.vector_store %arg12[%swap3A_483, %swap3A_484, %swap3A_485], %broadcast_in_dim3A_480 {strides = array<i32>} : memref<2x80x16xf32, #tpu.memory_space<vmem>>, vector<16xf32>,
    %broadcast_in_dim3A_487 = arith.constant 0.000000e+00 : f32
    %broadcast_in_dim3A_488 = vector.broadcast %broadcast_in_dim3A_487 : f32 to vector<16xf32>
    %swap3A_489 = arith.constant 0 : i32
    %swap3A_490 = arith.constant 61 : i32
    %swap3A_491 = arith.index_cast %swap3A_489 : i32 to index
    %swap3A_492 = arith.index_cast %swap3A_490 : i32 to index
    %swap3A_493 = arith.constant 0 : index
    %swap3A_494 = tpu.vector_load %arg12[%swap3A_491, %swap3A_492, %swap3A_493] {strides = array<i32>} : memref<2x80x16xf32, #tpu.memory_space<vmem>>, vector<16xf32>,
    tpu.vector_store %arg12[%swap3A_491, %swap3A_492, %swap3A_493], %broadcast_in_dim3A_488 {strides = array<i32>} : memref<2x80x16xf32, #tpu.memory_space<vmem>>, vector<16xf32>,
    %broadcast_in_dim3A_495 = arith.constant 0.000000e+00 : f32
    %broadcast_in_dim3A_496 = vector.broadcast %broadcast_in_dim3A_495 : f32 to vector<16xf32>
    %swap3A_497 = arith.constant 0 : i32
    %swap3A_498 = arith.constant 62 : i32
    %swap3A_499 = arith.index_cast %swap3A_497 : i32 to index
    %swap3A_500 = arith.index_cast %swap3A_498 : i32 to index
    %swap3A_501 = arith.constant 0 : index
    %swap3A_502 = tpu.vector_load %arg12[%swap3A_499, %swap3A_500, %swap3A_501] {strides = array<i32>} : memref<2x80x16xf32, #tpu.memory_space<vmem>>, vector<16xf32>,
    tpu.vector_store %arg12[%swap3A_499, %swap3A_500, %swap3A_501], %broadcast_in_dim3A_496 {strides = array<i32>} : memref<2x80x16xf32, #tpu.memory_space<vmem>>, vector<16xf32>,
    %broadcast_in_dim3A_503 = arith.constant 0.000000e+00 : f32
    %broadcast_in_dim3A_504 = vector.broadcast %broadcast_in_dim3A_503 : f32 to vector<16xf32>
    %swap3A_505 = arith.constant 0 : i32
    %swap3A_506 = arith.constant 63 : i32
    %swap3A_507 = arith.index_cast %swap3A_505 : i32 to index
    %swap3A_508 = arith.index_cast %swap3A_506 : i32 to index
    %swap3A_509 = arith.constant 0 : index
    %swap3A_510 = tpu.vector_load %arg12[%swap3A_507, %swap3A_508, %swap3A_509] {strides = array<i32>} : memref<2x80x16xf32, #tpu.memory_space<vmem>>, vector<16xf32>,
    tpu.vector_store %arg12[%swap3A_507, %swap3A_508, %swap3A_509], %broadcast_in_dim3A_504 {strides = array<i32>} : memref<2x80x16xf32, #tpu.memory_space<vmem>>, vector<16xf32>,
    %broadcast_in_dim3A_511 = arith.constant 0.000000e+00 : f32
    %broadcast_in_dim3A_512 = vector.broadcast %broadcast_in_dim3A_511 : f32 to vector<16xf32>
    %swap3A_513 = arith.constant 0 : i32
    %swap3A_514 = arith.constant 64 : i32
    %swap3A_515 = arith.index_cast %swap3A_513 : i32 to index
    %swap3A_516 = arith.index_cast %swap3A_514 : i32 to index
    %swap3A_517 = arith.constant 0 : index
    %swap3A_518 = tpu.vector_load %arg12[%swap3A_515, %swap3A_516, %swap3A_517] {strides = array<i32>} : memref<2x80x16xf32, #tpu.memory_space<vmem>>, vector<16xf32>,
    tpu.vector_store %arg12[%swap3A_515, %swap3A_516, %swap3A_517], %broadcast_in_dim3A_512 {strides = array<i32>} : memref<2x80x16xf32, #tpu.memory_space<vmem>>, vector<16xf32>,
    %broadcast_in_dim3A_519 = arith.constant 0.000000e+00 : f32
    %broadcast_in_dim3A_520 = vector.broadcast %broadcast_in_dim3A_519 : f32 to vector<16xf32>
    %swap3A_521 = arith.constant 0 : i32
    %swap3A_522 = arith.constant 65 : i32
    %swap3A_523 = arith.index_cast %swap3A_521 : i32 to index
    %swap3A_524 = arith.index_cast %swap3A_522 : i32 to index
    %swap3A_525 = arith.constant 0 : index
    %swap3A_526 = tpu.vector_load %arg12[%swap3A_523, %swap3A_524, %swap3A_525] {strides = array<i32>} : memref<2x80x16xf32, #tpu.memory_space<vmem>>, vector<16xf32>,
    tpu.vector_store %arg12[%swap3A_523, %swap3A_524, %swap3A_525], %broadcast_in_dim3A_520 {strides = array<i32>} : memref<2x80x16xf32, #tpu.memory_space<vmem>>, vector<16xf32>,
    %broadcast_in_dim3A_527 = arith.constant 0.000000e+00 : f32
    %broadcast_in_dim3A_528 = vector.broadcast %broadcast_in_dim3A_527 : f32 to vector<16xf32>
    %swap3A_529 = arith.constant 0 : i32
    %swap3A_530 = arith.constant 66 : i32
    %swap3A_531 = arith.index_cast %swap3A_529 : i32 to index
    %swap3A_532 = arith.index_cast %swap3A_530 : i32 to index
    %swap3A_533 = arith.constant 0 : index
    %swap3A_534 = tpu.vector_load %arg12[%swap3A_531, %swap3A_532, %swap3A_533] {strides = array<i32>} : memref<2x80x16xf32, #tpu.memory_space<vmem>>, vector<16xf32>,
    tpu.vector_store %arg12[%swap3A_531, %swap3A_532, %swap3A_533], %broadcast_in_dim3A_528 {strides = array<i32>} : memref<2x80x16xf32, #tpu.memory_space<vmem>>, vector<16xf32>,
    %broadcast_in_dim3A_535 = arith.constant 0.000000e+00 : f32
    %broadcast_in_dim3A_536 = vector.broadcast %broadcast_in_dim3A_535 : f32 to vector<16xf32>
    %swap3A_537 = arith.constant 0 : i32
    %swap3A_538 = arith.constant 67 : i32
    %swap3A_539 = arith.index_cast %swap3A_537 : i32 to index
    %swap3A_540 = arith.index_cast %swap3A_538 : i32 to index
    %swap3A_541 = arith.constant 0 : index
    %swap3A_542 = tpu.vector_load %arg12[%swap3A_539, %swap3A_540, %swap3A_541] {strides = array<i32>} : memref<2x80x16xf32, #tpu.memory_space<vmem>>, vector<16xf32>,
    tpu.vector_store %arg12[%swap3A_539, %swap3A_540, %swap3A_541], %broadcast_in_dim3A_536 {strides = array<i32>} : memref<2x80x16xf32, #tpu.memory_space<vmem>>, vector<16xf32>,
    %broadcast_in_dim3A_543 = arith.constant 0.000000e+00 : f32
    %broadcast_in_dim3A_544 = vector.broadcast %broadcast_in_dim3A_543 : f32 to vector<16xf32>
    %swap3A_545 = arith.constant 0 : i32
    %swap3A_546 = arith.constant 68 : i32
    %swap3A_547 = arith.index_cast %swap3A_545 : i32 to index
    %swap3A_548 = arith.index_cast %swap3A_546 : i32 to index
    %swap3A_549 = arith.constant 0 : index
    %swap3A_550 = tpu.vector_load %arg12[%swap3A_547, %swap3A_548, %swap3A_549] {strides = array<i32>} : memref<2x80x16xf32, #tpu.memory_space<vmem>>, vector<16xf32>,
    tpu.vector_store %arg12[%swap3A_547, %swap3A_548, %swap3A_549], %broadcast_in_dim3A_544 {strides = array<i32>} : memref<2x80x16xf32, #tpu.memory_space<vmem>>, vector<16xf32>,
    %broadcast_in_dim3A_551 = arith.constant 0.000000e+00 : f32
    %broadcast_in_dim3A_552 = vector.broadcast %broadcast_in_dim3A_551 : f32 to vector<16xf32>
    %swap3A_553 = arith.constant 0 : i32
    %swap3A_554 = arith.constant 69 : i32
    %swap3A_555 = arith.index_cast %swap3A_553 : i32 to index
    %swap3A_556 = arith.index_cast %swap3A_554 : i32 to index
    %swap3A_557 = arith.constant 0 : index
    %swap3A_558 = tpu.vector_load %arg12[%swap3A_555, %swap3A_556, %swap3A_557] {strides = array<i32>} : memref<2x80x16xf32, #tpu.memory_space<vmem>>, vector<16xf32>,
    tpu.vector_store %arg12[%swap3A_555, %swap3A_556, %swap3A_557], %broadcast_in_dim3A_552 {strides = array<i32>} : memref<2x80x16xf32, #tpu.memory_space<vmem>>, vector<16xf32>,
    %broadcast_in_dim3A_559 = arith.constant 0.000000e+00 : f32
    %broadcast_in_dim3A_560 = vector.broadcast %broadcast_in_dim3A_559 : f32 to vector<16xf32>
    %swap3A_561 = arith.constant 0 : i32
    %swap3A_562 = arith.constant 70 : i32
    %swap3A_563 = arith.index_cast %swap3A_561 : i32 to index
    %swap3A_564 = arith.index_cast %swap3A_562 : i32 to index
    %swap3A_565 = arith.constant 0 : index
    %swap3A_566 = tpu.vector_load %arg12[%swap3A_563, %swap3A_564, %swap3A_565] {strides = array<i32>} : memref<2x80x16xf32, #tpu.memory_space<vmem>>, vector<16xf32>,
    tpu.vector_store %arg12[%swap3A_563, %swap3A_564, %swap3A_565], %broadcast_in_dim3A_560 {strides = array<i32>} : memref<2x80x16xf32, #tpu.memory_space<vmem>>, vector<16xf32>,
    %broadcast_in_dim3A_567 = arith.constant 0.000000e+00 : f32
    %broadcast_in_dim3A_568 = vector.broadcast %broadcast_in_dim3A_567 : f32 to vector<16xf32>
    %swap3A_569 = arith.constant 0 : i32
    %swap3A_570 = arith.constant 71 : i32
    %swap3A_571 = arith.index_cast %swap3A_569 : i32 to index
    %swap3A_572 = arith.index_cast %swap3A_570 : i32 to index
    %swap3A_573 = arith.constant 0 : index
    %swap3A_574 = tpu.vector_load %arg12[%swap3A_571, %swap3A_572, %swap3A_573] {strides = array<i32>} : memref<2x80x16xf32, #tpu.memory_space<vmem>>, vector<16xf32>,
    tpu.vector_store %arg12[%swap3A_571, %swap3A_572, %swap3A_573], %broadcast_in_dim3A_568 {strides = array<i32>} : memref<2x80x16xf32, #tpu.memory_space<vmem>>, vector<16xf32>,
    %broadcast_in_dim3A_575 = arith.constant 0.000000e+00 : f32
    %broadcast_in_dim3A_576 = vector.broadcast %broadcast_in_dim3A_575 : f32 to vector<16xf32>
    %swap3A_577 = arith.constant 0 : i32
    %swap3A_578 = arith.constant 72 : i32
    %swap3A_579 = arith.index_cast %swap3A_577 : i32 to index
    %swap3A_580 = arith.index_cast %swap3A_578 : i32 to index
    %swap3A_581 = arith.constant 0 : index
    %swap3A_582 = tpu.vector_load %arg12[%swap3A_579, %swap3A_580, %swap3A_581] {strides = array<i32>} : memref<2x80x16xf32, #tpu.memory_space<vmem>>, vector<16xf32>,
    tpu.vector_store %arg12[%swap3A_579, %swap3A_580, %swap3A_581], %broadcast_in_dim3A_576 {strides = array<i32>} : memref<2x80x16xf32, #tpu.memory_space<vmem>>, vector<16xf32>,
    %broadcast_in_dim3A_583 = arith.constant 0.000000e+00 : f32
    %broadcast_in_dim3A_584 = vector.broadcast %broadcast_in_dim3A_583 : f32 to vector<16xf32>
    %swap3A_585 = arith.constant 0 : i32
    %swap3A_586 = arith.constant 73 : i32
    %swap3A_587 = arith.index_cast %swap3A_585 : i32 to index
    %swap3A_588 = arith.index_cast %swap3A_586 : i32 to index
    %swap3A_589 = arith.constant 0 : index
    %swap3A_590 = tpu.vector_load %arg12[%swap3A_587, %swap3A_588, %swap3A_589] {strides = array<i32>} : memref<2x80x16xf32, #tpu.memory_space<vmem>>, vector<16xf32>,
    tpu.vector_store %arg12[%swap3A_587, %swap3A_588, %swap3A_589], %broadcast_in_dim3A_584 {strides = array<i32>} : memref<2x80x16xf32, #tpu.memory_space<vmem>>, vector<16xf32>,
    %broadcast_in_dim3A_591 = arith.constant 0.000000e+00 : f32
    %broadcast_in_dim3A_592 = vector.broadcast %broadcast_in_dim3A_591 : f32 to vector<16xf32>
    %swap3A_593 = arith.constant 0 : i32
    %swap3A_594 = arith.constant 74 : i32
    %swap3A_595 = arith.index_cast %swap3A_593 : i32 to index
    %swap3A_596 = arith.index_cast %swap3A_594 : i32 to index
    %swap3A_597 = arith.constant 0 : index
    %swap3A_598 = tpu.vector_load %arg12[%swap3A_595, %swap3A_596, %swap3A_597] {strides = array<i32>} : memref<2x80x16xf32, #tpu.memory_space<vmem>>, vector<16xf32>,
    tpu.vector_store %arg12[%swap3A_595, %swap3A_596, %swap3A_597], %broadcast_in_dim3A_592 {strides = array<i32>} : memref<2x80x16xf32, #tpu.memory_space<vmem>>, vector<16xf32>,
    %broadcast_in_dim3A_599 = arith.constant 0.000000e+00 : f32
    %broadcast_in_dim3A_600 = vector.broadcast %broadcast_in_dim3A_599 : f32 to vector<16xf32>
    %swap3A_601 = arith.constant 0 : i32
    %swap3A_602 = arith.constant 75 : i32
    %swap3A_603 = arith.index_cast %swap3A_601 : i32 to index
    %swap3A_604 = arith.index_cast %swap3A_602 : i32 to index
    %swap3A_605 = arith.constant 0 : index
    %swap3A_606 = tpu.vector_load %arg12[%swap3A_603, %swap3A_604, %swap3A_605] {strides = array<i32>} : memref<2x80x16xf32, #tpu.memory_space<vmem>>, vector<16xf32>,
    tpu.vector_store %arg12[%swap3A_603, %swap3A_604, %swap3A_605], %broadcast_in_dim3A_600 {strides = array<i32>} : memref<2x80x16xf32, #tpu.memory_space<vmem>>, vector<16xf32>,
    %broadcast_in_dim3A_607 = arith.constant 0.000000e+00 : f32
    %broadcast_in_dim3A_608 = vector.broadcast %broadcast_in_dim3A_607 : f32 to vector<16xf32>
    %swap3A_609 = arith.constant 0 : i32
    %swap3A_610 = arith.constant 76 : i32
    %swap3A_611 = arith.index_cast %swap3A_609 : i32 to index
    %swap3A_612 = arith.index_cast %swap3A_610 : i32 to index
    %swap3A_613 = arith.constant 0 : index
    %swap3A_614 = tpu.vector_load %arg12[%swap3A_611, %swap3A_612, %swap3A_613] {strides = array<i32>} : memref<2x80x16xf32, #tpu.memory_space<vmem>>, vector<16xf32>,
    tpu.vector_store %arg12[%swap3A_611, %swap3A_612, %swap3A_613], %broadcast_in_dim3A_608 {strides = array<i32>} : memref<2x80x16xf32, #tpu.memory_space<vmem>>, vector<16xf32>,
    %broadcast_in_dim3A_615 = arith.constant 0.000000e+00 : f32
    %broadcast_in_dim3A_616 = vector.broadcast %broadcast_in_dim3A_615 : f32 to vector<16xf32>
    %swap3A_617 = arith.constant 0 : i32
    %swap3A_618 = arith.constant 77 : i32
    %swap3A_619 = arith.index_cast %swap3A_617 : i32 to index
    %swap3A_620 = arith.index_cast %swap3A_618 : i32 to index
    %swap3A_621 = arith.constant 0 : index
    %swap3A_622 = tpu.vector_load %arg12[%swap3A_619, %swap3A_620, %swap3A_621] {strides = array<i32>} : memref<2x80x16xf32, #tpu.memory_space<vmem>>, vector<16xf32>,
    tpu.vector_store %arg12[%swap3A_619, %swap3A_620, %swap3A_621], %broadcast_in_dim3A_616 {strides = array<i32>} : memref<2x80x16xf32, #tpu.memory_space<vmem>>, vector<16xf32>,
    %broadcast_in_dim3A_623 = arith.constant 0.000000e+00 : f32
    %broadcast_in_dim3A_624 = vector.broadcast %broadcast_in_dim3A_623 : f32 to vector<16xf32>
    %swap3A_625 = arith.constant 0 : i32
    %swap3A_626 = arith.constant 78 : i32
    %swap3A_627 = arith.index_cast %swap3A_625 : i32 to index
    %swap3A_628 = arith.index_cast %swap3A_626 : i32 to index
    %swap3A_629 = arith.constant 0 : index
    %swap3A_630 = tpu.vector_load %arg12[%swap3A_627, %swap3A_628, %swap3A_629] {strides = array<i32>} : memref<2x80x16xf32, #tpu.memory_space<vmem>>, vector<16xf32>,
    tpu.vector_store %arg12[%swap3A_627, %swap3A_628, %swap3A_629], %broadcast_in_dim3A_624 {strides = array<i32>} : memref<2x80x16xf32, #tpu.memory_space<vmem>>, vector<16xf32>,
    %broadcast_in_dim3A_631 = arith.constant 0.000000e+00 : f32
    %broadcast_in_dim3A_632 = vector.broadcast %broadcast_in_dim3A_631 : f32 to vector<16xf32>
    %swap3A_633 = arith.constant 0 : i32
    %swap3A_634 = arith.constant 79 : i32
    %swap3A_635 = arith.index_cast %swap3A_633 : i32 to index
    %swap3A_636 = arith.index_cast %swap3A_634 : i32 to index
    %swap3A_637 = arith.constant 0 : index
    %swap3A_638 = tpu.vector_load %arg12[%swap3A_635, %swap3A_636, %swap3A_637] {strides = array<i32>} : memref<2x80x16xf32, #tpu.memory_space<vmem>>, vector<16xf32>,
    tpu.vector_store %arg12[%swap3A_635, %swap3A_636, %swap3A_637], %broadcast_in_dim3A_632 {strides = array<i32>} : memref<2x80x16xf32, #tpu.memory_space<vmem>>, vector<16xf32>,
    %broadcast_in_dim3A_639 = arith.constant 0 : i32
    %broadcast_in_dim3A_640 = vector.broadcast %broadcast_in_dim3A_639 : i32 to vector<16xi32>
    %swap3A_641 = arith.constant 0 : i32
    %swap3A_642 = arith.index_cast %swap3A_641 : i32 to index
    %swap3A_643 = arith.constant 0 : index
    %swap3A_644 = tpu.vector_load %arg11[%swap3A_642, %swap3A_643] {strides = array<i32>} : memref<2x80xi32, #tpu.memory_space<vmem>>, vector<16xi32>,
    tpu.vector_store %arg11[%swap3A_642, %swap3A_643], %broadcast_in_dim3A_640 {strides = array<i32>} : memref<2x80xi32, #tpu.memory_space<vmem>>, vector<16xi32>,
    %broadcast_in_dim3A_645 = arith.constant 0 : i32
    %broadcast_in_dim3A_646 = vector.broadcast %broadcast_in_dim3A_645 : i32 to vector<16xi32>
    %swap3A_647 = arith.constant 0 : i32
    %swap3A_648 = arith.index_cast %swap3A_647 : i32 to index
    %swap3A_649 = arith.constant 16 : index
    %swap3A_650 = tpu.vector_load %arg11[%swap3A_648, %swap3A_649] {strides = array<i32>} : memref<2x80xi32, #tpu.memory_space<vmem>>, vector<16xi32>,
    tpu.vector_store %arg11[%swap3A_648, %swap3A_649], %broadcast_in_dim3A_646 {strides = array<i32>} : memref<2x80xi32, #tpu.memory_space<vmem>>, vector<16xi32>,
    %broadcast_in_dim3A_651 = arith.constant 0 : i32
    %broadcast_in_dim3A_652 = vector.broadcast %broadcast_in_dim3A_651 : i32 to vector<16xi32>
    %swap3A_653 = arith.constant 0 : i32
    %swap3A_654 = arith.index_cast %swap3A_653 : i32 to index
    %swap3A_655 = arith.constant 32 : index
    %swap3A_656 = tpu.vector_load %arg11[%swap3A_654, %swap3A_655] {strides = array<i32>} : memref<2x80xi32, #tpu.memory_space<vmem>>, vector<16xi32>,
    tpu.vector_store %arg11[%swap3A_654, %swap3A_655], %broadcast_in_dim3A_652 {strides = array<i32>} : memref<2x80xi32, #tpu.memory_space<vmem>>, vector<16xi32>,
    %broadcast_in_dim3A_657 = arith.constant 0 : i32
    %broadcast_in_dim3A_658 = vector.broadcast %broadcast_in_dim3A_657 : i32 to vector<16xi32>
    %swap3A_659 = arith.constant 0 : i32
    %swap3A_660 = arith.index_cast %swap3A_659 : i32 to index
    %swap3A_661 = arith.constant 48 : index
    %swap3A_662 = tpu.vector_load %arg11[%swap3A_660, %swap3A_661] {strides = array<i32>} : memref<2x80xi32, #tpu.memory_space<vmem>>, vector<16xi32>,
    tpu.vector_store %arg11[%swap3A_660, %swap3A_661], %broadcast_in_dim3A_658 {strides = array<i32>} : memref<2x80xi32, #tpu.memory_space<vmem>>, vector<16xi32>,
    %broadcast_in_dim3A_663 = arith.constant 0 : i32
    %broadcast_in_dim3A_664 = vector.broadcast %broadcast_in_dim3A_663 : i32 to vector<16xi32>
    %swap3A_665 = arith.constant 0 : i32
    %swap3A_666 = arith.index_cast %swap3A_665 : i32 to index
    %swap3A_667 = arith.constant 64 : index
    %swap3A_668 = tpu.vector_load %arg11[%swap3A_666, %swap3A_667] {strides = array<i32>} : memref<2x80xi32, #tpu.memory_space<vmem>>, vector<16xi32>,
    tpu.vector_store %arg11[%swap3A_666, %swap3A_667], %broadcast_in_dim3A_664 {strides = array<i32>} : memref<2x80xi32, #tpu.memory_space<vmem>>, vector<16xi32>,
    %broadcast_in_dim3A_669 = arith.constant 0.000000e+00 : f32
    %broadcast_in_dim3A_670 = vector.broadcast %broadcast_in_dim3A_669 : f32 to vector<16xf32>
    %swap3A_671 = arith.constant 1 : i32
    %swap3A_672 = arith.constant 0 : i32
    %swap3A_673 = arith.index_cast %swap3A_671 : i32 to index
    %swap3A_674 = arith.index_cast %swap3A_672 : i32 to index
    %swap3A_675 = arith.constant 0 : index
    %swap3A_676 = tpu.vector_load %arg12[%swap3A_673, %swap3A_674, %swap3A_675] {strides = array<i32>} : memref<2x80x16xf32, #tpu.memory_space<vmem>>, vector<16xf32>,
    tpu.vector_store %arg12[%swap3A_673, %swap3A_674, %swap3A_675], %broadcast_in_dim3A_670 {strides = array<i32>} : memref<2x80x16xf32, #tpu.memory_space<vmem>>, vector<16xf32>,
    %broadcast_in_dim3A_677 = arith.constant 0.000000e+00 : f32
    %broadcast_in_dim3A_678 = vector.broadcast %broadcast_in_dim3A_677 : f32 to vector<16xf32>
    %swap3A_679 = arith.constant 1 : i32
    %swap3A_680 = arith.constant 1 : i32
    %swap3A_681 = arith.index_cast %swap3A_679 : i32 to index
    %swap3A_682 = arith.index_cast %swap3A_680 : i32 to index
    %swap3A_683 = arith.constant 0 : index
    %swap3A_684 = tpu.vector_load %arg12[%swap3A_681, %swap3A_682, %swap3A_683] {strides = array<i32>} : memref<2x80x16xf32, #tpu.memory_space<vmem>>, vector<16xf32>,
    tpu.vector_store %arg12[%swap3A_681, %swap3A_682, %swap3A_683], %broadcast_in_dim3A_678 {strides = array<i32>} : memref<2x80x16xf32, #tpu.memory_space<vmem>>, vector<16xf32>,
    %broadcast_in_dim3A_685 = arith.constant 0.000000e+00 : f32
    %broadcast_in_dim3A_686 = vector.broadcast %broadcast_in_dim3A_685 : f32 to vector<16xf32>
    %swap3A_687 = arith.constant 1 : i32
    %swap3A_688 = arith.constant 2 : i32
    %swap3A_689 = arith.index_cast %swap3A_687 : i32 to index
    %swap3A_690 = arith.index_cast %swap3A_688 : i32 to index
    %swap3A_691 = arith.constant 0 : index
    %swap3A_692 = tpu.vector_load %arg12[%swap3A_689, %swap3A_690, %swap3A_691] {strides = array<i32>} : memref<2x80x16xf32, #tpu.memory_space<vmem>>, vector<16xf32>,
    tpu.vector_store %arg12[%swap3A_689, %swap3A_690, %swap3A_691], %broadcast_in_dim3A_686 {strides = array<i32>} : memref<2x80x16xf32, #tpu.memory_space<vmem>>, vector<16xf32>,
    %broadcast_in_dim3A_693 = arith.constant 0.000000e+00 : f32
    %broadcast_in_dim3A_694 = vector.broadcast %broadcast_in_dim3A_693 : f32 to vector<16xf32>
    %swap3A_695 = arith.constant 1 : i32
    %swap3A_696 = arith.constant 3 : i32
    %swap3A_697 = arith.index_cast %swap3A_695 : i32 to index
    %swap3A_698 = arith.index_cast %swap3A_696 : i32 to index
    %swap3A_699 = arith.constant 0 : index
    %swap3A_700 = tpu.vector_load %arg12[%swap3A_697, %swap3A_698, %swap3A_699] {strides = array<i32>} : memref<2x80x16xf32, #tpu.memory_space<vmem>>, vector<16xf32>,
    tpu.vector_store %arg12[%swap3A_697, %swap3A_698, %swap3A_699], %broadcast_in_dim3A_694 {strides = array<i32>} : memref<2x80x16xf32, #tpu.memory_space<vmem>>, vector<16xf32>,
    %broadcast_in_dim3A_701 = arith.constant 0.000000e+00 : f32
    %broadcast_in_dim3A_702 = vector.broadcast %broadcast_in_dim3A_701 : f32 to vector<16xf32>
    %swap3A_703 = arith.constant 1 : i32
    %swap3A_704 = arith.constant 4 : i32
    %swap3A_705 = arith.index_cast %swap3A_703 : i32 to index
    %swap3A_706 = arith.index_cast %swap3A_704 : i32 to index
    %swap3A_707 = arith.constant 0 : index
    %swap3A_708 = tpu.vector_load %arg12[%swap3A_705, %swap3A_706, %swap3A_707] {strides = array<i32>} : memref<2x80x16xf32, #tpu.memory_space<vmem>>, vector<16xf32>,
    tpu.vector_store %arg12[%swap3A_705, %swap3A_706, %swap3A_707], %broadcast_in_dim3A_702 {strides = array<i32>} : memref<2x80x16xf32, #tpu.memory_space<vmem>>, vector<16xf32>,
    %broadcast_in_dim3A_709 = arith.constant 0.000000e+00 : f32
    %broadcast_in_dim3A_710 = vector.broadcast %broadcast_in_dim3A_709 : f32 to vector<16xf32>
    %swap3A_711 = arith.constant 1 : i32
    %swap3A_712 = arith.constant 5 : i32
    %swap3A_713 = arith.index_cast %swap3A_711 : i32 to index
    %swap3A_714 = arith.index_cast %swap3A_712 : i32 to index
    %swap3A_715 = arith.constant 0 : index
    %swap3A_716 = tpu.vector_load %arg12[%swap3A_713, %swap3A_714, %swap3A_715] {strides = array<i32>} : memref<2x80x16xf32, #tpu.memory_space<vmem>>, vector<16xf32>,
    tpu.vector_store %arg12[%swap3A_713, %swap3A_714, %swap3A_715], %broadcast_in_dim3A_710 {strides = array<i32>} : memref<2x80x16xf32, #tpu.memory_space<vmem>>, vector<16xf32>,
    %broadcast_in_dim3A_717 = arith.constant 0.000000e+00 : f32
    %broadcast_in_dim3A_718 = vector.broadcast %broadcast_in_dim3A_717 : f32 to vector<16xf32>
    %swap3A_719 = arith.constant 1 : i32
    %swap3A_720 = arith.constant 6 : i32
    %swap3A_721 = arith.index_cast %swap3A_719 : i32 to index
    %swap3A_722 = arith.index_cast %swap3A_720 : i32 to index
    %swap3A_723 = arith.constant 0 : index
    %swap3A_724 = tpu.vector_load %arg12[%swap3A_721, %swap3A_722, %swap3A_723] {strides = array<i32>} : memref<2x80x16xf32, #tpu.memory_space<vmem>>, vector<16xf32>,
    tpu.vector_store %arg12[%swap3A_721, %swap3A_722, %swap3A_723], %broadcast_in_dim3A_718 {strides = array<i32>} : memref<2x80x16xf32, #tpu.memory_space<vmem>>, vector<16xf32>,
    %broadcast_in_dim3A_725 = arith.constant 0.000000e+00 : f32
    %broadcast_in_dim3A_726 = vector.broadcast %broadcast_in_dim3A_725 : f32 to vector<16xf32>
    %swap3A_727 = arith.constant 1 : i32
    %swap3A_728 = arith.constant 7 : i32
    %swap3A_729 = arith.index_cast %swap3A_727 : i32 to index
    %swap3A_730 = arith.index_cast %swap3A_728 : i32 to index
    %swap3A_731 = arith.constant 0 : index
    %swap3A_732 = tpu.vector_load %arg12[%swap3A_729, %swap3A_730, %swap3A_731] {strides = array<i32>} : memref<2x80x16xf32, #tpu.memory_space<vmem>>, vector<16xf32>,
    tpu.vector_store %arg12[%swap3A_729, %swap3A_730, %swap3A_731], %broadcast_in_dim3A_726 {strides = array<i32>} : memref<2x80x16xf32, #tpu.memory_space<vmem>>, vector<16xf32>,
    %broadcast_in_dim3A_733 = arith.constant 0.000000e+00 : f32
    %broadcast_in_dim3A_734 = vector.broadcast %broadcast_in_dim3A_733 : f32 to vector<16xf32>
    %swap3A_735 = arith.constant 1 : i32
    %swap3A_736 = arith.constant 8 : i32
    %swap3A_737 = arith.index_cast %swap3A_735 : i32 to index
    %swap3A_738 = arith.index_cast %swap3A_736 : i32 to index
    %swap3A_739 = arith.constant 0 : index
    %swap3A_740 = tpu.vector_load %arg12[%swap3A_737, %swap3A_738, %swap3A_739] {strides = array<i32>} : memref<2x80x16xf32, #tpu.memory_space<vmem>>, vector<16xf32>,
    tpu.vector_store %arg12[%swap3A_737, %swap3A_738, %swap3A_739], %broadcast_in_dim3A_734 {strides = array<i32>} : memref<2x80x16xf32, #tpu.memory_space<vmem>>, vector<16xf32>,
    %broadcast_in_dim3A_741 = arith.constant 0.000000e+00 : f32
    %broadcast_in_dim3A_742 = vector.broadcast %broadcast_in_dim3A_741 : f32 to vector<16xf32>
    %swap3A_743 = arith.constant 1 : i32
    %swap3A_744 = arith.constant 9 : i32
    %swap3A_745 = arith.index_cast %swap3A_743 : i32 to index
    %swap3A_746 = arith.index_cast %swap3A_744 : i32 to index
    %swap3A_747 = arith.constant 0 : index
    %swap3A_748 = tpu.vector_load %arg12[%swap3A_745, %swap3A_746, %swap3A_747] {strides = array<i32>} : memref<2x80x16xf32, #tpu.memory_space<vmem>>, vector<16xf32>,
    tpu.vector_store %arg12[%swap3A_745, %swap3A_746, %swap3A_747], %broadcast_in_dim3A_742 {strides = array<i32>} : memref<2x80x16xf32, #tpu.memory_space<vmem>>, vector<16xf32>,
    %broadcast_in_dim3A_749 = arith.constant 0.000000e+00 : f32
    %broadcast_in_dim3A_750 = vector.broadcast %broadcast_in_dim3A_749 : f32 to vector<16xf32>
    %swap3A_751 = arith.constant 1 : i32
    %swap3A_752 = arith.constant 10 : i32
    %swap3A_753 = arith.index_cast %swap3A_751 : i32 to index
    %swap3A_754 = arith.index_cast %swap3A_752 : i32 to index
    %swap3A_755 = arith.constant 0 : index
    %swap3A_756 = tpu.vector_load %arg12[%swap3A_753, %swap3A_754, %swap3A_755] {strides = array<i32>} : memref<2x80x16xf32, #tpu.memory_space<vmem>>, vector<16xf32>,
    tpu.vector_store %arg12[%swap3A_753, %swap3A_754, %swap3A_755], %broadcast_in_dim3A_750 {strides = array<i32>} : memref<2x80x16xf32, #tpu.memory_space<vmem>>, vector<16xf32>,
    %broadcast_in_dim3A_757 = arith.constant 0.000000e+00 : f32
    %broadcast_in_dim3A_758 = vector.broadcast %broadcast_in_dim3A_757 : f32 to vector<16xf32>
    %swap3A_759 = arith.constant 1 : i32
    %swap3A_760 = arith.constant 11 : i32
    %swap3A_761 = arith.index_cast %swap3A_759 : i32 to index
    %swap3A_762 = arith.index_cast %swap3A_760 : i32 to index
    %swap3A_763 = arith.constant 0 : index
    %swap3A_764 = tpu.vector_load %arg12[%swap3A_761, %swap3A_762, %swap3A_763] {strides = array<i32>} : memref<2x80x16xf32, #tpu.memory_space<vmem>>, vector<16xf32>,
    tpu.vector_store %arg12[%swap3A_761, %swap3A_762, %swap3A_763], %broadcast_in_dim3A_758 {strides = array<i32>} : memref<2x80x16xf32, #tpu.memory_space<vmem>>, vector<16xf32>,
    %broadcast_in_dim3A_765 = arith.constant 0.000000e+00 : f32
    %broadcast_in_dim3A_766 = vector.broadcast %broadcast_in_dim3A_765 : f32 to vector<16xf32>
    %swap3A_767 = arith.constant 1 : i32
    %swap3A_768 = arith.constant 12 : i32
    %swap3A_769 = arith.index_cast %swap3A_767 : i32 to index
    %swap3A_770 = arith.index_cast %swap3A_768 : i32 to index
    %swap3A_771 = arith.constant 0 : index
    %swap3A_772 = tpu.vector_load %arg12[%swap3A_769, %swap3A_770, %swap3A_771] {strides = array<i32>} : memref<2x80x16xf32, #tpu.memory_space<vmem>>, vector<16xf32>,
    tpu.vector_store %arg12[%swap3A_769, %swap3A_770, %swap3A_771], %broadcast_in_dim3A_766 {strides = array<i32>} : memref<2x80x16xf32, #tpu.memory_space<vmem>>, vector<16xf32>,
    %broadcast_in_dim3A_773 = arith.constant 0.000000e+00 : f32
    %broadcast_in_dim3A_774 = vector.broadcast %broadcast_in_dim3A_773 : f32 to vector<16xf32>
    %swap3A_775 = arith.constant 1 : i32
    %swap3A_776 = arith.constant 13 : i32
    %swap3A_777 = arith.index_cast %swap3A_775 : i32 to index
    %swap3A_778 = arith.index_cast %swap3A_776 : i32 to index
    %swap3A_779 = arith.constant 0 : index
    %swap3A_780 = tpu.vector_load %arg12[%swap3A_777, %swap3A_778, %swap3A_779] {strides = array<i32>} : memref<2x80x16xf32, #tpu.memory_space<vmem>>, vector<16xf32>,
    tpu.vector_store %arg12[%swap3A_777, %swap3A_778, %swap3A_779], %broadcast_in_dim3A_774 {strides = array<i32>} : memref<2x80x16xf32, #tpu.memory_space<vmem>>, vector<16xf32>,
    %broadcast_in_dim3A_781 = arith.constant 0.000000e+00 : f32
    %broadcast_in_dim3A_782 = vector.broadcast %broadcast_in_dim3A_781 : f32 to vector<16xf32>
    %swap3A_783 = arith.constant 1 : i32
    %swap3A_784 = arith.constant 14 : i32
    %swap3A_785 = arith.index_cast %swap3A_783 : i32 to index
    %swap3A_786 = arith.index_cast %swap3A_784 : i32 to index
    %swap3A_787 = arith.constant 0 : index
    %swap3A_788 = tpu.vector_load %arg12[%swap3A_785, %swap3A_786, %swap3A_787] {strides = array<i32>} : memref<2x80x16xf32, #tpu.memory_space<vmem>>, vector<16xf32>,
    tpu.vector_store %arg12[%swap3A_785, %swap3A_786, %swap3A_787], %broadcast_in_dim3A_782 {strides = array<i32>} : memref<2x80x16xf32, #tpu.memory_space<vmem>>, vector<16xf32>,
    %broadcast_in_dim3A_789 = arith.constant 0.000000e+00 : f32
    %broadcast_in_dim3A_790 = vector.broadcast %broadcast_in_dim3A_789 : f32 to vector<16xf32>
    %swap3A_791 = arith.constant 1 : i32
    %swap3A_792 = arith.constant 15 : i32
    %swap3A_793 = arith.index_cast %swap3A_791 : i32 to index
    %swap3A_794 = arith.index_cast %swap3A_792 : i32 to index
    %swap3A_795 = arith.constant 0 : index
    %swap3A_796 = tpu.vector_load %arg12[%swap3A_793, %swap3A_794, %swap3A_795] {strides = array<i32>} : memref<2x80x16xf32, #tpu.memory_space<vmem>>, vector<16xf32>,
    tpu.vector_store %arg12[%swap3A_793, %swap3A_794, %swap3A_795], %broadcast_in_dim3A_790 {strides = array<i32>} : memref<2x80x16xf32, #tpu.memory_space<vmem>>, vector<16xf32>,
    %broadcast_in_dim3A_797 = arith.constant 0.000000e+00 : f32
    %broadcast_in_dim3A_798 = vector.broadcast %broadcast_in_dim3A_797 : f32 to vector<16xf32>
    %swap3A_799 = arith.constant 1 : i32
    %swap3A_800 = arith.constant 16 : i32
    %swap3A_801 = arith.index_cast %swap3A_799 : i32 to index
    %swap3A_802 = arith.index_cast %swap3A_800 : i32 to index
    %swap3A_803 = arith.constant 0 : index
    %swap3A_804 = tpu.vector_load %arg12[%swap3A_801, %swap3A_802, %swap3A_803] {strides = array<i32>} : memref<2x80x16xf32, #tpu.memory_space<vmem>>, vector<16xf32>,
    tpu.vector_store %arg12[%swap3A_801, %swap3A_802, %swap3A_803], %broadcast_in_dim3A_798 {strides = array<i32>} : memref<2x80x16xf32, #tpu.memory_space<vmem>>, vector<16xf32>,
    %broadcast_in_dim3A_805 = arith.constant 0.000000e+00 : f32
    %broadcast_in_dim3A_806 = vector.broadcast %broadcast_in_dim3A_805 : f32 to vector<16xf32>
    %swap3A_807 = arith.constant 1 : i32
    %swap3A_808 = arith.constant 17 : i32
    %swap3A_809 = arith.index_cast %swap3A_807 : i32 to index
    %swap3A_810 = arith.index_cast %swap3A_808 : i32 to index
    %swap3A_811 = arith.constant 0 : index
    %swap3A_812 = tpu.vector_load %arg12[%swap3A_809, %swap3A_810, %swap3A_811] {strides = array<i32>} : memref<2x80x16xf32, #tpu.memory_space<vmem>>, vector<16xf32>,
    tpu.vector_store %arg12[%swap3A_809, %swap3A_810, %swap3A_811], %broadcast_in_dim3A_806 {strides = array<i32>} : memref<2x80x16xf32, #tpu.memory_space<vmem>>, vector<16xf32>,
    %broadcast_in_dim3A_813 = arith.constant 0.000000e+00 : f32
    %broadcast_in_dim3A_814 = vector.broadcast %broadcast_in_dim3A_813 : f32 to vector<16xf32>
    %swap3A_815 = arith.constant 1 : i32
    %swap3A_816 = arith.constant 18 : i32
    %swap3A_817 = arith.index_cast %swap3A_815 : i32 to index
    %swap3A_818 = arith.index_cast %swap3A_816 : i32 to index
    %swap3A_819 = arith.constant 0 : index
    %swap3A_820 = tpu.vector_load %arg12[%swap3A_817, %swap3A_818, %swap3A_819] {strides = array<i32>} : memref<2x80x16xf32, #tpu.memory_space<vmem>>, vector<16xf32>,
    tpu.vector_store %arg12[%swap3A_817, %swap3A_818, %swap3A_819], %broadcast_in_dim3A_814 {strides = array<i32>} : memref<2x80x16xf32, #tpu.memory_space<vmem>>, vector<16xf32>,
    %broadcast_in_dim3A_821 = arith.constant 0.000000e+00 : f32
    %broadcast_in_dim3A_822 = vector.broadcast %broadcast_in_dim3A_821 : f32 to vector<16xf32>
    %swap3A_823 = arith.constant 1 : i32
    %swap3A_824 = arith.constant 19 : i32
    %swap3A_825 = arith.index_cast %swap3A_823 : i32 to index
    %swap3A_826 = arith.index_cast %swap3A_824 : i32 to index
    %swap3A_827 = arith.constant 0 : index
    %swap3A_828 = tpu.vector_load %arg12[%swap3A_825, %swap3A_826, %swap3A_827] {strides = array<i32>} : memref<2x80x16xf32, #tpu.memory_space<vmem>>, vector<16xf32>,
    tpu.vector_store %arg12[%swap3A_825, %swap3A_826, %swap3A_827], %broadcast_in_dim3A_822 {strides = array<i32>} : memref<2x80x16xf32, #tpu.memory_space<vmem>>, vector<16xf32>,
    %broadcast_in_dim3A_829 = arith.constant 0.000000e+00 : f32
    %broadcast_in_dim3A_830 = vector.broadcast %broadcast_in_dim3A_829 : f32 to vector<16xf32>
    %swap3A_831 = arith.constant 1 : i32
    %swap3A_832 = arith.constant 20 : i32
    %swap3A_833 = arith.index_cast %swap3A_831 : i32 to index
    %swap3A_834 = arith.index_cast %swap3A_832 : i32 to index
    %swap3A_835 = arith.constant 0 : index
    %swap3A_836 = tpu.vector_load %arg12[%swap3A_833, %swap3A_834, %swap3A_835] {strides = array<i32>} : memref<2x80x16xf32, #tpu.memory_space<vmem>>, vector<16xf32>,
    tpu.vector_store %arg12[%swap3A_833, %swap3A_834, %swap3A_835], %broadcast_in_dim3A_830 {strides = array<i32>} : memref<2x80x16xf32, #tpu.memory_space<vmem>>, vector<16xf32>,
    %broadcast_in_dim3A_837 = arith.constant 0.000000e+00 : f32
    %broadcast_in_dim3A_838 = vector.broadcast %broadcast_in_dim3A_837 : f32 to vector<16xf32>
    %swap3A_839 = arith.constant 1 : i32
    %swap3A_840 = arith.constant 21 : i32
    %swap3A_841 = arith.index_cast %swap3A_839 : i32 to index
    %swap3A_842 = arith.index_cast %swap3A_840 : i32 to index
    %swap3A_843 = arith.constant 0 : index
    %swap3A_844 = tpu.vector_load %arg12[%swap3A_841, %swap3A_842, %swap3A_843] {strides = array<i32>} : memref<2x80x16xf32, #tpu.memory_space<vmem>>, vector<16xf32>,
    tpu.vector_store %arg12[%swap3A_841, %swap3A_842, %swap3A_843], %broadcast_in_dim3A_838 {strides = array<i32>} : memref<2x80x16xf32, #tpu.memory_space<vmem>>, vector<16xf32>,
    %broadcast_in_dim3A_845 = arith.constant 0.000000e+00 : f32
    %broadcast_in_dim3A_846 = vector.broadcast %broadcast_in_dim3A_845 : f32 to vector<16xf32>
    %swap3A_847 = arith.constant 1 : i32
    %swap3A_848 = arith.constant 22 : i32
    %swap3A_849 = arith.index_cast %swap3A_847 : i32 to index
    %swap3A_850 = arith.index_cast %swap3A_848 : i32 to index
    %swap3A_851 = arith.constant 0 : index
    %swap3A_852 = tpu.vector_load %arg12[%swap3A_849, %swap3A_850, %swap3A_851] {strides = array<i32>} : memref<2x80x16xf32, #tpu.memory_space<vmem>>, vector<16xf32>,
    tpu.vector_store %arg12[%swap3A_849, %swap3A_850, %swap3A_851], %broadcast_in_dim3A_846 {strides = array<i32>} : memref<2x80x16xf32, #tpu.memory_space<vmem>>, vector<16xf32>,
    %broadcast_in_dim3A_853 = arith.constant 0.000000e+00 : f32
    %broadcast_in_dim3A_854 = vector.broadcast %broadcast_in_dim3A_853 : f32 to vector<16xf32>
    %swap3A_855 = arith.constant 1 : i32
    %swap3A_856 = arith.constant 23 : i32
    %swap3A_857 = arith.index_cast %swap3A_855 : i32 to index
    %swap3A_858 = arith.index_cast %swap3A_856 : i32 to index
    %swap3A_859 = arith.constant 0 : index
    %swap3A_860 = tpu.vector_load %arg12[%swap3A_857, %swap3A_858, %swap3A_859] {strides = array<i32>} : memref<2x80x16xf32, #tpu.memory_space<vmem>>, vector<16xf32>,
    tpu.vector_store %arg12[%swap3A_857, %swap3A_858, %swap3A_859], %broadcast_in_dim3A_854 {strides = array<i32>} : memref<2x80x16xf32, #tpu.memory_space<vmem>>, vector<16xf32>,
    %broadcast_in_dim3A_861 = arith.constant 0.000000e+00 : f32
    %broadcast_in_dim3A_862 = vector.broadcast %broadcast_in_dim3A_861 : f32 to vector<16xf32>
    %swap3A_863 = arith.constant 1 : i32
    %swap3A_864 = arith.constant 24 : i32
    %swap3A_865 = arith.index_cast %swap3A_863 : i32 to index
    %swap3A_866 = arith.index_cast %swap3A_864 : i32 to index
    %swap3A_867 = arith.constant 0 : index
    %swap3A_868 = tpu.vector_load %arg12[%swap3A_865, %swap3A_866, %swap3A_867] {strides = array<i32>} : memref<2x80x16xf32, #tpu.memory_space<vmem>>, vector<16xf32>,
    tpu.vector_store %arg12[%swap3A_865, %swap3A_866, %swap3A_867], %broadcast_in_dim3A_862 {strides = array<i32>} : memref<2x80x16xf32, #tpu.memory_space<vmem>>, vector<16xf32>,
    %broadcast_in_dim3A_869 = arith.constant 0.000000e+00 : f32
    %broadcast_in_dim3A_870 = vector.broadcast %broadcast_in_dim3A_869 : f32 to vector<16xf32>
    %swap3A_871 = arith.constant 1 : i32
    %swap3A_872 = arith.constant 25 : i32
    %swap3A_873 = arith.index_cast %swap3A_871 : i32 to index
    %swap3A_874 = arith.index_cast %swap3A_872 : i32 to index
    %swap3A_875 = arith.constant 0 : index
    %swap3A_876 = tpu.vector_load %arg12[%swap3A_873, %swap3A_874, %swap3A_875] {strides = array<i32>} : memref<2x80x16xf32, #tpu.memory_space<vmem>>, vector<16xf32>,
    tpu.vector_store %arg12[%swap3A_873, %swap3A_874, %swap3A_875], %broadcast_in_dim3A_870 {strides = array<i32>} : memref<2x80x16xf32, #tpu.memory_space<vmem>>, vector<16xf32>,
    %broadcast_in_dim3A_877 = arith.constant 0.000000e+00 : f32
    %broadcast_in_dim3A_878 = vector.broadcast %broadcast_in_dim3A_877 : f32 to vector<16xf32>
    %swap3A_879 = arith.constant 1 : i32
    %swap3A_880 = arith.constant 26 : i32
    %swap3A_881 = arith.index_cast %swap3A_879 : i32 to index
    %swap3A_882 = arith.index_cast %swap3A_880 : i32 to index
    %swap3A_883 = arith.constant 0 : index
    %swap3A_884 = tpu.vector_load %arg12[%swap3A_881, %swap3A_882, %swap3A_883] {strides = array<i32>} : memref<2x80x16xf32, #tpu.memory_space<vmem>>, vector<16xf32>,
    tpu.vector_store %arg12[%swap3A_881, %swap3A_882, %swap3A_883], %broadcast_in_dim3A_878 {strides = array<i32>} : memref<2x80x16xf32, #tpu.memory_space<vmem>>, vector<16xf32>,
    %broadcast_in_dim3A_885 = arith.constant 0.000000e+00 : f32
    %broadcast_in_dim3A_886 = vector.broadcast %broadcast_in_dim3A_885 : f32 to vector<16xf32>
    %swap3A_887 = arith.constant 1 : i32
    %swap3A_888 = arith.constant 27 : i32
    %swap3A_889 = arith.index_cast %swap3A_887 : i32 to index
    %swap3A_890 = arith.index_cast %swap3A_888 : i32 to index
    %swap3A_891 = arith.constant 0 : index
    %swap3A_892 = tpu.vector_load %arg12[%swap3A_889, %swap3A_890, %swap3A_891] {strides = array<i32>} : memref<2x80x16xf32, #tpu.memory_space<vmem>>, vector<16xf32>,
    tpu.vector_store %arg12[%swap3A_889, %swap3A_890, %swap3A_891], %broadcast_in_dim3A_886 {strides = array<i32>} : memref<2x80x16xf32, #tpu.memory_space<vmem>>, vector<16xf32>,
    %broadcast_in_dim3A_893 = arith.constant 0.000000e+00 : f32
    %broadcast_in_dim3A_894 = vector.broadcast %broadcast_in_dim3A_893 : f32 to vector<16xf32>
    %swap3A_895 = arith.constant 1 : i32
    %swap3A_896 = arith.constant 28 : i32
    %swap3A_897 = arith.index_cast %swap3A_895 : i32 to index
    %swap3A_898 = arith.index_cast %swap3A_896 : i32 to index
    %swap3A_899 = arith.constant 0 : index
    %swap3A_900 = tpu.vector_load %arg12[%swap3A_897, %swap3A_898, %swap3A_899] {strides = array<i32>} : memref<2x80x16xf32, #tpu.memory_space<vmem>>, vector<16xf32>,
    tpu.vector_store %arg12[%swap3A_897, %swap3A_898, %swap3A_899], %broadcast_in_dim3A_894 {strides = array<i32>} : memref<2x80x16xf32, #tpu.memory_space<vmem>>, vector<16xf32>,
    %broadcast_in_dim3A_901 = arith.constant 0.000000e+00 : f32
    %broadcast_in_dim3A_902 = vector.broadcast %broadcast_in_dim3A_901 : f32 to vector<16xf32>
    %swap3A_903 = arith.constant 1 : i32
    %swap3A_904 = arith.constant 29 : i32
    %swap3A_905 = arith.index_cast %swap3A_903 : i32 to index
    %swap3A_906 = arith.index_cast %swap3A_904 : i32 to index
    %swap3A_907 = arith.constant 0 : index
    %swap3A_908 = tpu.vector_load %arg12[%swap3A_905, %swap3A_906, %swap3A_907] {strides = array<i32>} : memref<2x80x16xf32, #tpu.memory_space<vmem>>, vector<16xf32>,
    tpu.vector_store %arg12[%swap3A_905, %swap3A_906, %swap3A_907], %broadcast_in_dim3A_902 {strides = array<i32>} : memref<2x80x16xf32, #tpu.memory_space<vmem>>, vector<16xf32>,
    %broadcast_in_dim3A_909 = arith.constant 0.000000e+00 : f32
    %broadcast_in_dim3A_910 = vector.broadcast %broadcast_in_dim3A_909 : f32 to vector<16xf32>
    %swap3A_911 = arith.constant 1 : i32
    %swap3A_912 = arith.constant 30 : i32
    %swap3A_913 = arith.index_cast %swap3A_911 : i32 to index
    %swap3A_914 = arith.index_cast %swap3A_912 : i32 to index
    %swap3A_915 = arith.constant 0 : index
    %swap3A_916 = tpu.vector_load %arg12[%swap3A_913, %swap3A_914, %swap3A_915] {strides = array<i32>} : memref<2x80x16xf32, #tpu.memory_space<vmem>>, vector<16xf32>,
    tpu.vector_store %arg12[%swap3A_913, %swap3A_914, %swap3A_915], %broadcast_in_dim3A_910 {strides = array<i32>} : memref<2x80x16xf32, #tpu.memory_space<vmem>>, vector<16xf32>,
    %broadcast_in_dim3A_917 = arith.constant 0.000000e+00 : f32
    %broadcast_in_dim3A_918 = vector.broadcast %broadcast_in_dim3A_917 : f32 to vector<16xf32>
    %swap3A_919 = arith.constant 1 : i32
    %swap3A_920 = arith.constant 31 : i32
    %swap3A_921 = arith.index_cast %swap3A_919 : i32 to index
    %swap3A_922 = arith.index_cast %swap3A_920 : i32 to index
    %swap3A_923 = arith.constant 0 : index
    %swap3A_924 = tpu.vector_load %arg12[%swap3A_921, %swap3A_922, %swap3A_923] {strides = array<i32>} : memref<2x80x16xf32, #tpu.memory_space<vmem>>, vector<16xf32>,
    tpu.vector_store %arg12[%swap3A_921, %swap3A_922, %swap3A_923], %broadcast_in_dim3A_918 {strides = array<i32>} : memref<2x80x16xf32, #tpu.memory_space<vmem>>, vector<16xf32>,
    %broadcast_in_dim3A_925 = arith.constant 0.000000e+00 : f32
    %broadcast_in_dim3A_926 = vector.broadcast %broadcast_in_dim3A_925 : f32 to vector<16xf32>
    %swap3A_927 = arith.constant 1 : i32
    %swap3A_928 = arith.constant 32 : i32
    %swap3A_929 = arith.index_cast %swap3A_927 : i32 to index
    %swap3A_930 = arith.index_cast %swap3A_928 : i32 to index
    %swap3A_931 = arith.constant 0 : index
    %swap3A_932 = tpu.vector_load %arg12[%swap3A_929, %swap3A_930, %swap3A_931] {strides = array<i32>} : memref<2x80x16xf32, #tpu.memory_space<vmem>>, vector<16xf32>,
    tpu.vector_store %arg12[%swap3A_929, %swap3A_930, %swap3A_931], %broadcast_in_dim3A_926 {strides = array<i32>} : memref<2x80x16xf32, #tpu.memory_space<vmem>>, vector<16xf32>,
    %broadcast_in_dim3A_933 = arith.constant 0.000000e+00 : f32
    %broadcast_in_dim3A_934 = vector.broadcast %broadcast_in_dim3A_933 : f32 to vector<16xf32>
    %swap3A_935 = arith.constant 1 : i32
    %swap3A_936 = arith.constant 33 : i32
    %swap3A_937 = arith.index_cast %swap3A_935 : i32 to index
    %swap3A_938 = arith.index_cast %swap3A_936 : i32 to index
    %swap3A_939 = arith.constant 0 : index
    %swap3A_940 = tpu.vector_load %arg12[%swap3A_937, %swap3A_938, %swap3A_939] {strides = array<i32>} : memref<2x80x16xf32, #tpu.memory_space<vmem>>, vector<16xf32>,
    tpu.vector_store %arg12[%swap3A_937, %swap3A_938, %swap3A_939], %broadcast_in_dim3A_934 {strides = array<i32>} : memref<2x80x16xf32, #tpu.memory_space<vmem>>, vector<16xf32>,
    %broadcast_in_dim3A_941 = arith.constant 0.000000e+00 : f32
    %broadcast_in_dim3A_942 = vector.broadcast %broadcast_in_dim3A_941 : f32 to vector<16xf32>
    %swap3A_943 = arith.constant 1 : i32
    %swap3A_944 = arith.constant 34 : i32
    %swap3A_945 = arith.index_cast %swap3A_943 : i32 to index
    %swap3A_946 = arith.index_cast %swap3A_944 : i32 to index
    %swap3A_947 = arith.constant 0 : index
    %swap3A_948 = tpu.vector_load %arg12[%swap3A_945, %swap3A_946, %swap3A_947] {strides = array<i32>} : memref<2x80x16xf32, #tpu.memory_space<vmem>>, vector<16xf32>,
    tpu.vector_store %arg12[%swap3A_945, %swap3A_946, %swap3A_947], %broadcast_in_dim3A_942 {strides = array<i32>} : memref<2x80x16xf32, #tpu.memory_space<vmem>>, vector<16xf32>,
    %broadcast_in_dim3A_949 = arith.constant 0.000000e+00 : f32
    %broadcast_in_dim3A_950 = vector.broadcast %broadcast_in_dim3A_949 : f32 to vector<16xf32>
    %swap3A_951 = arith.constant 1 : i32
    %swap3A_952 = arith.constant 35 : i32
    %swap3A_953 = arith.index_cast %swap3A_951 : i32 to index
    %swap3A_954 = arith.index_cast %swap3A_952 : i32 to index
    %swap3A_955 = arith.constant 0 : index
    %swap3A_956 = tpu.vector_load %arg12[%swap3A_953, %swap3A_954, %swap3A_955] {strides = array<i32>} : memref<2x80x16xf32, #tpu.memory_space<vmem>>, vector<16xf32>,
    tpu.vector_store %arg12[%swap3A_953, %swap3A_954, %swap3A_955], %broadcast_in_dim3A_950 {strides = array<i32>} : memref<2x80x16xf32, #tpu.memory_space<vmem>>, vector<16xf32>,
    %broadcast_in_dim3A_957 = arith.constant 0.000000e+00 : f32
    %broadcast_in_dim3A_958 = vector.broadcast %broadcast_in_dim3A_957 : f32 to vector<16xf32>
    %swap3A_959 = arith.constant 1 : i32
    %swap3A_960 = arith.constant 36 : i32
    %swap3A_961 = arith.index_cast %swap3A_959 : i32 to index
    %swap3A_962 = arith.index_cast %swap3A_960 : i32 to index
    %swap3A_963 = arith.constant 0 : index
    %swap3A_964 = tpu.vector_load %arg12[%swap3A_961, %swap3A_962, %swap3A_963] {strides = array<i32>} : memref<2x80x16xf32, #tpu.memory_space<vmem>>, vector<16xf32>,
    tpu.vector_store %arg12[%swap3A_961, %swap3A_962, %swap3A_963], %broadcast_in_dim3A_958 {strides = array<i32>} : memref<2x80x16xf32, #tpu.memory_space<vmem>>, vector<16xf32>,
    %broadcast_in_dim3A_965 = arith.constant 0.000000e+00 : f32
    %broadcast_in_dim3A_966 = vector.broadcast %broadcast_in_dim3A_965 : f32 to vector<16xf32>
    %swap3A_967 = arith.constant 1 : i32
    %swap3A_968 = arith.constant 37 : i32
    %swap3A_969 = arith.index_cast %swap3A_967 : i32 to index
    %swap3A_970 = arith.index_cast %swap3A_968 : i32 to index
    %swap3A_971 = arith.constant 0 : index
    %swap3A_972 = tpu.vector_load %arg12[%swap3A_969, %swap3A_970, %swap3A_971] {strides = array<i32>} : memref<2x80x16xf32, #tpu.memory_space<vmem>>, vector<16xf32>,
    tpu.vector_store %arg12[%swap3A_969, %swap3A_970, %swap3A_971], %broadcast_in_dim3A_966 {strides = array<i32>} : memref<2x80x16xf32, #tpu.memory_space<vmem>>, vector<16xf32>,
    %broadcast_in_dim3A_973 = arith.constant 0.000000e+00 : f32
    %broadcast_in_dim3A_974 = vector.broadcast %broadcast_in_dim3A_973 : f32 to vector<16xf32>
    %swap3A_975 = arith.constant 1 : i32
    %swap3A_976 = arith.constant 38 : i32
    %swap3A_977 = arith.index_cast %swap3A_975 : i32 to index
    %swap3A_978 = arith.index_cast %swap3A_976 : i32 to index
    %swap3A_979 = arith.constant 0 : index
    %swap3A_980 = tpu.vector_load %arg12[%swap3A_977, %swap3A_978, %swap3A_979] {strides = array<i32>} : memref<2x80x16xf32, #tpu.memory_space<vmem>>, vector<16xf32>,
    tpu.vector_store %arg12[%swap3A_977, %swap3A_978, %swap3A_979], %broadcast_in_dim3A_974 {strides = array<i32>} : memref<2x80x16xf32, #tpu.memory_space<vmem>>, vector<16xf32>,
    %broadcast_in_dim3A_981 = arith.constant 0.000000e+00 : f32
    %broadcast_in_dim3A_982 = vector.broadcast %broadcast_in_dim3A_981 : f32 to vector<16xf32>
    %swap3A_983 = arith.constant 1 : i32
    %swap3A_984 = arith.constant 39 : i32
    %swap3A_985 = arith.index_cast %swap3A_983 : i32 to index
    %swap3A_986 = arith.index_cast %swap3A_984 : i32 to index
    %swap3A_987 = arith.constant 0 : index
    %swap3A_988 = tpu.vector_load %arg12[%swap3A_985, %swap3A_986, %swap3A_987] {strides = array<i32>} : memref<2x80x16xf32, #tpu.memory_space<vmem>>, vector<16xf32>,
    tpu.vector_store %arg12[%swap3A_985, %swap3A_986, %swap3A_987], %broadcast_in_dim3A_982 {strides = array<i32>} : memref<2x80x16xf32, #tpu.memory_space<vmem>>, vector<16xf32>,
    %broadcast_in_dim3A_989 = arith.constant 0.000000e+00 : f32
    %broadcast_in_dim3A_990 = vector.broadcast %broadcast_in_dim3A_989 : f32 to vector<16xf32>
    %swap3A_991 = arith.constant 1 : i32
    %swap3A_992 = arith.constant 40 : i32
    %swap3A_993 = arith.index_cast %swap3A_991 : i32 to index
    %swap3A_994 = arith.index_cast %swap3A_992 : i32 to index
    %swap3A_995 = arith.constant 0 : index
    %swap3A_996 = tpu.vector_load %arg12[%swap3A_993, %swap3A_994, %swap3A_995] {strides = array<i32>} : memref<2x80x16xf32, #tpu.memory_space<vmem>>, vector<16xf32>,
    tpu.vector_store %arg12[%swap3A_993, %swap3A_994, %swap3A_995], %broadcast_in_dim3A_990 {strides = array<i32>} : memref<2x80x16xf32, #tpu.memory_space<vmem>>, vector<16xf32>,
    %broadcast_in_dim3A_997 = arith.constant 0.000000e+00 : f32
    %broadcast_in_dim3A_998 = vector.broadcast %broadcast_in_dim3A_997 : f32 to vector<16xf32>
    %swap3A_999 = arith.constant 1 : i32
    %swap3A_1000 = arith.constant 41 : i32
    %swap3A_1001 = arith.index_cast %swap3A_999 : i32 to index
    %swap3A_1002 = arith.index_cast %swap3A_1000 : i32 to index
    %swap3A_1003 = arith.constant 0 : index
    %swap3A_1004 = tpu.vector_load %arg12[%swap3A_1001, %swap3A_1002, %swap3A_1003] {strides = array<i32>} : memref<2x80x16xf32, #tpu.memory_space<vmem>>, vector<16xf32>,
    tpu.vector_store %arg12[%swap3A_1001, %swap3A_1002, %swap3A_1003], %broadcast_in_dim3A_998 {strides = array<i32>} : memref<2x80x16xf32, #tpu.memory_space<vmem>>, vector<16xf32>,
    %broadcast_in_dim3A_1005 = arith.constant 0.000000e+00 : f32
    %broadcast_in_dim3A_1006 = vector.broadcast %broadcast_in_dim3A_1005 : f32 to vector<16xf32>
    %swap3A_1007 = arith.constant 1 : i32
    %swap3A_1008 = arith.constant 42 : i32
    %swap3A_1009 = arith.index_cast %swap3A_1007 : i32 to index
    %swap3A_1010 = arith.index_cast %swap3A_1008 : i32 to index
    %swap3A_1011 = arith.constant 0 : index
    %swap3A_1012 = tpu.vector_load %arg12[%swap3A_1009, %swap3A_1010, %swap3A_1011] {strides = array<i32>} : memref<2x80x16xf32, #tpu.memory_space<vmem>>, vector<16xf32>,
    tpu.vector_store %arg12[%swap3A_1009, %swap3A_1010, %swap3A_1011], %broadcast_in_dim3A_1006 {strides = array<i32>} : memref<2x80x16xf32, #tpu.memory_space<vmem>>, vector<16xf32>,
    %broadcast_in_dim3A_1013 = arith.constant 0.000000e+00 : f32
    %broadcast_in_dim3A_1014 = vector.broadcast %broadcast_in_dim3A_1013 : f32 to vector<16xf32>
    %swap3A_1015 = arith.constant 1 : i32
    %swap3A_1016 = arith.constant 43 : i32
    %swap3A_1017 = arith.index_cast %swap3A_1015 : i32 to index
    %swap3A_1018 = arith.index_cast %swap3A_1016 : i32 to index
    %swap3A_1019 = arith.constant 0 : index
    %swap3A_1020 = tpu.vector_load %arg12[%swap3A_1017, %swap3A_1018, %swap3A_1019] {strides = array<i32>} : memref<2x80x16xf32, #tpu.memory_space<vmem>>, vector<16xf32>,
    tpu.vector_store %arg12[%swap3A_1017, %swap3A_1018, %swap3A_1019], %broadcast_in_dim3A_1014 {strides = array<i32>} : memref<2x80x16xf32, #tpu.memory_space<vmem>>, vector<16xf32>,
    %broadcast_in_dim3A_1021 = arith.constant 0.000000e+00 : f32
    %broadcast_in_dim3A_1022 = vector.broadcast %broadcast_in_dim3A_1021 : f32 to vector<16xf32>
    %swap3A_1023 = arith.constant 1 : i32
    %swap3A_1024 = arith.constant 44 : i32
    %swap3A_1025 = arith.index_cast %swap3A_1023 : i32 to index
    %swap3A_1026 = arith.index_cast %swap3A_1024 : i32 to index
    %swap3A_1027 = arith.constant 0 : index
    %swap3A_1028 = tpu.vector_load %arg12[%swap3A_1025, %swap3A_1026, %swap3A_1027] {strides = array<i32>} : memref<2x80x16xf32, #tpu.memory_space<vmem>>, vector<16xf32>,
    tpu.vector_store %arg12[%swap3A_1025, %swap3A_1026, %swap3A_1027], %broadcast_in_dim3A_1022 {strides = array<i32>} : memref<2x80x16xf32, #tpu.memory_space<vmem>>, vector<16xf32>,
    %broadcast_in_dim3A_1029 = arith.constant 0.000000e+00 : f32
    %broadcast_in_dim3A_1030 = vector.broadcast %broadcast_in_dim3A_1029 : f32 to vector<16xf32>
    %swap3A_1031 = arith.constant 1 : i32
    %swap3A_1032 = arith.constant 45 : i32
    %swap3A_1033 = arith.index_cast %swap3A_1031 : i32 to index
    %swap3A_1034 = arith.index_cast %swap3A_1032 : i32 to index
    %swap3A_1035 = arith.constant 0 : index
    %swap3A_1036 = tpu.vector_load %arg12[%swap3A_1033, %swap3A_1034, %swap3A_1035] {strides = array<i32>} : memref<2x80x16xf32, #tpu.memory_space<vmem>>, vector<16xf32>,
    tpu.vector_store %arg12[%swap3A_1033, %swap3A_1034, %swap3A_1035], %broadcast_in_dim3A_1030 {strides = array<i32>} : memref<2x80x16xf32, #tpu.memory_space<vmem>>, vector<16xf32>,
    %broadcast_in_dim3A_1037 = arith.constant 0.000000e+00 : f32
    %broadcast_in_dim3A_1038 = vector.broadcast %broadcast_in_dim3A_1037 : f32 to vector<16xf32>
    %swap3A_1039 = arith.constant 1 : i32
    %swap3A_1040 = arith.constant 46 : i32
    %swap3A_1041 = arith.index_cast %swap3A_1039 : i32 to index
    %swap3A_1042 = arith.index_cast %swap3A_1040 : i32 to index
    %swap3A_1043 = arith.constant 0 : index
    %swap3A_1044 = tpu.vector_load %arg12[%swap3A_1041, %swap3A_1042, %swap3A_1043] {strides = array<i32>} : memref<2x80x16xf32, #tpu.memory_space<vmem>>, vector<16xf32>,
    tpu.vector_store %arg12[%swap3A_1041, %swap3A_1042, %swap3A_1043], %broadcast_in_dim3A_1038 {strides = array<i32>} : memref<2x80x16xf32, #tpu.memory_space<vmem>>, vector<16xf32>,
    %broadcast_in_dim3A_1045 = arith.constant 0.000000e+00 : f32
    %broadcast_in_dim3A_1046 = vector.broadcast %broadcast_in_dim3A_1045 : f32 to vector<16xf32>
    %swap3A_1047 = arith.constant 1 : i32
    %swap3A_1048 = arith.constant 47 : i32
    %swap3A_1049 = arith.index_cast %swap3A_1047 : i32 to index
    %swap3A_1050 = arith.index_cast %swap3A_1048 : i32 to index
    %swap3A_1051 = arith.constant 0 : index
    %swap3A_1052 = tpu.vector_load %arg12[%swap3A_1049, %swap3A_1050, %swap3A_1051] {strides = array<i32>} : memref<2x80x16xf32, #tpu.memory_space<vmem>>, vector<16xf32>,
    tpu.vector_store %arg12[%swap3A_1049, %swap3A_1050, %swap3A_1051], %broadcast_in_dim3A_1046 {strides = array<i32>} : memref<2x80x16xf32, #tpu.memory_space<vmem>>, vector<16xf32>,
    %broadcast_in_dim3A_1053 = arith.constant 0.000000e+00 : f32
    %broadcast_in_dim3A_1054 = vector.broadcast %broadcast_in_dim3A_1053 : f32 to vector<16xf32>
    %swap3A_1055 = arith.constant 1 : i32
    %swap3A_1056 = arith.constant 48 : i32
    %swap3A_1057 = arith.index_cast %swap3A_1055 : i32 to index
    %swap3A_1058 = arith.index_cast %swap3A_1056 : i32 to index
    %swap3A_1059 = arith.constant 0 : index
    %swap3A_1060 = tpu.vector_load %arg12[%swap3A_1057, %swap3A_1058, %swap3A_1059] {strides = array<i32>} : memref<2x80x16xf32, #tpu.memory_space<vmem>>, vector<16xf32>,
    tpu.vector_store %arg12[%swap3A_1057, %swap3A_1058, %swap3A_1059], %broadcast_in_dim3A_1054 {strides = array<i32>} : memref<2x80x16xf32, #tpu.memory_space<vmem>>, vector<16xf32>,
    %broadcast_in_dim3A_1061 = arith.constant 0.000000e+00 : f32
    %broadcast_in_dim3A_1062 = vector.broadcast %broadcast_in_dim3A_1061 : f32 to vector<16xf32>
    %swap3A_1063 = arith.constant 1 : i32
    %swap3A_1064 = arith.constant 49 : i32
    %swap3A_1065 = arith.index_cast %swap3A_1063 : i32 to index
    %swap3A_1066 = arith.index_cast %swap3A_1064 : i32 to index
    %swap3A_1067 = arith.constant 0 : index
    %swap3A_1068 = tpu.vector_load %arg12[%swap3A_1065, %swap3A_1066, %swap3A_1067] {strides = array<i32>} : memref<2x80x16xf32, #tpu.memory_space<vmem>>, vector<16xf32>,
    tpu.vector_store %arg12[%swap3A_1065, %swap3A_1066, %swap3A_1067], %broadcast_in_dim3A_1062 {strides = array<i32>} : memref<2x80x16xf32, #tpu.memory_space<vmem>>, vector<16xf32>,
    %broadcast_in_dim3A_1069 = arith.constant 0.000000e+00 : f32
    %broadcast_in_dim3A_1070 = vector.broadcast %broadcast_in_dim3A_1069 : f32 to vector<16xf32>
    %swap3A_1071 = arith.constant 1 : i32
    %swap3A_1072 = arith.constant 50 : i32
    %swap3A_1073 = arith.index_cast %swap3A_1071 : i32 to index
    %swap3A_1074 = arith.index_cast %swap3A_1072 : i32 to index
    %swap3A_1075 = arith.constant 0 : index
    %swap3A_1076 = tpu.vector_load %arg12[%swap3A_1073, %swap3A_1074, %swap3A_1075] {strides = array<i32>} : memref<2x80x16xf32, #tpu.memory_space<vmem>>, vector<16xf32>,
    tpu.vector_store %arg12[%swap3A_1073, %swap3A_1074, %swap3A_1075], %broadcast_in_dim3A_1070 {strides = array<i32>} : memref<2x80x16xf32, #tpu.memory_space<vmem>>, vector<16xf32>,
    %broadcast_in_dim3A_1077 = arith.constant 0.000000e+00 : f32
    %broadcast_in_dim3A_1078 = vector.broadcast %broadcast_in_dim3A_1077 : f32 to vector<16xf32>
    %swap3A_1079 = arith.constant 1 : i32
    %swap3A_1080 = arith.constant 51 : i32
    %swap3A_1081 = arith.index_cast %swap3A_1079 : i32 to index
    %swap3A_1082 = arith.index_cast %swap3A_1080 : i32 to index
    %swap3A_1083 = arith.constant 0 : index
    %swap3A_1084 = tpu.vector_load %arg12[%swap3A_1081, %swap3A_1082, %swap3A_1083] {strides = array<i32>} : memref<2x80x16xf32, #tpu.memory_space<vmem>>, vector<16xf32>,
    tpu.vector_store %arg12[%swap3A_1081, %swap3A_1082, %swap3A_1083], %broadcast_in_dim3A_1078 {strides = array<i32>} : memref<2x80x16xf32, #tpu.memory_space<vmem>>, vector<16xf32>,
    %broadcast_in_dim3A_1085 = arith.constant 0.000000e+00 : f32
    %broadcast_in_dim3A_1086 = vector.broadcast %broadcast_in_dim3A_1085 : f32 to vector<16xf32>
    %swap3A_1087 = arith.constant 1 : i32
    %swap3A_1088 = arith.constant 52 : i32
    %swap3A_1089 = arith.index_cast %swap3A_1087 : i32 to index
    %swap3A_1090 = arith.index_cast %swap3A_1088 : i32 to index
    %swap3A_1091 = arith.constant 0 : index
    %swap3A_1092 = tpu.vector_load %arg12[%swap3A_1089, %swap3A_1090, %swap3A_1091] {strides = array<i32>} : memref<2x80x16xf32, #tpu.memory_space<vmem>>, vector<16xf32>,
    tpu.vector_store %arg12[%swap3A_1089, %swap3A_1090, %swap3A_1091], %broadcast_in_dim3A_1086 {strides = array<i32>} : memref<2x80x16xf32, #tpu.memory_space<vmem>>, vector<16xf32>,
    %broadcast_in_dim3A_1093 = arith.constant 0.000000e+00 : f32
    %broadcast_in_dim3A_1094 = vector.broadcast %broadcast_in_dim3A_1093 : f32 to vector<16xf32>
    %swap3A_1095 = arith.constant 1 : i32
    %swap3A_1096 = arith.constant 53 : i32
    %swap3A_1097 = arith.index_cast %swap3A_1095 : i32 to index
    %swap3A_1098 = arith.index_cast %swap3A_1096 : i32 to index
    %swap3A_1099 = arith.constant 0 : index
    %swap3A_1100 = tpu.vector_load %arg12[%swap3A_1097, %swap3A_1098, %swap3A_1099] {strides = array<i32>} : memref<2x80x16xf32, #tpu.memory_space<vmem>>, vector<16xf32>,
    tpu.vector_store %arg12[%swap3A_1097, %swap3A_1098, %swap3A_1099], %broadcast_in_dim3A_1094 {strides = array<i32>} : memref<2x80x16xf32, #tpu.memory_space<vmem>>, vector<16xf32>,
    %broadcast_in_dim3A_1101 = arith.constant 0.000000e+00 : f32
    %broadcast_in_dim3A_1102 = vector.broadcast %broadcast_in_dim3A_1101 : f32 to vector<16xf32>
    %swap3A_1103 = arith.constant 1 : i32
    %swap3A_1104 = arith.constant 54 : i32
    %swap3A_1105 = arith.index_cast %swap3A_1103 : i32 to index
    %swap3A_1106 = arith.index_cast %swap3A_1104 : i32 to index
    %swap3A_1107 = arith.constant 0 : index
    %swap3A_1108 = tpu.vector_load %arg12[%swap3A_1105, %swap3A_1106, %swap3A_1107] {strides = array<i32>} : memref<2x80x16xf32, #tpu.memory_space<vmem>>, vector<16xf32>,
    tpu.vector_store %arg12[%swap3A_1105, %swap3A_1106, %swap3A_1107], %broadcast_in_dim3A_1102 {strides = array<i32>} : memref<2x80x16xf32, #tpu.memory_space<vmem>>, vector<16xf32>,
    %broadcast_in_dim3A_1109 = arith.constant 0.000000e+00 : f32
    %broadcast_in_dim3A_1110 = vector.broadcast %broadcast_in_dim3A_1109 : f32 to vector<16xf32>
    %swap3A_1111 = arith.constant 1 : i32
    %swap3A_1112 = arith.constant 55 : i32
    %swap3A_1113 = arith.index_cast %swap3A_1111 : i32 to index
    %swap3A_1114 = arith.index_cast %swap3A_1112 : i32 to index
    %swap3A_1115 = arith.constant 0 : index
    %swap3A_1116 = tpu.vector_load %arg12[%swap3A_1113, %swap3A_1114, %swap3A_1115] {strides = array<i32>} : memref<2x80x16xf32, #tpu.memory_space<vmem>>, vector<16xf32>,
    tpu.vector_store %arg12[%swap3A_1113, %swap3A_1114, %swap3A_1115], %broadcast_in_dim3A_1110 {strides = array<i32>} : memref<2x80x16xf32, #tpu.memory_space<vmem>>, vector<16xf32>,
    %broadcast_in_dim3A_1117 = arith.constant 0.000000e+00 : f32
    %broadcast_in_dim3A_1118 = vector.broadcast %broadcast_in_dim3A_1117 : f32 to vector<16xf32>
    %swap3A_1119 = arith.constant 1 : i32
    %swap3A_1120 = arith.constant 56 : i32
    %swap3A_1121 = arith.index_cast %swap3A_1119 : i32 to index
    %swap3A_1122 = arith.index_cast %swap3A_1120 : i32 to index
    %swap3A_1123 = arith.constant 0 : index
    %swap3A_1124 = tpu.vector_load %arg12[%swap3A_1121, %swap3A_1122, %swap3A_1123] {strides = array<i32>} : memref<2x80x16xf32, #tpu.memory_space<vmem>>, vector<16xf32>,
    tpu.vector_store %arg12[%swap3A_1121, %swap3A_1122, %swap3A_1123], %broadcast_in_dim3A_1118 {strides = array<i32>} : memref<2x80x16xf32, #tpu.memory_space<vmem>>, vector<16xf32>,
    %broadcast_in_dim3A_1125 = arith.constant 0.000000e+00 : f32
    %broadcast_in_dim3A_1126 = vector.broadcast %broadcast_in_dim3A_1125 : f32 to vector<16xf32>
    %swap3A_1127 = arith.constant 1 : i32
    %swap3A_1128 = arith.constant 57 : i32
    %swap3A_1129 = arith.index_cast %swap3A_1127 : i32 to index
    %swap3A_1130 = arith.index_cast %swap3A_1128 : i32 to index
    %swap3A_1131 = arith.constant 0 : index
    %swap3A_1132 = tpu.vector_load %arg12[%swap3A_1129, %swap3A_1130, %swap3A_1131] {strides = array<i32>} : memref<2x80x16xf32, #tpu.memory_space<vmem>>, vector<16xf32>,
    tpu.vector_store %arg12[%swap3A_1129, %swap3A_1130, %swap3A_1131], %broadcast_in_dim3A_1126 {strides = array<i32>} : memref<2x80x16xf32, #tpu.memory_space<vmem>>, vector<16xf32>,
    %broadcast_in_dim3A_1133 = arith.constant 0.000000e+00 : f32
    %broadcast_in_dim3A_1134 = vector.broadcast %broadcast_in_dim3A_1133 : f32 to vector<16xf32>
    %swap3A_1135 = arith.constant 1 : i32
    %swap3A_1136 = arith.constant 58 : i32
    %swap3A_1137 = arith.index_cast %swap3A_1135 : i32 to index
    %swap3A_1138 = arith.index_cast %swap3A_1136 : i32 to index
    %swap3A_1139 = arith.constant 0 : index
    %swap3A_1140 = tpu.vector_load %arg12[%swap3A_1137, %swap3A_1138, %swap3A_1139] {strides = array<i32>} : memref<2x80x16xf32, #tpu.memory_space<vmem>>, vector<16xf32>,
    tpu.vector_store %arg12[%swap3A_1137, %swap3A_1138, %swap3A_1139], %broadcast_in_dim3A_1134 {strides = array<i32>} : memref<2x80x16xf32, #tpu.memory_space<vmem>>, vector<16xf32>,
    %broadcast_in_dim3A_1141 = arith.constant 0.000000e+00 : f32
    %broadcast_in_dim3A_1142 = vector.broadcast %broadcast_in_dim3A_1141 : f32 to vector<16xf32>
    %swap3A_1143 = arith.constant 1 : i32
    %swap3A_1144 = arith.constant 59 : i32
    %swap3A_1145 = arith.index_cast %swap3A_1143 : i32 to index
    %swap3A_1146 = arith.index_cast %swap3A_1144 : i32 to index
    %swap3A_1147 = arith.constant 0 : index
    %swap3A_1148 = tpu.vector_load %arg12[%swap3A_1145, %swap3A_1146, %swap3A_1147] {strides = array<i32>} : memref<2x80x16xf32, #tpu.memory_space<vmem>>, vector<16xf32>,
    tpu.vector_store %arg12[%swap3A_1145, %swap3A_1146, %swap3A_1147], %broadcast_in_dim3A_1142 {strides = array<i32>} : memref<2x80x16xf32, #tpu.memory_space<vmem>>, vector<16xf32>,
    %broadcast_in_dim3A_1149 = arith.constant 0.000000e+00 : f32
    %broadcast_in_dim3A_1150 = vector.broadcast %broadcast_in_dim3A_1149 : f32 to vector<16xf32>
    %swap3A_1151 = arith.constant 1 : i32
    %swap3A_1152 = arith.constant 60 : i32
    %swap3A_1153 = arith.index_cast %swap3A_1151 : i32 to index
    %swap3A_1154 = arith.index_cast %swap3A_1152 : i32 to index
    %swap3A_1155 = arith.constant 0 : index
    %swap3A_1156 = tpu.vector_load %arg12[%swap3A_1153, %swap3A_1154, %swap3A_1155] {strides = array<i32>} : memref<2x80x16xf32, #tpu.memory_space<vmem>>, vector<16xf32>,
    tpu.vector_store %arg12[%swap3A_1153, %swap3A_1154, %swap3A_1155], %broadcast_in_dim3A_1150 {strides = array<i32>} : memref<2x80x16xf32, #tpu.memory_space<vmem>>, vector<16xf32>,
    %broadcast_in_dim3A_1157 = arith.constant 0.000000e+00 : f32
    %broadcast_in_dim3A_1158 = vector.broadcast %broadcast_in_dim3A_1157 : f32 to vector<16xf32>
    %swap3A_1159 = arith.constant 1 : i32
    %swap3A_1160 = arith.constant 61 : i32
    %swap3A_1161 = arith.index_cast %swap3A_1159 : i32 to index
    %swap3A_1162 = arith.index_cast %swap3A_1160 : i32 to index
    %swap3A_1163 = arith.constant 0 : index
    %swap3A_1164 = tpu.vector_load %arg12[%swap3A_1161, %swap3A_1162, %swap3A_1163] {strides = array<i32>} : memref<2x80x16xf32, #tpu.memory_space<vmem>>, vector<16xf32>,
    tpu.vector_store %arg12[%swap3A_1161, %swap3A_1162, %swap3A_1163], %broadcast_in_dim3A_1158 {strides = array<i32>} : memref<2x80x16xf32, #tpu.memory_space<vmem>>, vector<16xf32>,
    %broadcast_in_dim3A_1165 = arith.constant 0.000000e+00 : f32
    %broadcast_in_dim3A_1166 = vector.broadcast %broadcast_in_dim3A_1165 : f32 to vector<16xf32>
    %swap3A_1167 = arith.constant 1 : i32
    %swap3A_1168 = arith.constant 62 : i32
    %swap3A_1169 = arith.index_cast %swap3A_1167 : i32 to index
    %swap3A_1170 = arith.index_cast %swap3A_1168 : i32 to index
    %swap3A_1171 = arith.constant 0 : index
    %swap3A_1172 = tpu.vector_load %arg12[%swap3A_1169, %swap3A_1170, %swap3A_1171] {strides = array<i32>} : memref<2x80x16xf32, #tpu.memory_space<vmem>>, vector<16xf32>,
    tpu.vector_store %arg12[%swap3A_1169, %swap3A_1170, %swap3A_1171], %broadcast_in_dim3A_1166 {strides = array<i32>} : memref<2x80x16xf32, #tpu.memory_space<vmem>>, vector<16xf32>,
    %broadcast_in_dim3A_1173 = arith.constant 0.000000e+00 : f32
    %broadcast_in_dim3A_1174 = vector.broadcast %broadcast_in_dim3A_1173 : f32 to vector<16xf32>
    %swap3A_1175 = arith.constant 1 : i32
    %swap3A_1176 = arith.constant 63 : i32
    %swap3A_1177 = arith.index_cast %swap3A_1175 : i32 to index
    %swap3A_1178 = arith.index_cast %swap3A_1176 : i32 to index
    %swap3A_1179 = arith.constant 0 : index
    %swap3A_1180 = tpu.vector_load %arg12[%swap3A_1177, %swap3A_1178, %swap3A_1179] {strides = array<i32>} : memref<2x80x16xf32, #tpu.memory_space<vmem>>, vector<16xf32>,
    tpu.vector_store %arg12[%swap3A_1177, %swap3A_1178, %swap3A_1179], %broadcast_in_dim3A_1174 {strides = array<i32>} : memref<2x80x16xf32, #tpu.memory_space<vmem>>, vector<16xf32>,
    %broadcast_in_dim3A_1181 = arith.constant 0.000000e+00 : f32
    %broadcast_in_dim3A_1182 = vector.broadcast %broadcast_in_dim3A_1181 : f32 to vector<16xf32>
    %swap3A_1183 = arith.constant 1 : i32
    %swap3A_1184 = arith.constant 64 : i32
    %swap3A_1185 = arith.index_cast %swap3A_1183 : i32 to index
    %swap3A_1186 = arith.index_cast %swap3A_1184 : i32 to index
    %swap3A_1187 = arith.constant 0 : index
    %swap3A_1188 = tpu.vector_load %arg12[%swap3A_1185, %swap3A_1186, %swap3A_1187] {strides = array<i32>} : memref<2x80x16xf32, #tpu.memory_space<vmem>>, vector<16xf32>,
    tpu.vector_store %arg12[%swap3A_1185, %swap3A_1186, %swap3A_1187], %broadcast_in_dim3A_1182 {strides = array<i32>} : memref<2x80x16xf32, #tpu.memory_space<vmem>>, vector<16xf32>,
    %broadcast_in_dim3A_1189 = arith.constant 0.000000e+00 : f32
    %broadcast_in_dim3A_1190 = vector.broadcast %broadcast_in_dim3A_1189 : f32 to vector<16xf32>
    %swap3A_1191 = arith.constant 1 : i32
    %swap3A_1192 = arith.constant 65 : i32
    %swap3A_1193 = arith.index_cast %swap3A_1191 : i32 to index
    %swap3A_1194 = arith.index_cast %swap3A_1192 : i32 to index
    %swap3A_1195 = arith.constant 0 : index
    %swap3A_1196 = tpu.vector_load %arg12[%swap3A_1193, %swap3A_1194, %swap3A_1195] {strides = array<i32>} : memref<2x80x16xf32, #tpu.memory_space<vmem>>, vector<16xf32>,
    tpu.vector_store %arg12[%swap3A_1193, %swap3A_1194, %swap3A_1195], %broadcast_in_dim3A_1190 {strides = array<i32>} : memref<2x80x16xf32, #tpu.memory_space<vmem>>, vector<16xf32>,
    %broadcast_in_dim3A_1197 = arith.constant 0.000000e+00 : f32
    %broadcast_in_dim3A_1198 = vector.broadcast %broadcast_in_dim3A_1197 : f32 to vector<16xf32>
    %swap3A_1199 = arith.constant 1 : i32
    %swap3A_1200 = arith.constant 66 : i32
    %swap3A_1201 = arith.index_cast %swap3A_1199 : i32 to index
    %swap3A_1202 = arith.index_cast %swap3A_1200 : i32 to index
    %swap3A_1203 = arith.constant 0 : index
    %swap3A_1204 = tpu.vector_load %arg12[%swap3A_1201, %swap3A_1202, %swap3A_1203] {strides = array<i32>} : memref<2x80x16xf32, #tpu.memory_space<vmem>>, vector<16xf32>,
    tpu.vector_store %arg12[%swap3A_1201, %swap3A_1202, %swap3A_1203], %broadcast_in_dim3A_1198 {strides = array<i32>} : memref<2x80x16xf32, #tpu.memory_space<vmem>>, vector<16xf32>,
    %broadcast_in_dim3A_1205 = arith.constant 0.000000e+00 : f32
    %broadcast_in_dim3A_1206 = vector.broadcast %broadcast_in_dim3A_1205 : f32 to vector<16xf32>
    %swap3A_1207 = arith.constant 1 : i32
    %swap3A_1208 = arith.constant 67 : i32
    %swap3A_1209 = arith.index_cast %swap3A_1207 : i32 to index
    %swap3A_1210 = arith.index_cast %swap3A_1208 : i32 to index
    %swap3A_1211 = arith.constant 0 : index
    %swap3A_1212 = tpu.vector_load %arg12[%swap3A_1209, %swap3A_1210, %swap3A_1211] {strides = array<i32>} : memref<2x80x16xf32, #tpu.memory_space<vmem>>, vector<16xf32>,
    tpu.vector_store %arg12[%swap3A_1209, %swap3A_1210, %swap3A_1211], %broadcast_in_dim3A_1206 {strides = array<i32>} : memref<2x80x16xf32, #tpu.memory_space<vmem>>, vector<16xf32>,
    %broadcast_in_dim3A_1213 = arith.constant 0.000000e+00 : f32
    %broadcast_in_dim3A_1214 = vector.broadcast %broadcast_in_dim3A_1213 : f32 to vector<16xf32>
    %swap3A_1215 = arith.constant 1 : i32
    %swap3A_1216 = arith.constant 68 : i32
    %swap3A_1217 = arith.index_cast %swap3A_1215 : i32 to index
    %swap3A_1218 = arith.index_cast %swap3A_1216 : i32 to index
    %swap3A_1219 = arith.constant 0 : index
    %swap3A_1220 = tpu.vector_load %arg12[%swap3A_1217, %swap3A_1218, %swap3A_1219] {strides = array<i32>} : memref<2x80x16xf32, #tpu.memory_space<vmem>>, vector<16xf32>,
    tpu.vector_store %arg12[%swap3A_1217, %swap3A_1218, %swap3A_1219], %broadcast_in_dim3A_1214 {strides = array<i32>} : memref<2x80x16xf32, #tpu.memory_space<vmem>>, vector<16xf32>,
    %broadcast_in_dim3A_1221 = arith.constant 0.000000e+00 : f32
    %broadcast_in_dim3A_1222 = vector.broadcast %broadcast_in_dim3A_1221 : f32 to vector<16xf32>
    %swap3A_1223 = arith.constant 1 : i32
    %swap3A_1224 = arith.constant 69 : i32
    %swap3A_1225 = arith.index_cast %swap3A_1223 : i32 to index
    %swap3A_1226 = arith.index_cast %swap3A_1224 : i32 to index
    %swap3A_1227 = arith.constant 0 : index
    %swap3A_1228 = tpu.vector_load %arg12[%swap3A_1225, %swap3A_1226, %swap3A_1227] {strides = array<i32>} : memref<2x80x16xf32, #tpu.memory_space<vmem>>, vector<16xf32>,
    tpu.vector_store %arg12[%swap3A_1225, %swap3A_1226, %swap3A_1227], %broadcast_in_dim3A_1222 {strides = array<i32>} : memref<2x80x16xf32, #tpu.memory_space<vmem>>, vector<16xf32>,
    %broadcast_in_dim3A_1229 = arith.constant 0.000000e+00 : f32
    %broadcast_in_dim3A_1230 = vector.broadcast %broadcast_in_dim3A_1229 : f32 to vector<16xf32>
    %swap3A_1231 = arith.constant 1 : i32
    %swap3A_1232 = arith.constant 70 : i32
    %swap3A_1233 = arith.index_cast %swap3A_1231 : i32 to index
    %swap3A_1234 = arith.index_cast %swap3A_1232 : i32 to index
    %swap3A_1235 = arith.constant 0 : index
    %swap3A_1236 = tpu.vector_load %arg12[%swap3A_1233, %swap3A_1234, %swap3A_1235] {strides = array<i32>} : memref<2x80x16xf32, #tpu.memory_space<vmem>>, vector<16xf32>,
    tpu.vector_store %arg12[%swap3A_1233, %swap3A_1234, %swap3A_1235], %broadcast_in_dim3A_1230 {strides = array<i32>} : memref<2x80x16xf32, #tpu.memory_space<vmem>>, vector<16xf32>,
    %broadcast_in_dim3A_1237 = arith.constant 0.000000e+00 : f32
    %broadcast_in_dim3A_1238 = vector.broadcast %broadcast_in_dim3A_1237 : f32 to vector<16xf32>
    %swap3A_1239 = arith.constant 1 : i32
    %swap3A_1240 = arith.constant 71 : i32
    %swap3A_1241 = arith.index_cast %swap3A_1239 : i32 to index
    %swap3A_1242 = arith.index_cast %swap3A_1240 : i32 to index
    %swap3A_1243 = arith.constant 0 : index
    %swap3A_1244 = tpu.vector_load %arg12[%swap3A_1241, %swap3A_1242, %swap3A_1243] {strides = array<i32>} : memref<2x80x16xf32, #tpu.memory_space<vmem>>, vector<16xf32>,
    tpu.vector_store %arg12[%swap3A_1241, %swap3A_1242, %swap3A_1243], %broadcast_in_dim3A_1238 {strides = array<i32>} : memref<2x80x16xf32, #tpu.memory_space<vmem>>, vector<16xf32>,
    %broadcast_in_dim3A_1245 = arith.constant 0.000000e+00 : f32
    %broadcast_in_dim3A_1246 = vector.broadcast %broadcast_in_dim3A_1245 : f32 to vector<16xf32>
    %swap3A_1247 = arith.constant 1 : i32
    %swap3A_1248 = arith.constant 72 : i32
    %swap3A_1249 = arith.index_cast %swap3A_1247 : i32 to index
    %swap3A_1250 = arith.index_cast %swap3A_1248 : i32 to index
    %swap3A_1251 = arith.constant 0 : index
    %swap3A_1252 = tpu.vector_load %arg12[%swap3A_1249, %swap3A_1250, %swap3A_1251] {strides = array<i32>} : memref<2x80x16xf32, #tpu.memory_space<vmem>>, vector<16xf32>,
    tpu.vector_store %arg12[%swap3A_1249, %swap3A_1250, %swap3A_1251], %broadcast_in_dim3A_1246 {strides = array<i32>} : memref<2x80x16xf32, #tpu.memory_space<vmem>>, vector<16xf32>,
    %broadcast_in_dim3A_1253 = arith.constant 0.000000e+00 : f32
    %broadcast_in_dim3A_1254 = vector.broadcast %broadcast_in_dim3A_1253 : f32 to vector<16xf32>
    %swap3A_1255 = arith.constant 1 : i32
    %swap3A_1256 = arith.constant 73 : i32
    %swap3A_1257 = arith.index_cast %swap3A_1255 : i32 to index
    %swap3A_1258 = arith.index_cast %swap3A_1256 : i32 to index
    %swap3A_1259 = arith.constant 0 : index
    %swap3A_1260 = tpu.vector_load %arg12[%swap3A_1257, %swap3A_1258, %swap3A_1259] {strides = array<i32>} : memref<2x80x16xf32, #tpu.memory_space<vmem>>, vector<16xf32>,
    tpu.vector_store %arg12[%swap3A_1257, %swap3A_1258, %swap3A_1259], %broadcast_in_dim3A_1254 {strides = array<i32>} : memref<2x80x16xf32, #tpu.memory_space<vmem>>, vector<16xf32>,
    %broadcast_in_dim3A_1261 = arith.constant 0.000000e+00 : f32
    %broadcast_in_dim3A_1262 = vector.broadcast %broadcast_in_dim3A_1261 : f32 to vector<16xf32>
    %swap3A_1263 = arith.constant 1 : i32
    %swap3A_1264 = arith.constant 74 : i32
    %swap3A_1265 = arith.index_cast %swap3A_1263 : i32 to index
    %swap3A_1266 = arith.index_cast %swap3A_1264 : i32 to index
    %swap3A_1267 = arith.constant 0 : index
    %swap3A_1268 = tpu.vector_load %arg12[%swap3A_1265, %swap3A_1266, %swap3A_1267] {strides = array<i32>} : memref<2x80x16xf32, #tpu.memory_space<vmem>>, vector<16xf32>,
    tpu.vector_store %arg12[%swap3A_1265, %swap3A_1266, %swap3A_1267], %broadcast_in_dim3A_1262 {strides = array<i32>} : memref<2x80x16xf32, #tpu.memory_space<vmem>>, vector<16xf32>,
    %broadcast_in_dim3A_1269 = arith.constant 0.000000e+00 : f32
    %broadcast_in_dim3A_1270 = vector.broadcast %broadcast_in_dim3A_1269 : f32 to vector<16xf32>
    %swap3A_1271 = arith.constant 1 : i32
    %swap3A_1272 = arith.constant 75 : i32
    %swap3A_1273 = arith.index_cast %swap3A_1271 : i32 to index
    %swap3A_1274 = arith.index_cast %swap3A_1272 : i32 to index
    %swap3A_1275 = arith.constant 0 : index
    %swap3A_1276 = tpu.vector_load %arg12[%swap3A_1273, %swap3A_1274, %swap3A_1275] {strides = array<i32>} : memref<2x80x16xf32, #tpu.memory_space<vmem>>, vector<16xf32>,
    tpu.vector_store %arg12[%swap3A_1273, %swap3A_1274, %swap3A_1275], %broadcast_in_dim3A_1270 {strides = array<i32>} : memref<2x80x16xf32, #tpu.memory_space<vmem>>, vector<16xf32>,
    %broadcast_in_dim3A_1277 = arith.constant 0.000000e+00 : f32
    %broadcast_in_dim3A_1278 = vector.broadcast %broadcast_in_dim3A_1277 : f32 to vector<16xf32>
    %swap3A_1279 = arith.constant 1 : i32
    %swap3A_1280 = arith.constant 76 : i32
    %swap3A_1281 = arith.index_cast %swap3A_1279 : i32 to index
    %swap3A_1282 = arith.index_cast %swap3A_1280 : i32 to index
    %swap3A_1283 = arith.constant 0 : index
    %swap3A_1284 = tpu.vector_load %arg12[%swap3A_1281, %swap3A_1282, %swap3A_1283] {strides = array<i32>} : memref<2x80x16xf32, #tpu.memory_space<vmem>>, vector<16xf32>,
    tpu.vector_store %arg12[%swap3A_1281, %swap3A_1282, %swap3A_1283], %broadcast_in_dim3A_1278 {strides = array<i32>} : memref<2x80x16xf32, #tpu.memory_space<vmem>>, vector<16xf32>,
    %broadcast_in_dim3A_1285 = arith.constant 0.000000e+00 : f32
    %broadcast_in_dim3A_1286 = vector.broadcast %broadcast_in_dim3A_1285 : f32 to vector<16xf32>
    %swap3A_1287 = arith.constant 1 : i32
    %swap3A_1288 = arith.constant 77 : i32
    %swap3A_1289 = arith.index_cast %swap3A_1287 : i32 to index
    %swap3A_1290 = arith.index_cast %swap3A_1288 : i32 to index
    %swap3A_1291 = arith.constant 0 : index
    %swap3A_1292 = tpu.vector_load %arg12[%swap3A_1289, %swap3A_1290, %swap3A_1291] {strides = array<i32>} : memref<2x80x16xf32, #tpu.memory_space<vmem>>, vector<16xf32>,
    tpu.vector_store %arg12[%swap3A_1289, %swap3A_1290, %swap3A_1291], %broadcast_in_dim3A_1286 {strides = array<i32>} : memref<2x80x16xf32, #tpu.memory_space<vmem>>, vector<16xf32>,
    %broadcast_in_dim3A_1293 = arith.constant 0.000000e+00 : f32
    %broadcast_in_dim3A_1294 = vector.broadcast %broadcast_in_dim3A_1293 : f32 to vector<16xf32>
    %swap3A_1295 = arith.constant 1 : i32
    %swap3A_1296 = arith.constant 78 : i32
    %swap3A_1297 = arith.index_cast %swap3A_1295 : i32 to index
    %swap3A_1298 = arith.index_cast %swap3A_1296 : i32 to index
    %swap3A_1299 = arith.constant 0 : index
    %swap3A_1300 = tpu.vector_load %arg12[%swap3A_1297, %swap3A_1298, %swap3A_1299] {strides = array<i32>} : memref<2x80x16xf32, #tpu.memory_space<vmem>>, vector<16xf32>,
    tpu.vector_store %arg12[%swap3A_1297, %swap3A_1298, %swap3A_1299], %broadcast_in_dim3A_1294 {strides = array<i32>} : memref<2x80x16xf32, #tpu.memory_space<vmem>>, vector<16xf32>,
    %broadcast_in_dim3A_1301 = arith.constant 0.000000e+00 : f32
    %broadcast_in_dim3A_1302 = vector.broadcast %broadcast_in_dim3A_1301 : f32 to vector<16xf32>
    %swap3A_1303 = arith.constant 1 : i32
    %swap3A_1304 = arith.constant 79 : i32
    %swap3A_1305 = arith.index_cast %swap3A_1303 : i32 to index
    %swap3A_1306 = arith.index_cast %swap3A_1304 : i32 to index
    %swap3A_1307 = arith.constant 0 : index
    %swap3A_1308 = tpu.vector_load %arg12[%swap3A_1305, %swap3A_1306, %swap3A_1307] {strides = array<i32>} : memref<2x80x16xf32, #tpu.memory_space<vmem>>, vector<16xf32>,
    tpu.vector_store %arg12[%swap3A_1305, %swap3A_1306, %swap3A_1307], %broadcast_in_dim3A_1302 {strides = array<i32>} : memref<2x80x16xf32, #tpu.memory_space<vmem>>, vector<16xf32>,
    %broadcast_in_dim3A_1309 = arith.constant 0 : i32
    %broadcast_in_dim3A_1310 = vector.broadcast %broadcast_in_dim3A_1309 : i32 to vector<16xi32>
    %swap3A_1311 = arith.constant 1 : i32
    %swap3A_1312 = arith.index_cast %swap3A_1311 : i32 to index
    %swap3A_1313 = arith.constant 0 : index
    %swap3A_1314 = tpu.vector_load %arg11[%swap3A_1312, %swap3A_1313] {strides = array<i32>} : memref<2x80xi32, #tpu.memory_space<vmem>>, vector<16xi32>,
    tpu.vector_store %arg11[%swap3A_1312, %swap3A_1313], %broadcast_in_dim3A_1310 {strides = array<i32>} : memref<2x80xi32, #tpu.memory_space<vmem>>, vector<16xi32>,
    %broadcast_in_dim3A_1315 = arith.constant 0 : i32
    %broadcast_in_dim3A_1316 = vector.broadcast %broadcast_in_dim3A_1315 : i32 to vector<16xi32>
    %swap3A_1317 = arith.constant 1 : i32
    %swap3A_1318 = arith.index_cast %swap3A_1317 : i32 to index
    %swap3A_1319 = arith.constant 16 : index
    %swap3A_1320 = tpu.vector_load %arg11[%swap3A_1318, %swap3A_1319] {strides = array<i32>} : memref<2x80xi32, #tpu.memory_space<vmem>>, vector<16xi32>,
    tpu.vector_store %arg11[%swap3A_1318, %swap3A_1319], %broadcast_in_dim3A_1316 {strides = array<i32>} : memref<2x80xi32, #tpu.memory_space<vmem>>, vector<16xi32>,
    %broadcast_in_dim3A_1321 = arith.constant 0 : i32
    %broadcast_in_dim3A_1322 = vector.broadcast %broadcast_in_dim3A_1321 : i32 to vector<16xi32>
    %swap3A_1323 = arith.constant 1 : i32
    %swap3A_1324 = arith.index_cast %swap3A_1323 : i32 to index
    %swap3A_1325 = arith.constant 32 : index
    %swap3A_1326 = tpu.vector_load %arg11[%swap3A_1324, %swap3A_1325] {strides = array<i32>} : memref<2x80xi32, #tpu.memory_space<vmem>>, vector<16xi32>,
    tpu.vector_store %arg11[%swap3A_1324, %swap3A_1325], %broadcast_in_dim3A_1322 {strides = array<i32>} : memref<2x80xi32, #tpu.memory_space<vmem>>, vector<16xi32>,
    %broadcast_in_dim3A_1327 = arith.constant 0 : i32
    %broadcast_in_dim3A_1328 = vector.broadcast %broadcast_in_dim3A_1327 : i32 to vector<16xi32>
    %swap3A_1329 = arith.constant 1 : i32
    %swap3A_1330 = arith.index_cast %swap3A_1329 : i32 to index
    %swap3A_1331 = arith.constant 48 : index
    %swap3A_1332 = tpu.vector_load %arg11[%swap3A_1330, %swap3A_1331] {strides = array<i32>} : memref<2x80xi32, #tpu.memory_space<vmem>>, vector<16xi32>,
    tpu.vector_store %arg11[%swap3A_1330, %swap3A_1331], %broadcast_in_dim3A_1328 {strides = array<i32>} : memref<2x80xi32, #tpu.memory_space<vmem>>, vector<16xi32>,
    %broadcast_in_dim3A_1333 = arith.constant 0 : i32
    %broadcast_in_dim3A_1334 = vector.broadcast %broadcast_in_dim3A_1333 : i32 to vector<16xi32>
    %swap3A_1335 = arith.constant 1 : i32
    %swap3A_1336 = arith.index_cast %swap3A_1335 : i32 to index
    %swap3A_1337 = arith.constant 64 : index
    %swap3A_1338 = tpu.vector_load %arg11[%swap3A_1336, %swap3A_1337] {strides = array<i32>} : memref<2x80xi32, #tpu.memory_space<vmem>>, vector<16xi32>,
    tpu.vector_store %arg11[%swap3A_1336, %swap3A_1337], %broadcast_in_dim3A_1334 {strides = array<i32>} : memref<2x80xi32, #tpu.memory_space<vmem>>, vector<16xi32>,
    %mul3A_1339 = arith.constant 6256 : i32
    %mul3A_1340 = arith.muli %arg1, %mul3A_1339 : i32
    %multiple_of3A = tpu.assume_multiple %mul3A_1340, 16 : i32
    %scan3A = arith.constant 0 : i32
    %scan3A_1341 = arith.constant 0 : i32
    %scan3A_1342 = arith.constant 0 : i32
    %scan3A_1343 = arith.constant 77 : i32
    %scan3A_1344 = arith.addi %scan3A_1342, %scan3A_1343 : i32
    %scan3A_1345 = arith.constant 1 : i32
    scf.for %scan3A_1478 = %scan3A_1342 to %scan3A_1344 step %scan3A_1345  : i32 {
      %mul3A_1479 = arith.constant 80 : i32
      %mul3A_1480 = arith.muli %scan3A_1478, %mul3A_1479 : i32
      %add3A_1481 = arith.addi %multiple_of3A, %mul3A_1480 : i32
      "tpu.region"() ({
        %run_scoped3A = tpu.sem_alloc : memref<!tpu.dma_semaphore, #tpu.memory_space<semaphore_mem>>
        %dma_start3A_1482 = arith.constant 0 : i32
        %dma_start3A_1483 = arith.constant 0 : i32
        %dma_start3A_1484 = tpu.memref_slice %arg12[%scan3A_1341, %dma_start3A_1482, %dma_start3A_1483] : memref<2x80x16xf32, #tpu.memory_space<vmem>> -> memref<1x80x16xf32, #tpu.memory_space<vmem>>
        %dma_start3A_1485 = tpu.memref_squeeze %dma_start3A_1484 : memref<1x80x16xf32, #tpu.memory_space<vmem>> -> memref<80x16xf32, #tpu.memory_space<vmem>>
        %dma_start3A_1486 = arith.constant 0 : i32
        %dma_start3A_1487 = tpu.memref_slice %arg13[%add3A_1481, %dma_start3A_1486] : memref<100000x16xf32, #tpu.memory_space<vmem_shared>> -> memref<80x16xf32, #tpu.memory_space<vmem_shared>>
        %dma_start3A_1488 = arith.constant 0 : i32
        %dma_start3A_1489 = tpu.memref_slice %arg13[%add3A_1481, %dma_start3A_1488] : memref<100000x16xf32, #tpu.memory_space<vmem_shared>> -> memref<80x16xf32, #tpu.memory_space<vmem_shared>>
        %dma_start3A_1490 = arith.constant 0 : i32
        %dma_start3A_1491 = arith.constant 0 : i32
        %dma_start3A_1492 = tpu.memref_slice %arg12[%scan3A_1341, %dma_start3A_1490, %dma_start3A_1491] : memref<2x80x16xf32, #tpu.memory_space<vmem>> -> memref<1x80x16xf32, #tpu.memory_space<vmem>>
        %dma_start3A_1493 = tpu.memref_squeeze %dma_start3A_1492 : memref<1x80x16xf32, #tpu.memory_space<vmem>> -> memref<80x16xf32, #tpu.memory_space<vmem>>
        tpu.enqueue_dma source(%dma_start3A_1493 : memref<80x16xf32, #tpu.memory_space<vmem>>) target(%dma_start3A_1489 : memref<80x16xf32, #tpu.memory_space<vmem_shared>>) target_semaphore(%run_scoped3A : memref<!tpu.dma_semaphore, #tpu.memory_space<semaphore_mem>>)
        %dma_wait3A_1494 = arith.constant 0 : i32
        %dma_wait3A_1495 = arith.constant 0 : i32
        %dma_wait3A_1496 = tpu.memref_slice %arg12[%scan3A_1341, %dma_wait3A_1494, %dma_wait3A_1495] : memref<2x80x16xf32, #tpu.memory_space<vmem>> -> memref<1x80x16xf32, #tpu.memory_space<vmem>>
        %dma_wait3A_1497 = tpu.memref_squeeze %dma_wait3A_1496 : memref<1x80x16xf32, #tpu.memory_space<vmem>> -> memref<80x16xf32, #tpu.memory_space<vmem>>
        %dma_wait3A_1498 = arith.constant 0 : i32
        %dma_wait3A_1499 = tpu.memref_slice %arg13[%add3A_1481, %dma_wait3A_1498] : memref<100000x16xf32, #tpu.memory_space<vmem_shared>> -> memref<80x16xf32, #tpu.memory_space<vmem_shared>>
        %dma_wait3A_1500 = arith.constant 0 : i32
        %dma_wait3A_1501 = tpu.memref_slice %arg13[%add3A_1481, %dma_wait3A_1500] : memref<100000x16xf32, #tpu.memory_space<vmem_shared>> -> memref<80x16xf32, #tpu.memory_space<vmem_shared>>
        %dma_wait3A_1502 = arith.constant 0 : i32
        %dma_wait3A_1503 = arith.constant 0 : i32
        %dma_wait3A_1504 = tpu.memref_slice %arg12[%scan3A_1341, %dma_wait3A_1502, %dma_wait3A_1503] : memref<2x80x16xf32, #tpu.memory_space<vmem>> -> memref<1x80x16xf32, #tpu.memory_space<vmem>>
        %dma_wait3A_1505 = tpu.memref_squeeze %dma_wait3A_1504 : memref<1x80x16xf32, #tpu.memory_space<vmem>> -> memref<80x16xf32, #tpu.memory_space<vmem>>
        tpu.wait_dma2 semaphore(%run_scoped3A : memref<!tpu.dma_semaphore, #tpu.memory_space<semaphore_mem>>) src(%dma_wait3A_1505 : memref<80x16xf32, #tpu.memory_space<vmem>>) dst(%dma_wait3A_1501 : memref<80x16xf32, #tpu.memory_space<vmem_shared>>)
        tpu.yield
      }) : () -> ()
    }
    %scan3A_1346 = arith.constant 77 : i32
    %lt3A = arith.constant 15 : i32
    %lt3A_1347 = arith.cmpi slt, %arg1, %lt3A : i32
    %convert_element_type3A = arith.extui %lt3A_1347 : i1 to i32
    %cond3A = arith.constant 0 : i32
    %cond3A_1348 = arith.constant 0 : i32
    %cond3A_1349 = arith.cmpi ne, %convert_element_type3A, %cond3A_1348 : i32
    scf.if %cond3A_1349 {
      %add3A_1478 = arith.constant 6160 : i32
      %add3A_1479 = arith.addi %multiple_of3A, %add3A_1478 : i32
      "tpu.region"() ({
        %run_scoped3A = tpu.sem_alloc : memref<!tpu.dma_semaphore, #tpu.memory_space<semaphore_mem>>
        %dma_start3A_1482 = arith.constant 0 : i32
        %dma_start3A_1483 = arith.constant 0 : i32
        %dma_start3A_1484 = tpu.memref_slice %arg12[%cond3A, %dma_start3A_1482, %dma_start3A_1483] : memref<2x80x16xf32, #tpu.memory_space<vmem>> -> memref<1x80x16xf32, #tpu.memory_space<vmem>>
        %dma_start3A_1485 = tpu.memref_squeeze %dma_start3A_1484 : memref<1x80x16xf32, #tpu.memory_space<vmem>> -> memref<80x16xf32, #tpu.memory_space<vmem>>
        %dma_start3A_1486 = arith.constant 0 : i32
        %dma_start3A_1487 = tpu.memref_slice %arg13[%add3A_1479, %dma_start3A_1486] : memref<100000x16xf32, #tpu.memory_space<vmem_shared>> -> memref<80x16xf32, #tpu.memory_space<vmem_shared>>
        %dma_start3A_1488 = arith.constant 0 : i32
        %dma_start3A_1489 = tpu.memref_slice %arg13[%add3A_1479, %dma_start3A_1488] : memref<100000x16xf32, #tpu.memory_space<vmem_shared>> -> memref<80x16xf32, #tpu.memory_space<vmem_shared>>
        %dma_start3A_1490 = arith.constant 0 : i32
        %dma_start3A_1491 = arith.constant 0 : i32
        %dma_start3A_1492 = tpu.memref_slice %arg12[%cond3A, %dma_start3A_1490, %dma_start3A_1491] : memref<2x80x16xf32, #tpu.memory_space<vmem>> -> memref<1x80x16xf32, #tpu.memory_space<vmem>>
        %dma_start3A_1493 = tpu.memref_squeeze %dma_start3A_1492 : memref<1x80x16xf32, #tpu.memory_space<vmem>> -> memref<80x16xf32, #tpu.memory_space<vmem>>
        tpu.enqueue_dma source(%dma_start3A_1493 : memref<80x16xf32, #tpu.memory_space<vmem>>) target(%dma_start3A_1489 : memref<80x16xf32, #tpu.memory_space<vmem_shared>>) target_semaphore(%run_scoped3A : memref<!tpu.dma_semaphore, #tpu.memory_space<semaphore_mem>>)
        %dma_wait3A_1494 = arith.constant 0 : i32
        %dma_wait3A_1495 = arith.constant 0 : i32
        %dma_wait3A_1496 = tpu.memref_slice %arg12[%cond3A, %dma_wait3A_1494, %dma_wait3A_1495] : memref<2x80x16xf32, #tpu.memory_space<vmem>> -> memref<1x80x16xf32, #tpu.memory_space<vmem>>
        %dma_wait3A_1497 = tpu.memref_squeeze %dma_wait3A_1496 : memref<1x80x16xf32, #tpu.memory_space<vmem>> -> memref<80x16xf32, #tpu.memory_space<vmem>>
        %dma_wait3A_1498 = arith.constant 0 : i32
        %dma_wait3A_1499 = tpu.memref_slice %arg13[%add3A_1479, %dma_wait3A_1498] : memref<100000x16xf32, #tpu.memory_space<vmem_shared>> -> memref<80x16xf32, #tpu.memory_space<vmem_shared>>
        %dma_wait3A_1500 = arith.constant 0 : i32
        %dma_wait3A_1501 = tpu.memref_slice %arg13[%add3A_1479, %dma_wait3A_1500] : memref<100000x16xf32, #tpu.memory_space<vmem_shared>> -> memref<80x16xf32, #tpu.memory_space<vmem_shared>>
        %dma_wait3A_1502 = arith.constant 0 : i32
        %dma_wait3A_1503 = arith.constant 0 : i32
        %dma_wait3A_1504 = tpu.memref_slice %arg12[%cond3A, %dma_wait3A_1502, %dma_wait3A_1503] : memref<2x80x16xf32, #tpu.memory_space<vmem>> -> memref<1x80x16xf32, #tpu.memory_space<vmem>>
        %dma_wait3A_1505 = tpu.memref_squeeze %dma_wait3A_1504 : memref<1x80x16xf32, #tpu.memory_space<vmem>> -> memref<80x16xf32, #tpu.memory_space<vmem>>
        tpu.wait_dma2 semaphore(%run_scoped3A : memref<!tpu.dma_semaphore, #tpu.memory_space<semaphore_mem>>) src(%dma_wait3A_1505 : memref<80x16xf32, #tpu.memory_space<vmem>>) dst(%dma_wait3A_1501 : memref<80x16xf32, #tpu.memory_space<vmem_shared>>)
        tpu.yield
      }) : () -> ()
      %add3A_1480 = arith.constant 6240 : i32
      %add3A_1481 = arith.addi %multiple_of3A, %add3A_1480 : i32
      "tpu.region"() ({
        %run_scoped3A = tpu.sem_alloc : memref<!tpu.dma_semaphore, #tpu.memory_space<semaphore_mem>>
        %dma_start3A_1482 = arith.constant 0 : i32
        %dma_start3A_1483 = arith.constant 0 : i32
        %dma_start3A_1484 = tpu.memref_slice %arg12[%cond3A, %dma_start3A_1482, %dma_start3A_1483] : memref<2x80x16xf32, #tpu.memory_space<vmem>> -> memref<1x80x16xf32, #tpu.memory_space<vmem>>
        %dma_start3A_1485 = tpu.memref_squeeze %dma_start3A_1484 : memref<1x80x16xf32, #tpu.memory_space<vmem>> -> memref<80x16xf32, #tpu.memory_space<vmem>>
        %dma_start3A_1486 = arith.constant 0 : i32
        %dma_start3A_1487 = arith.constant 0 : i32
        %dma_start3A_1488 = tpu.memref_slice %dma_start3A_1485[%dma_start3A_1486, %dma_start3A_1487] : memref<80x16xf32, #tpu.memory_space<vmem>> -> memref<16x16xf32, #tpu.memory_space<vmem>>
        %dma_start3A_1489 = arith.constant 0 : i32
        %dma_start3A_1490 = tpu.memref_slice %arg13[%add3A_1481, %dma_start3A_1489] : memref<100000x16xf32, #tpu.memory_space<vmem_shared>> -> memref<16x16xf32, #tpu.memory_space<vmem_shared>>
        %dma_start3A_1491 = arith.constant 0 : i32
        %dma_start3A_1492 = tpu.memref_slice %arg13[%add3A_1481, %dma_start3A_1491] : memref<100000x16xf32, #tpu.memory_space<vmem_shared>> -> memref<16x16xf32, #tpu.memory_space<vmem_shared>>
        %dma_start3A_1493 = arith.constant 0 : i32
        %dma_start3A_1494 = arith.constant 0 : i32
        %dma_start3A_1495 = tpu.memref_slice %arg12[%cond3A, %dma_start3A_1493, %dma_start3A_1494] : memref<2x80x16xf32, #tpu.memory_space<vmem>> -> memref<1x80x16xf32, #tpu.memory_space<vmem>>
        %dma_start3A_1496 = tpu.memref_squeeze %dma_start3A_1495 : memref<1x80x16xf32, #tpu.memory_space<vmem>> -> memref<80x16xf32, #tpu.memory_space<vmem>>
        %dma_start3A_1497 = arith.constant 0 : i32
        %dma_start3A_1498 = arith.constant 0 : i32
        %dma_start3A_1499 = tpu.memref_slice %dma_start3A_1496[%dma_start3A_1497, %dma_start3A_1498] : memref<80x16xf32, #tpu.memory_space<vmem>> -> memref<16x16xf32, #tpu.memory_space<vmem>>
        tpu.enqueue_dma source(%dma_start3A_1499 : memref<16x16xf32, #tpu.memory_space<vmem>>) target(%dma_start3A_1492 : memref<16x16xf32, #tpu.memory_space<vmem_shared>>) target_semaphore(%run_scoped3A : memref<!tpu.dma_semaphore, #tpu.memory_space<semaphore_mem>>)
        %dma_wait3A_1500 = arith.constant 0 : i32
        %dma_wait3A_1501 = arith.constant 0 : i32
        %dma_wait3A_1502 = tpu.memref_slice %arg12[%cond3A, %dma_wait3A_1500, %dma_wait3A_1501] : memref<2x80x16xf32, #tpu.memory_space<vmem>> -> memref<1x80x16xf32, #tpu.memory_space<vmem>>
        %dma_wait3A_1503 = tpu.memref_squeeze %dma_wait3A_1502 : memref<1x80x16xf32, #tpu.memory_space<vmem>> -> memref<80x16xf32, #tpu.memory_space<vmem>>
        %dma_wait3A_1504 = arith.constant 0 : i32
        %dma_wait3A_1505 = arith.constant 0 : i32
        %dma_wait3A_1506 = tpu.memref_slice %dma_wait3A_1503[%dma_wait3A_1504, %dma_wait3A_1505] : memref<80x16xf32, #tpu.memory_space<vmem>> -> memref<16x16xf32, #tpu.memory_space<vmem>>
        %dma_wait3A_1507 = arith.constant 0 : i32
        %dma_wait3A_1508 = tpu.memref_slice %arg13[%add3A_1481, %dma_wait3A_1507] : memref<100000x16xf32, #tpu.memory_space<vmem_shared>> -> memref<16x16xf32, #tpu.memory_space<vmem_shared>>
        %dma_wait3A_1509 = arith.constant 0 : i32
        %dma_wait3A_1510 = tpu.memref_slice %arg13[%add3A_1481, %dma_wait3A_1509] : memref<100000x16xf32, #tpu.memory_space<vmem_shared>> -> memref<16x16xf32, #tpu.memory_space<vmem_shared>>
        %dma_wait3A_1511 = arith.constant 0 : i32
        %dma_wait3A_1512 = arith.constant 0 : i32
        %dma_wait3A_1513 = tpu.memref_slice %arg12[%cond3A, %dma_wait3A_1511, %dma_wait3A_1512] : memref<2x80x16xf32, #tpu.memory_space<vmem>> -> memref<1x80x16xf32, #tpu.memory_space<vmem>>
        %dma_wait3A_1514 = tpu.memref_squeeze %dma_wait3A_1513 : memref<1x80x16xf32, #tpu.memory_space<vmem>> -> memref<80x16xf32, #tpu.memory_space<vmem>>
        %dma_wait3A_1515 = arith.constant 0 : i32
        %dma_wait3A_1516 = arith.constant 0 : i32
        %dma_wait3A_1517 = tpu.memref_slice %dma_wait3A_1514[%dma_wait3A_1515, %dma_wait3A_1516] : memref<80x16xf32, #tpu.memory_space<vmem>> -> memref<16x16xf32, #tpu.memory_space<vmem>>
        tpu.wait_dma2 semaphore(%run_scoped3A : memref<!tpu.dma_semaphore, #tpu.memory_space<semaphore_mem>>) src(%dma_wait3A_1517 : memref<16x16xf32, #tpu.memory_space<vmem>>) dst(%dma_wait3A_1510 : memref<16x16xf32, #tpu.memory_space<vmem_shared>>)
        tpu.yield
      }) : () -> ()
    } else {
    }
    "tpu.region"() ({
      %run_scoped3A = tpu.sem_alloc : memref<!tpu.dma_semaphore, #tpu.memory_space<semaphore_mem>>
      tpu.enqueue_dma source(%arg2 : memref<16384xi32, #tpu.memory_space<hbm>>) target(%arg7 : memref<16384xi32, #tpu.memory_space<vmem>>) target_semaphore(%run_scoped3A : memref<!tpu.dma_semaphore, #tpu.memory_space<semaphore_mem>>)
      tpu.wait_dma2 semaphore(%run_scoped3A : memref<!tpu.dma_semaphore, #tpu.memory_space<semaphore_mem>>) src(%arg2 : memref<16384xi32, #tpu.memory_space<hbm>>) dst(%arg7 : memref<16384xi32, #tpu.memory_space<vmem>>)
      tpu.yield
    }) : () -> ()
    %barrier3A = arith.constant 0 : index
    tpu.barrier barrier_id(%barrier3A)
    %mul3A_1350 = arith.constant 100000 : i32
    %mul3A_1351 = arith.muli %add3A, %mul3A_1350 : i32
    %iota3A = tpu.iota {dimensions = array<i32: 0>} : vector<16xi32>
    %dma_start3A = arith.constant 0 : i32
    %dma_start3A_1352 = arith.constant 0 : i32
    %dma_start3A_1353 = arith.constant 0 : i32
    %dma_start3A_1354 = arith.constant 0 : i32
    %dma_start3A_1355 = arith.constant 0 : i32
    %dma_start3A_1356 = tpu.memref_slice %arg12[%dma_start3A, %dma_start3A_1354, %dma_start3A_1355] : memref<2x80x16xf32, #tpu.memory_space<vmem>> -> memref<1x80x16xf32, #tpu.memory_space<vmem>>
    %dma_start3A_1357 = tpu.memref_squeeze %dma_start3A_1356 : memref<1x80x16xf32, #tpu.memory_space<vmem>> -> memref<80x16xf32, #tpu.memory_space<vmem>>
    %dma_start3A_1358 = arith.constant 0 : i32
    %dma_start3A_1359 = tpu.memref_slice %arg11[%dma_start3A_1352, %dma_start3A_1358] : memref<2x80xi32, #tpu.memory_space<vmem>> -> memref<1x80xi32, #tpu.memory_space<vmem>>
    %dma_start3A_1360 = tpu.memref_squeeze %dma_start3A_1359 : memref<1x80xi32, #tpu.memory_space<vmem>> -> memref<80xi32, #tpu.memory_space<vmem>>
    %dma_start3A_1361 = arith.constant 0 : i32
    %dma_start3A_1362 = arith.constant 0 : i32
    %dma_start3A_1363 = tpu.memref_slice %arg13[%dma_start3A_1361, %dma_start3A_1362] : memref<100000x16xf32, #tpu.memory_space<vmem_shared>> -> memref<100000x16xf32, #tpu.memory_space<vmem_shared>>
    %dma_start3A_1364 = tpu.memref_slice %arg15[%dma_start3A_1353] : memref<2x!tpu.dma_semaphore, #tpu.memory_space<semaphore_mem>> -> memref<1x!tpu.dma_semaphore, #tpu.memory_space<semaphore_mem>>
    %dma_start3A_1365 = tpu.memref_squeeze %dma_start3A_1364 : memref<1x!tpu.dma_semaphore, #tpu.memory_space<semaphore_mem>> -> memref<!tpu.dma_semaphore, #tpu.memory_space<semaphore_mem>>
    tpu.enqueue_indirect_dma source(%dma_start3A_1357 : memref<80x16xf32, #tpu.memory_space<vmem>>) target(%dma_start3A_1363 : memref<100000x16xf32, #tpu.memory_space<vmem_shared>>) offsets(%dma_start3A_1360 : memref<80xi32, #tpu.memory_space<vmem>>) semaphore(%dma_start3A_1365 : memref<!tpu.dma_semaphore, #tpu.memory_space<semaphore_mem>>) {add = true}
    %dma_start3A_1366 = arith.constant 1 : i32
    %dma_start3A_1367 = arith.constant 1 : i32
    %dma_start3A_1368 = arith.constant 1 : i32
    %dma_start3A_1369 = arith.constant 0 : i32
    %dma_start3A_1370 = arith.constant 0 : i32
    %dma_start3A_1371 = tpu.memref_slice %arg12[%dma_start3A_1366, %dma_start3A_1369, %dma_start3A_1370] : memref<2x80x16xf32, #tpu.memory_space<vmem>> -> memref<1x80x16xf32, #tpu.memory_space<vmem>>
    %dma_start3A_1372 = tpu.memref_squeeze %dma_start3A_1371 : memref<1x80x16xf32, #tpu.memory_space<vmem>> -> memref<80x16xf32, #tpu.memory_space<vmem>>
    %dma_start3A_1373 = arith.constant 0 : i32
    %dma_start3A_1374 = tpu.memref_slice %arg11[%dma_start3A_1367, %dma_start3A_1373] : memref<2x80xi32, #tpu.memory_space<vmem>> -> memref<1x80xi32, #tpu.memory_space<vmem>>
    %dma_start3A_1375 = tpu.memref_squeeze %dma_start3A_1374 : memref<1x80xi32, #tpu.memory_space<vmem>> -> memref<80xi32, #tpu.memory_space<vmem>>
    %dma_start3A_1376 = arith.constant 0 : i32
    %dma_start3A_1377 = arith.constant 0 : i32
    %dma_start3A_1378 = tpu.memref_slice %arg13[%dma_start3A_1376, %dma_start3A_1377] : memref<100000x16xf32, #tpu.memory_space<vmem_shared>> -> memref<100000x16xf32, #tpu.memory_space<vmem_shared>>
    %dma_start3A_1379 = tpu.memref_slice %arg15[%dma_start3A_1368] : memref<2x!tpu.dma_semaphore, #tpu.memory_space<semaphore_mem>> -> memref<1x!tpu.dma_semaphore, #tpu.memory_space<semaphore_mem>>
    %dma_start3A_1380 = tpu.memref_squeeze %dma_start3A_1379 : memref<1x!tpu.dma_semaphore, #tpu.memory_space<semaphore_mem>> -> memref<!tpu.dma_semaphore, #tpu.memory_space<semaphore_mem>>
    tpu.enqueue_indirect_dma source(%dma_start3A_1372 : memref<80x16xf32, #tpu.memory_space<vmem>>) target(%dma_start3A_1378 : memref<100000x16xf32, #tpu.memory_space<vmem_shared>>) offsets(%dma_start3A_1375 : memref<80xi32, #tpu.memory_space<vmem>>) semaphore(%dma_start3A_1380 : memref<!tpu.dma_semaphore, #tpu.memory_space<semaphore_mem>>) {add = true}
    %add3A_1381 = arith.constant 0 : i32
    %add3A_1382 = arith.addi %mul3A_1351, %add3A_1381 : i32
    %multiple_of3A_1383 = tpu.assume_multiple %add3A_1382, 8 : i32
    %dma_start3A_1384 = arith.constant 0 : i32
    %dma_start3A_1385 = arith.constant 0 : i32
    %dma_start3A_1386 = arith.constant 0 : i32
    %dma_start3A_1387 = tpu.memref_slice %arg8[%dma_start3A_1384, %dma_start3A_1386] : memref<2x800xi32, #tpu.memory_space<vmem>> -> memref<1x800xi32, #tpu.memory_space<vmem>>
    %dma_start3A_1388 = tpu.memref_squeeze %dma_start3A_1387 : memref<1x800xi32, #tpu.memory_space<vmem>> -> memref<800xi32, #tpu.memory_space<vmem>>
    %dma_start3A_1389 = tpu.memref_slice %arg3[%multiple_of3A_1383] : memref<3200000xi32, #tpu.memory_space<hbm>> -> memref<800xi32, #tpu.memory_space<hbm>>
    %dma_start3A_1390 = tpu.memref_slice %arg14[%dma_start3A_1385] : memref<2x!tpu.dma_semaphore, #tpu.memory_space<semaphore_mem>> -> memref<1x!tpu.dma_semaphore, #tpu.memory_space<semaphore_mem>>
    %dma_start3A_1391 = tpu.memref_squeeze %dma_start3A_1390 : memref<1x!tpu.dma_semaphore, #tpu.memory_space<semaphore_mem>> -> memref<!tpu.dma_semaphore, #tpu.memory_space<semaphore_mem>>
    %dma_start3A_1392 = arith.constant 0 : i32
    %dma_start3A_1393 = tpu.memref_slice %arg8[%dma_start3A_1384, %dma_start3A_1392] : memref<2x800xi32, #tpu.memory_space<vmem>> -> memref<1x800xi32, #tpu.memory_space<vmem>>
    %dma_start3A_1394 = tpu.memref_squeeze %dma_start3A_1393 : memref<1x800xi32, #tpu.memory_space<vmem>> -> memref<800xi32, #tpu.memory_space<vmem>>
    %dma_start3A_1395 = tpu.memref_slice %arg3[%multiple_of3A_1383] : memref<3200000xi32, #tpu.memory_space<hbm>> -> memref<800xi32, #tpu.memory_space<hbm>>
    tpu.enqueue_dma source(%dma_start3A_1395 : memref<800xi32, #tpu.memory_space<hbm>>) target(%dma_start3A_1394 : memref<800xi32, #tpu.memory_space<vmem>>) target_semaphore(%dma_start3A_1391 : memref<!tpu.dma_semaphore, #tpu.memory_space<semaphore_mem>>)
    %dma_start3A_1396 = arith.constant 0 : i32
    %dma_start3A_1397 = arith.constant 0 : i32
    %dma_start3A_1398 = arith.constant 0 : i32
    %dma_start3A_1399 = tpu.memref_slice %arg9[%dma_start3A_1396, %dma_start3A_1398] : memref<2x800xi32, #tpu.memory_space<vmem>> -> memref<1x800xi32, #tpu.memory_space<vmem>>
    %dma_start3A_1400 = tpu.memref_squeeze %dma_start3A_1399 : memref<1x800xi32, #tpu.memory_space<vmem>> -> memref<800xi32, #tpu.memory_space<vmem>>
    %dma_start3A_1401 = tpu.memref_slice %arg4[%multiple_of3A_1383] : memref<3200000xi32, #tpu.memory_space<hbm>> -> memref<800xi32, #tpu.memory_space<hbm>>
    %dma_start3A_1402 = tpu.memref_slice %arg14[%dma_start3A_1397] : memref<2x!tpu.dma_semaphore, #tpu.memory_space<semaphore_mem>> -> memref<1x!tpu.dma_semaphore, #tpu.memory_space<semaphore_mem>>
    %dma_start3A_1403 = tpu.memref_squeeze %dma_start3A_1402 : memref<1x!tpu.dma_semaphore, #tpu.memory_space<semaphore_mem>> -> memref<!tpu.dma_semaphore, #tpu.memory_space<semaphore_mem>>
    %dma_start3A_1404 = arith.constant 0 : i32
    %dma_start3A_1405 = tpu.memref_slice %arg9[%dma_start3A_1396, %dma_start3A_1404] : memref<2x800xi32, #tpu.memory_space<vmem>> -> memref<1x800xi32, #tpu.memory_space<vmem>>
    %dma_start3A_1406 = tpu.memref_squeeze %dma_start3A_1405 : memref<1x800xi32, #tpu.memory_space<vmem>> -> memref<800xi32, #tpu.memory_space<vmem>>
    %dma_start3A_1407 = tpu.memref_slice %arg4[%multiple_of3A_1383] : memref<3200000xi32, #tpu.memory_space<hbm>> -> memref<800xi32, #tpu.memory_space<hbm>>
    tpu.enqueue_dma source(%dma_start3A_1407 : memref<800xi32, #tpu.memory_space<hbm>>) target(%dma_start3A_1406 : memref<800xi32, #tpu.memory_space<vmem>>) target_semaphore(%dma_start3A_1403 : memref<!tpu.dma_semaphore, #tpu.memory_space<semaphore_mem>>)
    %add3A_1408 = arith.constant 0 : i32
    %add3A_1409 = arith.addi %mul3A_1351, %add3A_1408 : i32
    %mul3A_1410 = arith.constant 3 : i32
    %mul3A_1411 = arith.muli %mul3A_1410, %add3A_1409 : i32
    %multiple_of3A_1412 = tpu.assume_multiple %mul3A_1411, 8 : i32
    %dma_start3A_1413 = arith.constant 0 : i32
    %dma_start3A_1414 = arith.constant 0 : i32
    %dma_start3A_1415 = arith.constant 0 : i32
    %dma_start3A_1416 = tpu.memref_slice %arg10[%dma_start3A_1413, %dma_start3A_1415] : memref<2x2400xf32, #tpu.memory_space<vmem>> -> memref<1x2400xf32, #tpu.memory_space<vmem>>
    %dma_start3A_1417 = tpu.memref_squeeze %dma_start3A_1416 : memref<1x2400xf32, #tpu.memory_space<vmem>> -> memref<2400xf32, #tpu.memory_space<vmem>>
    %dma_start3A_1418 = tpu.memref_slice %arg5[%multiple_of3A_1412] : memref<9600000xf32, #tpu.memory_space<hbm>> -> memref<2400xf32, #tpu.memory_space<hbm>>
    %dma_start3A_1419 = tpu.memref_slice %arg14[%dma_start3A_1414] : memref<2x!tpu.dma_semaphore, #tpu.memory_space<semaphore_mem>> -> memref<1x!tpu.dma_semaphore, #tpu.memory_space<semaphore_mem>>
    %dma_start3A_1420 = tpu.memref_squeeze %dma_start3A_1419 : memref<1x!tpu.dma_semaphore, #tpu.memory_space<semaphore_mem>> -> memref<!tpu.dma_semaphore, #tpu.memory_space<semaphore_mem>>
    %dma_start3A_1421 = arith.constant 0 : i32
    %dma_start3A_1422 = tpu.memref_slice %arg10[%dma_start3A_1413, %dma_start3A_1421] : memref<2x2400xf32, #tpu.memory_space<vmem>> -> memref<1x2400xf32, #tpu.memory_space<vmem>>
    %dma_start3A_1423 = tpu.memref_squeeze %dma_start3A_1422 : memref<1x2400xf32, #tpu.memory_space<vmem>> -> memref<2400xf32, #tpu.memory_space<vmem>>
    %dma_start3A_1424 = tpu.memref_slice %arg5[%multiple_of3A_1412] : memref<9600000xf32, #tpu.memory_space<hbm>> -> memref<2400xf32, #tpu.memory_space<hbm>>
    tpu.enqueue_dma source(%dma_start3A_1424 : memref<2400xf32, #tpu.memory_space<hbm>>) target(%dma_start3A_1423 : memref<2400xf32, #tpu.memory_space<vmem>>) target_semaphore(%dma_start3A_1420 : memref<!tpu.dma_semaphore, #tpu.memory_space<semaphore_mem>>)
    %scan3A_1425 = arith.constant 0 : i32
    %scan3A_1426 = arith.constant 0 : i32
    %scan3A_1427 = arith.constant 125 : i32
    %scan3A_1428 = arith.addi %scan3A_1426, %scan3A_1427 : i32
    %scan3A_1429 = arith.constant 1 : i32
    scf.for %scan3A_1478 = %scan3A_1426 to %scan3A_1428 step %scan3A_1429  : i32 {
      %and3A = arith.constant 1 : i32
      %and3A_1479 = arith.andi %scan3A_1478, %and3A : i32
      %mul3A_1480 = arith.constant 800 : i32
      %mul3A_1481 = arith.muli %scan3A_1478, %mul3A_1480 : i32
      %add3A_1482 = arith.addi %mul3A_1351, %mul3A_1481 : i32
      %multiple_of3A_1483 = tpu.assume_multiple %add3A_1482, 8 : i32
      %dma_wait3A_1484 = arith.constant 0 : i32
      %dma_wait3A_1485 = tpu.memref_slice %arg8[%and3A_1479, %dma_wait3A_1484] : memref<2x800xi32, #tpu.memory_space<vmem>> -> memref<1x800xi32, #tpu.memory_space<vmem>>
      %dma_wait3A_1486 = tpu.memref_squeeze %dma_wait3A_1485 : memref<1x800xi32, #tpu.memory_space<vmem>> -> memref<800xi32, #tpu.memory_space<vmem>>
      %dma_wait3A_1487 = tpu.memref_slice %arg3[%multiple_of3A_1483] : memref<3200000xi32, #tpu.memory_space<hbm>> -> memref<800xi32, #tpu.memory_space<hbm>>
      %dma_wait3A_1488 = tpu.memref_slice %arg14[%and3A_1479] : memref<2x!tpu.dma_semaphore, #tpu.memory_space<semaphore_mem>> -> memref<1x!tpu.dma_semaphore, #tpu.memory_space<semaphore_mem>>
      %dma_wait3A_1489 = tpu.memref_squeeze %dma_wait3A_1488 : memref<1x!tpu.dma_semaphore, #tpu.memory_space<semaphore_mem>> -> memref<!tpu.dma_semaphore, #tpu.memory_space<semaphore_mem>>
      %dma_wait3A_1490 = arith.constant 0 : i32
      %dma_wait3A_1491 = tpu.memref_slice %arg8[%and3A_1479, %dma_wait3A_1490] : memref<2x800xi32, #tpu.memory_space<vmem>> -> memref<1x800xi32, #tpu.memory_space<vmem>>
      %dma_wait3A_1492 = tpu.memref_squeeze %dma_wait3A_1491 : memref<1x800xi32, #tpu.memory_space<vmem>> -> memref<800xi32, #tpu.memory_space<vmem>>
      %dma_wait3A_1493 = tpu.memref_slice %arg3[%multiple_of3A_1483] : memref<3200000xi32, #tpu.memory_space<hbm>> -> memref<800xi32, #tpu.memory_space<hbm>>
      tpu.wait_dma2 semaphore(%dma_wait3A_1489 : memref<!tpu.dma_semaphore, #tpu.memory_space<semaphore_mem>>) src(%dma_wait3A_1493 : memref<800xi32, #tpu.memory_space<hbm>>) dst(%dma_wait3A_1492 : memref<800xi32, #tpu.memory_space<vmem>>)
      %dma_wait3A_1494 = arith.constant 0 : i32
      %dma_wait3A_1495 = tpu.memref_slice %arg9[%and3A_1479, %dma_wait3A_1494] : memref<2x800xi32, #tpu.memory_space<vmem>> -> memref<1x800xi32, #tpu.memory_space<vmem>>
      %dma_wait3A_1496 = tpu.memref_squeeze %dma_wait3A_1495 : memref<1x800xi32, #tpu.memory_space<vmem>> -> memref<800xi32, #tpu.memory_space<vmem>>
      %dma_wait3A_1497 = tpu.memref_slice %arg4[%multiple_of3A_1483] : memref<3200000xi32, #tpu.memory_space<hbm>> -> memref<800xi32, #tpu.memory_space<hbm>>
      %dma_wait3A_1498 = tpu.memref_slice %arg14[%and3A_1479] : memref<2x!tpu.dma_semaphore, #tpu.memory_space<semaphore_mem>> -> memref<1x!tpu.dma_semaphore, #tpu.memory_space<semaphore_mem>>
      %dma_wait3A_1499 = tpu.memref_squeeze %dma_wait3A_1498 : memref<1x!tpu.dma_semaphore, #tpu.memory_space<semaphore_mem>> -> memref<!tpu.dma_semaphore, #tpu.memory_space<semaphore_mem>>
      %dma_wait3A_1500 = arith.constant 0 : i32
      %dma_wait3A_1501 = tpu.memref_slice %arg9[%and3A_1479, %dma_wait3A_1500] : memref<2x800xi32, #tpu.memory_space<vmem>> -> memref<1x800xi32, #tpu.memory_space<vmem>>
      %dma_wait3A_1502 = tpu.memref_squeeze %dma_wait3A_1501 : memref<1x800xi32, #tpu.memory_space<vmem>> -> memref<800xi32, #tpu.memory_space<vmem>>
      %dma_wait3A_1503 = tpu.memref_slice %arg4[%multiple_of3A_1483] : memref<3200000xi32, #tpu.memory_space<hbm>> -> memref<800xi32, #tpu.memory_space<hbm>>
      tpu.wait_dma2 semaphore(%dma_wait3A_1499 : memref<!tpu.dma_semaphore, #tpu.memory_space<semaphore_mem>>) src(%dma_wait3A_1503 : memref<800xi32, #tpu.memory_space<hbm>>) dst(%dma_wait3A_1502 : memref<800xi32, #tpu.memory_space<vmem>>)
      %mul3A_1504 = arith.constant 800 : i32
      %mul3A_1505 = arith.muli %scan3A_1478, %mul3A_1504 : i32
      %add3A_1506 = arith.addi %mul3A_1351, %mul3A_1505 : i32
      %mul3A_1507 = arith.constant 3 : i32
      %mul3A_1508 = arith.muli %mul3A_1507, %add3A_1506 : i32
      %multiple_of3A_1509 = tpu.assume_multiple %mul3A_1508, 8 : i32
      %dma_wait3A_1510 = arith.constant 0 : i32
      %dma_wait3A_1511 = tpu.memref_slice %arg10[%and3A_1479, %dma_wait3A_1510] : memref<2x2400xf32, #tpu.memory_space<vmem>> -> memref<1x2400xf32, #tpu.memory_space<vmem>>
      %dma_wait3A_1512 = tpu.memref_squeeze %dma_wait3A_1511 : memref<1x2400xf32, #tpu.memory_space<vmem>> -> memref<2400xf32, #tpu.memory_space<vmem>>
      %dma_wait3A_1513 = tpu.memref_slice %arg5[%multiple_of3A_1509] : memref<9600000xf32, #tpu.memory_space<hbm>> -> memref<2400xf32, #tpu.memory_space<hbm>>
      %dma_wait3A_1514 = tpu.memref_slice %arg14[%and3A_1479] : memref<2x!tpu.dma_semaphore, #tpu.memory_space<semaphore_mem>> -> memref<1x!tpu.dma_semaphore, #tpu.memory_space<semaphore_mem>>
      %dma_wait3A_1515 = tpu.memref_squeeze %dma_wait3A_1514 : memref<1x!tpu.dma_semaphore, #tpu.memory_space<semaphore_mem>> -> memref<!tpu.dma_semaphore, #tpu.memory_space<semaphore_mem>>
      %dma_wait3A_1516 = arith.constant 0 : i32
      %dma_wait3A_1517 = tpu.memref_slice %arg10[%and3A_1479, %dma_wait3A_1516] : memref<2x2400xf32, #tpu.memory_space<vmem>> -> memref<1x2400xf32, #tpu.memory_space<vmem>>
      %dma_wait3A_1518 = tpu.memref_squeeze %dma_wait3A_1517 : memref<1x2400xf32, #tpu.memory_space<vmem>> -> memref<2400xf32, #tpu.memory_space<vmem>>
      %dma_wait3A_1519 = tpu.memref_slice %arg5[%multiple_of3A_1509] : memref<9600000xf32, #tpu.memory_space<hbm>> -> memref<2400xf32, #tpu.memory_space<hbm>>
      tpu.wait_dma2 semaphore(%dma_wait3A_1515 : memref<!tpu.dma_semaphore, #tpu.memory_space<semaphore_mem>>) src(%dma_wait3A_1519 : memref<2400xf32, #tpu.memory_space<hbm>>) dst(%dma_wait3A_1518 : memref<2400xf32, #tpu.memory_space<vmem>>)
      %lt3A_1520 = arith.constant 124 : i32
      %lt3A_1521 = arith.cmpi slt, %scan3A_1478, %lt3A_1520 : i32
      %convert_element_type3A_1522 = arith.extui %lt3A_1521 : i1 to i32
      %cond3A_1523 = arith.constant 0 : i32
      %cond3A_1524 = arith.cmpi ne, %convert_element_type3A_1522, %cond3A_1523 : i32
      scf.if %cond3A_1524 {
        %add3A_1531 = arith.constant 1 : i32
        %add3A_1532 = arith.addi %scan3A_1478, %add3A_1531 : i32
        %sub3A = arith.constant 1 : i32
        %sub3A_1533 = arith.subi %sub3A, %and3A_1479 : i32
        %mul3A_1534 = arith.constant 800 : i32
        %mul3A_1535 = arith.muli %add3A_1532, %mul3A_1534 : i32
        %add3A_1536 = arith.addi %mul3A_1351, %mul3A_1535 : i32
        %multiple_of3A_1537 = tpu.assume_multiple %add3A_1536, 8 : i32
        %dma_start3A_1538 = arith.constant 0 : i32
        %dma_start3A_1539 = tpu.memref_slice %arg8[%sub3A_1533, %dma_start3A_1538] : memref<2x800xi32, #tpu.memory_space<vmem>> -> memref<1x800xi32, #tpu.memory_space<vmem>>
        %dma_start3A_1540 = tpu.memref_squeeze %dma_start3A_1539 : memref<1x800xi32, #tpu.memory_space<vmem>> -> memref<800xi32, #tpu.memory_space<vmem>>
        %dma_start3A_1541 = tpu.memref_slice %arg3[%multiple_of3A_1537] : memref<3200000xi32, #tpu.memory_space<hbm>> -> memref<800xi32, #tpu.memory_space<hbm>>
        %dma_start3A_1542 = tpu.memref_slice %arg14[%sub3A_1533] : memref<2x!tpu.dma_semaphore, #tpu.memory_space<semaphore_mem>> -> memref<1x!tpu.dma_semaphore, #tpu.memory_space<semaphore_mem>>
        %dma_start3A_1543 = tpu.memref_squeeze %dma_start3A_1542 : memref<1x!tpu.dma_semaphore, #tpu.memory_space<semaphore_mem>> -> memref<!tpu.dma_semaphore, #tpu.memory_space<semaphore_mem>>
        %dma_start3A_1544 = arith.constant 0 : i32
        %dma_start3A_1545 = tpu.memref_slice %arg8[%sub3A_1533, %dma_start3A_1544] : memref<2x800xi32, #tpu.memory_space<vmem>> -> memref<1x800xi32, #tpu.memory_space<vmem>>
        %dma_start3A_1546 = tpu.memref_squeeze %dma_start3A_1545 : memref<1x800xi32, #tpu.memory_space<vmem>> -> memref<800xi32, #tpu.memory_space<vmem>>
        %dma_start3A_1547 = tpu.memref_slice %arg3[%multiple_of3A_1537] : memref<3200000xi32, #tpu.memory_space<hbm>> -> memref<800xi32, #tpu.memory_space<hbm>>
        tpu.enqueue_dma source(%dma_start3A_1547 : memref<800xi32, #tpu.memory_space<hbm>>) target(%dma_start3A_1546 : memref<800xi32, #tpu.memory_space<vmem>>) target_semaphore(%dma_start3A_1543 : memref<!tpu.dma_semaphore, #tpu.memory_space<semaphore_mem>>)
        %dma_start3A_1548 = arith.constant 0 : i32
        %dma_start3A_1549 = tpu.memref_slice %arg9[%sub3A_1533, %dma_start3A_1548] : memref<2x800xi32, #tpu.memory_space<vmem>> -> memref<1x800xi32, #tpu.memory_space<vmem>>
        %dma_start3A_1550 = tpu.memref_squeeze %dma_start3A_1549 : memref<1x800xi32, #tpu.memory_space<vmem>> -> memref<800xi32, #tpu.memory_space<vmem>>
        %dma_start3A_1551 = tpu.memref_slice %arg4[%multiple_of3A_1537] : memref<3200000xi32, #tpu.memory_space<hbm>> -> memref<800xi32, #tpu.memory_space<hbm>>
        %dma_start3A_1552 = tpu.memref_slice %arg14[%sub3A_1533] : memref<2x!tpu.dma_semaphore, #tpu.memory_space<semaphore_mem>> -> memref<1x!tpu.dma_semaphore, #tpu.memory_space<semaphore_mem>>
        %dma_start3A_1553 = tpu.memref_squeeze %dma_start3A_1552 : memref<1x!tpu.dma_semaphore, #tpu.memory_space<semaphore_mem>> -> memref<!tpu.dma_semaphore, #tpu.memory_space<semaphore_mem>>
        %dma_start3A_1554 = arith.constant 0 : i32
        %dma_start3A_1555 = tpu.memref_slice %arg9[%sub3A_1533, %dma_start3A_1554] : memref<2x800xi32, #tpu.memory_space<vmem>> -> memref<1x800xi32, #tpu.memory_space<vmem>>
        %dma_start3A_1556 = tpu.memref_squeeze %dma_start3A_1555 : memref<1x800xi32, #tpu.memory_space<vmem>> -> memref<800xi32, #tpu.memory_space<vmem>>
        %dma_start3A_1557 = tpu.memref_slice %arg4[%multiple_of3A_1537] : memref<3200000xi32, #tpu.memory_space<hbm>> -> memref<800xi32, #tpu.memory_space<hbm>>
        tpu.enqueue_dma source(%dma_start3A_1557 : memref<800xi32, #tpu.memory_space<hbm>>) target(%dma_start3A_1556 : memref<800xi32, #tpu.memory_space<vmem>>) target_semaphore(%dma_start3A_1553 : memref<!tpu.dma_semaphore, #tpu.memory_space<semaphore_mem>>)
        %mul3A_1558 = arith.constant 800 : i32
        %mul3A_1559 = arith.muli %add3A_1532, %mul3A_1558 : i32
        %add3A_1560 = arith.addi %mul3A_1351, %mul3A_1559 : i32
        %mul3A_1561 = arith.constant 3 : i32
        %mul3A_1562 = arith.muli %mul3A_1561, %add3A_1560 : i32
        %multiple_of3A_1563 = tpu.assume_multiple %mul3A_1562, 8 : i32
        %dma_start3A_1564 = arith.constant 0 : i32
        %dma_start3A_1565 = tpu.memref_slice %arg10[%sub3A_1533, %dma_start3A_1564] : memref<2x2400xf32, #tpu.memory_space<vmem>> -> memref<1x2400xf32, #tpu.memory_space<vmem>>
        %dma_start3A_1566 = tpu.memref_squeeze %dma_start3A_1565 : memref<1x2400xf32, #tpu.memory_space<vmem>> -> memref<2400xf32, #tpu.memory_space<vmem>>
        %dma_start3A_1567 = tpu.memref_slice %arg5[%multiple_of3A_1563] : memref<9600000xf32, #tpu.memory_space<hbm>> -> memref<2400xf32, #tpu.memory_space<hbm>>
        %dma_start3A_1568 = tpu.memref_slice %arg14[%sub3A_1533] : memref<2x!tpu.dma_semaphore, #tpu.memory_space<semaphore_mem>> -> memref<1x!tpu.dma_semaphore, #tpu.memory_space<semaphore_mem>>
        %dma_start3A_1569 = tpu.memref_squeeze %dma_start3A_1568 : memref<1x!tpu.dma_semaphore, #tpu.memory_space<semaphore_mem>> -> memref<!tpu.dma_semaphore, #tpu.memory_space<semaphore_mem>>
        %dma_start3A_1570 = arith.constant 0 : i32
        %dma_start3A_1571 = tpu.memref_slice %arg10[%sub3A_1533, %dma_start3A_1570] : memref<2x2400xf32, #tpu.memory_space<vmem>> -> memref<1x2400xf32, #tpu.memory_space<vmem>>
        %dma_start3A_1572 = tpu.memref_squeeze %dma_start3A_1571 : memref<1x2400xf32, #tpu.memory_space<vmem>> -> memref<2400xf32, #tpu.memory_space<vmem>>
        %dma_start3A_1573 = tpu.memref_slice %arg5[%multiple_of3A_1563] : memref<9600000xf32, #tpu.memory_space<hbm>> -> memref<2400xf32, #tpu.memory_space<hbm>>
        tpu.enqueue_dma source(%dma_start3A_1573 : memref<2400xf32, #tpu.memory_space<hbm>>) target(%dma_start3A_1572 : memref<2400xf32, #tpu.memory_space<vmem>>) target_semaphore(%dma_start3A_1569 : memref<!tpu.dma_semaphore, #tpu.memory_space<semaphore_mem>>)
      } else {
      }
      %scan3A_1525 = arith.constant 0 : i32
      %scan3A_1526 = arith.constant 0 : i32
      %scan3A_1527 = arith.constant 10 : i32
      %scan3A_1528 = arith.addi %scan3A_1526, %scan3A_1527 : i32
      %scan3A_1529 = arith.constant 1 : i32
      scf.for %scan3A_1531 = %scan3A_1526 to %scan3A_1528 step %scan3A_1529  : i32 {
        %mul3A_1532 = arith.constant 10 : i32
        %mul3A_1533 = arith.muli %scan3A_1478, %mul3A_1532 : i32
        %add3A_1534 = arith.addi %mul3A_1533, %scan3A_1531 : i32
        %and3A_1535 = arith.constant 1 : i32
        %and3A_1536 = arith.andi %add3A_1534, %and3A_1535 : i32
        %dma_wait3A_1537 = arith.constant 0 : i32
        %dma_wait3A_1538 = arith.constant 0 : i32
        %dma_wait3A_1539 = tpu.memref_slice %arg12[%and3A_1536, %dma_wait3A_1537, %dma_wait3A_1538] : memref<2x80x16xf32, #tpu.memory_space<vmem>> -> memref<1x80x16xf32, #tpu.memory_space<vmem>>
        %dma_wait3A_1540 = tpu.memref_squeeze %dma_wait3A_1539 : memref<1x80x16xf32, #tpu.memory_space<vmem>> -> memref<80x16xf32, #tpu.memory_space<vmem>>
        %dma_wait3A_1541 = arith.constant 0 : i32
        %dma_wait3A_1542 = tpu.memref_slice %arg11[%and3A_1536, %dma_wait3A_1541] : memref<2x80xi32, #tpu.memory_space<vmem>> -> memref<1x80xi32, #tpu.memory_space<vmem>>
        %dma_wait3A_1543 = tpu.memref_squeeze %dma_wait3A_1542 : memref<1x80xi32, #tpu.memory_space<vmem>> -> memref<80xi32, #tpu.memory_space<vmem>>
        %dma_wait3A_1544 = arith.constant 0 : i32
        %dma_wait3A_1545 = arith.constant 0 : i32
        %dma_wait3A_1546 = tpu.memref_slice %arg13[%dma_wait3A_1544, %dma_wait3A_1545] : memref<100000x16xf32, #tpu.memory_space<vmem_shared>> -> memref<100000x16xf32, #tpu.memory_space<vmem_shared>>
        %dma_wait3A_1547 = tpu.memref_slice %arg15[%and3A_1536] : memref<2x!tpu.dma_semaphore, #tpu.memory_space<semaphore_mem>> -> memref<1x!tpu.dma_semaphore, #tpu.memory_space<semaphore_mem>>
        %dma_wait3A_1548 = tpu.memref_squeeze %dma_wait3A_1547 : memref<1x!tpu.dma_semaphore, #tpu.memory_space<semaphore_mem>> -> memref<!tpu.dma_semaphore, #tpu.memory_space<semaphore_mem>>
        tpu.wait_indirect_dma semaphore(%dma_wait3A_1548 : memref<!tpu.dma_semaphore, #tpu.memory_space<semaphore_mem>>) src(%dma_wait3A_1540 : memref<80x16xf32, #tpu.memory_space<vmem>>) dst(%dma_wait3A_1546 : memref<100000x16xf32, #tpu.memory_space<vmem_shared>>)
        %mul3A_1549 = arith.constant 80 : i32
        %mul3A_1550 = arith.muli %scan3A_1531, %mul3A_1549 : i32
        %add3A_1551 = arith.constant 0 : i32
        %add3A_1552 = arith.addi %mul3A_1550, %add3A_1551 : i32
        %add3A_1553 = vector.broadcast %add3A_1552 : i32 to vector<16xi32>
        %add3A_1554 = arith.addi %iota3A, %add3A_1553 : vector<16xi32>
        %get3A = arith.constant 0 : i32
        %get3A_1555 = tpu.memref_slice %arg8[%and3A_1479, %get3A] : memref<2x800xi32, #tpu.memory_space<vmem>> -> memref<1x800xi32, #tpu.memory_space<vmem>>
        %get3A_1556 = tpu.memref_squeeze %get3A_1555 : memref<1x800xi32, #tpu.memory_space<vmem>> -> memref<800xi32, #tpu.memory_space<vmem>>
        %get3A_1557 = arith.index_cast %add3A_1552 : i32 to index
        %get3A_1558 = tpu.vector_load %get3A_1556[%get3A_1557] {strides = array<i32>} : memref<800xi32, #tpu.memory_space<vmem>>, vector<16xi32>,
        %and3A_1559 = arith.constant 16383 : i32
        %and3A_1560 = vector.broadcast %and3A_1559 : i32 to vector<16xi32>
        %and3A_1561 = arith.andi %get3A_1558, %and3A_1560 : vector<16xi32>
        %gather3A = tpu.vector_load_idx %arg7[%and3A_1561] : memref<16384xi32, #tpu.memory_space<vmem>>[vector<16xi32>], vector<16xi32>,
        %shift_right_arithmetic3A = arith.constant 12 : i32
        %shift_right_arithmetic3A_1562 = vector.broadcast %shift_right_arithmetic3A : i32 to vector<16xi32>
        %shift_right_arithmetic3A_1563 = arith.shrsi %get3A_1558, %shift_right_arithmetic3A_1562 : vector<16xi32>
        %and3A_1564 = arith.constant 28 : i32
        %and3A_1565 = vector.broadcast %and3A_1564 : i32 to vector<16xi32>
        %and3A_1566 = arith.andi %shift_right_arithmetic3A_1563, %and3A_1565 : vector<16xi32>
        %shift_right_arithmetic3A_1567 = arith.shrsi %gather3A, %and3A_1566 : vector<16xi32>
        %and3A_1568 = arith.constant 15 : i32
        %and3A_1569 = vector.broadcast %and3A_1568 : i32 to vector<16xi32>
        %and3A_1570 = arith.andi %shift_right_arithmetic3A_1567, %and3A_1569 : vector<16xi32>
        %mul3A_1571 = arith.constant 3 : i32
        %mul3A_1572 = vector.broadcast %mul3A_1571 : i32 to vector<16xi32>
        %mul3A_1573 = arith.muli %and3A_1570, %mul3A_1572 : vector<16xi32>
        %mul3A_1574 = arith.constant 3 : i32
        %mul3A_1575 = vector.broadcast %mul3A_1574 : i32 to vector<16xi32>
        %mul3A_1576 = arith.muli %mul3A_1575, %add3A_1554 : vector<16xi32>
        %gather3A_1577 = arith.constant 0 : i32
        %gather3A_1578 = tpu.memref_slice %arg10[%and3A_1479, %gather3A_1577] : memref<2x2400xf32, #tpu.memory_space<vmem>> -> memref<1x2400xf32, #tpu.memory_space<vmem>>
        %gather3A_1579 = tpu.memref_squeeze %gather3A_1578 : memref<1x2400xf32, #tpu.memory_space<vmem>> -> memref<2400xf32, #tpu.memory_space<vmem>>
        %gather3A_1580 = tpu.vector_load_idx %gather3A_1579[%mul3A_1576] : memref<2400xf32, #tpu.memory_space<vmem>>[vector<16xi32>], vector<16xf32>,
        %mul3A_1581 = arith.constant 3 : i32
        %mul3A_1582 = vector.broadcast %mul3A_1581 : i32 to vector<16xi32>
        %mul3A_1583 = arith.muli %mul3A_1582, %add3A_1554 : vector<16xi32>
        %add3A_1584 = arith.constant 1 : i32
        %add3A_1585 = vector.broadcast %add3A_1584 : i32 to vector<16xi32>
        %add3A_1586 = arith.addi %mul3A_1583, %add3A_1585 : vector<16xi32>
        %gather3A_1587 = arith.constant 0 : i32
        %gather3A_1588 = tpu.memref_slice %arg10[%and3A_1479, %gather3A_1587] : memref<2x2400xf32, #tpu.memory_space<vmem>> -> memref<1x2400xf32, #tpu.memory_space<vmem>>
        %gather3A_1589 = tpu.memref_squeeze %gather3A_1588 : memref<1x2400xf32, #tpu.memory_space<vmem>> -> memref<2400xf32, #tpu.memory_space<vmem>>
        %gather3A_1590 = tpu.vector_load_idx %gather3A_1589[%add3A_1586] : memref<2400xf32, #tpu.memory_space<vmem>>[vector<16xi32>], vector<16xf32>,
        %mul3A_1591 = arith.constant 3 : i32
        %mul3A_1592 = vector.broadcast %mul3A_1591 : i32 to vector<16xi32>
        %mul3A_1593 = arith.muli %mul3A_1592, %add3A_1554 : vector<16xi32>
        %add3A_1594 = arith.constant 2 : i32
        %add3A_1595 = vector.broadcast %add3A_1594 : i32 to vector<16xi32>
        %add3A_1596 = arith.addi %mul3A_1593, %add3A_1595 : vector<16xi32>
        %gather3A_1597 = arith.constant 0 : i32
        %gather3A_1598 = tpu.memref_slice %arg10[%and3A_1479, %gather3A_1597] : memref<2x2400xf32, #tpu.memory_space<vmem>> -> memref<1x2400xf32, #tpu.memory_space<vmem>>
        %gather3A_1599 = tpu.memref_squeeze %gather3A_1598 : memref<1x2400xf32, #tpu.memory_space<vmem>> -> memref<2400xf32, #tpu.memory_space<vmem>>
        %gather3A_1600 = tpu.vector_load_idx %gather3A_1599[%add3A_1596] : memref<2400xf32, #tpu.memory_space<vmem>>[vector<16xi32>], vector<16xf32>,
        %add3A_1601 = arith.constant 0 : i32
        %add3A_1602 = vector.broadcast %add3A_1601 : i32 to vector<16xi32>
        %add3A_1603 = arith.addi %iota3A, %add3A_1602 : vector<16xi32>
        %eq3A = arith.constant 0 : i32
        %eq3A_1604 = vector.broadcast %eq3A : i32 to vector<16xi32>
        %eq3A_1605 = arith.cmpi eq, %mul3A_1573, %eq3A_1604 : vector<16xi32>
        %broadcast_in_dim3A_1606 = arith.constant 0.000000e+00 : f32
        %broadcast_in_dim3A_1607 = vector.broadcast %broadcast_in_dim3A_1606 : f32 to vector<16xf32>
        %select_n3A = arith.select %eq3A_1605, %gather3A_1580, %broadcast_in_dim3A_1607 : vector<16xi1>, vector<16xf32>
        %broadcast_in_dim3A_1608 = arith.constant 0 : i32
        %broadcast_in_dim3A_1609 = vector.broadcast %broadcast_in_dim3A_1608 : i32 to vector<16xi32>
        %scatter3A = arith.constant 0 : i32
        %scatter3A_1610 = arith.constant 0 : i32
        %scatter3A_1611 = tpu.memref_slice %arg12[%and3A_1536, %scatter3A, %scatter3A_1610] : memref<2x80x16xf32, #tpu.memory_space<vmem>> -> memref<1x80x16xf32, #tpu.memory_space<vmem>>
        %scatter3A_1612 = tpu.memref_squeeze %scatter3A_1611 : memref<1x80x16xf32, #tpu.memory_space<vmem>> -> memref<80x16xf32, #tpu.memory_space<vmem>>
        tpu.vector_store_idx %scatter3A_1612[%add3A_1603, %broadcast_in_dim3A_1609], %select_n3A : memref<80x16xf32, #tpu.memory_space<vmem>>[vector<16xi32>, vector<16xi32>], vector<16xf32>,
        %broadcast_in_dim3A_1613 = arith.constant 0.000000e+00 : f32
        %broadcast_in_dim3A_1614 = vector.broadcast %broadcast_in_dim3A_1613 : f32 to vector<16xf32>
        %select_n3A_1615 = arith.select %eq3A_1605, %gather3A_1590, %broadcast_in_dim3A_1614 : vector<16xi1>, vector<16xf32>
        %broadcast_in_dim3A_1616 = arith.constant 1 : i32
        %broadcast_in_dim3A_1617 = vector.broadcast %broadcast_in_dim3A_1616 : i32 to vector<16xi32>
        %scatter3A_1618 = arith.constant 0 : i32
        %scatter3A_1619 = arith.constant 0 : i32
        %scatter3A_1620 = tpu.memref_slice %arg12[%and3A_1536, %scatter3A_1618, %scatter3A_1619] : memref<2x80x16xf32, #tpu.memory_space<vmem>> -> memref<1x80x16xf32, #tpu.memory_space<vmem>>
        %scatter3A_1621 = tpu.memref_squeeze %scatter3A_1620 : memref<1x80x16xf32, #tpu.memory_space<vmem>> -> memref<80x16xf32, #tpu.memory_space<vmem>>
        tpu.vector_store_idx %scatter3A_1621[%add3A_1603, %broadcast_in_dim3A_1617], %select_n3A_1615 : memref<80x16xf32, #tpu.memory_space<vmem>>[vector<16xi32>, vector<16xi32>], vector<16xf32>,
        %broadcast_in_dim3A_1622 = arith.constant 0.000000e+00 : f32
        %broadcast_in_dim3A_1623 = vector.broadcast %broadcast_in_dim3A_1622 : f32 to vector<16xf32>
        %select_n3A_1624 = arith.select %eq3A_1605, %gather3A_1600, %broadcast_in_dim3A_1623 : vector<16xi1>, vector<16xf32>
        %broadcast_in_dim3A_1625 = arith.constant 2 : i32
        %broadcast_in_dim3A_1626 = vector.broadcast %broadcast_in_dim3A_1625 : i32 to vector<16xi32>
        %scatter3A_1627 = arith.constant 0 : i32
        %scatter3A_1628 = arith.constant 0 : i32
        %scatter3A_1629 = tpu.memref_slice %arg12[%and3A_1536, %scatter3A_1627, %scatter3A_1628] : memref<2x80x16xf32, #tpu.memory_space<vmem>> -> memref<1x80x16xf32, #tpu.memory_space<vmem>>
        %scatter3A_1630 = tpu.memref_squeeze %scatter3A_1629 : memref<1x80x16xf32, #tpu.memory_space<vmem>> -> memref<80x16xf32, #tpu.memory_space<vmem>>
        tpu.vector_store_idx %scatter3A_1630[%add3A_1603, %broadcast_in_dim3A_1626], %select_n3A_1624 : memref<80x16xf32, #tpu.memory_space<vmem>>[vector<16xi32>, vector<16xi32>], vector<16xf32>,
        %eq3A_1631 = arith.constant 3 : i32
        %eq3A_1632 = vector.broadcast %eq3A_1631 : i32 to vector<16xi32>
        %eq3A_1633 = arith.cmpi eq, %mul3A_1573, %eq3A_1632 : vector<16xi32>
        %broadcast_in_dim3A_1634 = arith.constant 0.000000e+00 : f32
        %broadcast_in_dim3A_1635 = vector.broadcast %broadcast_in_dim3A_1634 : f32 to vector<16xf32>
        %select_n3A_1636 = arith.select %eq3A_1633, %gather3A_1580, %broadcast_in_dim3A_1635 : vector<16xi1>, vector<16xf32>
        %broadcast_in_dim3A_1637 = arith.constant 3 : i32
        %broadcast_in_dim3A_1638 = vector.broadcast %broadcast_in_dim3A_1637 : i32 to vector<16xi32>
        %scatter3A_1639 = arith.constant 0 : i32
        %scatter3A_1640 = arith.constant 0 : i32
        %scatter3A_1641 = tpu.memref_slice %arg12[%and3A_1536, %scatter3A_1639, %scatter3A_1640] : memref<2x80x16xf32, #tpu.memory_space<vmem>> -> memref<1x80x16xf32, #tpu.memory_space<vmem>>
        %scatter3A_1642 = tpu.memref_squeeze %scatter3A_1641 : memref<1x80x16xf32, #tpu.memory_space<vmem>> -> memref<80x16xf32, #tpu.memory_space<vmem>>
        tpu.vector_store_idx %scatter3A_1642[%add3A_1603, %broadcast_in_dim3A_1638], %select_n3A_1636 : memref<80x16xf32, #tpu.memory_space<vmem>>[vector<16xi32>, vector<16xi32>], vector<16xf32>,
        %broadcast_in_dim3A_1643 = arith.constant 0.000000e+00 : f32
        %broadcast_in_dim3A_1644 = vector.broadcast %broadcast_in_dim3A_1643 : f32 to vector<16xf32>
        %select_n3A_1645 = arith.select %eq3A_1633, %gather3A_1590, %broadcast_in_dim3A_1644 : vector<16xi1>, vector<16xf32>
        %broadcast_in_dim3A_1646 = arith.constant 4 : i32
        %broadcast_in_dim3A_1647 = vector.broadcast %broadcast_in_dim3A_1646 : i32 to vector<16xi32>
        %scatter3A_1648 = arith.constant 0 : i32
        %scatter3A_1649 = arith.constant 0 : i32
        %scatter3A_1650 = tpu.memref_slice %arg12[%and3A_1536, %scatter3A_1648, %scatter3A_1649] : memref<2x80x16xf32, #tpu.memory_space<vmem>> -> memref<1x80x16xf32, #tpu.memory_space<vmem>>
        %scatter3A_1651 = tpu.memref_squeeze %scatter3A_1650 : memref<1x80x16xf32, #tpu.memory_space<vmem>> -> memref<80x16xf32, #tpu.memory_space<vmem>>
        tpu.vector_store_idx %scatter3A_1651[%add3A_1603, %broadcast_in_dim3A_1647], %select_n3A_1645 : memref<80x16xf32, #tpu.memory_space<vmem>>[vector<16xi32>, vector<16xi32>], vector<16xf32>,
        %broadcast_in_dim3A_1652 = arith.constant 0.000000e+00 : f32
        %broadcast_in_dim3A_1653 = vector.broadcast %broadcast_in_dim3A_1652 : f32 to vector<16xf32>
        %select_n3A_1654 = arith.select %eq3A_1633, %gather3A_1600, %broadcast_in_dim3A_1653 : vector<16xi1>, vector<16xf32>
        %broadcast_in_dim3A_1655 = arith.constant 5 : i32
        %broadcast_in_dim3A_1656 = vector.broadcast %broadcast_in_dim3A_1655 : i32 to vector<16xi32>
        %scatter3A_1657 = arith.constant 0 : i32
        %scatter3A_1658 = arith.constant 0 : i32
        %scatter3A_1659 = tpu.memref_slice %arg12[%and3A_1536, %scatter3A_1657, %scatter3A_1658] : memref<2x80x16xf32, #tpu.memory_space<vmem>> -> memref<1x80x16xf32, #tpu.memory_space<vmem>>
        %scatter3A_1660 = tpu.memref_squeeze %scatter3A_1659 : memref<1x80x16xf32, #tpu.memory_space<vmem>> -> memref<80x16xf32, #tpu.memory_space<vmem>>
        tpu.vector_store_idx %scatter3A_1660[%add3A_1603, %broadcast_in_dim3A_1656], %select_n3A_1654 : memref<80x16xf32, #tpu.memory_space<vmem>>[vector<16xi32>, vector<16xi32>], vector<16xf32>,
        %eq3A_1661 = arith.constant 6 : i32
        %eq3A_1662 = vector.broadcast %eq3A_1661 : i32 to vector<16xi32>
        %eq3A_1663 = arith.cmpi eq, %mul3A_1573, %eq3A_1662 : vector<16xi32>
        %broadcast_in_dim3A_1664 = arith.constant 0.000000e+00 : f32
        %broadcast_in_dim3A_1665 = vector.broadcast %broadcast_in_dim3A_1664 : f32 to vector<16xf32>
        %select_n3A_1666 = arith.select %eq3A_1663, %gather3A_1580, %broadcast_in_dim3A_1665 : vector<16xi1>, vector<16xf32>
        %broadcast_in_dim3A_1667 = arith.constant 6 : i32
        %broadcast_in_dim3A_1668 = vector.broadcast %broadcast_in_dim3A_1667 : i32 to vector<16xi32>
        %scatter3A_1669 = arith.constant 0 : i32
        %scatter3A_1670 = arith.constant 0 : i32
        %scatter3A_1671 = tpu.memref_slice %arg12[%and3A_1536, %scatter3A_1669, %scatter3A_1670] : memref<2x80x16xf32, #tpu.memory_space<vmem>> -> memref<1x80x16xf32, #tpu.memory_space<vmem>>
        %scatter3A_1672 = tpu.memref_squeeze %scatter3A_1671 : memref<1x80x16xf32, #tpu.memory_space<vmem>> -> memref<80x16xf32, #tpu.memory_space<vmem>>
        tpu.vector_store_idx %scatter3A_1672[%add3A_1603, %broadcast_in_dim3A_1668], %select_n3A_1666 : memref<80x16xf32, #tpu.memory_space<vmem>>[vector<16xi32>, vector<16xi32>], vector<16xf32>,
        %broadcast_in_dim3A_1673 = arith.constant 0.000000e+00 : f32
        %broadcast_in_dim3A_1674 = vector.broadcast %broadcast_in_dim3A_1673 : f32 to vector<16xf32>
        %select_n3A_1675 = arith.select %eq3A_1663, %gather3A_1590, %broadcast_in_dim3A_1674 : vector<16xi1>, vector<16xf32>
        %broadcast_in_dim3A_1676 = arith.constant 7 : i32
        %broadcast_in_dim3A_1677 = vector.broadcast %broadcast_in_dim3A_1676 : i32 to vector<16xi32>
        %scatter3A_1678 = arith.constant 0 : i32
        %scatter3A_1679 = arith.constant 0 : i32
        %scatter3A_1680 = tpu.memref_slice %arg12[%and3A_1536, %scatter3A_1678, %scatter3A_1679] : memref<2x80x16xf32, #tpu.memory_space<vmem>> -> memref<1x80x16xf32, #tpu.memory_space<vmem>>
        %scatter3A_1681 = tpu.memref_squeeze %scatter3A_1680 : memref<1x80x16xf32, #tpu.memory_space<vmem>> -> memref<80x16xf32, #tpu.memory_space<vmem>>
        tpu.vector_store_idx %scatter3A_1681[%add3A_1603, %broadcast_in_dim3A_1677], %select_n3A_1675 : memref<80x16xf32, #tpu.memory_space<vmem>>[vector<16xi32>, vector<16xi32>], vector<16xf32>,
        %broadcast_in_dim3A_1682 = arith.constant 0.000000e+00 : f32
        %broadcast_in_dim3A_1683 = vector.broadcast %broadcast_in_dim3A_1682 : f32 to vector<16xf32>
        %select_n3A_1684 = arith.select %eq3A_1663, %gather3A_1600, %broadcast_in_dim3A_1683 : vector<16xi1>, vector<16xf32>
        %broadcast_in_dim3A_1685 = arith.constant 8 : i32
        %broadcast_in_dim3A_1686 = vector.broadcast %broadcast_in_dim3A_1685 : i32 to vector<16xi32>
        %scatter3A_1687 = arith.constant 0 : i32
        %scatter3A_1688 = arith.constant 0 : i32
        %scatter3A_1689 = tpu.memref_slice %arg12[%and3A_1536, %scatter3A_1687, %scatter3A_1688] : memref<2x80x16xf32, #tpu.memory_space<vmem>> -> memref<1x80x16xf32, #tpu.memory_space<vmem>>
        %scatter3A_1690 = tpu.memref_squeeze %scatter3A_1689 : memref<1x80x16xf32, #tpu.memory_space<vmem>> -> memref<80x16xf32, #tpu.memory_space<vmem>>
        tpu.vector_store_idx %scatter3A_1690[%add3A_1603, %broadcast_in_dim3A_1686], %select_n3A_1684 : memref<80x16xf32, #tpu.memory_space<vmem>>[vector<16xi32>, vector<16xi32>], vector<16xf32>,
        %eq3A_1691 = arith.constant 9 : i32
        %eq3A_1692 = vector.broadcast %eq3A_1691 : i32 to vector<16xi32>
        %eq3A_1693 = arith.cmpi eq, %mul3A_1573, %eq3A_1692 : vector<16xi32>
        %broadcast_in_dim3A_1694 = arith.constant 0.000000e+00 : f32
        %broadcast_in_dim3A_1695 = vector.broadcast %broadcast_in_dim3A_1694 : f32 to vector<16xf32>
        %select_n3A_1696 = arith.select %eq3A_1693, %gather3A_1580, %broadcast_in_dim3A_1695 : vector<16xi1>, vector<16xf32>
        %broadcast_in_dim3A_1697 = arith.constant 9 : i32
        %broadcast_in_dim3A_1698 = vector.broadcast %broadcast_in_dim3A_1697 : i32 to vector<16xi32>
        %scatter3A_1699 = arith.constant 0 : i32
        %scatter3A_1700 = arith.constant 0 : i32
        %scatter3A_1701 = tpu.memref_slice %arg12[%and3A_1536, %scatter3A_1699, %scatter3A_1700] : memref<2x80x16xf32, #tpu.memory_space<vmem>> -> memref<1x80x16xf32, #tpu.memory_space<vmem>>
        %scatter3A_1702 = tpu.memref_squeeze %scatter3A_1701 : memref<1x80x16xf32, #tpu.memory_space<vmem>> -> memref<80x16xf32, #tpu.memory_space<vmem>>
        tpu.vector_store_idx %scatter3A_1702[%add3A_1603, %broadcast_in_dim3A_1698], %select_n3A_1696 : memref<80x16xf32, #tpu.memory_space<vmem>>[vector<16xi32>, vector<16xi32>], vector<16xf32>,
        %broadcast_in_dim3A_1703 = arith.constant 0.000000e+00 : f32
        %broadcast_in_dim3A_1704 = vector.broadcast %broadcast_in_dim3A_1703 : f32 to vector<16xf32>
        %select_n3A_1705 = arith.select %eq3A_1693, %gather3A_1590, %broadcast_in_dim3A_1704 : vector<16xi1>, vector<16xf32>
        %broadcast_in_dim3A_1706 = arith.constant 10 : i32
        %broadcast_in_dim3A_1707 = vector.broadcast %broadcast_in_dim3A_1706 : i32 to vector<16xi32>
        %scatter3A_1708 = arith.constant 0 : i32
        %scatter3A_1709 = arith.constant 0 : i32
        %scatter3A_1710 = tpu.memref_slice %arg12[%and3A_1536, %scatter3A_1708, %scatter3A_1709] : memref<2x80x16xf32, #tpu.memory_space<vmem>> -> memref<1x80x16xf32, #tpu.memory_space<vmem>>
        %scatter3A_1711 = tpu.memref_squeeze %scatter3A_1710 : memref<1x80x16xf32, #tpu.memory_space<vmem>> -> memref<80x16xf32, #tpu.memory_space<vmem>>
        tpu.vector_store_idx %scatter3A_1711[%add3A_1603, %broadcast_in_dim3A_1707], %select_n3A_1705 : memref<80x16xf32, #tpu.memory_space<vmem>>[vector<16xi32>, vector<16xi32>], vector<16xf32>,
        %broadcast_in_dim3A_1712 = arith.constant 0.000000e+00 : f32
        %broadcast_in_dim3A_1713 = vector.broadcast %broadcast_in_dim3A_1712 : f32 to vector<16xf32>
        %select_n3A_1714 = arith.select %eq3A_1693, %gather3A_1600, %broadcast_in_dim3A_1713 : vector<16xi1>, vector<16xf32>
        %broadcast_in_dim3A_1715 = arith.constant 11 : i32
        %broadcast_in_dim3A_1716 = vector.broadcast %broadcast_in_dim3A_1715 : i32 to vector<16xi32>
        %scatter3A_1717 = arith.constant 0 : i32
        %scatter3A_1718 = arith.constant 0 : i32
        %scatter3A_1719 = tpu.memref_slice %arg12[%and3A_1536, %scatter3A_1717, %scatter3A_1718] : memref<2x80x16xf32, #tpu.memory_space<vmem>> -> memref<1x80x16xf32, #tpu.memory_space<vmem>>
        %scatter3A_1720 = tpu.memref_squeeze %scatter3A_1719 : memref<1x80x16xf32, #tpu.memory_space<vmem>> -> memref<80x16xf32, #tpu.memory_space<vmem>>
        tpu.vector_store_idx %scatter3A_1720[%add3A_1603, %broadcast_in_dim3A_1716], %select_n3A_1714 : memref<80x16xf32, #tpu.memory_space<vmem>>[vector<16xi32>, vector<16xi32>], vector<16xf32>,
        %get3A_1721 = arith.constant 0 : i32
        %get3A_1722 = tpu.memref_slice %arg9[%and3A_1479, %get3A_1721] : memref<2x800xi32, #tpu.memory_space<vmem>> -> memref<1x800xi32, #tpu.memory_space<vmem>>
        %get3A_1723 = tpu.memref_squeeze %get3A_1722 : memref<1x800xi32, #tpu.memory_space<vmem>> -> memref<800xi32, #tpu.memory_space<vmem>>
        %get3A_1724 = arith.index_cast %add3A_1552 : i32 to index
        %get3A_1725 = tpu.vector_load %get3A_1723[%get3A_1724] {strides = array<i32>} : memref<800xi32, #tpu.memory_space<vmem>>, vector<16xi32>,
        %swap3A_1726 = arith.index_cast %and3A_1536 : i32 to index
        %swap3A_1727 = arith.constant 0 : index
        %swap3A_1728 = tpu.vector_load %arg11[%swap3A_1726, %swap3A_1727] {strides = array<i32>} : memref<2x80xi32, #tpu.memory_space<vmem>>, vector<16xi32>,
        tpu.vector_store %arg11[%swap3A_1726, %swap3A_1727], %get3A_1725 {strides = array<i32>} : memref<2x80xi32, #tpu.memory_space<vmem>>, vector<16xi32>,
        %add3A_1729 = arith.constant 16 : i32
        %add3A_1730 = arith.addi %mul3A_1550, %add3A_1729 : i32
        %add3A_1731 = vector.broadcast %add3A_1730 : i32 to vector<16xi32>
        %add3A_1732 = arith.addi %iota3A, %add3A_1731 : vector<16xi32>
        %get3A_1733 = arith.constant 0 : i32
        %get3A_1734 = tpu.memref_slice %arg8[%and3A_1479, %get3A_1733] : memref<2x800xi32, #tpu.memory_space<vmem>> -> memref<1x800xi32, #tpu.memory_space<vmem>>
        %get3A_1735 = tpu.memref_squeeze %get3A_1734 : memref<1x800xi32, #tpu.memory_space<vmem>> -> memref<800xi32, #tpu.memory_space<vmem>>
        %get3A_1736 = arith.index_cast %add3A_1730 : i32 to index
        %get3A_1737 = tpu.vector_load %get3A_1735[%get3A_1736] {strides = array<i32>} : memref<800xi32, #tpu.memory_space<vmem>>, vector<16xi32>,
        %and3A_1738 = arith.constant 16383 : i32
        %and3A_1739 = vector.broadcast %and3A_1738 : i32 to vector<16xi32>
        %and3A_1740 = arith.andi %get3A_1737, %and3A_1739 : vector<16xi32>
        %gather3A_1741 = tpu.vector_load_idx %arg7[%and3A_1740] : memref<16384xi32, #tpu.memory_space<vmem>>[vector<16xi32>], vector<16xi32>,
        %shift_right_arithmetic3A_1742 = arith.constant 12 : i32
        %shift_right_arithmetic3A_1743 = vector.broadcast %shift_right_arithmetic3A_1742 : i32 to vector<16xi32>
        %shift_right_arithmetic3A_1744 = arith.shrsi %get3A_1737, %shift_right_arithmetic3A_1743 : vector<16xi32>
        %and3A_1745 = arith.constant 28 : i32
        %and3A_1746 = vector.broadcast %and3A_1745 : i32 to vector<16xi32>
        %and3A_1747 = arith.andi %shift_right_arithmetic3A_1744, %and3A_1746 : vector<16xi32>
        %shift_right_arithmetic3A_1748 = arith.shrsi %gather3A_1741, %and3A_1747 : vector<16xi32>
        %and3A_1749 = arith.constant 15 : i32
        %and3A_1750 = vector.broadcast %and3A_1749 : i32 to vector<16xi32>
        %and3A_1751 = arith.andi %shift_right_arithmetic3A_1748, %and3A_1750 : vector<16xi32>
        %mul3A_1752 = arith.constant 3 : i32
        %mul3A_1753 = vector.broadcast %mul3A_1752 : i32 to vector<16xi32>
        %mul3A_1754 = arith.muli %and3A_1751, %mul3A_1753 : vector<16xi32>
        %mul3A_1755 = arith.constant 3 : i32
        %mul3A_1756 = vector.broadcast %mul3A_1755 : i32 to vector<16xi32>
        %mul3A_1757 = arith.muli %mul3A_1756, %add3A_1732 : vector<16xi32>
        %gather3A_1758 = arith.constant 0 : i32
        %gather3A_1759 = tpu.memref_slice %arg10[%and3A_1479, %gather3A_1758] : memref<2x2400xf32, #tpu.memory_space<vmem>> -> memref<1x2400xf32, #tpu.memory_space<vmem>>
        %gather3A_1760 = tpu.memref_squeeze %gather3A_1759 : memref<1x2400xf32, #tpu.memory_space<vmem>> -> memref<2400xf32, #tpu.memory_space<vmem>>
        %gather3A_1761 = tpu.vector_load_idx %gather3A_1760[%mul3A_1757] : memref<2400xf32, #tpu.memory_space<vmem>>[vector<16xi32>], vector<16xf32>,
        %mul3A_1762 = arith.constant 3 : i32
        %mul3A_1763 = vector.broadcast %mul3A_1762 : i32 to vector<16xi32>
        %mul3A_1764 = arith.muli %mul3A_1763, %add3A_1732 : vector<16xi32>
        %add3A_1765 = arith.constant 1 : i32
        %add3A_1766 = vector.broadcast %add3A_1765 : i32 to vector<16xi32>
        %add3A_1767 = arith.addi %mul3A_1764, %add3A_1766 : vector<16xi32>
        %gather3A_1768 = arith.constant 0 : i32
        %gather3A_1769 = tpu.memref_slice %arg10[%and3A_1479, %gather3A_1768] : memref<2x2400xf32, #tpu.memory_space<vmem>> -> memref<1x2400xf32, #tpu.memory_space<vmem>>
        %gather3A_1770 = tpu.memref_squeeze %gather3A_1769 : memref<1x2400xf32, #tpu.memory_space<vmem>> -> memref<2400xf32, #tpu.memory_space<vmem>>
        %gather3A_1771 = tpu.vector_load_idx %gather3A_1770[%add3A_1767] : memref<2400xf32, #tpu.memory_space<vmem>>[vector<16xi32>], vector<16xf32>,
        %mul3A_1772 = arith.constant 3 : i32
        %mul3A_1773 = vector.broadcast %mul3A_1772 : i32 to vector<16xi32>
        %mul3A_1774 = arith.muli %mul3A_1773, %add3A_1732 : vector<16xi32>
        %add3A_1775 = arith.constant 2 : i32
        %add3A_1776 = vector.broadcast %add3A_1775 : i32 to vector<16xi32>
        %add3A_1777 = arith.addi %mul3A_1774, %add3A_1776 : vector<16xi32>
        %gather3A_1778 = arith.constant 0 : i32
        %gather3A_1779 = tpu.memref_slice %arg10[%and3A_1479, %gather3A_1778] : memref<2x2400xf32, #tpu.memory_space<vmem>> -> memref<1x2400xf32, #tpu.memory_space<vmem>>
        %gather3A_1780 = tpu.memref_squeeze %gather3A_1779 : memref<1x2400xf32, #tpu.memory_space<vmem>> -> memref<2400xf32, #tpu.memory_space<vmem>>
        %gather3A_1781 = tpu.vector_load_idx %gather3A_1780[%add3A_1777] : memref<2400xf32, #tpu.memory_space<vmem>>[vector<16xi32>], vector<16xf32>,
        %add3A_1782 = arith.constant 16 : i32
        %add3A_1783 = vector.broadcast %add3A_1782 : i32 to vector<16xi32>
        %add3A_1784 = arith.addi %iota3A, %add3A_1783 : vector<16xi32>
        %eq3A_1785 = arith.constant 0 : i32
        %eq3A_1786 = vector.broadcast %eq3A_1785 : i32 to vector<16xi32>
        %eq3A_1787 = arith.cmpi eq, %mul3A_1754, %eq3A_1786 : vector<16xi32>
        %broadcast_in_dim3A_1788 = arith.constant 0.000000e+00 : f32
        %broadcast_in_dim3A_1789 = vector.broadcast %broadcast_in_dim3A_1788 : f32 to vector<16xf32>
        %select_n3A_1790 = arith.select %eq3A_1787, %gather3A_1761, %broadcast_in_dim3A_1789 : vector<16xi1>, vector<16xf32>
        %broadcast_in_dim3A_1791 = arith.constant 0 : i32
        %broadcast_in_dim3A_1792 = vector.broadcast %broadcast_in_dim3A_1791 : i32 to vector<16xi32>
        %scatter3A_1793 = arith.constant 0 : i32
        %scatter3A_1794 = arith.constant 0 : i32
        %scatter3A_1795 = tpu.memref_slice %arg12[%and3A_1536, %scatter3A_1793, %scatter3A_1794] : memref<2x80x16xf32, #tpu.memory_space<vmem>> -> memref<1x80x16xf32, #tpu.memory_space<vmem>>
        %scatter3A_1796 = tpu.memref_squeeze %scatter3A_1795 : memref<1x80x16xf32, #tpu.memory_space<vmem>> -> memref<80x16xf32, #tpu.memory_space<vmem>>
        tpu.vector_store_idx %scatter3A_1796[%add3A_1784, %broadcast_in_dim3A_1792], %select_n3A_1790 : memref<80x16xf32, #tpu.memory_space<vmem>>[vector<16xi32>, vector<16xi32>], vector<16xf32>,
        %broadcast_in_dim3A_1797 = arith.constant 0.000000e+00 : f32
        %broadcast_in_dim3A_1798 = vector.broadcast %broadcast_in_dim3A_1797 : f32 to vector<16xf32>
        %select_n3A_1799 = arith.select %eq3A_1787, %gather3A_1771, %broadcast_in_dim3A_1798 : vector<16xi1>, vector<16xf32>
        %broadcast_in_dim3A_1800 = arith.constant 1 : i32
        %broadcast_in_dim3A_1801 = vector.broadcast %broadcast_in_dim3A_1800 : i32 to vector<16xi32>
        %scatter3A_1802 = arith.constant 0 : i32
        %scatter3A_1803 = arith.constant 0 : i32
        %scatter3A_1804 = tpu.memref_slice %arg12[%and3A_1536, %scatter3A_1802, %scatter3A_1803] : memref<2x80x16xf32, #tpu.memory_space<vmem>> -> memref<1x80x16xf32, #tpu.memory_space<vmem>>
        %scatter3A_1805 = tpu.memref_squeeze %scatter3A_1804 : memref<1x80x16xf32, #tpu.memory_space<vmem>> -> memref<80x16xf32, #tpu.memory_space<vmem>>
        tpu.vector_store_idx %scatter3A_1805[%add3A_1784, %broadcast_in_dim3A_1801], %select_n3A_1799 : memref<80x16xf32, #tpu.memory_space<vmem>>[vector<16xi32>, vector<16xi32>], vector<16xf32>,
        %broadcast_in_dim3A_1806 = arith.constant 0.000000e+00 : f32
        %broadcast_in_dim3A_1807 = vector.broadcast %broadcast_in_dim3A_1806 : f32 to vector<16xf32>
        %select_n3A_1808 = arith.select %eq3A_1787, %gather3A_1781, %broadcast_in_dim3A_1807 : vector<16xi1>, vector<16xf32>
        %broadcast_in_dim3A_1809 = arith.constant 2 : i32
        %broadcast_in_dim3A_1810 = vector.broadcast %broadcast_in_dim3A_1809 : i32 to vector<16xi32>
        %scatter3A_1811 = arith.constant 0 : i32
        %scatter3A_1812 = arith.constant 0 : i32
        %scatter3A_1813 = tpu.memref_slice %arg12[%and3A_1536, %scatter3A_1811, %scatter3A_1812] : memref<2x80x16xf32, #tpu.memory_space<vmem>> -> memref<1x80x16xf32, #tpu.memory_space<vmem>>
        %scatter3A_1814 = tpu.memref_squeeze %scatter3A_1813 : memref<1x80x16xf32, #tpu.memory_space<vmem>> -> memref<80x16xf32, #tpu.memory_space<vmem>>
        tpu.vector_store_idx %scatter3A_1814[%add3A_1784, %broadcast_in_dim3A_1810], %select_n3A_1808 : memref<80x16xf32, #tpu.memory_space<vmem>>[vector<16xi32>, vector<16xi32>], vector<16xf32>,
        %eq3A_1815 = arith.constant 3 : i32
        %eq3A_1816 = vector.broadcast %eq3A_1815 : i32 to vector<16xi32>
        %eq3A_1817 = arith.cmpi eq, %mul3A_1754, %eq3A_1816 : vector<16xi32>
        %broadcast_in_dim3A_1818 = arith.constant 0.000000e+00 : f32
        %broadcast_in_dim3A_1819 = vector.broadcast %broadcast_in_dim3A_1818 : f32 to vector<16xf32>
        %select_n3A_1820 = arith.select %eq3A_1817, %gather3A_1761, %broadcast_in_dim3A_1819 : vector<16xi1>, vector<16xf32>
        %broadcast_in_dim3A_1821 = arith.constant 3 : i32
        %broadcast_in_dim3A_1822 = vector.broadcast %broadcast_in_dim3A_1821 : i32 to vector<16xi32>
        %scatter3A_1823 = arith.constant 0 : i32
        %scatter3A_1824 = arith.constant 0 : i32
        %scatter3A_1825 = tpu.memref_slice %arg12[%and3A_1536, %scatter3A_1823, %scatter3A_1824] : memref<2x80x16xf32, #tpu.memory_space<vmem>> -> memref<1x80x16xf32, #tpu.memory_space<vmem>>
        %scatter3A_1826 = tpu.memref_squeeze %scatter3A_1825 : memref<1x80x16xf32, #tpu.memory_space<vmem>> -> memref<80x16xf32, #tpu.memory_space<vmem>>
        tpu.vector_store_idx %scatter3A_1826[%add3A_1784, %broadcast_in_dim3A_1822], %select_n3A_1820 : memref<80x16xf32, #tpu.memory_space<vmem>>[vector<16xi32>, vector<16xi32>], vector<16xf32>,
        %broadcast_in_dim3A_1827 = arith.constant 0.000000e+00 : f32
        %broadcast_in_dim3A_1828 = vector.broadcast %broadcast_in_dim3A_1827 : f32 to vector<16xf32>
        %select_n3A_1829 = arith.select %eq3A_1817, %gather3A_1771, %broadcast_in_dim3A_1828 : vector<16xi1>, vector<16xf32>
        %broadcast_in_dim3A_1830 = arith.constant 4 : i32
        %broadcast_in_dim3A_1831 = vector.broadcast %broadcast_in_dim3A_1830 : i32 to vector<16xi32>
        %scatter3A_1832 = arith.constant 0 : i32
        %scatter3A_1833 = arith.constant 0 : i32
        %scatter3A_1834 = tpu.memref_slice %arg12[%and3A_1536, %scatter3A_1832, %scatter3A_1833] : memref<2x80x16xf32, #tpu.memory_space<vmem>> -> memref<1x80x16xf32, #tpu.memory_space<vmem>>
        %scatter3A_1835 = tpu.memref_squeeze %scatter3A_1834 : memref<1x80x16xf32, #tpu.memory_space<vmem>> -> memref<80x16xf32, #tpu.memory_space<vmem>>
        tpu.vector_store_idx %scatter3A_1835[%add3A_1784, %broadcast_in_dim3A_1831], %select_n3A_1829 : memref<80x16xf32, #tpu.memory_space<vmem>>[vector<16xi32>, vector<16xi32>], vector<16xf32>,
        %broadcast_in_dim3A_1836 = arith.constant 0.000000e+00 : f32
        %broadcast_in_dim3A_1837 = vector.broadcast %broadcast_in_dim3A_1836 : f32 to vector<16xf32>
        %select_n3A_1838 = arith.select %eq3A_1817, %gather3A_1781, %broadcast_in_dim3A_1837 : vector<16xi1>, vector<16xf32>
        %broadcast_in_dim3A_1839 = arith.constant 5 : i32
        %broadcast_in_dim3A_1840 = vector.broadcast %broadcast_in_dim3A_1839 : i32 to vector<16xi32>
        %scatter3A_1841 = arith.constant 0 : i32
        %scatter3A_1842 = arith.constant 0 : i32
        %scatter3A_1843 = tpu.memref_slice %arg12[%and3A_1536, %scatter3A_1841, %scatter3A_1842] : memref<2x80x16xf32, #tpu.memory_space<vmem>> -> memref<1x80x16xf32, #tpu.memory_space<vmem>>
        %scatter3A_1844 = tpu.memref_squeeze %scatter3A_1843 : memref<1x80x16xf32, #tpu.memory_space<vmem>> -> memref<80x16xf32, #tpu.memory_space<vmem>>
        tpu.vector_store_idx %scatter3A_1844[%add3A_1784, %broadcast_in_dim3A_1840], %select_n3A_1838 : memref<80x16xf32, #tpu.memory_space<vmem>>[vector<16xi32>, vector<16xi32>], vector<16xf32>,
        %eq3A_1845 = arith.constant 6 : i32
        %eq3A_1846 = vector.broadcast %eq3A_1845 : i32 to vector<16xi32>
        %eq3A_1847 = arith.cmpi eq, %mul3A_1754, %eq3A_1846 : vector<16xi32>
        %broadcast_in_dim3A_1848 = arith.constant 0.000000e+00 : f32
        %broadcast_in_dim3A_1849 = vector.broadcast %broadcast_in_dim3A_1848 : f32 to vector<16xf32>
        %select_n3A_1850 = arith.select %eq3A_1847, %gather3A_1761, %broadcast_in_dim3A_1849 : vector<16xi1>, vector<16xf32>
        %broadcast_in_dim3A_1851 = arith.constant 6 : i32
        %broadcast_in_dim3A_1852 = vector.broadcast %broadcast_in_dim3A_1851 : i32 to vector<16xi32>
        %scatter3A_1853 = arith.constant 0 : i32
        %scatter3A_1854 = arith.constant 0 : i32
        %scatter3A_1855 = tpu.memref_slice %arg12[%and3A_1536, %scatter3A_1853, %scatter3A_1854] : memref<2x80x16xf32, #tpu.memory_space<vmem>> -> memref<1x80x16xf32, #tpu.memory_space<vmem>>
        %scatter3A_1856 = tpu.memref_squeeze %scatter3A_1855 : memref<1x80x16xf32, #tpu.memory_space<vmem>> -> memref<80x16xf32, #tpu.memory_space<vmem>>
        tpu.vector_store_idx %scatter3A_1856[%add3A_1784, %broadcast_in_dim3A_1852], %select_n3A_1850 : memref<80x16xf32, #tpu.memory_space<vmem>>[vector<16xi32>, vector<16xi32>], vector<16xf32>,
        %broadcast_in_dim3A_1857 = arith.constant 0.000000e+00 : f32
        %broadcast_in_dim3A_1858 = vector.broadcast %broadcast_in_dim3A_1857 : f32 to vector<16xf32>
        %select_n3A_1859 = arith.select %eq3A_1847, %gather3A_1771, %broadcast_in_dim3A_1858 : vector<16xi1>, vector<16xf32>
        %broadcast_in_dim3A_1860 = arith.constant 7 : i32
        %broadcast_in_dim3A_1861 = vector.broadcast %broadcast_in_dim3A_1860 : i32 to vector<16xi32>
        %scatter3A_1862 = arith.constant 0 : i32
        %scatter3A_1863 = arith.constant 0 : i32
        %scatter3A_1864 = tpu.memref_slice %arg12[%and3A_1536, %scatter3A_1862, %scatter3A_1863] : memref<2x80x16xf32, #tpu.memory_space<vmem>> -> memref<1x80x16xf32, #tpu.memory_space<vmem>>
        %scatter3A_1865 = tpu.memref_squeeze %scatter3A_1864 : memref<1x80x16xf32, #tpu.memory_space<vmem>> -> memref<80x16xf32, #tpu.memory_space<vmem>>
        tpu.vector_store_idx %scatter3A_1865[%add3A_1784, %broadcast_in_dim3A_1861], %select_n3A_1859 : memref<80x16xf32, #tpu.memory_space<vmem>>[vector<16xi32>, vector<16xi32>], vector<16xf32>,
        %broadcast_in_dim3A_1866 = arith.constant 0.000000e+00 : f32
        %broadcast_in_dim3A_1867 = vector.broadcast %broadcast_in_dim3A_1866 : f32 to vector<16xf32>
        %select_n3A_1868 = arith.select %eq3A_1847, %gather3A_1781, %broadcast_in_dim3A_1867 : vector<16xi1>, vector<16xf32>
        %broadcast_in_dim3A_1869 = arith.constant 8 : i32
        %broadcast_in_dim3A_1870 = vector.broadcast %broadcast_in_dim3A_1869 : i32 to vector<16xi32>
        %scatter3A_1871 = arith.constant 0 : i32
        %scatter3A_1872 = arith.constant 0 : i32
        %scatter3A_1873 = tpu.memref_slice %arg12[%and3A_1536, %scatter3A_1871, %scatter3A_1872] : memref<2x80x16xf32, #tpu.memory_space<vmem>> -> memref<1x80x16xf32, #tpu.memory_space<vmem>>
        %scatter3A_1874 = tpu.memref_squeeze %scatter3A_1873 : memref<1x80x16xf32, #tpu.memory_space<vmem>> -> memref<80x16xf32, #tpu.memory_space<vmem>>
        tpu.vector_store_idx %scatter3A_1874[%add3A_1784, %broadcast_in_dim3A_1870], %select_n3A_1868 : memref<80x16xf32, #tpu.memory_space<vmem>>[vector<16xi32>, vector<16xi32>], vector<16xf32>,
        %eq3A_1875 = arith.constant 9 : i32
        %eq3A_1876 = vector.broadcast %eq3A_1875 : i32 to vector<16xi32>
        %eq3A_1877 = arith.cmpi eq, %mul3A_1754, %eq3A_1876 : vector<16xi32>
        %broadcast_in_dim3A_1878 = arith.constant 0.000000e+00 : f32
        %broadcast_in_dim3A_1879 = vector.broadcast %broadcast_in_dim3A_1878 : f32 to vector<16xf32>
        %select_n3A_1880 = arith.select %eq3A_1877, %gather3A_1761, %broadcast_in_dim3A_1879 : vector<16xi1>, vector<16xf32>
        %broadcast_in_dim3A_1881 = arith.constant 9 : i32
        %broadcast_in_dim3A_1882 = vector.broadcast %broadcast_in_dim3A_1881 : i32 to vector<16xi32>
        %scatter3A_1883 = arith.constant 0 : i32
        %scatter3A_1884 = arith.constant 0 : i32
        %scatter3A_1885 = tpu.memref_slice %arg12[%and3A_1536, %scatter3A_1883, %scatter3A_1884] : memref<2x80x16xf32, #tpu.memory_space<vmem>> -> memref<1x80x16xf32, #tpu.memory_space<vmem>>
        %scatter3A_1886 = tpu.memref_squeeze %scatter3A_1885 : memref<1x80x16xf32, #tpu.memory_space<vmem>> -> memref<80x16xf32, #tpu.memory_space<vmem>>
        tpu.vector_store_idx %scatter3A_1886[%add3A_1784, %broadcast_in_dim3A_1882], %select_n3A_1880 : memref<80x16xf32, #tpu.memory_space<vmem>>[vector<16xi32>, vector<16xi32>], vector<16xf32>,
        %broadcast_in_dim3A_1887 = arith.constant 0.000000e+00 : f32
        %broadcast_in_dim3A_1888 = vector.broadcast %broadcast_in_dim3A_1887 : f32 to vector<16xf32>
        %select_n3A_1889 = arith.select %eq3A_1877, %gather3A_1771, %broadcast_in_dim3A_1888 : vector<16xi1>, vector<16xf32>
        %broadcast_in_dim3A_1890 = arith.constant 10 : i32
        %broadcast_in_dim3A_1891 = vector.broadcast %broadcast_in_dim3A_1890 : i32 to vector<16xi32>
        %scatter3A_1892 = arith.constant 0 : i32
        %scatter3A_1893 = arith.constant 0 : i32
        %scatter3A_1894 = tpu.memref_slice %arg12[%and3A_1536, %scatter3A_1892, %scatter3A_1893] : memref<2x80x16xf32, #tpu.memory_space<vmem>> -> memref<1x80x16xf32, #tpu.memory_space<vmem>>
        %scatter3A_1895 = tpu.memref_squeeze %scatter3A_1894 : memref<1x80x16xf32, #tpu.memory_space<vmem>> -> memref<80x16xf32, #tpu.memory_space<vmem>>
        tpu.vector_store_idx %scatter3A_1895[%add3A_1784, %broadcast_in_dim3A_1891], %select_n3A_1889 : memref<80x16xf32, #tpu.memory_space<vmem>>[vector<16xi32>, vector<16xi32>], vector<16xf32>,
        %broadcast_in_dim3A_1896 = arith.constant 0.000000e+00 : f32
        %broadcast_in_dim3A_1897 = vector.broadcast %broadcast_in_dim3A_1896 : f32 to vector<16xf32>
        %select_n3A_1898 = arith.select %eq3A_1877, %gather3A_1781, %broadcast_in_dim3A_1897 : vector<16xi1>, vector<16xf32>
        %broadcast_in_dim3A_1899 = arith.constant 11 : i32
        %broadcast_in_dim3A_1900 = vector.broadcast %broadcast_in_dim3A_1899 : i32 to vector<16xi32>
        %scatter3A_1901 = arith.constant 0 : i32
        %scatter3A_1902 = arith.constant 0 : i32
        %scatter3A_1903 = tpu.memref_slice %arg12[%and3A_1536, %scatter3A_1901, %scatter3A_1902] : memref<2x80x16xf32, #tpu.memory_space<vmem>> -> memref<1x80x16xf32, #tpu.memory_space<vmem>>
        %scatter3A_1904 = tpu.memref_squeeze %scatter3A_1903 : memref<1x80x16xf32, #tpu.memory_space<vmem>> -> memref<80x16xf32, #tpu.memory_space<vmem>>
        tpu.vector_store_idx %scatter3A_1904[%add3A_1784, %broadcast_in_dim3A_1900], %select_n3A_1898 : memref<80x16xf32, #tpu.memory_space<vmem>>[vector<16xi32>, vector<16xi32>], vector<16xf32>,
        %get3A_1905 = arith.constant 0 : i32
        %get3A_1906 = tpu.memref_slice %arg9[%and3A_1479, %get3A_1905] : memref<2x800xi32, #tpu.memory_space<vmem>> -> memref<1x800xi32, #tpu.memory_space<vmem>>
        %get3A_1907 = tpu.memref_squeeze %get3A_1906 : memref<1x800xi32, #tpu.memory_space<vmem>> -> memref<800xi32, #tpu.memory_space<vmem>>
        %get3A_1908 = arith.index_cast %add3A_1730 : i32 to index
        %get3A_1909 = tpu.vector_load %get3A_1907[%get3A_1908] {strides = array<i32>} : memref<800xi32, #tpu.memory_space<vmem>>, vector<16xi32>,
        %swap3A_1910 = arith.index_cast %and3A_1536 : i32 to index
        %swap3A_1911 = arith.constant 16 : index
        %swap3A_1912 = tpu.vector_load %arg11[%swap3A_1910, %swap3A_1911] {strides = array<i32>} : memref<2x80xi32, #tpu.memory_space<vmem>>, vector<16xi32>,
        tpu.vector_store %arg11[%swap3A_1910, %swap3A_1911], %get3A_1909 {strides = array<i32>} : memref<2x80xi32, #tpu.memory_space<vmem>>, vector<16xi32>,
        %add3A_1913 = arith.constant 32 : i32
        %add3A_1914 = arith.addi %mul3A_1550, %add3A_1913 : i32
        %add3A_1915 = vector.broadcast %add3A_1914 : i32 to vector<16xi32>
        %add3A_1916 = arith.addi %iota3A, %add3A_1915 : vector<16xi32>
        %get3A_1917 = arith.constant 0 : i32
        %get3A_1918 = tpu.memref_slice %arg8[%and3A_1479, %get3A_1917] : memref<2x800xi32, #tpu.memory_space<vmem>> -> memref<1x800xi32, #tpu.memory_space<vmem>>
        %get3A_1919 = tpu.memref_squeeze %get3A_1918 : memref<1x800xi32, #tpu.memory_space<vmem>> -> memref<800xi32, #tpu.memory_space<vmem>>
        %get3A_1920 = arith.index_cast %add3A_1914 : i32 to index
        %get3A_1921 = tpu.vector_load %get3A_1919[%get3A_1920] {strides = array<i32>} : memref<800xi32, #tpu.memory_space<vmem>>, vector<16xi32>,
        %and3A_1922 = arith.constant 16383 : i32
        %and3A_1923 = vector.broadcast %and3A_1922 : i32 to vector<16xi32>
        %and3A_1924 = arith.andi %get3A_1921, %and3A_1923 : vector<16xi32>
        %gather3A_1925 = tpu.vector_load_idx %arg7[%and3A_1924] : memref<16384xi32, #tpu.memory_space<vmem>>[vector<16xi32>], vector<16xi32>,
        %shift_right_arithmetic3A_1926 = arith.constant 12 : i32
        %shift_right_arithmetic3A_1927 = vector.broadcast %shift_right_arithmetic3A_1926 : i32 to vector<16xi32>
        %shift_right_arithmetic3A_1928 = arith.shrsi %get3A_1921, %shift_right_arithmetic3A_1927 : vector<16xi32>
        %and3A_1929 = arith.constant 28 : i32
        %and3A_1930 = vector.broadcast %and3A_1929 : i32 to vector<16xi32>
        %and3A_1931 = arith.andi %shift_right_arithmetic3A_1928, %and3A_1930 : vector<16xi32>
        %shift_right_arithmetic3A_1932 = arith.shrsi %gather3A_1925, %and3A_1931 : vector<16xi32>
        %and3A_1933 = arith.constant 15 : i32
        %and3A_1934 = vector.broadcast %and3A_1933 : i32 to vector<16xi32>
        %and3A_1935 = arith.andi %shift_right_arithmetic3A_1932, %and3A_1934 : vector<16xi32>
        %mul3A_1936 = arith.constant 3 : i32
        %mul3A_1937 = vector.broadcast %mul3A_1936 : i32 to vector<16xi32>
        %mul3A_1938 = arith.muli %and3A_1935, %mul3A_1937 : vector<16xi32>
        %mul3A_1939 = arith.constant 3 : i32
        %mul3A_1940 = vector.broadcast %mul3A_1939 : i32 to vector<16xi32>
        %mul3A_1941 = arith.muli %mul3A_1940, %add3A_1916 : vector<16xi32>
        %gather3A_1942 = arith.constant 0 : i32
        %gather3A_1943 = tpu.memref_slice %arg10[%and3A_1479, %gather3A_1942] : memref<2x2400xf32, #tpu.memory_space<vmem>> -> memref<1x2400xf32, #tpu.memory_space<vmem>>
        %gather3A_1944 = tpu.memref_squeeze %gather3A_1943 : memref<1x2400xf32, #tpu.memory_space<vmem>> -> memref<2400xf32, #tpu.memory_space<vmem>>
        %gather3A_1945 = tpu.vector_load_idx %gather3A_1944[%mul3A_1941] : memref<2400xf32, #tpu.memory_space<vmem>>[vector<16xi32>], vector<16xf32>,
        %mul3A_1946 = arith.constant 3 : i32
        %mul3A_1947 = vector.broadcast %mul3A_1946 : i32 to vector<16xi32>
        %mul3A_1948 = arith.muli %mul3A_1947, %add3A_1916 : vector<16xi32>
        %add3A_1949 = arith.constant 1 : i32
        %add3A_1950 = vector.broadcast %add3A_1949 : i32 to vector<16xi32>
        %add3A_1951 = arith.addi %mul3A_1948, %add3A_1950 : vector<16xi32>
        %gather3A_1952 = arith.constant 0 : i32
        %gather3A_1953 = tpu.memref_slice %arg10[%and3A_1479, %gather3A_1952] : memref<2x2400xf32, #tpu.memory_space<vmem>> -> memref<1x2400xf32, #tpu.memory_space<vmem>>
        %gather3A_1954 = tpu.memref_squeeze %gather3A_1953 : memref<1x2400xf32, #tpu.memory_space<vmem>> -> memref<2400xf32, #tpu.memory_space<vmem>>
        %gather3A_1955 = tpu.vector_load_idx %gather3A_1954[%add3A_1951] : memref<2400xf32, #tpu.memory_space<vmem>>[vector<16xi32>], vector<16xf32>,
        %mul3A_1956 = arith.constant 3 : i32
        %mul3A_1957 = vector.broadcast %mul3A_1956 : i32 to vector<16xi32>
        %mul3A_1958 = arith.muli %mul3A_1957, %add3A_1916 : vector<16xi32>
        %add3A_1959 = arith.constant 2 : i32
        %add3A_1960 = vector.broadcast %add3A_1959 : i32 to vector<16xi32>
        %add3A_1961 = arith.addi %mul3A_1958, %add3A_1960 : vector<16xi32>
        %gather3A_1962 = arith.constant 0 : i32
        %gather3A_1963 = tpu.memref_slice %arg10[%and3A_1479, %gather3A_1962] : memref<2x2400xf32, #tpu.memory_space<vmem>> -> memref<1x2400xf32, #tpu.memory_space<vmem>>
        %gather3A_1964 = tpu.memref_squeeze %gather3A_1963 : memref<1x2400xf32, #tpu.memory_space<vmem>> -> memref<2400xf32, #tpu.memory_space<vmem>>
        %gather3A_1965 = tpu.vector_load_idx %gather3A_1964[%add3A_1961] : memref<2400xf32, #tpu.memory_space<vmem>>[vector<16xi32>], vector<16xf32>,
        %add3A_1966 = arith.constant 32 : i32
        %add3A_1967 = vector.broadcast %add3A_1966 : i32 to vector<16xi32>
        %add3A_1968 = arith.addi %iota3A, %add3A_1967 : vector<16xi32>
        %eq3A_1969 = arith.constant 0 : i32
        %eq3A_1970 = vector.broadcast %eq3A_1969 : i32 to vector<16xi32>
        %eq3A_1971 = arith.cmpi eq, %mul3A_1938, %eq3A_1970 : vector<16xi32>
        %broadcast_in_dim3A_1972 = arith.constant 0.000000e+00 : f32
        %broadcast_in_dim3A_1973 = vector.broadcast %broadcast_in_dim3A_1972 : f32 to vector<16xf32>
        %select_n3A_1974 = arith.select %eq3A_1971, %gather3A_1945, %broadcast_in_dim3A_1973 : vector<16xi1>, vector<16xf32>
        %broadcast_in_dim3A_1975 = arith.constant 0 : i32
        %broadcast_in_dim3A_1976 = vector.broadcast %broadcast_in_dim3A_1975 : i32 to vector<16xi32>
        %scatter3A_1977 = arith.constant 0 : i32
        %scatter3A_1978 = arith.constant 0 : i32
        %scatter3A_1979 = tpu.memref_slice %arg12[%and3A_1536, %scatter3A_1977, %scatter3A_1978] : memref<2x80x16xf32, #tpu.memory_space<vmem>> -> memref<1x80x16xf32, #tpu.memory_space<vmem>>
        %scatter3A_1980 = tpu.memref_squeeze %scatter3A_1979 : memref<1x80x16xf32, #tpu.memory_space<vmem>> -> memref<80x16xf32, #tpu.memory_space<vmem>>
        tpu.vector_store_idx %scatter3A_1980[%add3A_1968, %broadcast_in_dim3A_1976], %select_n3A_1974 : memref<80x16xf32, #tpu.memory_space<vmem>>[vector<16xi32>, vector<16xi32>], vector<16xf32>,
        %broadcast_in_dim3A_1981 = arith.constant 0.000000e+00 : f32
        %broadcast_in_dim3A_1982 = vector.broadcast %broadcast_in_dim3A_1981 : f32 to vector<16xf32>
        %select_n3A_1983 = arith.select %eq3A_1971, %gather3A_1955, %broadcast_in_dim3A_1982 : vector<16xi1>, vector<16xf32>
        %broadcast_in_dim3A_1984 = arith.constant 1 : i32
        %broadcast_in_dim3A_1985 = vector.broadcast %broadcast_in_dim3A_1984 : i32 to vector<16xi32>
        %scatter3A_1986 = arith.constant 0 : i32
        %scatter3A_1987 = arith.constant 0 : i32
        %scatter3A_1988 = tpu.memref_slice %arg12[%and3A_1536, %scatter3A_1986, %scatter3A_1987] : memref<2x80x16xf32, #tpu.memory_space<vmem>> -> memref<1x80x16xf32, #tpu.memory_space<vmem>>
        %scatter3A_1989 = tpu.memref_squeeze %scatter3A_1988 : memref<1x80x16xf32, #tpu.memory_space<vmem>> -> memref<80x16xf32, #tpu.memory_space<vmem>>
        tpu.vector_store_idx %scatter3A_1989[%add3A_1968, %broadcast_in_dim3A_1985], %select_n3A_1983 : memref<80x16xf32, #tpu.memory_space<vmem>>[vector<16xi32>, vector<16xi32>], vector<16xf32>,
        %broadcast_in_dim3A_1990 = arith.constant 0.000000e+00 : f32
        %broadcast_in_dim3A_1991 = vector.broadcast %broadcast_in_dim3A_1990 : f32 to vector<16xf32>
        %select_n3A_1992 = arith.select %eq3A_1971, %gather3A_1965, %broadcast_in_dim3A_1991 : vector<16xi1>, vector<16xf32>
        %broadcast_in_dim3A_1993 = arith.constant 2 : i32
        %broadcast_in_dim3A_1994 = vector.broadcast %broadcast_in_dim3A_1993 : i32 to vector<16xi32>
        %scatter3A_1995 = arith.constant 0 : i32
        %scatter3A_1996 = arith.constant 0 : i32
        %scatter3A_1997 = tpu.memref_slice %arg12[%and3A_1536, %scatter3A_1995, %scatter3A_1996] : memref<2x80x16xf32, #tpu.memory_space<vmem>> -> memref<1x80x16xf32, #tpu.memory_space<vmem>>
        %scatter3A_1998 = tpu.memref_squeeze %scatter3A_1997 : memref<1x80x16xf32, #tpu.memory_space<vmem>> -> memref<80x16xf32, #tpu.memory_space<vmem>>
        tpu.vector_store_idx %scatter3A_1998[%add3A_1968, %broadcast_in_dim3A_1994], %select_n3A_1992 : memref<80x16xf32, #tpu.memory_space<vmem>>[vector<16xi32>, vector<16xi32>], vector<16xf32>,
        %eq3A_1999 = arith.constant 3 : i32
        %eq3A_2000 = vector.broadcast %eq3A_1999 : i32 to vector<16xi32>
        %eq3A_2001 = arith.cmpi eq, %mul3A_1938, %eq3A_2000 : vector<16xi32>
        %broadcast_in_dim3A_2002 = arith.constant 0.000000e+00 : f32
        %broadcast_in_dim3A_2003 = vector.broadcast %broadcast_in_dim3A_2002 : f32 to vector<16xf32>
        %select_n3A_2004 = arith.select %eq3A_2001, %gather3A_1945, %broadcast_in_dim3A_2003 : vector<16xi1>, vector<16xf32>
        %broadcast_in_dim3A_2005 = arith.constant 3 : i32
        %broadcast_in_dim3A_2006 = vector.broadcast %broadcast_in_dim3A_2005 : i32 to vector<16xi32>
        %scatter3A_2007 = arith.constant 0 : i32
        %scatter3A_2008 = arith.constant 0 : i32
        %scatter3A_2009 = tpu.memref_slice %arg12[%and3A_1536, %scatter3A_2007, %scatter3A_2008] : memref<2x80x16xf32, #tpu.memory_space<vmem>> -> memref<1x80x16xf32, #tpu.memory_space<vmem>>
        %scatter3A_2010 = tpu.memref_squeeze %scatter3A_2009 : memref<1x80x16xf32, #tpu.memory_space<vmem>> -> memref<80x16xf32, #tpu.memory_space<vmem>>
        tpu.vector_store_idx %scatter3A_2010[%add3A_1968, %broadcast_in_dim3A_2006], %select_n3A_2004 : memref<80x16xf32, #tpu.memory_space<vmem>>[vector<16xi32>, vector<16xi32>], vector<16xf32>,
        %broadcast_in_dim3A_2011 = arith.constant 0.000000e+00 : f32
        %broadcast_in_dim3A_2012 = vector.broadcast %broadcast_in_dim3A_2011 : f32 to vector<16xf32>
        %select_n3A_2013 = arith.select %eq3A_2001, %gather3A_1955, %broadcast_in_dim3A_2012 : vector<16xi1>, vector<16xf32>
        %broadcast_in_dim3A_2014 = arith.constant 4 : i32
        %broadcast_in_dim3A_2015 = vector.broadcast %broadcast_in_dim3A_2014 : i32 to vector<16xi32>
        %scatter3A_2016 = arith.constant 0 : i32
        %scatter3A_2017 = arith.constant 0 : i32
        %scatter3A_2018 = tpu.memref_slice %arg12[%and3A_1536, %scatter3A_2016, %scatter3A_2017] : memref<2x80x16xf32, #tpu.memory_space<vmem>> -> memref<1x80x16xf32, #tpu.memory_space<vmem>>
        %scatter3A_2019 = tpu.memref_squeeze %scatter3A_2018 : memref<1x80x16xf32, #tpu.memory_space<vmem>> -> memref<80x16xf32, #tpu.memory_space<vmem>>
        tpu.vector_store_idx %scatter3A_2019[%add3A_1968, %broadcast_in_dim3A_2015], %select_n3A_2013 : memref<80x16xf32, #tpu.memory_space<vmem>>[vector<16xi32>, vector<16xi32>], vector<16xf32>,
        %broadcast_in_dim3A_2020 = arith.constant 0.000000e+00 : f32
        %broadcast_in_dim3A_2021 = vector.broadcast %broadcast_in_dim3A_2020 : f32 to vector<16xf32>
        %select_n3A_2022 = arith.select %eq3A_2001, %gather3A_1965, %broadcast_in_dim3A_2021 : vector<16xi1>, vector<16xf32>
        %broadcast_in_dim3A_2023 = arith.constant 5 : i32
        %broadcast_in_dim3A_2024 = vector.broadcast %broadcast_in_dim3A_2023 : i32 to vector<16xi32>
        %scatter3A_2025 = arith.constant 0 : i32
        %scatter3A_2026 = arith.constant 0 : i32
        %scatter3A_2027 = tpu.memref_slice %arg12[%and3A_1536, %scatter3A_2025, %scatter3A_2026] : memref<2x80x16xf32, #tpu.memory_space<vmem>> -> memref<1x80x16xf32, #tpu.memory_space<vmem>>
        %scatter3A_2028 = tpu.memref_squeeze %scatter3A_2027 : memref<1x80x16xf32, #tpu.memory_space<vmem>> -> memref<80x16xf32, #tpu.memory_space<vmem>>
        tpu.vector_store_idx %scatter3A_2028[%add3A_1968, %broadcast_in_dim3A_2024], %select_n3A_2022 : memref<80x16xf32, #tpu.memory_space<vmem>>[vector<16xi32>, vector<16xi32>], vector<16xf32>,
        %eq3A_2029 = arith.constant 6 : i32
        %eq3A_2030 = vector.broadcast %eq3A_2029 : i32 to vector<16xi32>
        %eq3A_2031 = arith.cmpi eq, %mul3A_1938, %eq3A_2030 : vector<16xi32>
        %broadcast_in_dim3A_2032 = arith.constant 0.000000e+00 : f32
        %broadcast_in_dim3A_2033 = vector.broadcast %broadcast_in_dim3A_2032 : f32 to vector<16xf32>
        %select_n3A_2034 = arith.select %eq3A_2031, %gather3A_1945, %broadcast_in_dim3A_2033 : vector<16xi1>, vector<16xf32>
        %broadcast_in_dim3A_2035 = arith.constant 6 : i32
        %broadcast_in_dim3A_2036 = vector.broadcast %broadcast_in_dim3A_2035 : i32 to vector<16xi32>
        %scatter3A_2037 = arith.constant 0 : i32
        %scatter3A_2038 = arith.constant 0 : i32
        %scatter3A_2039 = tpu.memref_slice %arg12[%and3A_1536, %scatter3A_2037, %scatter3A_2038] : memref<2x80x16xf32, #tpu.memory_space<vmem>> -> memref<1x80x16xf32, #tpu.memory_space<vmem>>
        %scatter3A_2040 = tpu.memref_squeeze %scatter3A_2039 : memref<1x80x16xf32, #tpu.memory_space<vmem>> -> memref<80x16xf32, #tpu.memory_space<vmem>>
        tpu.vector_store_idx %scatter3A_2040[%add3A_1968, %broadcast_in_dim3A_2036], %select_n3A_2034 : memref<80x16xf32, #tpu.memory_space<vmem>>[vector<16xi32>, vector<16xi32>], vector<16xf32>,
        %broadcast_in_dim3A_2041 = arith.constant 0.000000e+00 : f32
        %broadcast_in_dim3A_2042 = vector.broadcast %broadcast_in_dim3A_2041 : f32 to vector<16xf32>
        %select_n3A_2043 = arith.select %eq3A_2031, %gather3A_1955, %broadcast_in_dim3A_2042 : vector<16xi1>, vector<16xf32>
        %broadcast_in_dim3A_2044 = arith.constant 7 : i32
        %broadcast_in_dim3A_2045 = vector.broadcast %broadcast_in_dim3A_2044 : i32 to vector<16xi32>
        %scatter3A_2046 = arith.constant 0 : i32
        %scatter3A_2047 = arith.constant 0 : i32
        %scatter3A_2048 = tpu.memref_slice %arg12[%and3A_1536, %scatter3A_2046, %scatter3A_2047] : memref<2x80x16xf32, #tpu.memory_space<vmem>> -> memref<1x80x16xf32, #tpu.memory_space<vmem>>
        %scatter3A_2049 = tpu.memref_squeeze %scatter3A_2048 : memref<1x80x16xf32, #tpu.memory_space<vmem>> -> memref<80x16xf32, #tpu.memory_space<vmem>>
        tpu.vector_store_idx %scatter3A_2049[%add3A_1968, %broadcast_in_dim3A_2045], %select_n3A_2043 : memref<80x16xf32, #tpu.memory_space<vmem>>[vector<16xi32>, vector<16xi32>], vector<16xf32>,
        %broadcast_in_dim3A_2050 = arith.constant 0.000000e+00 : f32
        %broadcast_in_dim3A_2051 = vector.broadcast %broadcast_in_dim3A_2050 : f32 to vector<16xf32>
        %select_n3A_2052 = arith.select %eq3A_2031, %gather3A_1965, %broadcast_in_dim3A_2051 : vector<16xi1>, vector<16xf32>
        %broadcast_in_dim3A_2053 = arith.constant 8 : i32
        %broadcast_in_dim3A_2054 = vector.broadcast %broadcast_in_dim3A_2053 : i32 to vector<16xi32>
        %scatter3A_2055 = arith.constant 0 : i32
        %scatter3A_2056 = arith.constant 0 : i32
        %scatter3A_2057 = tpu.memref_slice %arg12[%and3A_1536, %scatter3A_2055, %scatter3A_2056] : memref<2x80x16xf32, #tpu.memory_space<vmem>> -> memref<1x80x16xf32, #tpu.memory_space<vmem>>
        %scatter3A_2058 = tpu.memref_squeeze %scatter3A_2057 : memref<1x80x16xf32, #tpu.memory_space<vmem>> -> memref<80x16xf32, #tpu.memory_space<vmem>>
        tpu.vector_store_idx %scatter3A_2058[%add3A_1968, %broadcast_in_dim3A_2054], %select_n3A_2052 : memref<80x16xf32, #tpu.memory_space<vmem>>[vector<16xi32>, vector<16xi32>], vector<16xf32>,
        %eq3A_2059 = arith.constant 9 : i32
        %eq3A_2060 = vector.broadcast %eq3A_2059 : i32 to vector<16xi32>
        %eq3A_2061 = arith.cmpi eq, %mul3A_1938, %eq3A_2060 : vector<16xi32>
        %broadcast_in_dim3A_2062 = arith.constant 0.000000e+00 : f32
        %broadcast_in_dim3A_2063 = vector.broadcast %broadcast_in_dim3A_2062 : f32 to vector<16xf32>
        %select_n3A_2064 = arith.select %eq3A_2061, %gather3A_1945, %broadcast_in_dim3A_2063 : vector<16xi1>, vector<16xf32>
        %broadcast_in_dim3A_2065 = arith.constant 9 : i32
        %broadcast_in_dim3A_2066 = vector.broadcast %broadcast_in_dim3A_2065 : i32 to vector<16xi32>
        %scatter3A_2067 = arith.constant 0 : i32
        %scatter3A_2068 = arith.constant 0 : i32
        %scatter3A_2069 = tpu.memref_slice %arg12[%and3A_1536, %scatter3A_2067, %scatter3A_2068] : memref<2x80x16xf32, #tpu.memory_space<vmem>> -> memref<1x80x16xf32, #tpu.memory_space<vmem>>
        %scatter3A_2070 = tpu.memref_squeeze %scatter3A_2069 : memref<1x80x16xf32, #tpu.memory_space<vmem>> -> memref<80x16xf32, #tpu.memory_space<vmem>>
        tpu.vector_store_idx %scatter3A_2070[%add3A_1968, %broadcast_in_dim3A_2066], %select_n3A_2064 : memref<80x16xf32, #tpu.memory_space<vmem>>[vector<16xi32>, vector<16xi32>], vector<16xf32>,
        %broadcast_in_dim3A_2071 = arith.constant 0.000000e+00 : f32
        %broadcast_in_dim3A_2072 = vector.broadcast %broadcast_in_dim3A_2071 : f32 to vector<16xf32>
        %select_n3A_2073 = arith.select %eq3A_2061, %gather3A_1955, %broadcast_in_dim3A_2072 : vector<16xi1>, vector<16xf32>
        %broadcast_in_dim3A_2074 = arith.constant 10 : i32
        %broadcast_in_dim3A_2075 = vector.broadcast %broadcast_in_dim3A_2074 : i32 to vector<16xi32>
        %scatter3A_2076 = arith.constant 0 : i32
        %scatter3A_2077 = arith.constant 0 : i32
        %scatter3A_2078 = tpu.memref_slice %arg12[%and3A_1536, %scatter3A_2076, %scatter3A_2077] : memref<2x80x16xf32, #tpu.memory_space<vmem>> -> memref<1x80x16xf32, #tpu.memory_space<vmem>>
        %scatter3A_2079 = tpu.memref_squeeze %scatter3A_2078 : memref<1x80x16xf32, #tpu.memory_space<vmem>> -> memref<80x16xf32, #tpu.memory_space<vmem>>
        tpu.vector_store_idx %scatter3A_2079[%add3A_1968, %broadcast_in_dim3A_2075], %select_n3A_2073 : memref<80x16xf32, #tpu.memory_space<vmem>>[vector<16xi32>, vector<16xi32>], vector<16xf32>,
        %broadcast_in_dim3A_2080 = arith.constant 0.000000e+00 : f32
        %broadcast_in_dim3A_2081 = vector.broadcast %broadcast_in_dim3A_2080 : f32 to vector<16xf32>
        %select_n3A_2082 = arith.select %eq3A_2061, %gather3A_1965, %broadcast_in_dim3A_2081 : vector<16xi1>, vector<16xf32>
        %broadcast_in_dim3A_2083 = arith.constant 11 : i32
        %broadcast_in_dim3A_2084 = vector.broadcast %broadcast_in_dim3A_2083 : i32 to vector<16xi32>
        %scatter3A_2085 = arith.constant 0 : i32
        %scatter3A_2086 = arith.constant 0 : i32
        %scatter3A_2087 = tpu.memref_slice %arg12[%and3A_1536, %scatter3A_2085, %scatter3A_2086] : memref<2x80x16xf32, #tpu.memory_space<vmem>> -> memref<1x80x16xf32, #tpu.memory_space<vmem>>
        %scatter3A_2088 = tpu.memref_squeeze %scatter3A_2087 : memref<1x80x16xf32, #tpu.memory_space<vmem>> -> memref<80x16xf32, #tpu.memory_space<vmem>>
        tpu.vector_store_idx %scatter3A_2088[%add3A_1968, %broadcast_in_dim3A_2084], %select_n3A_2082 : memref<80x16xf32, #tpu.memory_space<vmem>>[vector<16xi32>, vector<16xi32>], vector<16xf32>,
        %get3A_2089 = arith.constant 0 : i32
        %get3A_2090 = tpu.memref_slice %arg9[%and3A_1479, %get3A_2089] : memref<2x800xi32, #tpu.memory_space<vmem>> -> memref<1x800xi32, #tpu.memory_space<vmem>>
        %get3A_2091 = tpu.memref_squeeze %get3A_2090 : memref<1x800xi32, #tpu.memory_space<vmem>> -> memref<800xi32, #tpu.memory_space<vmem>>
        %get3A_2092 = arith.index_cast %add3A_1914 : i32 to index
        %get3A_2093 = tpu.vector_load %get3A_2091[%get3A_2092] {strides = array<i32>} : memref<800xi32, #tpu.memory_space<vmem>>, vector<16xi32>,
        %swap3A_2094 = arith.index_cast %and3A_1536 : i32 to index
        %swap3A_2095 = arith.constant 32 : index
        %swap3A_2096 = tpu.vector_load %arg11[%swap3A_2094, %swap3A_2095] {strides = array<i32>} : memref<2x80xi32, #tpu.memory_space<vmem>>, vector<16xi32>,
        tpu.vector_store %arg11[%swap3A_2094, %swap3A_2095], %get3A_2093 {strides = array<i32>} : memref<2x80xi32, #tpu.memory_space<vmem>>, vector<16xi32>,
        %add3A_2097 = arith.constant 48 : i32
        %add3A_2098 = arith.addi %mul3A_1550, %add3A_2097 : i32
        %add3A_2099 = vector.broadcast %add3A_2098 : i32 to vector<16xi32>
        %add3A_2100 = arith.addi %iota3A, %add3A_2099 : vector<16xi32>
        %get3A_2101 = arith.constant 0 : i32
        %get3A_2102 = tpu.memref_slice %arg8[%and3A_1479, %get3A_2101] : memref<2x800xi32, #tpu.memory_space<vmem>> -> memref<1x800xi32, #tpu.memory_space<vmem>>
        %get3A_2103 = tpu.memref_squeeze %get3A_2102 : memref<1x800xi32, #tpu.memory_space<vmem>> -> memref<800xi32, #tpu.memory_space<vmem>>
        %get3A_2104 = arith.index_cast %add3A_2098 : i32 to index
        %get3A_2105 = tpu.vector_load %get3A_2103[%get3A_2104] {strides = array<i32>} : memref<800xi32, #tpu.memory_space<vmem>>, vector<16xi32>,
        %and3A_2106 = arith.constant 16383 : i32
        %and3A_2107 = vector.broadcast %and3A_2106 : i32 to vector<16xi32>
        %and3A_2108 = arith.andi %get3A_2105, %and3A_2107 : vector<16xi32>
        %gather3A_2109 = tpu.vector_load_idx %arg7[%and3A_2108] : memref<16384xi32, #tpu.memory_space<vmem>>[vector<16xi32>], vector<16xi32>,
        %shift_right_arithmetic3A_2110 = arith.constant 12 : i32
        %shift_right_arithmetic3A_2111 = vector.broadcast %shift_right_arithmetic3A_2110 : i32 to vector<16xi32>
        %shift_right_arithmetic3A_2112 = arith.shrsi %get3A_2105, %shift_right_arithmetic3A_2111 : vector<16xi32>
        %and3A_2113 = arith.constant 28 : i32
        %and3A_2114 = vector.broadcast %and3A_2113 : i32 to vector<16xi32>
        %and3A_2115 = arith.andi %shift_right_arithmetic3A_2112, %and3A_2114 : vector<16xi32>
        %shift_right_arithmetic3A_2116 = arith.shrsi %gather3A_2109, %and3A_2115 : vector<16xi32>
        %and3A_2117 = arith.constant 15 : i32
        %and3A_2118 = vector.broadcast %and3A_2117 : i32 to vector<16xi32>
        %and3A_2119 = arith.andi %shift_right_arithmetic3A_2116, %and3A_2118 : vector<16xi32>
        %mul3A_2120 = arith.constant 3 : i32
        %mul3A_2121 = vector.broadcast %mul3A_2120 : i32 to vector<16xi32>
        %mul3A_2122 = arith.muli %and3A_2119, %mul3A_2121 : vector<16xi32>
        %mul3A_2123 = arith.constant 3 : i32
        %mul3A_2124 = vector.broadcast %mul3A_2123 : i32 to vector<16xi32>
        %mul3A_2125 = arith.muli %mul3A_2124, %add3A_2100 : vector<16xi32>
        %gather3A_2126 = arith.constant 0 : i32
        %gather3A_2127 = tpu.memref_slice %arg10[%and3A_1479, %gather3A_2126] : memref<2x2400xf32, #tpu.memory_space<vmem>> -> memref<1x2400xf32, #tpu.memory_space<vmem>>
        %gather3A_2128 = tpu.memref_squeeze %gather3A_2127 : memref<1x2400xf32, #tpu.memory_space<vmem>> -> memref<2400xf32, #tpu.memory_space<vmem>>
        %gather3A_2129 = tpu.vector_load_idx %gather3A_2128[%mul3A_2125] : memref<2400xf32, #tpu.memory_space<vmem>>[vector<16xi32>], vector<16xf32>,
        %mul3A_2130 = arith.constant 3 : i32
        %mul3A_2131 = vector.broadcast %mul3A_2130 : i32 to vector<16xi32>
        %mul3A_2132 = arith.muli %mul3A_2131, %add3A_2100 : vector<16xi32>
        %add3A_2133 = arith.constant 1 : i32
        %add3A_2134 = vector.broadcast %add3A_2133 : i32 to vector<16xi32>
        %add3A_2135 = arith.addi %mul3A_2132, %add3A_2134 : vector<16xi32>
        %gather3A_2136 = arith.constant 0 : i32
        %gather3A_2137 = tpu.memref_slice %arg10[%and3A_1479, %gather3A_2136] : memref<2x2400xf32, #tpu.memory_space<vmem>> -> memref<1x2400xf32, #tpu.memory_space<vmem>>
        %gather3A_2138 = tpu.memref_squeeze %gather3A_2137 : memref<1x2400xf32, #tpu.memory_space<vmem>> -> memref<2400xf32, #tpu.memory_space<vmem>>
        %gather3A_2139 = tpu.vector_load_idx %gather3A_2138[%add3A_2135] : memref<2400xf32, #tpu.memory_space<vmem>>[vector<16xi32>], vector<16xf32>,
        %mul3A_2140 = arith.constant 3 : i32
        %mul3A_2141 = vector.broadcast %mul3A_2140 : i32 to vector<16xi32>
        %mul3A_2142 = arith.muli %mul3A_2141, %add3A_2100 : vector<16xi32>
        %add3A_2143 = arith.constant 2 : i32
        %add3A_2144 = vector.broadcast %add3A_2143 : i32 to vector<16xi32>
        %add3A_2145 = arith.addi %mul3A_2142, %add3A_2144 : vector<16xi32>
        %gather3A_2146 = arith.constant 0 : i32
        %gather3A_2147 = tpu.memref_slice %arg10[%and3A_1479, %gather3A_2146] : memref<2x2400xf32, #tpu.memory_space<vmem>> -> memref<1x2400xf32, #tpu.memory_space<vmem>>
        %gather3A_2148 = tpu.memref_squeeze %gather3A_2147 : memref<1x2400xf32, #tpu.memory_space<vmem>> -> memref<2400xf32, #tpu.memory_space<vmem>>
        %gather3A_2149 = tpu.vector_load_idx %gather3A_2148[%add3A_2145] : memref<2400xf32, #tpu.memory_space<vmem>>[vector<16xi32>], vector<16xf32>,
        %add3A_2150 = arith.constant 48 : i32
        %add3A_2151 = vector.broadcast %add3A_2150 : i32 to vector<16xi32>
        %add3A_2152 = arith.addi %iota3A, %add3A_2151 : vector<16xi32>
        %eq3A_2153 = arith.constant 0 : i32
        %eq3A_2154 = vector.broadcast %eq3A_2153 : i32 to vector<16xi32>
        %eq3A_2155 = arith.cmpi eq, %mul3A_2122, %eq3A_2154 : vector<16xi32>
        %broadcast_in_dim3A_2156 = arith.constant 0.000000e+00 : f32
        %broadcast_in_dim3A_2157 = vector.broadcast %broadcast_in_dim3A_2156 : f32 to vector<16xf32>
        %select_n3A_2158 = arith.select %eq3A_2155, %gather3A_2129, %broadcast_in_dim3A_2157 : vector<16xi1>, vector<16xf32>
        %broadcast_in_dim3A_2159 = arith.constant 0 : i32
        %broadcast_in_dim3A_2160 = vector.broadcast %broadcast_in_dim3A_2159 : i32 to vector<16xi32>
        %scatter3A_2161 = arith.constant 0 : i32
        %scatter3A_2162 = arith.constant 0 : i32
        %scatter3A_2163 = tpu.memref_slice %arg12[%and3A_1536, %scatter3A_2161, %scatter3A_2162] : memref<2x80x16xf32, #tpu.memory_space<vmem>> -> memref<1x80x16xf32, #tpu.memory_space<vmem>>
        %scatter3A_2164 = tpu.memref_squeeze %scatter3A_2163 : memref<1x80x16xf32, #tpu.memory_space<vmem>> -> memref<80x16xf32, #tpu.memory_space<vmem>>
        tpu.vector_store_idx %scatter3A_2164[%add3A_2152, %broadcast_in_dim3A_2160], %select_n3A_2158 : memref<80x16xf32, #tpu.memory_space<vmem>>[vector<16xi32>, vector<16xi32>], vector<16xf32>,
        %broadcast_in_dim3A_2165 = arith.constant 0.000000e+00 : f32
        %broadcast_in_dim3A_2166 = vector.broadcast %broadcast_in_dim3A_2165 : f32 to vector<16xf32>
        %select_n3A_2167 = arith.select %eq3A_2155, %gather3A_2139, %broadcast_in_dim3A_2166 : vector<16xi1>, vector<16xf32>
        %broadcast_in_dim3A_2168 = arith.constant 1 : i32
        %broadcast_in_dim3A_2169 = vector.broadcast %broadcast_in_dim3A_2168 : i32 to vector<16xi32>
        %scatter3A_2170 = arith.constant 0 : i32
        %scatter3A_2171 = arith.constant 0 : i32
        %scatter3A_2172 = tpu.memref_slice %arg12[%and3A_1536, %scatter3A_2170, %scatter3A_2171] : memref<2x80x16xf32, #tpu.memory_space<vmem>> -> memref<1x80x16xf32, #tpu.memory_space<vmem>>
        %scatter3A_2173 = tpu.memref_squeeze %scatter3A_2172 : memref<1x80x16xf32, #tpu.memory_space<vmem>> -> memref<80x16xf32, #tpu.memory_space<vmem>>
        tpu.vector_store_idx %scatter3A_2173[%add3A_2152, %broadcast_in_dim3A_2169], %select_n3A_2167 : memref<80x16xf32, #tpu.memory_space<vmem>>[vector<16xi32>, vector<16xi32>], vector<16xf32>,
        %broadcast_in_dim3A_2174 = arith.constant 0.000000e+00 : f32
        %broadcast_in_dim3A_2175 = vector.broadcast %broadcast_in_dim3A_2174 : f32 to vector<16xf32>
        %select_n3A_2176 = arith.select %eq3A_2155, %gather3A_2149, %broadcast_in_dim3A_2175 : vector<16xi1>, vector<16xf32>
        %broadcast_in_dim3A_2177 = arith.constant 2 : i32
        %broadcast_in_dim3A_2178 = vector.broadcast %broadcast_in_dim3A_2177 : i32 to vector<16xi32>
        %scatter3A_2179 = arith.constant 0 : i32
        %scatter3A_2180 = arith.constant 0 : i32
        %scatter3A_2181 = tpu.memref_slice %arg12[%and3A_1536, %scatter3A_2179, %scatter3A_2180] : memref<2x80x16xf32, #tpu.memory_space<vmem>> -> memref<1x80x16xf32, #tpu.memory_space<vmem>>
        %scatter3A_2182 = tpu.memref_squeeze %scatter3A_2181 : memref<1x80x16xf32, #tpu.memory_space<vmem>> -> memref<80x16xf32, #tpu.memory_space<vmem>>
        tpu.vector_store_idx %scatter3A_2182[%add3A_2152, %broadcast_in_dim3A_2178], %select_n3A_2176 : memref<80x16xf32, #tpu.memory_space<vmem>>[vector<16xi32>, vector<16xi32>], vector<16xf32>,
        %eq3A_2183 = arith.constant 3 : i32
        %eq3A_2184 = vector.broadcast %eq3A_2183 : i32 to vector<16xi32>
        %eq3A_2185 = arith.cmpi eq, %mul3A_2122, %eq3A_2184 : vector<16xi32>
        %broadcast_in_dim3A_2186 = arith.constant 0.000000e+00 : f32
        %broadcast_in_dim3A_2187 = vector.broadcast %broadcast_in_dim3A_2186 : f32 to vector<16xf32>
        %select_n3A_2188 = arith.select %eq3A_2185, %gather3A_2129, %broadcast_in_dim3A_2187 : vector<16xi1>, vector<16xf32>
        %broadcast_in_dim3A_2189 = arith.constant 3 : i32
        %broadcast_in_dim3A_2190 = vector.broadcast %broadcast_in_dim3A_2189 : i32 to vector<16xi32>
        %scatter3A_2191 = arith.constant 0 : i32
        %scatter3A_2192 = arith.constant 0 : i32
        %scatter3A_2193 = tpu.memref_slice %arg12[%and3A_1536, %scatter3A_2191, %scatter3A_2192] : memref<2x80x16xf32, #tpu.memory_space<vmem>> -> memref<1x80x16xf32, #tpu.memory_space<vmem>>
        %scatter3A_2194 = tpu.memref_squeeze %scatter3A_2193 : memref<1x80x16xf32, #tpu.memory_space<vmem>> -> memref<80x16xf32, #tpu.memory_space<vmem>>
        tpu.vector_store_idx %scatter3A_2194[%add3A_2152, %broadcast_in_dim3A_2190], %select_n3A_2188 : memref<80x16xf32, #tpu.memory_space<vmem>>[vector<16xi32>, vector<16xi32>], vector<16xf32>,
        %broadcast_in_dim3A_2195 = arith.constant 0.000000e+00 : f32
        %broadcast_in_dim3A_2196 = vector.broadcast %broadcast_in_dim3A_2195 : f32 to vector<16xf32>
        %select_n3A_2197 = arith.select %eq3A_2185, %gather3A_2139, %broadcast_in_dim3A_2196 : vector<16xi1>, vector<16xf32>
        %broadcast_in_dim3A_2198 = arith.constant 4 : i32
        %broadcast_in_dim3A_2199 = vector.broadcast %broadcast_in_dim3A_2198 : i32 to vector<16xi32>
        %scatter3A_2200 = arith.constant 0 : i32
        %scatter3A_2201 = arith.constant 0 : i32
        %scatter3A_2202 = tpu.memref_slice %arg12[%and3A_1536, %scatter3A_2200, %scatter3A_2201] : memref<2x80x16xf32, #tpu.memory_space<vmem>> -> memref<1x80x16xf32, #tpu.memory_space<vmem>>
        %scatter3A_2203 = tpu.memref_squeeze %scatter3A_2202 : memref<1x80x16xf32, #tpu.memory_space<vmem>> -> memref<80x16xf32, #tpu.memory_space<vmem>>
        tpu.vector_store_idx %scatter3A_2203[%add3A_2152, %broadcast_in_dim3A_2199], %select_n3A_2197 : memref<80x16xf32, #tpu.memory_space<vmem>>[vector<16xi32>, vector<16xi32>], vector<16xf32>,
        %broadcast_in_dim3A_2204 = arith.constant 0.000000e+00 : f32
        %broadcast_in_dim3A_2205 = vector.broadcast %broadcast_in_dim3A_2204 : f32 to vector<16xf32>
        %select_n3A_2206 = arith.select %eq3A_2185, %gather3A_2149, %broadcast_in_dim3A_2205 : vector<16xi1>, vector<16xf32>
        %broadcast_in_dim3A_2207 = arith.constant 5 : i32
        %broadcast_in_dim3A_2208 = vector.broadcast %broadcast_in_dim3A_2207 : i32 to vector<16xi32>
        %scatter3A_2209 = arith.constant 0 : i32
        %scatter3A_2210 = arith.constant 0 : i32
        %scatter3A_2211 = tpu.memref_slice %arg12[%and3A_1536, %scatter3A_2209, %scatter3A_2210] : memref<2x80x16xf32, #tpu.memory_space<vmem>> -> memref<1x80x16xf32, #tpu.memory_space<vmem>>
        %scatter3A_2212 = tpu.memref_squeeze %scatter3A_2211 : memref<1x80x16xf32, #tpu.memory_space<vmem>> -> memref<80x16xf32, #tpu.memory_space<vmem>>
        tpu.vector_store_idx %scatter3A_2212[%add3A_2152, %broadcast_in_dim3A_2208], %select_n3A_2206 : memref<80x16xf32, #tpu.memory_space<vmem>>[vector<16xi32>, vector<16xi32>], vector<16xf32>,
        %eq3A_2213 = arith.constant 6 : i32
        %eq3A_2214 = vector.broadcast %eq3A_2213 : i32 to vector<16xi32>
        %eq3A_2215 = arith.cmpi eq, %mul3A_2122, %eq3A_2214 : vector<16xi32>
        %broadcast_in_dim3A_2216 = arith.constant 0.000000e+00 : f32
        %broadcast_in_dim3A_2217 = vector.broadcast %broadcast_in_dim3A_2216 : f32 to vector<16xf32>
        %select_n3A_2218 = arith.select %eq3A_2215, %gather3A_2129, %broadcast_in_dim3A_2217 : vector<16xi1>, vector<16xf32>
        %broadcast_in_dim3A_2219 = arith.constant 6 : i32
        %broadcast_in_dim3A_2220 = vector.broadcast %broadcast_in_dim3A_2219 : i32 to vector<16xi32>
        %scatter3A_2221 = arith.constant 0 : i32
        %scatter3A_2222 = arith.constant 0 : i32
        %scatter3A_2223 = tpu.memref_slice %arg12[%and3A_1536, %scatter3A_2221, %scatter3A_2222] : memref<2x80x16xf32, #tpu.memory_space<vmem>> -> memref<1x80x16xf32, #tpu.memory_space<vmem>>
        %scatter3A_2224 = tpu.memref_squeeze %scatter3A_2223 : memref<1x80x16xf32, #tpu.memory_space<vmem>> -> memref<80x16xf32, #tpu.memory_space<vmem>>
        tpu.vector_store_idx %scatter3A_2224[%add3A_2152, %broadcast_in_dim3A_2220], %select_n3A_2218 : memref<80x16xf32, #tpu.memory_space<vmem>>[vector<16xi32>, vector<16xi32>], vector<16xf32>,
        %broadcast_in_dim3A_2225 = arith.constant 0.000000e+00 : f32
        %broadcast_in_dim3A_2226 = vector.broadcast %broadcast_in_dim3A_2225 : f32 to vector<16xf32>
        %select_n3A_2227 = arith.select %eq3A_2215, %gather3A_2139, %broadcast_in_dim3A_2226 : vector<16xi1>, vector<16xf32>
        %broadcast_in_dim3A_2228 = arith.constant 7 : i32
        %broadcast_in_dim3A_2229 = vector.broadcast %broadcast_in_dim3A_2228 : i32 to vector<16xi32>
        %scatter3A_2230 = arith.constant 0 : i32
        %scatter3A_2231 = arith.constant 0 : i32
        %scatter3A_2232 = tpu.memref_slice %arg12[%and3A_1536, %scatter3A_2230, %scatter3A_2231] : memref<2x80x16xf32, #tpu.memory_space<vmem>> -> memref<1x80x16xf32, #tpu.memory_space<vmem>>
        %scatter3A_2233 = tpu.memref_squeeze %scatter3A_2232 : memref<1x80x16xf32, #tpu.memory_space<vmem>> -> memref<80x16xf32, #tpu.memory_space<vmem>>
        tpu.vector_store_idx %scatter3A_2233[%add3A_2152, %broadcast_in_dim3A_2229], %select_n3A_2227 : memref<80x16xf32, #tpu.memory_space<vmem>>[vector<16xi32>, vector<16xi32>], vector<16xf32>,
        %broadcast_in_dim3A_2234 = arith.constant 0.000000e+00 : f32
        %broadcast_in_dim3A_2235 = vector.broadcast %broadcast_in_dim3A_2234 : f32 to vector<16xf32>
        %select_n3A_2236 = arith.select %eq3A_2215, %gather3A_2149, %broadcast_in_dim3A_2235 : vector<16xi1>, vector<16xf32>
        %broadcast_in_dim3A_2237 = arith.constant 8 : i32
        %broadcast_in_dim3A_2238 = vector.broadcast %broadcast_in_dim3A_2237 : i32 to vector<16xi32>
        %scatter3A_2239 = arith.constant 0 : i32
        %scatter3A_2240 = arith.constant 0 : i32
        %scatter3A_2241 = tpu.memref_slice %arg12[%and3A_1536, %scatter3A_2239, %scatter3A_2240] : memref<2x80x16xf32, #tpu.memory_space<vmem>> -> memref<1x80x16xf32, #tpu.memory_space<vmem>>
        %scatter3A_2242 = tpu.memref_squeeze %scatter3A_2241 : memref<1x80x16xf32, #tpu.memory_space<vmem>> -> memref<80x16xf32, #tpu.memory_space<vmem>>
        tpu.vector_store_idx %scatter3A_2242[%add3A_2152, %broadcast_in_dim3A_2238], %select_n3A_2236 : memref<80x16xf32, #tpu.memory_space<vmem>>[vector<16xi32>, vector<16xi32>], vector<16xf32>,
        %eq3A_2243 = arith.constant 9 : i32
        %eq3A_2244 = vector.broadcast %eq3A_2243 : i32 to vector<16xi32>
        %eq3A_2245 = arith.cmpi eq, %mul3A_2122, %eq3A_2244 : vector<16xi32>
        %broadcast_in_dim3A_2246 = arith.constant 0.000000e+00 : f32
        %broadcast_in_dim3A_2247 = vector.broadcast %broadcast_in_dim3A_2246 : f32 to vector<16xf32>
        %select_n3A_2248 = arith.select %eq3A_2245, %gather3A_2129, %broadcast_in_dim3A_2247 : vector<16xi1>, vector<16xf32>
        %broadcast_in_dim3A_2249 = arith.constant 9 : i32
        %broadcast_in_dim3A_2250 = vector.broadcast %broadcast_in_dim3A_2249 : i32 to vector<16xi32>
        %scatter3A_2251 = arith.constant 0 : i32
        %scatter3A_2252 = arith.constant 0 : i32
        %scatter3A_2253 = tpu.memref_slice %arg12[%and3A_1536, %scatter3A_2251, %scatter3A_2252] : memref<2x80x16xf32, #tpu.memory_space<vmem>> -> memref<1x80x16xf32, #tpu.memory_space<vmem>>
        %scatter3A_2254 = tpu.memref_squeeze %scatter3A_2253 : memref<1x80x16xf32, #tpu.memory_space<vmem>> -> memref<80x16xf32, #tpu.memory_space<vmem>>
        tpu.vector_store_idx %scatter3A_2254[%add3A_2152, %broadcast_in_dim3A_2250], %select_n3A_2248 : memref<80x16xf32, #tpu.memory_space<vmem>>[vector<16xi32>, vector<16xi32>], vector<16xf32>,
        %broadcast_in_dim3A_2255 = arith.constant 0.000000e+00 : f32
        %broadcast_in_dim3A_2256 = vector.broadcast %broadcast_in_dim3A_2255 : f32 to vector<16xf32>
        %select_n3A_2257 = arith.select %eq3A_2245, %gather3A_2139, %broadcast_in_dim3A_2256 : vector<16xi1>, vector<16xf32>
        %broadcast_in_dim3A_2258 = arith.constant 10 : i32
        %broadcast_in_dim3A_2259 = vector.broadcast %broadcast_in_dim3A_2258 : i32 to vector<16xi32>
        %scatter3A_2260 = arith.constant 0 : i32
        %scatter3A_2261 = arith.constant 0 : i32
        %scatter3A_2262 = tpu.memref_slice %arg12[%and3A_1536, %scatter3A_2260, %scatter3A_2261] : memref<2x80x16xf32, #tpu.memory_space<vmem>> -> memref<1x80x16xf32, #tpu.memory_space<vmem>>
        %scatter3A_2263 = tpu.memref_squeeze %scatter3A_2262 : memref<1x80x16xf32, #tpu.memory_space<vmem>> -> memref<80x16xf32, #tpu.memory_space<vmem>>
        tpu.vector_store_idx %scatter3A_2263[%add3A_2152, %broadcast_in_dim3A_2259], %select_n3A_2257 : memref<80x16xf32, #tpu.memory_space<vmem>>[vector<16xi32>, vector<16xi32>], vector<16xf32>,
        %broadcast_in_dim3A_2264 = arith.constant 0.000000e+00 : f32
        %broadcast_in_dim3A_2265 = vector.broadcast %broadcast_in_dim3A_2264 : f32 to vector<16xf32>
        %select_n3A_2266 = arith.select %eq3A_2245, %gather3A_2149, %broadcast_in_dim3A_2265 : vector<16xi1>, vector<16xf32>
        %broadcast_in_dim3A_2267 = arith.constant 11 : i32
        %broadcast_in_dim3A_2268 = vector.broadcast %broadcast_in_dim3A_2267 : i32 to vector<16xi32>
        %scatter3A_2269 = arith.constant 0 : i32
        %scatter3A_2270 = arith.constant 0 : i32
        %scatter3A_2271 = tpu.memref_slice %arg12[%and3A_1536, %scatter3A_2269, %scatter3A_2270] : memref<2x80x16xf32, #tpu.memory_space<vmem>> -> memref<1x80x16xf32, #tpu.memory_space<vmem>>
        %scatter3A_2272 = tpu.memref_squeeze %scatter3A_2271 : memref<1x80x16xf32, #tpu.memory_space<vmem>> -> memref<80x16xf32, #tpu.memory_space<vmem>>
        tpu.vector_store_idx %scatter3A_2272[%add3A_2152, %broadcast_in_dim3A_2268], %select_n3A_2266 : memref<80x16xf32, #tpu.memory_space<vmem>>[vector<16xi32>, vector<16xi32>], vector<16xf32>,
        %get3A_2273 = arith.constant 0 : i32
        %get3A_2274 = tpu.memref_slice %arg9[%and3A_1479, %get3A_2273] : memref<2x800xi32, #tpu.memory_space<vmem>> -> memref<1x800xi32, #tpu.memory_space<vmem>>
        %get3A_2275 = tpu.memref_squeeze %get3A_2274 : memref<1x800xi32, #tpu.memory_space<vmem>> -> memref<800xi32, #tpu.memory_space<vmem>>
        %get3A_2276 = arith.index_cast %add3A_2098 : i32 to index
        %get3A_2277 = tpu.vector_load %get3A_2275[%get3A_2276] {strides = array<i32>} : memref<800xi32, #tpu.memory_space<vmem>>, vector<16xi32>,
        %swap3A_2278 = arith.index_cast %and3A_1536 : i32 to index
        %swap3A_2279 = arith.constant 48 : index
        %swap3A_2280 = tpu.vector_load %arg11[%swap3A_2278, %swap3A_2279] {strides = array<i32>} : memref<2x80xi32, #tpu.memory_space<vmem>>, vector<16xi32>,
        tpu.vector_store %arg11[%swap3A_2278, %swap3A_2279], %get3A_2277 {strides = array<i32>} : memref<2x80xi32, #tpu.memory_space<vmem>>, vector<16xi32>,
        %add3A_2281 = arith.constant 64 : i32
        %add3A_2282 = arith.addi %mul3A_1550, %add3A_2281 : i32
        %add3A_2283 = vector.broadcast %add3A_2282 : i32 to vector<16xi32>
        %add3A_2284 = arith.addi %iota3A, %add3A_2283 : vector<16xi32>
        %get3A_2285 = arith.constant 0 : i32
        %get3A_2286 = tpu.memref_slice %arg8[%and3A_1479, %get3A_2285] : memref<2x800xi32, #tpu.memory_space<vmem>> -> memref<1x800xi32, #tpu.memory_space<vmem>>
        %get3A_2287 = tpu.memref_squeeze %get3A_2286 : memref<1x800xi32, #tpu.memory_space<vmem>> -> memref<800xi32, #tpu.memory_space<vmem>>
        %get3A_2288 = arith.index_cast %add3A_2282 : i32 to index
        %get3A_2289 = tpu.vector_load %get3A_2287[%get3A_2288] {strides = array<i32>} : memref<800xi32, #tpu.memory_space<vmem>>, vector<16xi32>,
        %and3A_2290 = arith.constant 16383 : i32
        %and3A_2291 = vector.broadcast %and3A_2290 : i32 to vector<16xi32>
        %and3A_2292 = arith.andi %get3A_2289, %and3A_2291 : vector<16xi32>
        %gather3A_2293 = tpu.vector_load_idx %arg7[%and3A_2292] : memref<16384xi32, #tpu.memory_space<vmem>>[vector<16xi32>], vector<16xi32>,
        %shift_right_arithmetic3A_2294 = arith.constant 12 : i32
        %shift_right_arithmetic3A_2295 = vector.broadcast %shift_right_arithmetic3A_2294 : i32 to vector<16xi32>
        %shift_right_arithmetic3A_2296 = arith.shrsi %get3A_2289, %shift_right_arithmetic3A_2295 : vector<16xi32>
        %and3A_2297 = arith.constant 28 : i32
        %and3A_2298 = vector.broadcast %and3A_2297 : i32 to vector<16xi32>
        %and3A_2299 = arith.andi %shift_right_arithmetic3A_2296, %and3A_2298 : vector<16xi32>
        %shift_right_arithmetic3A_2300 = arith.shrsi %gather3A_2293, %and3A_2299 : vector<16xi32>
        %and3A_2301 = arith.constant 15 : i32
        %and3A_2302 = vector.broadcast %and3A_2301 : i32 to vector<16xi32>
        %and3A_2303 = arith.andi %shift_right_arithmetic3A_2300, %and3A_2302 : vector<16xi32>
        %mul3A_2304 = arith.constant 3 : i32
        %mul3A_2305 = vector.broadcast %mul3A_2304 : i32 to vector<16xi32>
        %mul3A_2306 = arith.muli %and3A_2303, %mul3A_2305 : vector<16xi32>
        %mul3A_2307 = arith.constant 3 : i32
        %mul3A_2308 = vector.broadcast %mul3A_2307 : i32 to vector<16xi32>
        %mul3A_2309 = arith.muli %mul3A_2308, %add3A_2284 : vector<16xi32>
        %gather3A_2310 = arith.constant 0 : i32
        %gather3A_2311 = tpu.memref_slice %arg10[%and3A_1479, %gather3A_2310] : memref<2x2400xf32, #tpu.memory_space<vmem>> -> memref<1x2400xf32, #tpu.memory_space<vmem>>
        %gather3A_2312 = tpu.memref_squeeze %gather3A_2311 : memref<1x2400xf32, #tpu.memory_space<vmem>> -> memref<2400xf32, #tpu.memory_space<vmem>>
        %gather3A_2313 = tpu.vector_load_idx %gather3A_2312[%mul3A_2309] : memref<2400xf32, #tpu.memory_space<vmem>>[vector<16xi32>], vector<16xf32>,
        %mul3A_2314 = arith.constant 3 : i32
        %mul3A_2315 = vector.broadcast %mul3A_2314 : i32 to vector<16xi32>
        %mul3A_2316 = arith.muli %mul3A_2315, %add3A_2284 : vector<16xi32>
        %add3A_2317 = arith.constant 1 : i32
        %add3A_2318 = vector.broadcast %add3A_2317 : i32 to vector<16xi32>
        %add3A_2319 = arith.addi %mul3A_2316, %add3A_2318 : vector<16xi32>
        %gather3A_2320 = arith.constant 0 : i32
        %gather3A_2321 = tpu.memref_slice %arg10[%and3A_1479, %gather3A_2320] : memref<2x2400xf32, #tpu.memory_space<vmem>> -> memref<1x2400xf32, #tpu.memory_space<vmem>>
        %gather3A_2322 = tpu.memref_squeeze %gather3A_2321 : memref<1x2400xf32, #tpu.memory_space<vmem>> -> memref<2400xf32, #tpu.memory_space<vmem>>
        %gather3A_2323 = tpu.vector_load_idx %gather3A_2322[%add3A_2319] : memref<2400xf32, #tpu.memory_space<vmem>>[vector<16xi32>], vector<16xf32>,
        %mul3A_2324 = arith.constant 3 : i32
        %mul3A_2325 = vector.broadcast %mul3A_2324 : i32 to vector<16xi32>
        %mul3A_2326 = arith.muli %mul3A_2325, %add3A_2284 : vector<16xi32>
        %add3A_2327 = arith.constant 2 : i32
        %add3A_2328 = vector.broadcast %add3A_2327 : i32 to vector<16xi32>
        %add3A_2329 = arith.addi %mul3A_2326, %add3A_2328 : vector<16xi32>
        %gather3A_2330 = arith.constant 0 : i32
        %gather3A_2331 = tpu.memref_slice %arg10[%and3A_1479, %gather3A_2330] : memref<2x2400xf32, #tpu.memory_space<vmem>> -> memref<1x2400xf32, #tpu.memory_space<vmem>>
        %gather3A_2332 = tpu.memref_squeeze %gather3A_2331 : memref<1x2400xf32, #tpu.memory_space<vmem>> -> memref<2400xf32, #tpu.memory_space<vmem>>
        %gather3A_2333 = tpu.vector_load_idx %gather3A_2332[%add3A_2329] : memref<2400xf32, #tpu.memory_space<vmem>>[vector<16xi32>], vector<16xf32>,
        %add3A_2334 = arith.constant 64 : i32
        %add3A_2335 = vector.broadcast %add3A_2334 : i32 to vector<16xi32>
        %add3A_2336 = arith.addi %iota3A, %add3A_2335 : vector<16xi32>
        %eq3A_2337 = arith.constant 0 : i32
        %eq3A_2338 = vector.broadcast %eq3A_2337 : i32 to vector<16xi32>
        %eq3A_2339 = arith.cmpi eq, %mul3A_2306, %eq3A_2338 : vector<16xi32>
        %broadcast_in_dim3A_2340 = arith.constant 0.000000e+00 : f32
        %broadcast_in_dim3A_2341 = vector.broadcast %broadcast_in_dim3A_2340 : f32 to vector<16xf32>
        %select_n3A_2342 = arith.select %eq3A_2339, %gather3A_2313, %broadcast_in_dim3A_2341 : vector<16xi1>, vector<16xf32>
        %broadcast_in_dim3A_2343 = arith.constant 0 : i32
        %broadcast_in_dim3A_2344 = vector.broadcast %broadcast_in_dim3A_2343 : i32 to vector<16xi32>
        %scatter3A_2345 = arith.constant 0 : i32
        %scatter3A_2346 = arith.constant 0 : i32
        %scatter3A_2347 = tpu.memref_slice %arg12[%and3A_1536, %scatter3A_2345, %scatter3A_2346] : memref<2x80x16xf32, #tpu.memory_space<vmem>> -> memref<1x80x16xf32, #tpu.memory_space<vmem>>
        %scatter3A_2348 = tpu.memref_squeeze %scatter3A_2347 : memref<1x80x16xf32, #tpu.memory_space<vmem>> -> memref<80x16xf32, #tpu.memory_space<vmem>>
        tpu.vector_store_idx %scatter3A_2348[%add3A_2336, %broadcast_in_dim3A_2344], %select_n3A_2342 : memref<80x16xf32, #tpu.memory_space<vmem>>[vector<16xi32>, vector<16xi32>], vector<16xf32>,
        %broadcast_in_dim3A_2349 = arith.constant 0.000000e+00 : f32
        %broadcast_in_dim3A_2350 = vector.broadcast %broadcast_in_dim3A_2349 : f32 to vector<16xf32>
        %select_n3A_2351 = arith.select %eq3A_2339, %gather3A_2323, %broadcast_in_dim3A_2350 : vector<16xi1>, vector<16xf32>
        %broadcast_in_dim3A_2352 = arith.constant 1 : i32
        %broadcast_in_dim3A_2353 = vector.broadcast %broadcast_in_dim3A_2352 : i32 to vector<16xi32>
        %scatter3A_2354 = arith.constant 0 : i32
        %scatter3A_2355 = arith.constant 0 : i32
        %scatter3A_2356 = tpu.memref_slice %arg12[%and3A_1536, %scatter3A_2354, %scatter3A_2355] : memref<2x80x16xf32, #tpu.memory_space<vmem>> -> memref<1x80x16xf32, #tpu.memory_space<vmem>>
        %scatter3A_2357 = tpu.memref_squeeze %scatter3A_2356 : memref<1x80x16xf32, #tpu.memory_space<vmem>> -> memref<80x16xf32, #tpu.memory_space<vmem>>
        tpu.vector_store_idx %scatter3A_2357[%add3A_2336, %broadcast_in_dim3A_2353], %select_n3A_2351 : memref<80x16xf32, #tpu.memory_space<vmem>>[vector<16xi32>, vector<16xi32>], vector<16xf32>,
        %broadcast_in_dim3A_2358 = arith.constant 0.000000e+00 : f32
        %broadcast_in_dim3A_2359 = vector.broadcast %broadcast_in_dim3A_2358 : f32 to vector<16xf32>
        %select_n3A_2360 = arith.select %eq3A_2339, %gather3A_2333, %broadcast_in_dim3A_2359 : vector<16xi1>, vector<16xf32>
        %broadcast_in_dim3A_2361 = arith.constant 2 : i32
        %broadcast_in_dim3A_2362 = vector.broadcast %broadcast_in_dim3A_2361 : i32 to vector<16xi32>
        %scatter3A_2363 = arith.constant 0 : i32
        %scatter3A_2364 = arith.constant 0 : i32
        %scatter3A_2365 = tpu.memref_slice %arg12[%and3A_1536, %scatter3A_2363, %scatter3A_2364] : memref<2x80x16xf32, #tpu.memory_space<vmem>> -> memref<1x80x16xf32, #tpu.memory_space<vmem>>
        %scatter3A_2366 = tpu.memref_squeeze %scatter3A_2365 : memref<1x80x16xf32, #tpu.memory_space<vmem>> -> memref<80x16xf32, #tpu.memory_space<vmem>>
        tpu.vector_store_idx %scatter3A_2366[%add3A_2336, %broadcast_in_dim3A_2362], %select_n3A_2360 : memref<80x16xf32, #tpu.memory_space<vmem>>[vector<16xi32>, vector<16xi32>], vector<16xf32>,
        %eq3A_2367 = arith.constant 3 : i32
        %eq3A_2368 = vector.broadcast %eq3A_2367 : i32 to vector<16xi32>
        %eq3A_2369 = arith.cmpi eq, %mul3A_2306, %eq3A_2368 : vector<16xi32>
        %broadcast_in_dim3A_2370 = arith.constant 0.000000e+00 : f32
        %broadcast_in_dim3A_2371 = vector.broadcast %broadcast_in_dim3A_2370 : f32 to vector<16xf32>
        %select_n3A_2372 = arith.select %eq3A_2369, %gather3A_2313, %broadcast_in_dim3A_2371 : vector<16xi1>, vector<16xf32>
        %broadcast_in_dim3A_2373 = arith.constant 3 : i32
        %broadcast_in_dim3A_2374 = vector.broadcast %broadcast_in_dim3A_2373 : i32 to vector<16xi32>
        %scatter3A_2375 = arith.constant 0 : i32
        %scatter3A_2376 = arith.constant 0 : i32
        %scatter3A_2377 = tpu.memref_slice %arg12[%and3A_1536, %scatter3A_2375, %scatter3A_2376] : memref<2x80x16xf32, #tpu.memory_space<vmem>> -> memref<1x80x16xf32, #tpu.memory_space<vmem>>
        %scatter3A_2378 = tpu.memref_squeeze %scatter3A_2377 : memref<1x80x16xf32, #tpu.memory_space<vmem>> -> memref<80x16xf32, #tpu.memory_space<vmem>>
        tpu.vector_store_idx %scatter3A_2378[%add3A_2336, %broadcast_in_dim3A_2374], %select_n3A_2372 : memref<80x16xf32, #tpu.memory_space<vmem>>[vector<16xi32>, vector<16xi32>], vector<16xf32>,
        %broadcast_in_dim3A_2379 = arith.constant 0.000000e+00 : f32
        %broadcast_in_dim3A_2380 = vector.broadcast %broadcast_in_dim3A_2379 : f32 to vector<16xf32>
        %select_n3A_2381 = arith.select %eq3A_2369, %gather3A_2323, %broadcast_in_dim3A_2380 : vector<16xi1>, vector<16xf32>
        %broadcast_in_dim3A_2382 = arith.constant 4 : i32
        %broadcast_in_dim3A_2383 = vector.broadcast %broadcast_in_dim3A_2382 : i32 to vector<16xi32>
        %scatter3A_2384 = arith.constant 0 : i32
        %scatter3A_2385 = arith.constant 0 : i32
        %scatter3A_2386 = tpu.memref_slice %arg12[%and3A_1536, %scatter3A_2384, %scatter3A_2385] : memref<2x80x16xf32, #tpu.memory_space<vmem>> -> memref<1x80x16xf32, #tpu.memory_space<vmem>>
        %scatter3A_2387 = tpu.memref_squeeze %scatter3A_2386 : memref<1x80x16xf32, #tpu.memory_space<vmem>> -> memref<80x16xf32, #tpu.memory_space<vmem>>
        tpu.vector_store_idx %scatter3A_2387[%add3A_2336, %broadcast_in_dim3A_2383], %select_n3A_2381 : memref<80x16xf32, #tpu.memory_space<vmem>>[vector<16xi32>, vector<16xi32>], vector<16xf32>,
        %broadcast_in_dim3A_2388 = arith.constant 0.000000e+00 : f32
        %broadcast_in_dim3A_2389 = vector.broadcast %broadcast_in_dim3A_2388 : f32 to vector<16xf32>
        %select_n3A_2390 = arith.select %eq3A_2369, %gather3A_2333, %broadcast_in_dim3A_2389 : vector<16xi1>, vector<16xf32>
        %broadcast_in_dim3A_2391 = arith.constant 5 : i32
        %broadcast_in_dim3A_2392 = vector.broadcast %broadcast_in_dim3A_2391 : i32 to vector<16xi32>
        %scatter3A_2393 = arith.constant 0 : i32
        %scatter3A_2394 = arith.constant 0 : i32
        %scatter3A_2395 = tpu.memref_slice %arg12[%and3A_1536, %scatter3A_2393, %scatter3A_2394] : memref<2x80x16xf32, #tpu.memory_space<vmem>> -> memref<1x80x16xf32, #tpu.memory_space<vmem>>
        %scatter3A_2396 = tpu.memref_squeeze %scatter3A_2395 : memref<1x80x16xf32, #tpu.memory_space<vmem>> -> memref<80x16xf32, #tpu.memory_space<vmem>>
        tpu.vector_store_idx %scatter3A_2396[%add3A_2336, %broadcast_in_dim3A_2392], %select_n3A_2390 : memref<80x16xf32, #tpu.memory_space<vmem>>[vector<16xi32>, vector<16xi32>], vector<16xf32>,
        %eq3A_2397 = arith.constant 6 : i32
        %eq3A_2398 = vector.broadcast %eq3A_2397 : i32 to vector<16xi32>
        %eq3A_2399 = arith.cmpi eq, %mul3A_2306, %eq3A_2398 : vector<16xi32>
        %broadcast_in_dim3A_2400 = arith.constant 0.000000e+00 : f32
        %broadcast_in_dim3A_2401 = vector.broadcast %broadcast_in_dim3A_2400 : f32 to vector<16xf32>
        %select_n3A_2402 = arith.select %eq3A_2399, %gather3A_2313, %broadcast_in_dim3A_2401 : vector<16xi1>, vector<16xf32>
        %broadcast_in_dim3A_2403 = arith.constant 6 : i32
        %broadcast_in_dim3A_2404 = vector.broadcast %broadcast_in_dim3A_2403 : i32 to vector<16xi32>
        %scatter3A_2405 = arith.constant 0 : i32
        %scatter3A_2406 = arith.constant 0 : i32
        %scatter3A_2407 = tpu.memref_slice %arg12[%and3A_1536, %scatter3A_2405, %scatter3A_2406] : memref<2x80x16xf32, #tpu.memory_space<vmem>> -> memref<1x80x16xf32, #tpu.memory_space<vmem>>
        %scatter3A_2408 = tpu.memref_squeeze %scatter3A_2407 : memref<1x80x16xf32, #tpu.memory_space<vmem>> -> memref<80x16xf32, #tpu.memory_space<vmem>>
        tpu.vector_store_idx %scatter3A_2408[%add3A_2336, %broadcast_in_dim3A_2404], %select_n3A_2402 : memref<80x16xf32, #tpu.memory_space<vmem>>[vector<16xi32>, vector<16xi32>], vector<16xf32>,
        %broadcast_in_dim3A_2409 = arith.constant 0.000000e+00 : f32
        %broadcast_in_dim3A_2410 = vector.broadcast %broadcast_in_dim3A_2409 : f32 to vector<16xf32>
        %select_n3A_2411 = arith.select %eq3A_2399, %gather3A_2323, %broadcast_in_dim3A_2410 : vector<16xi1>, vector<16xf32>
        %broadcast_in_dim3A_2412 = arith.constant 7 : i32
        %broadcast_in_dim3A_2413 = vector.broadcast %broadcast_in_dim3A_2412 : i32 to vector<16xi32>
        %scatter3A_2414 = arith.constant 0 : i32
        %scatter3A_2415 = arith.constant 0 : i32
        %scatter3A_2416 = tpu.memref_slice %arg12[%and3A_1536, %scatter3A_2414, %scatter3A_2415] : memref<2x80x16xf32, #tpu.memory_space<vmem>> -> memref<1x80x16xf32, #tpu.memory_space<vmem>>
        %scatter3A_2417 = tpu.memref_squeeze %scatter3A_2416 : memref<1x80x16xf32, #tpu.memory_space<vmem>> -> memref<80x16xf32, #tpu.memory_space<vmem>>
        tpu.vector_store_idx %scatter3A_2417[%add3A_2336, %broadcast_in_dim3A_2413], %select_n3A_2411 : memref<80x16xf32, #tpu.memory_space<vmem>>[vector<16xi32>, vector<16xi32>], vector<16xf32>,
        %broadcast_in_dim3A_2418 = arith.constant 0.000000e+00 : f32
        %broadcast_in_dim3A_2419 = vector.broadcast %broadcast_in_dim3A_2418 : f32 to vector<16xf32>
        %select_n3A_2420 = arith.select %eq3A_2399, %gather3A_2333, %broadcast_in_dim3A_2419 : vector<16xi1>, vector<16xf32>
        %broadcast_in_dim3A_2421 = arith.constant 8 : i32
        %broadcast_in_dim3A_2422 = vector.broadcast %broadcast_in_dim3A_2421 : i32 to vector<16xi32>
        %scatter3A_2423 = arith.constant 0 : i32
        %scatter3A_2424 = arith.constant 0 : i32
        %scatter3A_2425 = tpu.memref_slice %arg12[%and3A_1536, %scatter3A_2423, %scatter3A_2424] : memref<2x80x16xf32, #tpu.memory_space<vmem>> -> memref<1x80x16xf32, #tpu.memory_space<vmem>>
        %scatter3A_2426 = tpu.memref_squeeze %scatter3A_2425 : memref<1x80x16xf32, #tpu.memory_space<vmem>> -> memref<80x16xf32, #tpu.memory_space<vmem>>
        tpu.vector_store_idx %scatter3A_2426[%add3A_2336, %broadcast_in_dim3A_2422], %select_n3A_2420 : memref<80x16xf32, #tpu.memory_space<vmem>>[vector<16xi32>, vector<16xi32>], vector<16xf32>,
        %eq3A_2427 = arith.constant 9 : i32
        %eq3A_2428 = vector.broadcast %eq3A_2427 : i32 to vector<16xi32>
        %eq3A_2429 = arith.cmpi eq, %mul3A_2306, %eq3A_2428 : vector<16xi32>
        %broadcast_in_dim3A_2430 = arith.constant 0.000000e+00 : f32
        %broadcast_in_dim3A_2431 = vector.broadcast %broadcast_in_dim3A_2430 : f32 to vector<16xf32>
        %select_n3A_2432 = arith.select %eq3A_2429, %gather3A_2313, %broadcast_in_dim3A_2431 : vector<16xi1>, vector<16xf32>
        %broadcast_in_dim3A_2433 = arith.constant 9 : i32
        %broadcast_in_dim3A_2434 = vector.broadcast %broadcast_in_dim3A_2433 : i32 to vector<16xi32>
        %scatter3A_2435 = arith.constant 0 : i32
        %scatter3A_2436 = arith.constant 0 : i32
        %scatter3A_2437 = tpu.memref_slice %arg12[%and3A_1536, %scatter3A_2435, %scatter3A_2436] : memref<2x80x16xf32, #tpu.memory_space<vmem>> -> memref<1x80x16xf32, #tpu.memory_space<vmem>>
        %scatter3A_2438 = tpu.memref_squeeze %scatter3A_2437 : memref<1x80x16xf32, #tpu.memory_space<vmem>> -> memref<80x16xf32, #tpu.memory_space<vmem>>
        tpu.vector_store_idx %scatter3A_2438[%add3A_2336, %broadcast_in_dim3A_2434], %select_n3A_2432 : memref<80x16xf32, #tpu.memory_space<vmem>>[vector<16xi32>, vector<16xi32>], vector<16xf32>,
        %broadcast_in_dim3A_2439 = arith.constant 0.000000e+00 : f32
        %broadcast_in_dim3A_2440 = vector.broadcast %broadcast_in_dim3A_2439 : f32 to vector<16xf32>
        %select_n3A_2441 = arith.select %eq3A_2429, %gather3A_2323, %broadcast_in_dim3A_2440 : vector<16xi1>, vector<16xf32>
        %broadcast_in_dim3A_2442 = arith.constant 10 : i32
        %broadcast_in_dim3A_2443 = vector.broadcast %broadcast_in_dim3A_2442 : i32 to vector<16xi32>
        %scatter3A_2444 = arith.constant 0 : i32
        %scatter3A_2445 = arith.constant 0 : i32
        %scatter3A_2446 = tpu.memref_slice %arg12[%and3A_1536, %scatter3A_2444, %scatter3A_2445] : memref<2x80x16xf32, #tpu.memory_space<vmem>> -> memref<1x80x16xf32, #tpu.memory_space<vmem>>
        %scatter3A_2447 = tpu.memref_squeeze %scatter3A_2446 : memref<1x80x16xf32, #tpu.memory_space<vmem>> -> memref<80x16xf32, #tpu.memory_space<vmem>>
        tpu.vector_store_idx %scatter3A_2447[%add3A_2336, %broadcast_in_dim3A_2443], %select_n3A_2441 : memref<80x16xf32, #tpu.memory_space<vmem>>[vector<16xi32>, vector<16xi32>], vector<16xf32>,
        %broadcast_in_dim3A_2448 = arith.constant 0.000000e+00 : f32
        %broadcast_in_dim3A_2449 = vector.broadcast %broadcast_in_dim3A_2448 : f32 to vector<16xf32>
        %select_n3A_2450 = arith.select %eq3A_2429, %gather3A_2333, %broadcast_in_dim3A_2449 : vector<16xi1>, vector<16xf32>
        %broadcast_in_dim3A_2451 = arith.constant 11 : i32
        %broadcast_in_dim3A_2452 = vector.broadcast %broadcast_in_dim3A_2451 : i32 to vector<16xi32>
        %scatter3A_2453 = arith.constant 0 : i32
        %scatter3A_2454 = arith.constant 0 : i32
        %scatter3A_2455 = tpu.memref_slice %arg12[%and3A_1536, %scatter3A_2453, %scatter3A_2454] : memref<2x80x16xf32, #tpu.memory_space<vmem>> -> memref<1x80x16xf32, #tpu.memory_space<vmem>>
        %scatter3A_2456 = tpu.memref_squeeze %scatter3A_2455 : memref<1x80x16xf32, #tpu.memory_space<vmem>> -> memref<80x16xf32, #tpu.memory_space<vmem>>
        tpu.vector_store_idx %scatter3A_2456[%add3A_2336, %broadcast_in_dim3A_2452], %select_n3A_2450 : memref<80x16xf32, #tpu.memory_space<vmem>>[vector<16xi32>, vector<16xi32>], vector<16xf32>,
        %get3A_2457 = arith.constant 0 : i32
        %get3A_2458 = tpu.memref_slice %arg9[%and3A_1479, %get3A_2457] : memref<2x800xi32, #tpu.memory_space<vmem>> -> memref<1x800xi32, #tpu.memory_space<vmem>>
        %get3A_2459 = tpu.memref_squeeze %get3A_2458 : memref<1x800xi32, #tpu.memory_space<vmem>> -> memref<800xi32, #tpu.memory_space<vmem>>
        %get3A_2460 = arith.index_cast %add3A_2282 : i32 to index
        %get3A_2461 = tpu.vector_load %get3A_2459[%get3A_2460] {strides = array<i32>} : memref<800xi32, #tpu.memory_space<vmem>>, vector<16xi32>,
        %swap3A_2462 = arith.index_cast %and3A_1536 : i32 to index
        %swap3A_2463 = arith.constant 64 : index
        %swap3A_2464 = tpu.vector_load %arg11[%swap3A_2462, %swap3A_2463] {strides = array<i32>} : memref<2x80xi32, #tpu.memory_space<vmem>>, vector<16xi32>,
        tpu.vector_store %arg11[%swap3A_2462, %swap3A_2463], %get3A_2461 {strides = array<i32>} : memref<2x80xi32, #tpu.memory_space<vmem>>, vector<16xi32>,
        %dma_start3A_2465 = arith.constant 0 : i32
        %dma_start3A_2466 = arith.constant 0 : i32
        %dma_start3A_2467 = tpu.memref_slice %arg12[%and3A_1536, %dma_start3A_2465, %dma_start3A_2466] : memref<2x80x16xf32, #tpu.memory_space<vmem>> -> memref<1x80x16xf32, #tpu.memory_space<vmem>>
        %dma_start3A_2468 = tpu.memref_squeeze %dma_start3A_2467 : memref<1x80x16xf32, #tpu.memory_space<vmem>> -> memref<80x16xf32, #tpu.memory_space<vmem>>
        %dma_start3A_2469 = arith.constant 0 : i32
        %dma_start3A_2470 = tpu.memref_slice %arg11[%and3A_1536, %dma_start3A_2469] : memref<2x80xi32, #tpu.memory_space<vmem>> -> memref<1x80xi32, #tpu.memory_space<vmem>>
        %dma_start3A_2471 = tpu.memref_squeeze %dma_start3A_2470 : memref<1x80xi32, #tpu.memory_space<vmem>> -> memref<80xi32, #tpu.memory_space<vmem>>
        %dma_start3A_2472 = arith.constant 0 : i32
        %dma_start3A_2473 = arith.constant 0 : i32
        %dma_start3A_2474 = tpu.memref_slice %arg13[%dma_start3A_2472, %dma_start3A_2473] : memref<100000x16xf32, #tpu.memory_space<vmem_shared>> -> memref<100000x16xf32, #tpu.memory_space<vmem_shared>>
        %dma_start3A_2475 = tpu.memref_slice %arg15[%and3A_1536] : memref<2x!tpu.dma_semaphore, #tpu.memory_space<semaphore_mem>> -> memref<1x!tpu.dma_semaphore, #tpu.memory_space<semaphore_mem>>
        %dma_start3A_2476 = tpu.memref_squeeze %dma_start3A_2475 : memref<1x!tpu.dma_semaphore, #tpu.memory_space<semaphore_mem>> -> memref<!tpu.dma_semaphore, #tpu.memory_space<semaphore_mem>>
        tpu.enqueue_indirect_dma source(%dma_start3A_2468 : memref<80x16xf32, #tpu.memory_space<vmem>>) target(%dma_start3A_2474 : memref<100000x16xf32, #tpu.memory_space<vmem_shared>>) offsets(%dma_start3A_2471 : memref<80xi32, #tpu.memory_space<vmem>>) semaphore(%dma_start3A_2476 : memref<!tpu.dma_semaphore, #tpu.memory_space<semaphore_mem>>) {add = true}
      }
      %scan3A_1530 = arith.constant 10 : i32
    }
    %scan3A_1430 = arith.constant 125 : i32
    %dma_wait3A = arith.constant 0 : i32
    %dma_wait3A_1431 = arith.constant 0 : i32
    %dma_wait3A_1432 = arith.constant 0 : i32
    %dma_wait3A_1433 = arith.constant 0 : i32
    %dma_wait3A_1434 = arith.constant 0 : i32
    %dma_wait3A_1435 = tpu.memref_slice %arg12[%dma_wait3A, %dma_wait3A_1433, %dma_wait3A_1434] : memref<2x80x16xf32, #tpu.memory_space<vmem>> -> memref<1x80x16xf32, #tpu.memory_space<vmem>>
    %dma_wait3A_1436 = tpu.memref_squeeze %dma_wait3A_1435 : memref<1x80x16xf32, #tpu.memory_space<vmem>> -> memref<80x16xf32, #tpu.memory_space<vmem>>
    %dma_wait3A_1437 = arith.constant 0 : i32
    %dma_wait3A_1438 = tpu.memref_slice %arg11[%dma_wait3A_1431, %dma_wait3A_1437] : memref<2x80xi32, #tpu.memory_space<vmem>> -> memref<1x80xi32, #tpu.memory_space<vmem>>
    %dma_wait3A_1439 = tpu.memref_squeeze %dma_wait3A_1438 : memref<1x80xi32, #tpu.memory_space<vmem>> -> memref<80xi32, #tpu.memory_space<vmem>>
    %dma_wait3A_1440 = arith.constant 0 : i32
    %dma_wait3A_1441 = arith.constant 0 : i32
    %dma_wait3A_1442 = tpu.memref_slice %arg13[%dma_wait3A_1440, %dma_wait3A_1441] : memref<100000x16xf32, #tpu.memory_space<vmem_shared>> -> memref<100000x16xf32, #tpu.memory_space<vmem_shared>>
    %dma_wait3A_1443 = tpu.memref_slice %arg15[%dma_wait3A_1432] : memref<2x!tpu.dma_semaphore, #tpu.memory_space<semaphore_mem>> -> memref<1x!tpu.dma_semaphore, #tpu.memory_space<semaphore_mem>>
    %dma_wait3A_1444 = tpu.memref_squeeze %dma_wait3A_1443 : memref<1x!tpu.dma_semaphore, #tpu.memory_space<semaphore_mem>> -> memref<!tpu.dma_semaphore, #tpu.memory_space<semaphore_mem>>
    tpu.wait_indirect_dma semaphore(%dma_wait3A_1444 : memref<!tpu.dma_semaphore, #tpu.memory_space<semaphore_mem>>) src(%dma_wait3A_1436 : memref<80x16xf32, #tpu.memory_space<vmem>>) dst(%dma_wait3A_1442 : memref<100000x16xf32, #tpu.memory_space<vmem_shared>>)
    %dma_wait3A_1445 = arith.constant 1 : i32
    %dma_wait3A_1446 = arith.constant 1 : i32
    %dma_wait3A_1447 = arith.constant 1 : i32
    %dma_wait3A_1448 = arith.constant 0 : i32
    %dma_wait3A_1449 = arith.constant 0 : i32
    %dma_wait3A_1450 = tpu.memref_slice %arg12[%dma_wait3A_1445, %dma_wait3A_1448, %dma_wait3A_1449] : memref<2x80x16xf32, #tpu.memory_space<vmem>> -> memref<1x80x16xf32, #tpu.memory_space<vmem>>
    %dma_wait3A_1451 = tpu.memref_squeeze %dma_wait3A_1450 : memref<1x80x16xf32, #tpu.memory_space<vmem>> -> memref<80x16xf32, #tpu.memory_space<vmem>>
    %dma_wait3A_1452 = arith.constant 0 : i32
    %dma_wait3A_1453 = tpu.memref_slice %arg11[%dma_wait3A_1446, %dma_wait3A_1452] : memref<2x80xi32, #tpu.memory_space<vmem>> -> memref<1x80xi32, #tpu.memory_space<vmem>>
    %dma_wait3A_1454 = tpu.memref_squeeze %dma_wait3A_1453 : memref<1x80xi32, #tpu.memory_space<vmem>> -> memref<80xi32, #tpu.memory_space<vmem>>
    %dma_wait3A_1455 = arith.constant 0 : i32
    %dma_wait3A_1456 = arith.constant 0 : i32
    %dma_wait3A_1457 = tpu.memref_slice %arg13[%dma_wait3A_1455, %dma_wait3A_1456] : memref<100000x16xf32, #tpu.memory_space<vmem_shared>> -> memref<100000x16xf32, #tpu.memory_space<vmem_shared>>
    %dma_wait3A_1458 = tpu.memref_slice %arg15[%dma_wait3A_1447] : memref<2x!tpu.dma_semaphore, #tpu.memory_space<semaphore_mem>> -> memref<1x!tpu.dma_semaphore, #tpu.memory_space<semaphore_mem>>
    %dma_wait3A_1459 = tpu.memref_squeeze %dma_wait3A_1458 : memref<1x!tpu.dma_semaphore, #tpu.memory_space<semaphore_mem>> -> memref<!tpu.dma_semaphore, #tpu.memory_space<semaphore_mem>>
    tpu.wait_indirect_dma semaphore(%dma_wait3A_1459 : memref<!tpu.dma_semaphore, #tpu.memory_space<semaphore_mem>>) src(%dma_wait3A_1451 : memref<80x16xf32, #tpu.memory_space<vmem>>) dst(%dma_wait3A_1457 : memref<100000x16xf32, #tpu.memory_space<vmem_shared>>)
    %barrier3A_1460 = arith.constant 0 : index
    tpu.barrier barrier_id(%barrier3A_1460)
    %mul3A_1461 = arith.constant 100000 : i32
    %mul3A_1462 = arith.muli %arg0, %mul3A_1461 : i32
    %add3A_1463 = arith.addi %mul3A_1462, %multiple_of3A : i32
    %multiple_of3A_1464 = tpu.assume_multiple %add3A_1463, 16 : i32
    %scan3A_1465 = arith.constant 0 : i32
    %scan3A_1466 = arith.constant 0 : i32
    %scan3A_1467 = arith.constant 0 : i32
    %scan3A_1468 = arith.constant 77 : i32
    %scan3A_1469 = arith.addi %scan3A_1467, %scan3A_1468 : i32
    %scan3A_1470 = arith.constant 1 : i32
    scf.for %scan3A_1478 = %scan3A_1467 to %scan3A_1469 step %scan3A_1470  : i32 {
      %mul3A_1479 = arith.constant 80 : i32
      %mul3A_1480 = arith.muli %scan3A_1478, %mul3A_1479 : i32
      %add3A_1481 = arith.addi %multiple_of3A, %mul3A_1480 : i32
      "tpu.region"() ({
        %run_scoped3A = tpu.sem_alloc : memref<!tpu.dma_semaphore, #tpu.memory_space<semaphore_mem>>
        %dma_start3A_1485 = arith.constant 0 : i32
        %dma_start3A_1486 = arith.constant 0 : i32
        %dma_start3A_1487 = tpu.memref_slice %arg12[%scan3A_1466, %dma_start3A_1485, %dma_start3A_1486] : memref<2x80x16xf32, #tpu.memory_space<vmem>> -> memref<1x80x16xf32, #tpu.memory_space<vmem>>
        %dma_start3A_1488 = tpu.memref_squeeze %dma_start3A_1487 : memref<1x80x16xf32, #tpu.memory_space<vmem>> -> memref<80x16xf32, #tpu.memory_space<vmem>>
        %dma_start3A_1489 = arith.constant 0 : i32
        %dma_start3A_1490 = tpu.memref_slice %arg13[%add3A_1481, %dma_start3A_1489] : memref<100000x16xf32, #tpu.memory_space<vmem_shared>> -> memref<80x16xf32, #tpu.memory_space<vmem_shared>>
        %dma_start3A_1491 = arith.constant 0 : i32
        %dma_start3A_1492 = arith.constant 0 : i32
        %dma_start3A_1493 = tpu.memref_slice %arg12[%scan3A_1466, %dma_start3A_1491, %dma_start3A_1492] : memref<2x80x16xf32, #tpu.memory_space<vmem>> -> memref<1x80x16xf32, #tpu.memory_space<vmem>>
        %dma_start3A_1494 = tpu.memref_squeeze %dma_start3A_1493 : memref<1x80x16xf32, #tpu.memory_space<vmem>> -> memref<80x16xf32, #tpu.memory_space<vmem>>
        %dma_start3A_1495 = arith.constant 0 : i32
        %dma_start3A_1496 = tpu.memref_slice %arg13[%add3A_1481, %dma_start3A_1495] : memref<100000x16xf32, #tpu.memory_space<vmem_shared>> -> memref<80x16xf32, #tpu.memory_space<vmem_shared>>
        tpu.enqueue_dma source(%dma_start3A_1496 : memref<80x16xf32, #tpu.memory_space<vmem_shared>>) target(%dma_start3A_1494 : memref<80x16xf32, #tpu.memory_space<vmem>>) target_semaphore(%run_scoped3A : memref<!tpu.dma_semaphore, #tpu.memory_space<semaphore_mem>>)
        %dma_wait3A_1497 = arith.constant 0 : i32
        %dma_wait3A_1498 = arith.constant 0 : i32
        %dma_wait3A_1499 = tpu.memref_slice %arg12[%scan3A_1466, %dma_wait3A_1497, %dma_wait3A_1498] : memref<2x80x16xf32, #tpu.memory_space<vmem>> -> memref<1x80x16xf32, #tpu.memory_space<vmem>>
        %dma_wait3A_1500 = tpu.memref_squeeze %dma_wait3A_1499 : memref<1x80x16xf32, #tpu.memory_space<vmem>> -> memref<80x16xf32, #tpu.memory_space<vmem>>
        %dma_wait3A_1501 = arith.constant 0 : i32
        %dma_wait3A_1502 = tpu.memref_slice %arg13[%add3A_1481, %dma_wait3A_1501] : memref<100000x16xf32, #tpu.memory_space<vmem_shared>> -> memref<80x16xf32, #tpu.memory_space<vmem_shared>>
        %dma_wait3A_1503 = arith.constant 0 : i32
        %dma_wait3A_1504 = arith.constant 0 : i32
        %dma_wait3A_1505 = tpu.memref_slice %arg12[%scan3A_1466, %dma_wait3A_1503, %dma_wait3A_1504] : memref<2x80x16xf32, #tpu.memory_space<vmem>> -> memref<1x80x16xf32, #tpu.memory_space<vmem>>
        %dma_wait3A_1506 = tpu.memref_squeeze %dma_wait3A_1505 : memref<1x80x16xf32, #tpu.memory_space<vmem>> -> memref<80x16xf32, #tpu.memory_space<vmem>>
        %dma_wait3A_1507 = arith.constant 0 : i32
        %dma_wait3A_1508 = tpu.memref_slice %arg13[%add3A_1481, %dma_wait3A_1507] : memref<100000x16xf32, #tpu.memory_space<vmem_shared>> -> memref<80x16xf32, #tpu.memory_space<vmem_shared>>
        tpu.wait_dma2 semaphore(%run_scoped3A : memref<!tpu.dma_semaphore, #tpu.memory_space<semaphore_mem>>) src(%dma_wait3A_1508 : memref<80x16xf32, #tpu.memory_space<vmem_shared>>) dst(%dma_wait3A_1506 : memref<80x16xf32, #tpu.memory_space<vmem>>)
        tpu.yield
      }) : () -> ()
      %mul3A_1482 = arith.constant 80 : i32
      %mul3A_1483 = arith.muli %scan3A_1478, %mul3A_1482 : i32
      %add3A_1484 = arith.addi %multiple_of3A_1464, %mul3A_1483 : i32
      "tpu.region"() ({
        %run_scoped3A = tpu.sem_alloc : memref<!tpu.dma_semaphore, #tpu.memory_space<semaphore_mem>>
        %dma_start3A_1485 = arith.constant 0 : i32
        %dma_start3A_1486 = arith.constant 0 : i32
        %dma_start3A_1487 = tpu.memref_slice %arg12[%scan3A_1466, %dma_start3A_1485, %dma_start3A_1486] : memref<2x80x16xf32, #tpu.memory_space<vmem>> -> memref<1x80x16xf32, #tpu.memory_space<vmem>>
        %dma_start3A_1488 = tpu.memref_squeeze %dma_start3A_1487 : memref<1x80x16xf32, #tpu.memory_space<vmem>> -> memref<80x16xf32, #tpu.memory_space<vmem>>
        %dma_start3A_1489 = arith.constant 0 : i32
        %dma_start3A_1490 = tpu.memref_slice %arg6[%add3A_1484, %dma_start3A_1489] : memref<200000x16xf32, #tpu.memory_space<hbm>> -> memref<80x16xf32, #tpu.memory_space<hbm>>
        %dma_start3A_1491 = arith.constant 0 : i32
        %dma_start3A_1492 = tpu.memref_slice %arg6[%add3A_1484, %dma_start3A_1491] : memref<200000x16xf32, #tpu.memory_space<hbm>> -> memref<80x16xf32, #tpu.memory_space<hbm>>
        %dma_start3A_1493 = arith.constant 0 : i32
        %dma_start3A_1494 = arith.constant 0 : i32
        %dma_start3A_1495 = tpu.memref_slice %arg12[%scan3A_1466, %dma_start3A_1493, %dma_start3A_1494] : memref<2x80x16xf32, #tpu.memory_space<vmem>> -> memref<1x80x16xf32, #tpu.memory_space<vmem>>
        %dma_start3A_1496 = tpu.memref_squeeze %dma_start3A_1495 : memref<1x80x16xf32, #tpu.memory_space<vmem>> -> memref<80x16xf32, #tpu.memory_space<vmem>>
        tpu.enqueue_dma source(%dma_start3A_1496 : memref<80x16xf32, #tpu.memory_space<vmem>>) target(%dma_start3A_1492 : memref<80x16xf32, #tpu.memory_space<hbm>>) target_semaphore(%run_scoped3A : memref<!tpu.dma_semaphore, #tpu.memory_space<semaphore_mem>>)
        %dma_wait3A_1497 = arith.constant 0 : i32
        %dma_wait3A_1498 = arith.constant 0 : i32
        %dma_wait3A_1499 = tpu.memref_slice %arg12[%scan3A_1466, %dma_wait3A_1497, %dma_wait3A_1498] : memref<2x80x16xf32, #tpu.memory_space<vmem>> -> memref<1x80x16xf32, #tpu.memory_space<vmem>>
        %dma_wait3A_1500 = tpu.memref_squeeze %dma_wait3A_1499 : memref<1x80x16xf32, #tpu.memory_space<vmem>> -> memref<80x16xf32, #tpu.memory_space<vmem>>
        %dma_wait3A_1501 = arith.constant 0 : i32
        %dma_wait3A_1502 = tpu.memref_slice %arg6[%add3A_1484, %dma_wait3A_1501] : memref<200000x16xf32, #tpu.memory_space<hbm>> -> memref<80x16xf32, #tpu.memory_space<hbm>>
        %dma_wait3A_1503 = arith.constant 0 : i32
        %dma_wait3A_1504 = tpu.memref_slice %arg6[%add3A_1484, %dma_wait3A_1503] : memref<200000x16xf32, #tpu.memory_space<hbm>> -> memref<80x16xf32, #tpu.memory_space<hbm>>
        %dma_wait3A_1505 = arith.constant 0 : i32
        %dma_wait3A_1506 = arith.constant 0 : i32
        %dma_wait3A_1507 = tpu.memref_slice %arg12[%scan3A_1466, %dma_wait3A_1505, %dma_wait3A_1506] : memref<2x80x16xf32, #tpu.memory_space<vmem>> -> memref<1x80x16xf32, #tpu.memory_space<vmem>>
        %dma_wait3A_1508 = tpu.memref_squeeze %dma_wait3A_1507 : memref<1x80x16xf32, #tpu.memory_space<vmem>> -> memref<80x16xf32, #tpu.memory_space<vmem>>
        tpu.wait_dma2 semaphore(%run_scoped3A : memref<!tpu.dma_semaphore, #tpu.memory_space<semaphore_mem>>) src(%dma_wait3A_1508 : memref<80x16xf32, #tpu.memory_space<vmem>>) dst(%dma_wait3A_1504 : memref<80x16xf32, #tpu.memory_space<hbm>>)
        tpu.yield
      }) : () -> ()
    }
    %scan3A_1471 = arith.constant 77 : i32
    %lt3A_1472 = arith.constant 15 : i32
    %lt3A_1473 = arith.cmpi slt, %arg1, %lt3A_1472 : i32
    %convert_element_type3A_1474 = arith.extui %lt3A_1473 : i1 to i32
    %cond3A_1475 = arith.constant 0 : i32
    %cond3A_1476 = arith.constant 0 : i32
    %cond3A_1477 = arith.cmpi ne, %convert_element_type3A_1474, %cond3A_1476 : i32
    scf.if %cond3A_1477 {
      %add3A_1478 = arith.constant 6160 : i32
      %add3A_1479 = arith.addi %multiple_of3A, %add3A_1478 : i32
      "tpu.region"() ({
        %run_scoped3A = tpu.sem_alloc : memref<!tpu.dma_semaphore, #tpu.memory_space<semaphore_mem>>
        %dma_start3A_1486 = arith.constant 0 : i32
        %dma_start3A_1487 = arith.constant 0 : i32
        %dma_start3A_1488 = tpu.memref_slice %arg12[%cond3A_1475, %dma_start3A_1486, %dma_start3A_1487] : memref<2x80x16xf32, #tpu.memory_space<vmem>> -> memref<1x80x16xf32, #tpu.memory_space<vmem>>
        %dma_start3A_1489 = tpu.memref_squeeze %dma_start3A_1488 : memref<1x80x16xf32, #tpu.memory_space<vmem>> -> memref<80x16xf32, #tpu.memory_space<vmem>>
        %dma_start3A_1490 = arith.constant 0 : i32
        %dma_start3A_1491 = tpu.memref_slice %arg13[%add3A_1479, %dma_start3A_1490] : memref<100000x16xf32, #tpu.memory_space<vmem_shared>> -> memref<80x16xf32, #tpu.memory_space<vmem_shared>>
        %dma_start3A_1492 = arith.constant 0 : i32
        %dma_start3A_1493 = arith.constant 0 : i32
        %dma_start3A_1494 = tpu.memref_slice %arg12[%cond3A_1475, %dma_start3A_1492, %dma_start3A_1493] : memref<2x80x16xf32, #tpu.memory_space<vmem>> -> memref<1x80x16xf32, #tpu.memory_space<vmem>>
        %dma_start3A_1495 = tpu.memref_squeeze %dma_start3A_1494 : memref<1x80x16xf32, #tpu.memory_space<vmem>> -> memref<80x16xf32, #tpu.memory_space<vmem>>
        %dma_start3A_1496 = arith.constant 0 : i32
        %dma_start3A_1497 = tpu.memref_slice %arg13[%add3A_1479, %dma_start3A_1496] : memref<100000x16xf32, #tpu.memory_space<vmem_shared>> -> memref<80x16xf32, #tpu.memory_space<vmem_shared>>
        tpu.enqueue_dma source(%dma_start3A_1497 : memref<80x16xf32, #tpu.memory_space<vmem_shared>>) target(%dma_start3A_1495 : memref<80x16xf32, #tpu.memory_space<vmem>>) target_semaphore(%run_scoped3A : memref<!tpu.dma_semaphore, #tpu.memory_space<semaphore_mem>>)
        %dma_wait3A_1498 = arith.constant 0 : i32
        %dma_wait3A_1499 = arith.constant 0 : i32
        %dma_wait3A_1500 = tpu.memref_slice %arg12[%cond3A_1475, %dma_wait3A_1498, %dma_wait3A_1499] : memref<2x80x16xf32, #tpu.memory_space<vmem>> -> memref<1x80x16xf32, #tpu.memory_space<vmem>>
        %dma_wait3A_1501 = tpu.memref_squeeze %dma_wait3A_1500 : memref<1x80x16xf32, #tpu.memory_space<vmem>> -> memref<80x16xf32, #tpu.memory_space<vmem>>
        %dma_wait3A_1502 = arith.constant 0 : i32
        %dma_wait3A_1503 = tpu.memref_slice %arg13[%add3A_1479, %dma_wait3A_1502] : memref<100000x16xf32, #tpu.memory_space<vmem_shared>> -> memref<80x16xf32, #tpu.memory_space<vmem_shared>>
        %dma_wait3A_1504 = arith.constant 0 : i32
        %dma_wait3A_1505 = arith.constant 0 : i32
        %dma_wait3A_1506 = tpu.memref_slice %arg12[%cond3A_1475, %dma_wait3A_1504, %dma_wait3A_1505] : memref<2x80x16xf32, #tpu.memory_space<vmem>> -> memref<1x80x16xf32, #tpu.memory_space<vmem>>
        %dma_wait3A_1507 = tpu.memref_squeeze %dma_wait3A_1506 : memref<1x80x16xf32, #tpu.memory_space<vmem>> -> memref<80x16xf32, #tpu.memory_space<vmem>>
        %dma_wait3A_1508 = arith.constant 0 : i32
        %dma_wait3A_1509 = tpu.memref_slice %arg13[%add3A_1479, %dma_wait3A_1508] : memref<100000x16xf32, #tpu.memory_space<vmem_shared>> -> memref<80x16xf32, #tpu.memory_space<vmem_shared>>
        tpu.wait_dma2 semaphore(%run_scoped3A : memref<!tpu.dma_semaphore, #tpu.memory_space<semaphore_mem>>) src(%dma_wait3A_1509 : memref<80x16xf32, #tpu.memory_space<vmem_shared>>) dst(%dma_wait3A_1507 : memref<80x16xf32, #tpu.memory_space<vmem>>)
        tpu.yield
      }) : () -> ()
      %add3A_1480 = arith.constant 6160 : i32
      %add3A_1481 = arith.addi %multiple_of3A_1464, %add3A_1480 : i32
      "tpu.region"() ({
        %run_scoped3A = tpu.sem_alloc : memref<!tpu.dma_semaphore, #tpu.memory_space<semaphore_mem>>
        %dma_start3A_1486 = arith.constant 0 : i32
        %dma_start3A_1487 = arith.constant 0 : i32
        %dma_start3A_1488 = tpu.memref_slice %arg12[%cond3A_1475, %dma_start3A_1486, %dma_start3A_1487] : memref<2x80x16xf32, #tpu.memory_space<vmem>> -> memref<1x80x16xf32, #tpu.memory_space<vmem>>
        %dma_start3A_1489 = tpu.memref_squeeze %dma_start3A_1488 : memref<1x80x16xf32, #tpu.memory_space<vmem>> -> memref<80x16xf32, #tpu.memory_space<vmem>>
        %dma_start3A_1490 = arith.constant 0 : i32
        %dma_start3A_1491 = tpu.memref_slice %arg6[%add3A_1481, %dma_start3A_1490] : memref<200000x16xf32, #tpu.memory_space<hbm>> -> memref<80x16xf32, #tpu.memory_space<hbm>>
        %dma_start3A_1492 = arith.constant 0 : i32
        %dma_start3A_1493 = tpu.memref_slice %arg6[%add3A_1481, %dma_start3A_1492] : memref<200000x16xf32, #tpu.memory_space<hbm>> -> memref<80x16xf32, #tpu.memory_space<hbm>>
        %dma_start3A_1494 = arith.constant 0 : i32
        %dma_start3A_1495 = arith.constant 0 : i32
        %dma_start3A_1496 = tpu.memref_slice %arg12[%cond3A_1475, %dma_start3A_1494, %dma_start3A_1495] : memref<2x80x16xf32, #tpu.memory_space<vmem>> -> memref<1x80x16xf32, #tpu.memory_space<vmem>>
        %dma_start3A_1497 = tpu.memref_squeeze %dma_start3A_1496 : memref<1x80x16xf32, #tpu.memory_space<vmem>> -> memref<80x16xf32, #tpu.memory_space<vmem>>
        tpu.enqueue_dma source(%dma_start3A_1497 : memref<80x16xf32, #tpu.memory_space<vmem>>) target(%dma_start3A_1493 : memref<80x16xf32, #tpu.memory_space<hbm>>) target_semaphore(%run_scoped3A : memref<!tpu.dma_semaphore, #tpu.memory_space<semaphore_mem>>)
        %dma_wait3A_1498 = arith.constant 0 : i32
        %dma_wait3A_1499 = arith.constant 0 : i32
        %dma_wait3A_1500 = tpu.memref_slice %arg12[%cond3A_1475, %dma_wait3A_1498, %dma_wait3A_1499] : memref<2x80x16xf32, #tpu.memory_space<vmem>> -> memref<1x80x16xf32, #tpu.memory_space<vmem>>
        %dma_wait3A_1501 = tpu.memref_squeeze %dma_wait3A_1500 : memref<1x80x16xf32, #tpu.memory_space<vmem>> -> memref<80x16xf32, #tpu.memory_space<vmem>>
        %dma_wait3A_1502 = arith.constant 0 : i32
        %dma_wait3A_1503 = tpu.memref_slice %arg6[%add3A_1481, %dma_wait3A_1502] : memref<200000x16xf32, #tpu.memory_space<hbm>> -> memref<80x16xf32, #tpu.memory_space<hbm>>
        %dma_wait3A_1504 = arith.constant 0 : i32
        %dma_wait3A_1505 = tpu.memref_slice %arg6[%add3A_1481, %dma_wait3A_1504] : memref<200000x16xf32, #tpu.memory_space<hbm>> -> memref<80x16xf32, #tpu.memory_space<hbm>>
        %dma_wait3A_1506 = arith.constant 0 : i32
        %dma_wait3A_1507 = arith.constant 0 : i32
        %dma_wait3A_1508 = tpu.memref_slice %arg12[%cond3A_1475, %dma_wait3A_1506, %dma_wait3A_1507] : memref<2x80x16xf32, #tpu.memory_space<vmem>> -> memref<1x80x16xf32, #tpu.memory_space<vmem>>
        %dma_wait3A_1509 = tpu.memref_squeeze %dma_wait3A_1508 : memref<1x80x16xf32, #tpu.memory_space<vmem>> -> memref<80x16xf32, #tpu.memory_space<vmem>>
        tpu.wait_dma2 semaphore(%run_scoped3A : memref<!tpu.dma_semaphore, #tpu.memory_space<semaphore_mem>>) src(%dma_wait3A_1509 : memref<80x16xf32, #tpu.memory_space<vmem>>) dst(%dma_wait3A_1505 : memref<80x16xf32, #tpu.memory_space<hbm>>)
        tpu.yield
      }) : () -> ()
      %add3A_1482 = arith.constant 6240 : i32
      %add3A_1483 = arith.addi %multiple_of3A, %add3A_1482 : i32
      "tpu.region"() ({
        %run_scoped3A = tpu.sem_alloc : memref<!tpu.dma_semaphore, #tpu.memory_space<semaphore_mem>>
        %dma_start3A_1486 = arith.constant 0 : i32
        %dma_start3A_1487 = arith.constant 0 : i32
        %dma_start3A_1488 = tpu.memref_slice %arg12[%cond3A_1475, %dma_start3A_1486, %dma_start3A_1487] : memref<2x80x16xf32, #tpu.memory_space<vmem>> -> memref<1x80x16xf32, #tpu.memory_space<vmem>>
        %dma_start3A_1489 = tpu.memref_squeeze %dma_start3A_1488 : memref<1x80x16xf32, #tpu.memory_space<vmem>> -> memref<80x16xf32, #tpu.memory_space<vmem>>
        %dma_start3A_1490 = arith.constant 0 : i32
        %dma_start3A_1491 = arith.constant 0 : i32
        %dma_start3A_1492 = tpu.memref_slice %dma_start3A_1489[%dma_start3A_1490, %dma_start3A_1491] : memref<80x16xf32, #tpu.memory_space<vmem>> -> memref<16x16xf32, #tpu.memory_space<vmem>>
        %dma_start3A_1493 = arith.constant 0 : i32
        %dma_start3A_1494 = tpu.memref_slice %arg13[%add3A_1483, %dma_start3A_1493] : memref<100000x16xf32, #tpu.memory_space<vmem_shared>> -> memref<16x16xf32, #tpu.memory_space<vmem_shared>>
        %dma_start3A_1495 = arith.constant 0 : i32
        %dma_start3A_1496 = arith.constant 0 : i32
        %dma_start3A_1497 = tpu.memref_slice %arg12[%cond3A_1475, %dma_start3A_1495, %dma_start3A_1496] : memref<2x80x16xf32, #tpu.memory_space<vmem>> -> memref<1x80x16xf32, #tpu.memory_space<vmem>>
        %dma_start3A_1498 = tpu.memref_squeeze %dma_start3A_1497 : memref<1x80x16xf32, #tpu.memory_space<vmem>> -> memref<80x16xf32, #tpu.memory_space<vmem>>
        %dma_start3A_1499 = arith.constant 0 : i32
        %dma_start3A_1500 = arith.constant 0 : i32
        %dma_start3A_1501 = tpu.memref_slice %dma_start3A_1498[%dma_start3A_1499, %dma_start3A_1500] : memref<80x16xf32, #tpu.memory_space<vmem>> -> memref<16x16xf32, #tpu.memory_space<vmem>>
        %dma_start3A_1502 = arith.constant 0 : i32
        %dma_start3A_1503 = tpu.memref_slice %arg13[%add3A_1483, %dma_start3A_1502] : memref<100000x16xf32, #tpu.memory_space<vmem_shared>> -> memref<16x16xf32, #tpu.memory_space<vmem_shared>>
        tpu.enqueue_dma source(%dma_start3A_1503 : memref<16x16xf32, #tpu.memory_space<vmem_shared>>) target(%dma_start3A_1501 : memref<16x16xf32, #tpu.memory_space<vmem>>) target_semaphore(%run_scoped3A : memref<!tpu.dma_semaphore, #tpu.memory_space<semaphore_mem>>)
        %dma_wait3A_1504 = arith.constant 0 : i32
        %dma_wait3A_1505 = arith.constant 0 : i32
        %dma_wait3A_1506 = tpu.memref_slice %arg12[%cond3A_1475, %dma_wait3A_1504, %dma_wait3A_1505] : memref<2x80x16xf32, #tpu.memory_space<vmem>> -> memref<1x80x16xf32, #tpu.memory_space<vmem>>
        %dma_wait3A_1507 = tpu.memref_squeeze %dma_wait3A_1506 : memref<1x80x16xf32, #tpu.memory_space<vmem>> -> memref<80x16xf32, #tpu.memory_space<vmem>>
        %dma_wait3A_1508 = arith.constant 0 : i32
        %dma_wait3A_1509 = arith.constant 0 : i32
        %dma_wait3A_1510 = tpu.memref_slice %dma_wait3A_1507[%dma_wait3A_1508, %dma_wait3A_1509] : memref<80x16xf32, #tpu.memory_space<vmem>> -> memref<16x16xf32, #tpu.memory_space<vmem>>
        %dma_wait3A_1511 = arith.constant 0 : i32
        %dma_wait3A_1512 = tpu.memref_slice %arg13[%add3A_1483, %dma_wait3A_1511] : memref<100000x16xf32, #tpu.memory_space<vmem_shared>> -> memref<16x16xf32, #tpu.memory_space<vmem_shared>>
        %dma_wait3A_1513 = arith.constant 0 : i32
        %dma_wait3A_1514 = arith.constant 0 : i32
        %dma_wait3A_1515 = tpu.memref_slice %arg12[%cond3A_1475, %dma_wait3A_1513, %dma_wait3A_1514] : memref<2x80x16xf32, #tpu.memory_space<vmem>> -> memref<1x80x16xf32, #tpu.memory_space<vmem>>
        %dma_wait3A_1516 = tpu.memref_squeeze %dma_wait3A_1515 : memref<1x80x16xf32, #tpu.memory_space<vmem>> -> memref<80x16xf32, #tpu.memory_space<vmem>>
        %dma_wait3A_1517 = arith.constant 0 : i32
        %dma_wait3A_1518 = arith.constant 0 : i32
        %dma_wait3A_1519 = tpu.memref_slice %dma_wait3A_1516[%dma_wait3A_1517, %dma_wait3A_1518] : memref<80x16xf32, #tpu.memory_space<vmem>> -> memref<16x16xf32, #tpu.memory_space<vmem>>
        %dma_wait3A_1520 = arith.constant 0 : i32
        %dma_wait3A_1521 = tpu.memref_slice %arg13[%add3A_1483, %dma_wait3A_1520] : memref<100000x16xf32, #tpu.memory_space<vmem_shared>> -> memref<16x16xf32, #tpu.memory_space<vmem_shared>>
        tpu.wait_dma2 semaphore(%run_scoped3A : memref<!tpu.dma_semaphore, #tpu.memory_space<semaphore_mem>>) src(%dma_wait3A_1521 : memref<16x16xf32, #tpu.memory_space<vmem_shared>>) dst(%dma_wait3A_1519 : memref<16x16xf32, #tpu.memory_space<vmem>>)
        tpu.yield
      }) : () -> ()
      %add3A_1484 = arith.constant 6240 : i32
      %add3A_1485 = arith.addi %multiple_of3A_1464, %add3A_1484 : i32
      "tpu.region"() ({
        %run_scoped3A = tpu.sem_alloc : memref<!tpu.dma_semaphore, #tpu.memory_space<semaphore_mem>>
        %dma_start3A_1486 = arith.constant 0 : i32
        %dma_start3A_1487 = arith.constant 0 : i32
        %dma_start3A_1488 = tpu.memref_slice %arg12[%cond3A_1475, %dma_start3A_1486, %dma_start3A_1487] : memref<2x80x16xf32, #tpu.memory_space<vmem>> -> memref<1x80x16xf32, #tpu.memory_space<vmem>>
        %dma_start3A_1489 = tpu.memref_squeeze %dma_start3A_1488 : memref<1x80x16xf32, #tpu.memory_space<vmem>> -> memref<80x16xf32, #tpu.memory_space<vmem>>
        %dma_start3A_1490 = arith.constant 0 : i32
        %dma_start3A_1491 = arith.constant 0 : i32
        %dma_start3A_1492 = tpu.memref_slice %dma_start3A_1489[%dma_start3A_1490, %dma_start3A_1491] : memref<80x16xf32, #tpu.memory_space<vmem>> -> memref<16x16xf32, #tpu.memory_space<vmem>>
        %dma_start3A_1493 = arith.constant 0 : i32
        %dma_start3A_1494 = tpu.memref_slice %arg6[%add3A_1485, %dma_start3A_1493] : memref<200000x16xf32, #tpu.memory_space<hbm>> -> memref<16x16xf32, #tpu.memory_space<hbm>>
        %dma_start3A_1495 = arith.constant 0 : i32
        %dma_start3A_1496 = tpu.memref_slice %arg6[%add3A_1485, %dma_start3A_1495] : memref<200000x16xf32, #tpu.memory_space<hbm>> -> memref<16x16xf32, #tpu.memory_space<hbm>>
        %dma_start3A_1497 = arith.constant 0 : i32
        %dma_start3A_1498 = arith.constant 0 : i32
        %dma_start3A_1499 = tpu.memref_slice %arg12[%cond3A_1475, %dma_start3A_1497, %dma_start3A_1498] : memref<2x80x16xf32, #tpu.memory_space<vmem>> -> memref<1x80x16xf32, #tpu.memory_space<vmem>>
        %dma_start3A_1500 = tpu.memref_squeeze %dma_start3A_1499 : memref<1x80x16xf32, #tpu.memory_space<vmem>> -> memref<80x16xf32, #tpu.memory_space<vmem>>
        %dma_start3A_1501 = arith.constant 0 : i32
        %dma_start3A_1502 = arith.constant 0 : i32
        %dma_start3A_1503 = tpu.memref_slice %dma_start3A_1500[%dma_start3A_1501, %dma_start3A_1502] : memref<80x16xf32, #tpu.memory_space<vmem>> -> memref<16x16xf32, #tpu.memory_space<vmem>>
        tpu.enqueue_dma source(%dma_start3A_1503 : memref<16x16xf32, #tpu.memory_space<vmem>>) target(%dma_start3A_1496 : memref<16x16xf32, #tpu.memory_space<hbm>>) target_semaphore(%run_scoped3A : memref<!tpu.dma_semaphore, #tpu.memory_space<semaphore_mem>>)
        %dma_wait3A_1504 = arith.constant 0 : i32
        %dma_wait3A_1505 = arith.constant 0 : i32
        %dma_wait3A_1506 = tpu.memref_slice %arg12[%cond3A_1475, %dma_wait3A_1504, %dma_wait3A_1505] : memref<2x80x16xf32, #tpu.memory_space<vmem>> -> memref<1x80x16xf32, #tpu.memory_space<vmem>>
        %dma_wait3A_1507 = tpu.memref_squeeze %dma_wait3A_1506 : memref<1x80x16xf32, #tpu.memory_space<vmem>> -> memref<80x16xf32, #tpu.memory_space<vmem>>
        %dma_wait3A_1508 = arith.constant 0 : i32
        %dma_wait3A_1509 = arith.constant 0 : i32
        %dma_wait3A_1510 = tpu.memref_slice %dma_wait3A_1507[%dma_wait3A_1508, %dma_wait3A_1509] : memref<80x16xf32, #tpu.memory_space<vmem>> -> memref<16x16xf32, #tpu.memory_space<vmem>>
        %dma_wait3A_1511 = arith.constant 0 : i32
        %dma_wait3A_1512 = tpu.memref_slice %arg6[%add3A_1485, %dma_wait3A_1511] : memref<200000x16xf32, #tpu.memory_space<hbm>> -> memref<16x16xf32, #tpu.memory_space<hbm>>
        %dma_wait3A_1513 = arith.constant 0 : i32
        %dma_wait3A_1514 = tpu.memref_slice %arg6[%add3A_1485, %dma_wait3A_1513] : memref<200000x16xf32, #tpu.memory_space<hbm>> -> memref<16x16xf32, #tpu.memory_space<hbm>>
        %dma_wait3A_1515 = arith.constant 0 : i32
        %dma_wait3A_1516 = arith.constant 0 : i32
        %dma_wait3A_1517 = tpu.memref_slice %arg12[%cond3A_1475, %dma_wait3A_1515, %dma_wait3A_1516] : memref<2x80x16xf32, #tpu.memory_space<vmem>> -> memref<1x80x16xf32, #tpu.memory_space<vmem>>
        %dma_wait3A_1518 = tpu.memref_squeeze %dma_wait3A_1517 : memref<1x80x16xf32, #tpu.memory_space<vmem>> -> memref<80x16xf32, #tpu.memory_space<vmem>>
        %dma_wait3A_1519 = arith.constant 0 : i32
        %dma_wait3A_1520 = arith.constant 0 : i32
        %dma_wait3A_1521 = tpu.memref_slice %dma_wait3A_1518[%dma_wait3A_1519, %dma_wait3A_1520] : memref<80x16xf32, #tpu.memory_space<vmem>> -> memref<16x16xf32, #tpu.memory_space<vmem>>
        tpu.wait_dma2 semaphore(%run_scoped3A : memref<!tpu.dma_semaphore, #tpu.memory_space<semaphore_mem>>) src(%dma_wait3A_1521 : memref<16x16xf32, #tpu.memory_space<vmem>>) dst(%dma_wait3A_1514 : memref<16x16xf32, #tpu.memory_space<hbm>>)
        tpu.yield
      }) : () -> ()
    } else {
    }
    return
  }
}

module attributes {stable_mosaic.version = 14 : i64} {
  func.func @_radial_body(%arg0: i32, %arg1: memref<8x3200xf32, #tpu.memory_space<vmem>>, %arg2: memref<3xf32, #tpu.memory_space<smem>>, %arg3: memref<3xf32, #tpu.memory_space<smem>>, %arg4: memref<3xf32, #tpu.memory_space<smem>>, %arg5: memref<3x8x3200xf32, #tpu.memory_space<vmem>>) attributes {dimension_semantics = [#tpu.dimension_semantics<arbitrary>], iteration_bounds = array<i64: 125>, scalar_prefetch = 0 : i64, scratch_operands = 0 : i64, tpu.core_type = #tpu.core_type<tc>, window_params = [{transform_indices = @transform_0, window_bounds = array<i64: 8, 3200>}, {transform_indices = @transform_1, window_bounds = array<i64: 3>}, {transform_indices = @transform_2, window_bounds = array<i64: 3>}, {transform_indices = @transform_3, window_bounds = array<i64: 3>}, {transform_indices = @transform_4, window_bounds = array<i64: 3, 8, 3200>}]} {
    %get3A = arith.constant 0 : index
    %get3A_0 = arith.constant 0 : index
    %get3A_1 = vector.load %arg1[%get3A, %get3A_0] : memref<8x3200xf32, #tpu.memory_space<vmem>>, vector<8x3200xf32>
    %get3A_2 = arith.constant 0 : index
    %get3A_3 = memref.load %arg2[%get3A_2] : memref<3xf32, #tpu.memory_space<smem>>
    %get3A_4 = arith.constant 0 : index
    %get3A_5 = memref.load %arg3[%get3A_4] : memref<3xf32, #tpu.memory_space<smem>>
    %get3A_6 = arith.constant 0 : index
    %get3A_7 = memref.load %arg4[%get3A_6] : memref<3xf32, #tpu.memory_space<smem>>
    %neg3A = arith.constant 0.000000e+00 : f32
    %neg3A_8 = arith.subf %neg3A, %get3A_7 : f32
    %sub3A = vector.broadcast %get3A_5 : f32 to vector<8x3200xf32>
    %sub3A_9 = arith.subf %get3A_1, %sub3A : vector<8x3200xf32>
    %integer_pow3A = arith.mulf %sub3A_9, %sub3A_9 : vector<8x3200xf32>
    %mul3A = vector.broadcast %neg3A_8 : f32 to vector<8x3200xf32>
    %mul3A_10 = arith.mulf %mul3A, %integer_pow3A : vector<8x3200xf32>
    %exp3A = math.exp %mul3A_10 : vector<8x3200xf32>
    %mul3A_11 = arith.constant 3.14159274 : f32
    %mul3A_12 = vector.broadcast %mul3A_11 : f32 to vector<8x3200xf32>
    %mul3A_13 = arith.mulf %mul3A_12, %get3A_1 : vector<8x3200xf32>
    %div3A = vector.broadcast %get3A_3 : f32 to vector<8x3200xf32>
    %div3A_14 = arith.divf %mul3A_13, %div3A : vector<8x3200xf32>
    %cos3A = math.cos %div3A_14 : vector<8x3200xf32>
    %add3A = arith.constant 1.000000e+00 : f32
    %add3A_15 = vector.broadcast %add3A : f32 to vector<8x3200xf32>
    %add3A_16 = arith.addf %cos3A, %add3A_15 : vector<8x3200xf32>
    %mul3A_17 = arith.constant 5.000000e-01 : f32
    %mul3A_18 = vector.broadcast %mul3A_17 : f32 to vector<8x3200xf32>
    %mul3A_19 = arith.mulf %mul3A_18, %add3A_16 : vector<8x3200xf32>
    %le3A = vector.broadcast %get3A_3 : f32 to vector<8x3200xf32>
    %le3A_20 = arith.cmpf ole, %get3A_1, %le3A : vector<8x3200xf32>
    %broadcast_in_dim3A = arith.constant 0.000000e+00 : f32
    %broadcast_in_dim3A_21 = vector.broadcast %broadcast_in_dim3A : f32 to vector<8x3200xf32>
    %select_n3A = arith.select %le3A_20, %mul3A_19, %broadcast_in_dim3A_21 : vector<8x3200xi1>, vector<8x3200xf32>
    %mul3A_22 = arith.mulf %exp3A, %select_n3A : vector<8x3200xf32>
    %swap3A = arith.constant 0 : index
    %swap3A_23 = arith.constant 0 : index
    %swap3A_24 = arith.constant 0 : index
    %swap3A_25 = vector.load %arg5[%swap3A, %swap3A_23, %swap3A_24] : memref<3x8x3200xf32, #tpu.memory_space<vmem>>, vector<1x8x3200xf32>
    %swap3A_26 = vector.shape_cast %swap3A_25 : vector<1x8x3200xf32> to vector<8x3200xf32>
    %swap3A_27 = vector.shape_cast %mul3A_22 : vector<8x3200xf32> to vector<1x8x3200xf32>
    tpu.vector_store %arg5[%swap3A, %swap3A_23, %swap3A_24], %swap3A_27 {strides = array<i32>} : memref<3x8x3200xf32, #tpu.memory_space<vmem>>, vector<1x8x3200xf32>,
    %get3A_28 = arith.constant 1 : index
    %get3A_29 = memref.load %arg2[%get3A_28] : memref<3xf32, #tpu.memory_space<smem>>
    %get3A_30 = arith.constant 1 : index
    %get3A_31 = memref.load %arg3[%get3A_30] : memref<3xf32, #tpu.memory_space<smem>>
    %get3A_32 = arith.constant 1 : index
    %get3A_33 = memref.load %arg4[%get3A_32] : memref<3xf32, #tpu.memory_space<smem>>
    %neg3A_34 = arith.constant 0.000000e+00 : f32
    %neg3A_35 = arith.subf %neg3A_34, %get3A_33 : f32
    %sub3A_36 = vector.broadcast %get3A_31 : f32 to vector<8x3200xf32>
    %sub3A_37 = arith.subf %get3A_1, %sub3A_36 : vector<8x3200xf32>
    %integer_pow3A_38 = arith.mulf %sub3A_37, %sub3A_37 : vector<8x3200xf32>
    %mul3A_39 = vector.broadcast %neg3A_35 : f32 to vector<8x3200xf32>
    %mul3A_40 = arith.mulf %mul3A_39, %integer_pow3A_38 : vector<8x3200xf32>
    %exp3A_41 = math.exp %mul3A_40 : vector<8x3200xf32>
    %mul3A_42 = arith.constant 3.14159274 : f32
    %mul3A_43 = vector.broadcast %mul3A_42 : f32 to vector<8x3200xf32>
    %mul3A_44 = arith.mulf %mul3A_43, %get3A_1 : vector<8x3200xf32>
    %div3A_45 = vector.broadcast %get3A_29 : f32 to vector<8x3200xf32>
    %div3A_46 = arith.divf %mul3A_44, %div3A_45 : vector<8x3200xf32>
    %cos3A_47 = math.cos %div3A_46 : vector<8x3200xf32>
    %add3A_48 = arith.constant 1.000000e+00 : f32
    %add3A_49 = vector.broadcast %add3A_48 : f32 to vector<8x3200xf32>
    %add3A_50 = arith.addf %cos3A_47, %add3A_49 : vector<8x3200xf32>
    %mul3A_51 = arith.constant 5.000000e-01 : f32
    %mul3A_52 = vector.broadcast %mul3A_51 : f32 to vector<8x3200xf32>
    %mul3A_53 = arith.mulf %mul3A_52, %add3A_50 : vector<8x3200xf32>
    %le3A_54 = vector.broadcast %get3A_29 : f32 to vector<8x3200xf32>
    %le3A_55 = arith.cmpf ole, %get3A_1, %le3A_54 : vector<8x3200xf32>
    %broadcast_in_dim3A_56 = arith.constant 0.000000e+00 : f32
    %broadcast_in_dim3A_57 = vector.broadcast %broadcast_in_dim3A_56 : f32 to vector<8x3200xf32>
    %select_n3A_58 = arith.select %le3A_55, %mul3A_53, %broadcast_in_dim3A_57 : vector<8x3200xi1>, vector<8x3200xf32>
    %mul3A_59 = arith.mulf %exp3A_41, %select_n3A_58 : vector<8x3200xf32>
    %swap3A_60 = arith.constant 1 : index
    %swap3A_61 = arith.constant 0 : index
    %swap3A_62 = arith.constant 0 : index
    %swap3A_63 = vector.load %arg5[%swap3A_60, %swap3A_61, %swap3A_62] : memref<3x8x3200xf32, #tpu.memory_space<vmem>>, vector<1x8x3200xf32>
    %swap3A_64 = vector.shape_cast %swap3A_63 : vector<1x8x3200xf32> to vector<8x3200xf32>
    %swap3A_65 = vector.shape_cast %mul3A_59 : vector<8x3200xf32> to vector<1x8x3200xf32>
    tpu.vector_store %arg5[%swap3A_60, %swap3A_61, %swap3A_62], %swap3A_65 {strides = array<i32>} : memref<3x8x3200xf32, #tpu.memory_space<vmem>>, vector<1x8x3200xf32>,
    %get3A_66 = arith.constant 2 : index
    %get3A_67 = memref.load %arg2[%get3A_66] : memref<3xf32, #tpu.memory_space<smem>>
    %get3A_68 = arith.constant 2 : index
    %get3A_69 = memref.load %arg3[%get3A_68] : memref<3xf32, #tpu.memory_space<smem>>
    %get3A_70 = arith.constant 2 : index
    %get3A_71 = memref.load %arg4[%get3A_70] : memref<3xf32, #tpu.memory_space<smem>>
    %neg3A_72 = arith.constant 0.000000e+00 : f32
    %neg3A_73 = arith.subf %neg3A_72, %get3A_71 : f32
    %sub3A_74 = vector.broadcast %get3A_69 : f32 to vector<8x3200xf32>
    %sub3A_75 = arith.subf %get3A_1, %sub3A_74 : vector<8x3200xf32>
    %integer_pow3A_76 = arith.mulf %sub3A_75, %sub3A_75 : vector<8x3200xf32>
    %mul3A_77 = vector.broadcast %neg3A_73 : f32 to vector<8x3200xf32>
    %mul3A_78 = arith.mulf %mul3A_77, %integer_pow3A_76 : vector<8x3200xf32>
    %exp3A_79 = math.exp %mul3A_78 : vector<8x3200xf32>
    %mul3A_80 = arith.constant 3.14159274 : f32
    %mul3A_81 = vector.broadcast %mul3A_80 : f32 to vector<8x3200xf32>
    %mul3A_82 = arith.mulf %mul3A_81, %get3A_1 : vector<8x3200xf32>
    %div3A_83 = vector.broadcast %get3A_67 : f32 to vector<8x3200xf32>
    %div3A_84 = arith.divf %mul3A_82, %div3A_83 : vector<8x3200xf32>
    %cos3A_85 = math.cos %div3A_84 : vector<8x3200xf32>
    %add3A_86 = arith.constant 1.000000e+00 : f32
    %add3A_87 = vector.broadcast %add3A_86 : f32 to vector<8x3200xf32>
    %add3A_88 = arith.addf %cos3A_85, %add3A_87 : vector<8x3200xf32>
    %mul3A_89 = arith.constant 5.000000e-01 : f32
    %mul3A_90 = vector.broadcast %mul3A_89 : f32 to vector<8x3200xf32>
    %mul3A_91 = arith.mulf %mul3A_90, %add3A_88 : vector<8x3200xf32>
    %le3A_92 = vector.broadcast %get3A_67 : f32 to vector<8x3200xf32>
    %le3A_93 = arith.cmpf ole, %get3A_1, %le3A_92 : vector<8x3200xf32>
    %broadcast_in_dim3A_94 = arith.constant 0.000000e+00 : f32
    %broadcast_in_dim3A_95 = vector.broadcast %broadcast_in_dim3A_94 : f32 to vector<8x3200xf32>
    %select_n3A_96 = arith.select %le3A_93, %mul3A_91, %broadcast_in_dim3A_95 : vector<8x3200xi1>, vector<8x3200xf32>
    %mul3A_97 = arith.mulf %exp3A_79, %select_n3A_96 : vector<8x3200xf32>
    %swap3A_98 = arith.constant 2 : index
    %swap3A_99 = arith.constant 0 : index
    %swap3A_100 = arith.constant 0 : index
    %swap3A_101 = vector.load %arg5[%swap3A_98, %swap3A_99, %swap3A_100] : memref<3x8x3200xf32, #tpu.memory_space<vmem>>, vector<1x8x3200xf32>
    %swap3A_102 = vector.shape_cast %swap3A_101 : vector<1x8x3200xf32> to vector<8x3200xf32>
    %swap3A_103 = vector.shape_cast %mul3A_97 : vector<8x3200xf32> to vector<1x8x3200xf32>
    tpu.vector_store %arg5[%swap3A_98, %swap3A_99, %swap3A_100], %swap3A_103 {strides = array<i32>} : memref<3x8x3200xf32, #tpu.memory_space<vmem>>, vector<1x8x3200xf32>,
    return
  }
  func.func @transform_0(%arg0: i32) -> (i32, i32) {
    %c0_i32 = arith.constant 0 : i32
    %c0_i32_0 = arith.constant 0 : i32
    return %arg0, %c0_i32 : i32, i32
  }
  func.func @transform_1(%arg0: i32) -> i32 {
    %c0_i32 = arith.constant 0 : i32
    %c0_i32_0 = arith.constant 0 : i32
    return %c0_i32 : i32
  }
  func.func @transform_2(%arg0: i32) -> i32 {
    %c0_i32 = arith.constant 0 : i32
    %c0_i32_0 = arith.constant 0 : i32
    return %c0_i32 : i32
  }
  func.func @transform_3(%arg0: i32) -> i32 {
    %c0_i32 = arith.constant 0 : i32
    %c0_i32_0 = arith.constant 0 : i32
    return %c0_i32 : i32
  }
  func.func @transform_4(%arg0: i32) -> (i32, i32, i32) {
    %c0_i32 = arith.constant 0 : i32
    %c0_i32_0 = arith.constant 0 : i32
    %c0_i32_1 = arith.constant 0 : i32
    return %c0_i32, %arg0, %c0_i32_0 : i32, i32, i32
  }
}

module attributes {stable_mosaic.version = 14 : i64} {
  func.func @_colmap_body(%arg0: i32, %arg1: memref<8x8x128xf32, #tpu.memory_space<vmem>>, %arg2: memref<4xf32, #tpu.memory_space<smem>>, %arg3: memref<8x128xi32, #tpu.memory_space<vmem>>) attributes {dimension_semantics = [#tpu.dimension_semantics<arbitrary>], iteration_bounds = array<i64: 16>, scalar_prefetch = 0 : i64, scratch_operands = 0 : i64, tpu.core_type = #tpu.core_type<tc>, window_params = [{transform_indices = @transform_0, window_bounds = array<i64: 8, 8, 128>}, {transform_indices = @transform_1, window_bounds = array<i64: 4>}, {transform_indices = @transform_2, window_bounds = array<i64: 8, 128>}]} {
    %broadcast_in_dim3A = arith.constant 0 : i32
    %broadcast_in_dim3A_0 = vector.broadcast %broadcast_in_dim3A : i32 to vector<8x128xi32>
    %get3A = arith.constant 0 : index
    %get3A_1 = arith.constant 0 : index
    %get3A_2 = arith.constant 0 : index
    %get3A_3 = vector.load %arg1[%get3A, %get3A_1, %get3A_2] : memref<8x8x128xf32, #tpu.memory_space<vmem>>, vector<1x8x128xf32>
    %get3A_4 = vector.shape_cast %get3A_3 : vector<1x8x128xf32> to vector<8x128xf32>
    %broadcast_in_dim3A_5 = arith.constant 15 : i32
    %broadcast_in_dim3A_6 = vector.broadcast %broadcast_in_dim3A_5 : i32 to vector<8x128xi32>
    %get3A_7 = arith.constant 3 : index
    %get3A_8 = memref.load %arg2[%get3A_7] : memref<4xf32, #tpu.memory_space<smem>>
    %eq3A = vector.broadcast %get3A_8 : f32 to vector<8x128xf32>
    %eq3A_9 = arith.cmpf oeq, %get3A_4, %eq3A : vector<8x128xf32>
    %broadcast_in_dim3A_10 = arith.constant 3 : i32
    %broadcast_in_dim3A_11 = vector.broadcast %broadcast_in_dim3A_10 : i32 to vector<8x128xi32>
    %select_n3A = arith.select %eq3A_9, %broadcast_in_dim3A_11, %broadcast_in_dim3A_6 : vector<8x128xi1>, vector<8x128xi32>
    %get3A_12 = arith.constant 2 : index
    %get3A_13 = memref.load %arg2[%get3A_12] : memref<4xf32, #tpu.memory_space<smem>>
    %eq3A_14 = vector.broadcast %get3A_13 : f32 to vector<8x128xf32>
    %eq3A_15 = arith.cmpf oeq, %get3A_4, %eq3A_14 : vector<8x128xf32>
    %broadcast_in_dim3A_16 = arith.constant 2 : i32
    %broadcast_in_dim3A_17 = vector.broadcast %broadcast_in_dim3A_16 : i32 to vector<8x128xi32>
    %select_n3A_18 = arith.select %eq3A_15, %broadcast_in_dim3A_17, %select_n3A : vector<8x128xi1>, vector<8x128xi32>
    %get3A_19 = arith.constant 1 : index
    %get3A_20 = memref.load %arg2[%get3A_19] : memref<4xf32, #tpu.memory_space<smem>>
    %eq3A_21 = vector.broadcast %get3A_20 : f32 to vector<8x128xf32>
    %eq3A_22 = arith.cmpf oeq, %get3A_4, %eq3A_21 : vector<8x128xf32>
    %broadcast_in_dim3A_23 = arith.constant 1 : i32
    %broadcast_in_dim3A_24 = vector.broadcast %broadcast_in_dim3A_23 : i32 to vector<8x128xi32>
    %select_n3A_25 = arith.select %eq3A_22, %broadcast_in_dim3A_24, %select_n3A_18 : vector<8x128xi1>, vector<8x128xi32>
    %get3A_26 = arith.constant 0 : index
    %get3A_27 = memref.load %arg2[%get3A_26] : memref<4xf32, #tpu.memory_space<smem>>
    %eq3A_28 = vector.broadcast %get3A_27 : f32 to vector<8x128xf32>
    %eq3A_29 = arith.cmpf oeq, %get3A_4, %eq3A_28 : vector<8x128xf32>
    %broadcast_in_dim3A_30 = arith.constant 0 : i32
    %broadcast_in_dim3A_31 = vector.broadcast %broadcast_in_dim3A_30 : i32 to vector<8x128xi32>
    %select_n3A_32 = arith.select %eq3A_29, %broadcast_in_dim3A_31, %select_n3A_25 : vector<8x128xi1>, vector<8x128xi32>
    %shift_left3A = arith.constant 0 : i32
    %shift_left3A_33 = vector.broadcast %shift_left3A : i32 to vector<8x128xi32>
    %shift_left3A_34 = arith.shli %select_n3A_32, %shift_left3A_33 : vector<8x128xi32>
    %or3A = arith.ori %broadcast_in_dim3A_0, %shift_left3A_34 : vector<8x128xi32>
    %get3A_35 = arith.constant 1 : index
    %get3A_36 = arith.constant 0 : index
    %get3A_37 = arith.constant 0 : index
    %get3A_38 = vector.load %arg1[%get3A_35, %get3A_36, %get3A_37] : memref<8x8x128xf32, #tpu.memory_space<vmem>>, vector<1x8x128xf32>
    %get3A_39 = vector.shape_cast %get3A_38 : vector<1x8x128xf32> to vector<8x128xf32>
    %broadcast_in_dim3A_40 = arith.constant 15 : i32
    %broadcast_in_dim3A_41 = vector.broadcast %broadcast_in_dim3A_40 : i32 to vector<8x128xi32>
    %get3A_42 = arith.constant 3 : index
    %get3A_43 = memref.load %arg2[%get3A_42] : memref<4xf32, #tpu.memory_space<smem>>
    %eq3A_44 = vector.broadcast %get3A_43 : f32 to vector<8x128xf32>
    %eq3A_45 = arith.cmpf oeq, %get3A_39, %eq3A_44 : vector<8x128xf32>
    %broadcast_in_dim3A_46 = arith.constant 3 : i32
    %broadcast_in_dim3A_47 = vector.broadcast %broadcast_in_dim3A_46 : i32 to vector<8x128xi32>
    %select_n3A_48 = arith.select %eq3A_45, %broadcast_in_dim3A_47, %broadcast_in_dim3A_41 : vector<8x128xi1>, vector<8x128xi32>
    %get3A_49 = arith.constant 2 : index
    %get3A_50 = memref.load %arg2[%get3A_49] : memref<4xf32, #tpu.memory_space<smem>>
    %eq3A_51 = vector.broadcast %get3A_50 : f32 to vector<8x128xf32>
    %eq3A_52 = arith.cmpf oeq, %get3A_39, %eq3A_51 : vector<8x128xf32>
    %broadcast_in_dim3A_53 = arith.constant 2 : i32
    %broadcast_in_dim3A_54 = vector.broadcast %broadcast_in_dim3A_53 : i32 to vector<8x128xi32>
    %select_n3A_55 = arith.select %eq3A_52, %broadcast_in_dim3A_54, %select_n3A_48 : vector<8x128xi1>, vector<8x128xi32>
    %get3A_56 = arith.constant 1 : index
    %get3A_57 = memref.load %arg2[%get3A_56] : memref<4xf32, #tpu.memory_space<smem>>
    %eq3A_58 = vector.broadcast %get3A_57 : f32 to vector<8x128xf32>
    %eq3A_59 = arith.cmpf oeq, %get3A_39, %eq3A_58 : vector<8x128xf32>
    %broadcast_in_dim3A_60 = arith.constant 1 : i32
    %broadcast_in_dim3A_61 = vector.broadcast %broadcast_in_dim3A_60 : i32 to vector<8x128xi32>
    %select_n3A_62 = arith.select %eq3A_59, %broadcast_in_dim3A_61, %select_n3A_55 : vector<8x128xi1>, vector<8x128xi32>
    %get3A_63 = arith.constant 0 : index
    %get3A_64 = memref.load %arg2[%get3A_63] : memref<4xf32, #tpu.memory_space<smem>>
    %eq3A_65 = vector.broadcast %get3A_64 : f32 to vector<8x128xf32>
    %eq3A_66 = arith.cmpf oeq, %get3A_39, %eq3A_65 : vector<8x128xf32>
    %broadcast_in_dim3A_67 = arith.constant 0 : i32
    %broadcast_in_dim3A_68 = vector.broadcast %broadcast_in_dim3A_67 : i32 to vector<8x128xi32>
    %select_n3A_69 = arith.select %eq3A_66, %broadcast_in_dim3A_68, %select_n3A_62 : vector<8x128xi1>, vector<8x128xi32>
    %shift_left3A_70 = arith.constant 4 : i32
    %shift_left3A_71 = vector.broadcast %shift_left3A_70 : i32 to vector<8x128xi32>
    %shift_left3A_72 = arith.shli %select_n3A_69, %shift_left3A_71 : vector<8x128xi32>
    %or3A_73 = arith.ori %or3A, %shift_left3A_72 : vector<8x128xi32>
    %get3A_74 = arith.constant 2 : index
    %get3A_75 = arith.constant 0 : index
    %get3A_76 = arith.constant 0 : index
    %get3A_77 = vector.load %arg1[%get3A_74, %get3A_75, %get3A_76] : memref<8x8x128xf32, #tpu.memory_space<vmem>>, vector<1x8x128xf32>
    %get3A_78 = vector.shape_cast %get3A_77 : vector<1x8x128xf32> to vector<8x128xf32>
    %broadcast_in_dim3A_79 = arith.constant 15 : i32
    %broadcast_in_dim3A_80 = vector.broadcast %broadcast_in_dim3A_79 : i32 to vector<8x128xi32>
    %get3A_81 = arith.constant 3 : index
    %get3A_82 = memref.load %arg2[%get3A_81] : memref<4xf32, #tpu.memory_space<smem>>
    %eq3A_83 = vector.broadcast %get3A_82 : f32 to vector<8x128xf32>
    %eq3A_84 = arith.cmpf oeq, %get3A_78, %eq3A_83 : vector<8x128xf32>
    %broadcast_in_dim3A_85 = arith.constant 3 : i32
    %broadcast_in_dim3A_86 = vector.broadcast %broadcast_in_dim3A_85 : i32 to vector<8x128xi32>
    %select_n3A_87 = arith.select %eq3A_84, %broadcast_in_dim3A_86, %broadcast_in_dim3A_80 : vector<8x128xi1>, vector<8x128xi32>
    %get3A_88 = arith.constant 2 : index
    %get3A_89 = memref.load %arg2[%get3A_88] : memref<4xf32, #tpu.memory_space<smem>>
    %eq3A_90 = vector.broadcast %get3A_89 : f32 to vector<8x128xf32>
    %eq3A_91 = arith.cmpf oeq, %get3A_78, %eq3A_90 : vector<8x128xf32>
    %broadcast_in_dim3A_92 = arith.constant 2 : i32
    %broadcast_in_dim3A_93 = vector.broadcast %broadcast_in_dim3A_92 : i32 to vector<8x128xi32>
    %select_n3A_94 = arith.select %eq3A_91, %broadcast_in_dim3A_93, %select_n3A_87 : vector<8x128xi1>, vector<8x128xi32>
    %get3A_95 = arith.constant 1 : index
    %get3A_96 = memref.load %arg2[%get3A_95] : memref<4xf32, #tpu.memory_space<smem>>
    %eq3A_97 = vector.broadcast %get3A_96 : f32 to vector<8x128xf32>
    %eq3A_98 = arith.cmpf oeq, %get3A_78, %eq3A_97 : vector<8x128xf32>
    %broadcast_in_dim3A_99 = arith.constant 1 : i32
    %broadcast_in_dim3A_100 = vector.broadcast %broadcast_in_dim3A_99 : i32 to vector<8x128xi32>
    %select_n3A_101 = arith.select %eq3A_98, %broadcast_in_dim3A_100, %select_n3A_94 : vector<8x128xi1>, vector<8x128xi32>
    %get3A_102 = arith.constant 0 : index
    %get3A_103 = memref.load %arg2[%get3A_102] : memref<4xf32, #tpu.memory_space<smem>>
    %eq3A_104 = vector.broadcast %get3A_103 : f32 to vector<8x128xf32>
    %eq3A_105 = arith.cmpf oeq, %get3A_78, %eq3A_104 : vector<8x128xf32>
    %broadcast_in_dim3A_106 = arith.constant 0 : i32
    %broadcast_in_dim3A_107 = vector.broadcast %broadcast_in_dim3A_106 : i32 to vector<8x128xi32>
    %select_n3A_108 = arith.select %eq3A_105, %broadcast_in_dim3A_107, %select_n3A_101 : vector<8x128xi1>, vector<8x128xi32>
    %shift_left3A_109 = arith.constant 8 : i32
    %shift_left3A_110 = vector.broadcast %shift_left3A_109 : i32 to vector<8x128xi32>
    %shift_left3A_111 = arith.shli %select_n3A_108, %shift_left3A_110 : vector<8x128xi32>
    %or3A_112 = arith.ori %or3A_73, %shift_left3A_111 : vector<8x128xi32>
    %get3A_113 = arith.constant 3 : index
    %get3A_114 = arith.constant 0 : index
    %get3A_115 = arith.constant 0 : index
    %get3A_116 = vector.load %arg1[%get3A_113, %get3A_114, %get3A_115] : memref<8x8x128xf32, #tpu.memory_space<vmem>>, vector<1x8x128xf32>
    %get3A_117 = vector.shape_cast %get3A_116 : vector<1x8x128xf32> to vector<8x128xf32>
    %broadcast_in_dim3A_118 = arith.constant 15 : i32
    %broadcast_in_dim3A_119 = vector.broadcast %broadcast_in_dim3A_118 : i32 to vector<8x128xi32>
    %get3A_120 = arith.constant 3 : index
    %get3A_121 = memref.load %arg2[%get3A_120] : memref<4xf32, #tpu.memory_space<smem>>
    %eq3A_122 = vector.broadcast %get3A_121 : f32 to vector<8x128xf32>
    %eq3A_123 = arith.cmpf oeq, %get3A_117, %eq3A_122 : vector<8x128xf32>
    %broadcast_in_dim3A_124 = arith.constant 3 : i32
    %broadcast_in_dim3A_125 = vector.broadcast %broadcast_in_dim3A_124 : i32 to vector<8x128xi32>
    %select_n3A_126 = arith.select %eq3A_123, %broadcast_in_dim3A_125, %broadcast_in_dim3A_119 : vector<8x128xi1>, vector<8x128xi32>
    %get3A_127 = arith.constant 2 : index
    %get3A_128 = memref.load %arg2[%get3A_127] : memref<4xf32, #tpu.memory_space<smem>>
    %eq3A_129 = vector.broadcast %get3A_128 : f32 to vector<8x128xf32>
    %eq3A_130 = arith.cmpf oeq, %get3A_117, %eq3A_129 : vector<8x128xf32>
    %broadcast_in_dim3A_131 = arith.constant 2 : i32
    %broadcast_in_dim3A_132 = vector.broadcast %broadcast_in_dim3A_131 : i32 to vector<8x128xi32>
    %select_n3A_133 = arith.select %eq3A_130, %broadcast_in_dim3A_132, %select_n3A_126 : vector<8x128xi1>, vector<8x128xi32>
    %get3A_134 = arith.constant 1 : index
    %get3A_135 = memref.load %arg2[%get3A_134] : memref<4xf32, #tpu.memory_space<smem>>
    %eq3A_136 = vector.broadcast %get3A_135 : f32 to vector<8x128xf32>
    %eq3A_137 = arith.cmpf oeq, %get3A_117, %eq3A_136 : vector<8x128xf32>
    %broadcast_in_dim3A_138 = arith.constant 1 : i32
    %broadcast_in_dim3A_139 = vector.broadcast %broadcast_in_dim3A_138 : i32 to vector<8x128xi32>
    %select_n3A_140 = arith.select %eq3A_137, %broadcast_in_dim3A_139, %select_n3A_133 : vector<8x128xi1>, vector<8x128xi32>
    %get3A_141 = arith.constant 0 : index
    %get3A_142 = memref.load %arg2[%get3A_141] : memref<4xf32, #tpu.memory_space<smem>>
    %eq3A_143 = vector.broadcast %get3A_142 : f32 to vector<8x128xf32>
    %eq3A_144 = arith.cmpf oeq, %get3A_117, %eq3A_143 : vector<8x128xf32>
    %broadcast_in_dim3A_145 = arith.constant 0 : i32
    %broadcast_in_dim3A_146 = vector.broadcast %broadcast_in_dim3A_145 : i32 to vector<8x128xi32>
    %select_n3A_147 = arith.select %eq3A_144, %broadcast_in_dim3A_146, %select_n3A_140 : vector<8x128xi1>, vector<8x128xi32>
    %shift_left3A_148 = arith.constant 12 : i32
    %shift_left3A_149 = vector.broadcast %shift_left3A_148 : i32 to vector<8x128xi32>
    %shift_left3A_150 = arith.shli %select_n3A_147, %shift_left3A_149 : vector<8x128xi32>
    %or3A_151 = arith.ori %or3A_112, %shift_left3A_150 : vector<8x128xi32>
    %get3A_152 = arith.constant 4 : index
    %get3A_153 = arith.constant 0 : index
    %get3A_154 = arith.constant 0 : index
    %get3A_155 = vector.load %arg1[%get3A_152, %get3A_153, %get3A_154] : memref<8x8x128xf32, #tpu.memory_space<vmem>>, vector<1x8x128xf32>
    %get3A_156 = vector.shape_cast %get3A_155 : vector<1x8x128xf32> to vector<8x128xf32>
    %broadcast_in_dim3A_157 = arith.constant 15 : i32
    %broadcast_in_dim3A_158 = vector.broadcast %broadcast_in_dim3A_157 : i32 to vector<8x128xi32>
    %get3A_159 = arith.constant 3 : index
    %get3A_160 = memref.load %arg2[%get3A_159] : memref<4xf32, #tpu.memory_space<smem>>
    %eq3A_161 = vector.broadcast %get3A_160 : f32 to vector<8x128xf32>
    %eq3A_162 = arith.cmpf oeq, %get3A_156, %eq3A_161 : vector<8x128xf32>
    %broadcast_in_dim3A_163 = arith.constant 3 : i32
    %broadcast_in_dim3A_164 = vector.broadcast %broadcast_in_dim3A_163 : i32 to vector<8x128xi32>
    %select_n3A_165 = arith.select %eq3A_162, %broadcast_in_dim3A_164, %broadcast_in_dim3A_158 : vector<8x128xi1>, vector<8x128xi32>
    %get3A_166 = arith.constant 2 : index
    %get3A_167 = memref.load %arg2[%get3A_166] : memref<4xf32, #tpu.memory_space<smem>>
    %eq3A_168 = vector.broadcast %get3A_167 : f32 to vector<8x128xf32>
    %eq3A_169 = arith.cmpf oeq, %get3A_156, %eq3A_168 : vector<8x128xf32>
    %broadcast_in_dim3A_170 = arith.constant 2 : i32
    %broadcast_in_dim3A_171 = vector.broadcast %broadcast_in_dim3A_170 : i32 to vector<8x128xi32>
    %select_n3A_172 = arith.select %eq3A_169, %broadcast_in_dim3A_171, %select_n3A_165 : vector<8x128xi1>, vector<8x128xi32>
    %get3A_173 = arith.constant 1 : index
    %get3A_174 = memref.load %arg2[%get3A_173] : memref<4xf32, #tpu.memory_space<smem>>
    %eq3A_175 = vector.broadcast %get3A_174 : f32 to vector<8x128xf32>
    %eq3A_176 = arith.cmpf oeq, %get3A_156, %eq3A_175 : vector<8x128xf32>
    %broadcast_in_dim3A_177 = arith.constant 1 : i32
    %broadcast_in_dim3A_178 = vector.broadcast %broadcast_in_dim3A_177 : i32 to vector<8x128xi32>
    %select_n3A_179 = arith.select %eq3A_176, %broadcast_in_dim3A_178, %select_n3A_172 : vector<8x128xi1>, vector<8x128xi32>
    %get3A_180 = arith.constant 0 : index
    %get3A_181 = memref.load %arg2[%get3A_180] : memref<4xf32, #tpu.memory_space<smem>>
    %eq3A_182 = vector.broadcast %get3A_181 : f32 to vector<8x128xf32>
    %eq3A_183 = arith.cmpf oeq, %get3A_156, %eq3A_182 : vector<8x128xf32>
    %broadcast_in_dim3A_184 = arith.constant 0 : i32
    %broadcast_in_dim3A_185 = vector.broadcast %broadcast_in_dim3A_184 : i32 to vector<8x128xi32>
    %select_n3A_186 = arith.select %eq3A_183, %broadcast_in_dim3A_185, %select_n3A_179 : vector<8x128xi1>, vector<8x128xi32>
    %shift_left3A_187 = arith.constant 16 : i32
    %shift_left3A_188 = vector.broadcast %shift_left3A_187 : i32 to vector<8x128xi32>
    %shift_left3A_189 = arith.shli %select_n3A_186, %shift_left3A_188 : vector<8x128xi32>
    %or3A_190 = arith.ori %or3A_151, %shift_left3A_189 : vector<8x128xi32>
    %get3A_191 = arith.constant 5 : index
    %get3A_192 = arith.constant 0 : index
    %get3A_193 = arith.constant 0 : index
    %get3A_194 = vector.load %arg1[%get3A_191, %get3A_192, %get3A_193] : memref<8x8x128xf32, #tpu.memory_space<vmem>>, vector<1x8x128xf32>
    %get3A_195 = vector.shape_cast %get3A_194 : vector<1x8x128xf32> to vector<8x128xf32>
    %broadcast_in_dim3A_196 = arith.constant 15 : i32
    %broadcast_in_dim3A_197 = vector.broadcast %broadcast_in_dim3A_196 : i32 to vector<8x128xi32>
    %get3A_198 = arith.constant 3 : index
    %get3A_199 = memref.load %arg2[%get3A_198] : memref<4xf32, #tpu.memory_space<smem>>
    %eq3A_200 = vector.broadcast %get3A_199 : f32 to vector<8x128xf32>
    %eq3A_201 = arith.cmpf oeq, %get3A_195, %eq3A_200 : vector<8x128xf32>
    %broadcast_in_dim3A_202 = arith.constant 3 : i32
    %broadcast_in_dim3A_203 = vector.broadcast %broadcast_in_dim3A_202 : i32 to vector<8x128xi32>
    %select_n3A_204 = arith.select %eq3A_201, %broadcast_in_dim3A_203, %broadcast_in_dim3A_197 : vector<8x128xi1>, vector<8x128xi32>
    %get3A_205 = arith.constant 2 : index
    %get3A_206 = memref.load %arg2[%get3A_205] : memref<4xf32, #tpu.memory_space<smem>>
    %eq3A_207 = vector.broadcast %get3A_206 : f32 to vector<8x128xf32>
    %eq3A_208 = arith.cmpf oeq, %get3A_195, %eq3A_207 : vector<8x128xf32>
    %broadcast_in_dim3A_209 = arith.constant 2 : i32
    %broadcast_in_dim3A_210 = vector.broadcast %broadcast_in_dim3A_209 : i32 to vector<8x128xi32>
    %select_n3A_211 = arith.select %eq3A_208, %broadcast_in_dim3A_210, %select_n3A_204 : vector<8x128xi1>, vector<8x128xi32>
    %get3A_212 = arith.constant 1 : index
    %get3A_213 = memref.load %arg2[%get3A_212] : memref<4xf32, #tpu.memory_space<smem>>
    %eq3A_214 = vector.broadcast %get3A_213 : f32 to vector<8x128xf32>
    %eq3A_215 = arith.cmpf oeq, %get3A_195, %eq3A_214 : vector<8x128xf32>
    %broadcast_in_dim3A_216 = arith.constant 1 : i32
    %broadcast_in_dim3A_217 = vector.broadcast %broadcast_in_dim3A_216 : i32 to vector<8x128xi32>
    %select_n3A_218 = arith.select %eq3A_215, %broadcast_in_dim3A_217, %select_n3A_211 : vector<8x128xi1>, vector<8x128xi32>
    %get3A_219 = arith.constant 0 : index
    %get3A_220 = memref.load %arg2[%get3A_219] : memref<4xf32, #tpu.memory_space<smem>>
    %eq3A_221 = vector.broadcast %get3A_220 : f32 to vector<8x128xf32>
    %eq3A_222 = arith.cmpf oeq, %get3A_195, %eq3A_221 : vector<8x128xf32>
    %broadcast_in_dim3A_223 = arith.constant 0 : i32
    %broadcast_in_dim3A_224 = vector.broadcast %broadcast_in_dim3A_223 : i32 to vector<8x128xi32>
    %select_n3A_225 = arith.select %eq3A_222, %broadcast_in_dim3A_224, %select_n3A_218 : vector<8x128xi1>, vector<8x128xi32>
    %shift_left3A_226 = arith.constant 20 : i32
    %shift_left3A_227 = vector.broadcast %shift_left3A_226 : i32 to vector<8x128xi32>
    %shift_left3A_228 = arith.shli %select_n3A_225, %shift_left3A_227 : vector<8x128xi32>
    %or3A_229 = arith.ori %or3A_190, %shift_left3A_228 : vector<8x128xi32>
    %get3A_230 = arith.constant 6 : index
    %get3A_231 = arith.constant 0 : index
    %get3A_232 = arith.constant 0 : index
    %get3A_233 = vector.load %arg1[%get3A_230, %get3A_231, %get3A_232] : memref<8x8x128xf32, #tpu.memory_space<vmem>>, vector<1x8x128xf32>
    %get3A_234 = vector.shape_cast %get3A_233 : vector<1x8x128xf32> to vector<8x128xf32>
    %broadcast_in_dim3A_235 = arith.constant 15 : i32
    %broadcast_in_dim3A_236 = vector.broadcast %broadcast_in_dim3A_235 : i32 to vector<8x128xi32>
    %get3A_237 = arith.constant 3 : index
    %get3A_238 = memref.load %arg2[%get3A_237] : memref<4xf32, #tpu.memory_space<smem>>
    %eq3A_239 = vector.broadcast %get3A_238 : f32 to vector<8x128xf32>
    %eq3A_240 = arith.cmpf oeq, %get3A_234, %eq3A_239 : vector<8x128xf32>
    %broadcast_in_dim3A_241 = arith.constant 3 : i32
    %broadcast_in_dim3A_242 = vector.broadcast %broadcast_in_dim3A_241 : i32 to vector<8x128xi32>
    %select_n3A_243 = arith.select %eq3A_240, %broadcast_in_dim3A_242, %broadcast_in_dim3A_236 : vector<8x128xi1>, vector<8x128xi32>
    %get3A_244 = arith.constant 2 : index
    %get3A_245 = memref.load %arg2[%get3A_244] : memref<4xf32, #tpu.memory_space<smem>>
    %eq3A_246 = vector.broadcast %get3A_245 : f32 to vector<8x128xf32>
    %eq3A_247 = arith.cmpf oeq, %get3A_234, %eq3A_246 : vector<8x128xf32>
    %broadcast_in_dim3A_248 = arith.constant 2 : i32
    %broadcast_in_dim3A_249 = vector.broadcast %broadcast_in_dim3A_248 : i32 to vector<8x128xi32>
    %select_n3A_250 = arith.select %eq3A_247, %broadcast_in_dim3A_249, %select_n3A_243 : vector<8x128xi1>, vector<8x128xi32>
    %get3A_251 = arith.constant 1 : index
    %get3A_252 = memref.load %arg2[%get3A_251] : memref<4xf32, #tpu.memory_space<smem>>
    %eq3A_253 = vector.broadcast %get3A_252 : f32 to vector<8x128xf32>
    %eq3A_254 = arith.cmpf oeq, %get3A_234, %eq3A_253 : vector<8x128xf32>
    %broadcast_in_dim3A_255 = arith.constant 1 : i32
    %broadcast_in_dim3A_256 = vector.broadcast %broadcast_in_dim3A_255 : i32 to vector<8x128xi32>
    %select_n3A_257 = arith.select %eq3A_254, %broadcast_in_dim3A_256, %select_n3A_250 : vector<8x128xi1>, vector<8x128xi32>
    %get3A_258 = arith.constant 0 : index
    %get3A_259 = memref.load %arg2[%get3A_258] : memref<4xf32, #tpu.memory_space<smem>>
    %eq3A_260 = vector.broadcast %get3A_259 : f32 to vector<8x128xf32>
    %eq3A_261 = arith.cmpf oeq, %get3A_234, %eq3A_260 : vector<8x128xf32>
    %broadcast_in_dim3A_262 = arith.constant 0 : i32
    %broadcast_in_dim3A_263 = vector.broadcast %broadcast_in_dim3A_262 : i32 to vector<8x128xi32>
    %select_n3A_264 = arith.select %eq3A_261, %broadcast_in_dim3A_263, %select_n3A_257 : vector<8x128xi1>, vector<8x128xi32>
    %shift_left3A_265 = arith.constant 24 : i32
    %shift_left3A_266 = vector.broadcast %shift_left3A_265 : i32 to vector<8x128xi32>
    %shift_left3A_267 = arith.shli %select_n3A_264, %shift_left3A_266 : vector<8x128xi32>
    %or3A_268 = arith.ori %or3A_229, %shift_left3A_267 : vector<8x128xi32>
    %get3A_269 = arith.constant 7 : index
    %get3A_270 = arith.constant 0 : index
    %get3A_271 = arith.constant 0 : index
    %get3A_272 = vector.load %arg1[%get3A_269, %get3A_270, %get3A_271] : memref<8x8x128xf32, #tpu.memory_space<vmem>>, vector<1x8x128xf32>
    %get3A_273 = vector.shape_cast %get3A_272 : vector<1x8x128xf32> to vector<8x128xf32>
    %broadcast_in_dim3A_274 = arith.constant 15 : i32
    %broadcast_in_dim3A_275 = vector.broadcast %broadcast_in_dim3A_274 : i32 to vector<8x128xi32>
    %get3A_276 = arith.constant 3 : index
    %get3A_277 = memref.load %arg2[%get3A_276] : memref<4xf32, #tpu.memory_space<smem>>
    %eq3A_278 = vector.broadcast %get3A_277 : f32 to vector<8x128xf32>
    %eq3A_279 = arith.cmpf oeq, %get3A_273, %eq3A_278 : vector<8x128xf32>
    %broadcast_in_dim3A_280 = arith.constant 3 : i32
    %broadcast_in_dim3A_281 = vector.broadcast %broadcast_in_dim3A_280 : i32 to vector<8x128xi32>
    %select_n3A_282 = arith.select %eq3A_279, %broadcast_in_dim3A_281, %broadcast_in_dim3A_275 : vector<8x128xi1>, vector<8x128xi32>
    %get3A_283 = arith.constant 2 : index
    %get3A_284 = memref.load %arg2[%get3A_283] : memref<4xf32, #tpu.memory_space<smem>>
    %eq3A_285 = vector.broadcast %get3A_284 : f32 to vector<8x128xf32>
    %eq3A_286 = arith.cmpf oeq, %get3A_273, %eq3A_285 : vector<8x128xf32>
    %broadcast_in_dim3A_287 = arith.constant 2 : i32
    %broadcast_in_dim3A_288 = vector.broadcast %broadcast_in_dim3A_287 : i32 to vector<8x128xi32>
    %select_n3A_289 = arith.select %eq3A_286, %broadcast_in_dim3A_288, %select_n3A_282 : vector<8x128xi1>, vector<8x128xi32>
    %get3A_290 = arith.constant 1 : index
    %get3A_291 = memref.load %arg2[%get3A_290] : memref<4xf32, #tpu.memory_space<smem>>
    %eq3A_292 = vector.broadcast %get3A_291 : f32 to vector<8x128xf32>
    %eq3A_293 = arith.cmpf oeq, %get3A_273, %eq3A_292 : vector<8x128xf32>
    %broadcast_in_dim3A_294 = arith.constant 1 : i32
    %broadcast_in_dim3A_295 = vector.broadcast %broadcast_in_dim3A_294 : i32 to vector<8x128xi32>
    %select_n3A_296 = arith.select %eq3A_293, %broadcast_in_dim3A_295, %select_n3A_289 : vector<8x128xi1>, vector<8x128xi32>
    %get3A_297 = arith.constant 0 : index
    %get3A_298 = memref.load %arg2[%get3A_297] : memref<4xf32, #tpu.memory_space<smem>>
    %eq3A_299 = vector.broadcast %get3A_298 : f32 to vector<8x128xf32>
    %eq3A_300 = arith.cmpf oeq, %get3A_273, %eq3A_299 : vector<8x128xf32>
    %broadcast_in_dim3A_301 = arith.constant 0 : i32
    %broadcast_in_dim3A_302 = vector.broadcast %broadcast_in_dim3A_301 : i32 to vector<8x128xi32>
    %select_n3A_303 = arith.select %eq3A_300, %broadcast_in_dim3A_302, %select_n3A_296 : vector<8x128xi1>, vector<8x128xi32>
    %shift_left3A_304 = arith.constant 28 : i32
    %shift_left3A_305 = vector.broadcast %shift_left3A_304 : i32 to vector<8x128xi32>
    %shift_left3A_306 = arith.shli %select_n3A_303, %shift_left3A_305 : vector<8x128xi32>
    %or3A_307 = arith.ori %or3A_268, %shift_left3A_306 : vector<8x128xi32>
    %swap3A = arith.constant 0 : index
    %swap3A_308 = arith.constant 0 : index
    %swap3A_309 = vector.load %arg3[%swap3A, %swap3A_308] : memref<8x128xi32, #tpu.memory_space<vmem>>, vector<8x128xi32>
    tpu.vector_store %arg3[%swap3A, %swap3A_308], %or3A_307 {strides = array<i32>} : memref<8x128xi32, #tpu.memory_space<vmem>>, vector<8x128xi32>,
    return
  }
  func.func @transform_0(%arg0: i32) -> (i32, i32, i32) {
    %c0_i32 = arith.constant 0 : i32
    %c0_i32_0 = arith.constant 0 : i32
    %c0_i32_1 = arith.constant 0 : i32
    return %c0_i32, %arg0, %c0_i32_0 : i32, i32, i32
  }
  func.func @transform_1(%arg0: i32) -> i32 {
    %c0_i32 = arith.constant 0 : i32
    %c0_i32_0 = arith.constant 0 : i32
    return %c0_i32 : i32
  }
  func.func @transform_2(%arg0: i32) -> (i32, i32) {
    %c0_i32 = arith.constant 0 : i32
    %c0_i32_0 = arith.constant 0 : i32
    return %arg0, %c0_i32 : i32, i32
  }
}

module attributes {stable_mosaic.version = 14 : i64} {
  func.func @_reduce_body(%arg0: memref<2x12500x128xf32, #tpu.memory_space<vmem>>, %arg1: memref<12500x128xf32, #tpu.memory_space<vmem>>) attributes {dimension_semantics = [], scalar_prefetch = 0 : i64, scratch_operands = 0 : i64, tpu.core_type = #tpu.core_type<tc>} {
    %get3A = arith.constant 0 : index
    %get3A_0 = arith.constant 0 : index
    %get3A_1 = arith.constant 0 : index
    %get3A_2 = vector.load %arg0[%get3A, %get3A_0, %get3A_1] : memref<2x12500x128xf32, #tpu.memory_space<vmem>>, vector<1x12500x128xf32>
    %get3A_3 = vector.shape_cast %get3A_2 : vector<1x12500x128xf32> to vector<12500x128xf32>
    %get3A_4 = arith.constant 1 : index
    %get3A_5 = arith.constant 0 : index
    %get3A_6 = arith.constant 0 : index
    %get3A_7 = vector.load %arg0[%get3A_4, %get3A_5, %get3A_6] : memref<2x12500x128xf32, #tpu.memory_space<vmem>>, vector<1x12500x128xf32>
    %get3A_8 = vector.shape_cast %get3A_7 : vector<1x12500x128xf32> to vector<12500x128xf32>
    %add3A = arith.addf %get3A_3, %get3A_8 : vector<12500x128xf32>
    %swap3A = arith.constant 0 : index
    %swap3A_9 = arith.constant 0 : index
    %swap3A_10 = vector.load %arg1[%swap3A, %swap3A_9] : memref<12500x128xf32, #tpu.memory_space<vmem>>, vector<12500x128xf32>
    tpu.vector_store %arg1[%swap3A, %swap3A_9], %add3A {strides = array<i32>} : memref<12500x128xf32, #tpu.memory_space<vmem>>, vector<12500x128xf32>,
    return
  }
}

</mosaic_0001>

<sc_bundles>
// kernel: kernel.6.cloned.1.call-start
scs
__scs_entry_jumppad:
0x0: {  	(pc) =	sbr.rel $0x88, $3  }
0x1: {  	(tag) =	ssettag $0x0;
	lr =	simm.s32 $0x1  }
0x2: {  	[smem:$0x3F9A] =	sst lr;
	_ =	strace $0xD0000000  }
0x3: {  	_ = 	snop  }
0x4: {  	_ = 	snop  }
0x5: {  	_ = 	snop  }
0x6: {  	_ = 	snop  }
0x7: {  	_ = 	snop  }
__scs_overlays_trampoline_lowered:
0x8: {  	[smem:$0x3FA9] =	sst s0  }
0x9: {  	[smem:$0x3FAA] =	sst s1  }
0xa: {  	[smem:$0x3FAB] =	sst s2  }
0xb: {  	[smem:$0x3FAC] =	sst s3  }
0xc: {  	[smem:$0x3FAD] =	sst s4  }
0xd: {  	[smem:$0x3FAE] =	sst s5  }
0xe: {  	[smem:$0x3FAF] =	sst s6  }
0xf: {  	[smem:$0x3FB0] =	sst s7  }
0x10: {  	[smem:$0x3FB1] =	sst s8  }
0x11: {  	[smem:$0x3FB2] =	sst s9;
	s0 =	simm.s32 @!p0 $0x0  }
0x12: {  	s1 =	sld [smem:$0x3F98];
	s0 =	simm.s32 @p0 $0x1  }
0x13: {  	[smem:$0x3FB3] =	sst s0;
	s0 =	simm.s32 @!p1 $0x0  }
0x14: {  	s2 =	sld [smem:$0x3F97];
	s0 =	simm.s32 @p1 $0x1  }
0x15: {  	[smem:$0x3FB4] =	sst s0;
	s0 =	simm.s32 @!p2 $0x0  }
0x16: {  	s3 =	sld [smem:$0x3FDB];
	s0 =	simm.s32 @p2 $0x1  }
0x17: {  	s4 =	simm.s32 $0x1BF5;
	[smem:$0x3FB6] =	sst s0  }
0x18: {  	s0 =	sld [smem:$0x3F99];
	_ =	swait.ge [sflag:s4], $0x0  }
0x19: {  	s7 =	sld [smem:$0x3F9A]  }
0x1a: {  	s8 =	sadd.s32 $0xFFFFE003, lr  }
0x1b: {  	s9 =	sadd.s32 $0xFFFFFEF7, lr;
	s5 =	simm.s32 $0xFFFFFFFF;
	p2 =	slt.u32 s8, $0xFFFFF086  }
0x1c: {  	p1 =	slt.u32 s9, $0xF7A;
	s5 =	simm.s32 @!p2 $0x0  }
0x1d: {  	s5 =	simm.s32 @p1 $0x1;
	p0 =	seq.s32 s7, s2  }
0x1e: {  	s7 =	smul.u32 @!p0 $0xF7A, s2;
	p2 =	seq.s32 @!p0 s5, $0x0  }
0x1f: {  	s9 =	smul.u32 $0xF7A, s1;
	s8 =	simm.s32 @!p0 $0x1BF5;
	p2 =	por !p2, p0  }
0x20: {  	[sflag:s8] =	ssyncset.s32 @!p0 $0xFFFFF086;
	s6 =	sadd.s32 @!p0 s3, s7;
	s7 =	simm.s32 @!p0 $0x108  }
0x21: {  	s3 =	sadd.s32 s3, s9;
	s6 =	sadd.s32 @!p0 $0x88, s6;
	s7 =	simm.s32 @p2 $0x1082  }
0x22: {  	[simem:s7], [sflag:s8] =	dma.local @!p0 [hbm:s6], $0xF7A  }
0x23: {  	s9 =	sor.u32 $0xD0000000, s2;
	s6 =	simm.s32 $0x108;
	_ =	swait.ge @!p0 [sflag:s8], $0x0  }
0x24: {  	s3 =	sadd.s32 $0x88, s3;
	s6 =	simm.s32 @!p1 $0x1082;
	[sflag:s4] =	ssyncset.s32 $0xFFFFF086  }
0x25: {  	[simem:s6], [sflag:s4] =	dma.local [hbm:s3], $0xF7A  }
0x26: {  	[smem:$0x3F9A] =	sst s1;
	(tag) =	ssettag s2;
	_ =	strace s9  }
0x27: {  	s1 =	sld [smem:$0x3FAA]  }
0x28: {  	s2 =	sld [smem:$0x3FAB]  }
0x29: {  	s4 =	sld [smem:$0x3FAD]  }
0x2a: {  	p0 =	seq.s32 s5, $0x0;
	s5 =	sld [smem:$0x3FAE]  }
0x2b: {  	s6 =	sld [smem:$0x3FAF]  }
0x2c: {  	s7 =	sld [smem:$0x3FB0]  }
0x2d: {  	s3 =	simm.s32 $0x108;
	s8 =	sld [smem:$0x3FB1]  }
0x2e: {  	s3 =	simm.s32 @!p0 $0x1082;
	s9 =	sld [smem:$0x3FB2]  }
0x2f: {  	lr =	sadd.s32 s0, s3;
	s0 =	sld [smem:$0x3FA9]  }
0x30: {  	s3 =	sld [smem:$0x3FAC]  }
0x31: {  	[smem:$0x3FB5] =	sst s10  }
0x32: {  	s10 =	sld [smem:$0x3FB3];
	_ =	sdelay $0x3  }
0x33: {  	p0 =	seq.s32 s10, $0x1;
	s10 =	sld [smem:$0x3FB5];
	_ =	sdelay $0x3  }
0x34: {  	[smem:$0x3FB5] =	sst s10  }
0x35: {  	s10 =	sld [smem:$0x3FB4];
	_ =	sdelay $0x3  }
0x36: {  	p1 =	seq.s32 s10, $0x1;
	s10 =	sld [smem:$0x3FB5];
	_ =	sdelay $0x3  }
0x37: {  	[smem:$0x3FB5] =	sst s10  }
0x38: {  	s10 =	sld [smem:$0x3FB6]  }
0x39: {  	_ = 	snop;
	(pc) =	sbr.ind lr, $3  }
0x3a: {  	_ = 	snop  }
0x3b: {  	_ = 	snop  }
0x3c: {  	p2 =	seq.s32 s10, $0x1;
	s10 =	sld [smem:$0x3FB5]  }
0x3d: {  	_ =	shalt  }
0x3e: {  	_ =	shalt  }
0x3f: {  	_ =	shalt  }
0x40: {  	_ =	shalt  }
0x41: {  	_ =	shalt  }
0x42: {  	_ =	shalt  }
0x43: {  	_ =	shalt  }
0x44: {  	_ =	shalt  }
0x45: {  	_ =	shalt  }
0x46: {  	_ =	shalt  }
0x47: {  	_ =	shalt  }
0x48: {  	_ =	shalt  }
0x49: {  	_ =	shalt  }
0x4a: {  	_ =	shalt  }
0x4b: {  	_ =	shalt  }
0x4c: {  	_ =	shalt  }
0x4d: {  	_ =	shalt  }
0x4e: {  	_ =	shalt  }
0x4f: {  	_ =	shalt  }
0x50: {  	_ =	shalt  }
0x51: {  	_ =	shalt  }
0x52: {  	_ =	shalt  }
0x53: {  	_ =	shalt  }
0x54: {  	_ =	shalt  }
0x55: {  	_ =	shalt  }
0x56: {  	_ =	shalt  }
0x57: {  	_ =	shalt  }
0x58: {  	_ =	shalt  }
0x59: {  	_ =	shalt  }
0x5a: {  	_ =	shalt  }
0x5b: {  	_ =	shalt  }
0x5c: {  	_ =	shalt  }
0x5d: {  	_ =	shalt  }
0x5e: {  	_ =	shalt  }
0x5f: {  	_ =	shalt  }
0x60: {  	_ =	shalt  }
0x61: {  	_ =	shalt  }
0x62: {  	_ =	shalt  }
0x63: {  	_ =	shalt  }
0x64: {  	_ =	shalt  }
0x65: {  	_ =	shalt  }
0x66: {  	_ =	shalt  }
0x67: {  	_ =	shalt  }
0x68: {  	_ =	shalt  }
0x69: {  	_ =	shalt  }
0x6a: {  	_ =	shalt  }
0x6b: {  	_ =	shalt  }
0x6c: {  	_ =	shalt  }
0x6d: {  	_ =	shalt  }
0x6e: {  	_ =	shalt  }
0x6f: {  	_ =	shalt  }
0x70: {  	_ =	shalt  }
0x71: {  	_ =	shalt  }
0x72: {  	_ =	shalt  }
0x73: {  	_ =	shalt  }
0x74: {  	_ =	shalt  }
0x75: {  	_ =	shalt  }
0x76: {  	_ =	shalt  }
0x77: {  	_ =	shalt  }
0x78: {  	_ =	shalt  }
0x79: {  	_ =	shalt  }
0x7a: {  	_ =	shalt  }
0x7b: {  	_ =	shalt  }
0x7c: {  	_ =	shalt  }
0x7d: {  	_ =	shalt  }
0x7e: {  	_ =	shalt  }
0x7f: {  	_ =	shalt  }
0x80: {  	_ =	shalt  }
0x81: {  	_ =	shalt  }
0x82: {  	_ =	shalt  }
0x83: {  	_ =	shalt  }
0x84: {  	_ =	shalt  }
0x85: {  	_ =	shalt  }
0x86: {  	_ =	shalt  }
0x87: {  	_ =	shalt  }
.Lfunc_end0:
.L_simem_size_0:
called_computation_lowered:
.L_overlay_start_0:
0x88: {  	s2 =	sld [smem:$0x3FD9]  }
0x89: {  	s3 =	sld [smem:$0x3FFE];
	_ =	sdelay $0x1  }
0x8a: {  	s1 =	srdreg.scid  }
0x8b: {  	s0 =	sand.u32 $0x1, s1  }
0x8c: {  	s17 =	sshll.u32 s0, $0xA;
	s2 =	sadd.s32 s3, s2  }
0x8d: {  	s2 =	sadd.s32 s2, s17  }
0x8e: {  	[smem:$0x3FC1] =	sst s2  }
0x8f: {  	_ = 	snop  }
0x90: {  	s2 =	sld [smem:$0x3FD0];
	(tm) =	ssettm $0x1  }
0x91: {  	s18 =	sld [smem:$0x3FFB];
	_ =	sdelay $0x3  }
0x92: {  	_ =	strace s18  }
0x93: {  	s3 =	sld [smem:$0x3FFC];
	_ =	sdelay $0x3  }
0x94: {  	_ =	strace s3  }
0x95: {  	s3 =	sld [smem:$0x3FFD];
	_ =	sdelay $0x3  }
0x96: {  	_ =	strace s3  }
0x97: {  	_ =	strace $0x8FFFFFFF  }
0x98: {  	s19 =	sld [smem:$0x3FDB];
	_ =	sdelay $0x1  }
0x99: {  	s4 =	simm.s32 $_scs_section_size  }
0x9a: {  	s5 =	simm.s32 $_size__tile_overlayer_lowered;
	s6 =	simm.s32 $_tile_overlayer_lowered  }
0x9b: {  	s22 =	simm.s32 $0x1BFF;
	s21 =	sshll.u32 s6, $0x1;
	s3 =	sadd.s32 s4, s19  }
0x9c: {  	s7 =	simm.s32 $0x0;
	s20 =	sshll.u32 s5, $0x1;
	s5 =	sadd.s32 s21, s3  }
0x9d: {  	[timem:s7], [sflag:s22] =	dma.local [hbm:s5], s20  }
0x9e: {  	_ =	swait.ge [sflag:s22], s20  }
0x9f: {  	s4 =	ssub.s32 $0x0, s20;
	[sflag:s22] =	ssyncset.done $0x0  }
0xa0: {  	[sflag:s22] =	ssyncadd.s32 s4;
	_ =	sdelay $0x1  }
0xa1: {  	s23 =	simm.s32 $0x1B8B  }
0xa2: {  	_ =	swait.ge [sflag:s23], $0x1  }
0xa3: {  	[sflag:s23] =	ssyncset.done $0x0  }
0xa4: {  	s25 =	simm.s32 $0x1B8E;
	s24 =	sld [smem:$0x3FFE];
	[sflag:s23] =	ssyncadd.s32 $0xFFFFFFFF  }
0xa5: {  	s26 =	simm.s32 $execute0_lowered;
	[smem:$0x3FD2] =	sst s25  }
0xa6: {  	s5 =	sshll.u32 s26, $0x1;
	_ =	strace $0x80000046;
	[dreg:$0x1] =	wrdreg $0xFFFFFFFF  }
0xa7: {  	s28 =	simm.s32 $_size_execute0_lowered;
	s3 =	sadd.s32 s3, s5;
	[dreg:$0x0] =	wrdreg $0x0  }
0xa8: {  	s5 =	sshll.u32 s28, $0x1;
	[dreg:$0x2] =	wrdreg s3  }
0xa9: {  	[dreg:$0x3] =	wrdreg s5  }
0xaa: {  	[dreg:$0x4] =	wrdreg $0xC0  }
0xab: {  	_ =	task [dreg:s7], $0x5FFFF  }
0xac: {  	[dreg:$0x1] =	wrdreg $0xFFFFFFFF  }
0xad: {  	[dreg:$0x0] =	wrdreg $0x60  }
0xae: {  	[dreg:$0x2] =	wrdreg s2  }
0xaf: {  	[dreg:$0x3] =	wrdreg s24  }
0xb0: {  	[dreg:$0x4] =	wrdreg $0x69E00  }
0xb1: {  	[dreg:$0x5] =	wrdreg $0x9  }
0xb2: {  	_ =	task.clear_ibuf [dreg:s7], $0x6FFFF;
	_ =	strace $0x90000046  }
0xb3: {  	s29 =	simm.s32 $0x9;
	_ =	strace $0x80000048  }
0xb4: {  	_ =	swait.ge [sflag:s29], $0x1  }
0xb5: {  	[sflag:s29] =	ssyncadd.s32 $0xFFFFFFFF  }
0xb6: {  	_ =	strace $0x90000048  }
0xb7: {  	_ =	sfence  }
0xb8: {  	s30 =	sld [smem:$0x0];
	_ =	sdelay $0x2  }
0xb9: {  	s31 =	sshll.u32 s1, $0xD;
	s1 =	sshrl.u32 s1, $0x2  }
0xba: {  	s3 =	sand.u32 $0x4000, s31;
	s1 =	sadd.s32 s1, s30  }
0xbb: {  	s0 =	sor.u32 s3, s0;
	s1 =	sshll.u32 s1, $0x11  }
0xbc: {  	s0 =	sor.u32 s1, s0  }
0xbd: {  	s0 =	sadd.s32 $0x8F2B, s0  }
0xbe: {  	[sflag:s0] =	ssyncadd.remote.s32 $0x1  }
0xbf: {  	_ =	sfence.sel $0xFFFF  }
0xc0: {  	[dreg:$0x0] =	wrdreg $0xFFFFFFFF;
	(pc) =	sbr.abs _section_cstart, $3  }
0xc1: {  	[dreg:$0x1] =	wrdreg $0xFFFFFFFF  }
0xc2: {  	_ =	task.clear_ibuf [dreg:s7], $0x2FFFF;
	_ =	strace $0x9FFFFFFF  }
0xc3: {  	(tm) =	ssettm $0x7FFFFFFF  }
tec
execute0_lowered:
.L_overlay_start_1:
0x0: {  	(tag) =	ssettag $0x1  }
0x1: {  	v5 =	vlaneseq.u32;
	v2 =	vimm.s32 $0x52741630;
	v4 =	vimm.s32 $0x63052741  }
0x2: {  	v6 =	vimm.s32 $0x74163052;
	v1 =	vmul.u32 $0x3, v5;
	v3 =	vunpack.c.l.s4.s8 v2  }
0x3: {  	v7 =	vunpack.c.l.s4.s8 v4;
	v8 =	vunpack.c.l.s4.s8 v6  }
0x4: {  	v0 =	vmul.u32 $0x10, v5;
	v13 =	vunpack.c.0.s8.s32 v3;
	v4 =	vadd.s32 $0x1, v1  }
0x5: {  	v14 =	vunpack.c.0.s8.s32 v7;
	v9 =	vadd.s32 $0x2, v1;
	v15 =	vunpack.c.0.s8.s32 v8  }
0x6: {  	s0 =	rddreg [dreg:$0x1];
	v11 =	vor.u32 $0x1, v0;
	v17 =	vor.u32 $0x2, v0;
	v18 =	vor.u32 $0x3, v0  }
0x7: {  	s2 =	rddreg [dreg:$0x2];
	v19 =	vor.u32 $0x4, v0;
	v20 =	vor.u32 $0x5, v0;
	v16 =	vor.u32 $0x6, v0  }
0x8: {  	s3 =	simm.s32 $0x0;
	s1 =	srdreg.scid;
	s21 =	stileid.u32;
	v22 =	vor.u32 $0x7, v0;
	v23 =	vor.u32 $0x8, v0;
	v24 =	vor.u32 $0x9, v0  }
0x9: {  	s19 =	simm.s32 $0x5FE0;
	s20 =	simm.s32 $0x5;
	s29 =	simm.s32 $0x3;
	v25 =	vor.u32 $0xA, v0;
	v21 =	vor.u32 $0xB, v0;
	v27 =	vor.u32 $0x100, v0  }
0xa: {  	[smem:$0x7FF] =	sst s3;
	s4 =	sadd.s32 $0x63E00, s0;
	s6 =	sadd.s32 $0x2200, s0;
	v28 =	vor.u32 $0x101, v0;
	v29 =	vor.u32 $0x102, v0;
	v30 =	vor.u32 $0x103, v0  }
0xb: {  	s30 =	simm.s32 $0x4;
	s7 =	sadd.s32 $0x127200, s0;
	s5 =	smul.u32 $0x61C00, s21;
	v26 =	vor.u32 $0x104, v0;
	v32 =	vor.u32 $0x105, v0;
	v33 =	vor.u32 $0x106, v0  }
0xc: {  	s31 =	simm.s32 $0x0;
	s0 =	sadd.s32 $0x24C200, s0;
	s13 =	smul.u32 $0x1870, s21;
	v34 =	vor.u32 $0x107, v0;
	v2 =	vor.u32 $0x108, v0;
	v31 =	vor.u32 $0x109, v0  }
0xd: {  	s1 =	sand.u32 $0x1, s1;
	s18 =	smul.u32 $0x30E0, s21;
	p0 =	seq.s32 s21, $0xF;
	v37 =	vor.u32 $0x10A, v0;
	v8 =	vor.u32 $0x10B, v0;
	v36 =	vor.u32 $0x202, v0  }
0xe: {  	_ =	strace $0x80000047;
	s8 =	sshll.u32 s1, $0x4;
	s14 =	smul.u32 $0x186A0, s1;
	v42 =	vor.u32 $0x203, v0;
	v38 =	vor.u32 $0x204, v0;
	v10 =	vor.u32 $0x205, v0  }
0xf: {  	s9 =	ssub.s32 $0x2, s1;
	s1 =	smul.u32 $0x30D40, s1;
	s11 =	sor.u32 s21, s8;
	v41 =	vor.u32 $0x207, v0;
	v39 =	vor.u32 $0x208, v0;
	v43 =	vor.u32 $0x209, v0;
	[tilespmem:$0x1FFB0] =	vst v0  }
0x10: {  	s5 =	sshrl.u32 s5, $0x2;
	s10 =	sshrl.u32 s9, $0x1;
	v44 =	vor.u32 $0x20A, v0;
	v45 =	vor.u32 $0x20B, v0;
	s21 =	simm.s32 $0x50;
	v60 =	vor.u32 $0x401, v0;
	[tilespmem:$0x1FF70] =	vst v2  }
0x11: {  	v46 =	vor.u32 $0x300, v0;
	v47 =	vor.u32 $0x301, v0;
	v48 =	vor.u32 $0x302, v0;
	s8 =	sadd.s32 s5, s2;
	s23 =	smul.u32 $0x186A0, s11;
	s17 =	ssub.s32 s9, s10;
	[tilespmem:$0x1FFC0] =	vst v60  }
0x12: {  	v49 =	vor.u32 $0x303, v0;
	v50 =	vor.u32 $0x304, v0;
	v5 =	vor.u32 $0x403, v0;
	s15 =	smul.u32 $0x927C, s11;
	s14 =	sadd.s32 s13, s14;
	[tilespmem:$0x1FFD0] =	vst v9;
	s9 =	sadd.s32 $0x18100, s8  }
0x13: {  	v51 =	vor.u32 $0x305, v0;
	v52 =	vor.u32 $0x306, v0;
	v53 =	vor.u32 $0x307, v0;
	[tilespmem:$0x1FFE0] =	vst v5;
	s10 =	sadd.s32 $0x18600, s8;
	s26 =	sshll.u32 s14, $0x1;
	s17 =	smax.u32 s17, $0x1  }
0x14: {  	v54 =	vor.u32 $0x308, v0;
	v55 =	vor.u32 $0x309, v0;
	v2 =	vor.u32 $0x200, v0;
	[tilespmem:$0x1FFF0] =	vst v4;
	s12 =	sshrl.u32 s23, $0x3;
	s13 =	sadd.s32 s7, s15;
	s14 =	sadd.s32 $0x320, s23  }
0x15: {  	v56 =	vor.u32 $0x30A, v0;
	v57 =	vor.u32 $0x30B, v0;
	[tilespmem:$0x1FF80] =	vst v2;
	v2 =	vor.u32 $0x201, v0;
	s28 =	sadd.s32 s0, s26;
	s0 =	sadd.s32 s1, s0;
	s24 =	sadd.s32 s4, s12  }
0x16: {  	v58 =	vor.u32 $0x400, v0;
	v59 =	vor.u32 $0x402, v0;
	[tilespmem:$0x1FF90] =	vst v2;
	v2 =	vor.u32 $0x206, v0;
	s25 =	sadd.s32 s6, s12;
	s15 =	sadd.s32 $0x3020, s28;
	[dreg:$0x4] =	wrdreg s24  }
0x17: {  	v61 =	vor.u32 $0x404, v0;
	v62 =	vor.u32 $0x405, v0;
	v40 =	vor.u32 $0x406, v0;
	[tilespmem:$0x1FFA0] =	vst v2;
	s16 =	sadd.s32 $0x30C0, s28;
	s18 =	sadd.s32 s18, s0;
	[dreg:$0x5] =	wrdreg s25  }
.LBB2_1:
0x18: {  	v0 =	vimm.f32 $0.0e+00  }
0x19: {  	[tilespmem:$0x5FE0] =	vst v0  }
0x1a: {  	[tilespmem:$0x5FF0] =	vst v0  }
0x1b: {  	[tilespmem:$0x6000] =	vst v0  }
0x1c: {  	[tilespmem:$0x6010] =	vst v0  }
0x1d: {  	[tilespmem:$0x6020] =	vst v0  }
0x1e: {  	[tilespmem:$0x6030] =	vst v0  }
0x1f: {  	[tilespmem:$0x6040] =	vst v0  }
0x20: {  	[tilespmem:$0x6050] =	vst v0  }
0x21: {  	[tilespmem:$0x6060] =	vst v0  }
0x22: {  	[tilespmem:$0x6070] =	vst v0  }
0x23: {  	[tilespmem:$0x6080] =	vst v0  }
0x24: {  	[tilespmem:$0x6090] =	vst v0  }
0x25: {  	[tilespmem:$0x60A0] =	vst v0  }
0x26: {  	[tilespmem:$0x60B0] =	vst v0  }
0x27: {  	[tilespmem:$0x60C0] =	vst v0  }
0x28: {  	[tilespmem:$0x60D0] =	vst v0  }
0x29: {  	[tilespmem:$0x60E0] =	vst v0  }
0x2a: {  	[tilespmem:$0x60F0] =	vst v0  }
0x2b: {  	[tilespmem:$0x6100] =	vst v0  }
0x2c: {  	[tilespmem:$0x6110] =	vst v0  }
0x2d: {  	[tilespmem:$0x6120] =	vst v0  }
0x2e: {  	[tilespmem:$0x6130] =	vst v0  }
0x2f: {  	[tilespmem:$0x6140] =	vst v0  }
0x30: {  	[tilespmem:$0x6150] =	vst v0  }
0x31: {  	[tilespmem:$0x6160] =	vst v0  }
0x32: {  	[tilespmem:$0x6170] =	vst v0  }
0x33: {  	[tilespmem:$0x6180] =	vst v0  }
0x34: {  	[tilespmem:$0x6190] =	vst v0  }
0x35: {  	[tilespmem:$0x61A0] =	vst v0  }
0x36: {  	[tilespmem:$0x61B0] =	vst v0  }
0x37: {  	[tilespmem:$0x61C0] =	vst v0  }
0x38: {  	[tilespmem:$0x61D0] =	vst v0  }
0x39: {  	[tilespmem:$0x61E0] =	vst v0  }
0x3a: {  	[tilespmem:$0x61F0] =	vst v0  }
0x3b: {  	[tilespmem:$0x6200] =	vst v0  }
0x3c: {  	[tilespmem:$0x6210] =	vst v0  }
0x3d: {  	[tilespmem:$0x6220] =	vst v0  }
0x3e: {  	[tilespmem:$0x6230] =	vst v0  }
0x3f: {  	[tilespmem:$0x6240] =	vst v0  }
0x40: {  	[tilespmem:$0x6250] =	vst v0  }
0x41: {  	[tilespmem:$0x6260] =	vst v0  }
0x42: {  	[tilespmem:$0x6270] =	vst v0  }
0x43: {  	[tilespmem:$0x6280] =	vst v0  }
0x44: {  	[tilespmem:$0x6290] =	vst v0  }
0x45: {  	[tilespmem:$0x62A0] =	vst v0  }
0x46: {  	[tilespmem:$0x62B0] =	vst v0  }
0x47: {  	[tilespmem:$0x62C0] =	vst v0  }
0x48: {  	[tilespmem:$0x62D0] =	vst v0  }
0x49: {  	[tilespmem:$0x62E0] =	vst v0  }
0x4a: {  	[tilespmem:$0x62F0] =	vst v0  }
0x4b: {  	[tilespmem:$0x6300] =	vst v0  }
0x4c: {  	[tilespmem:$0x6310] =	vst v0  }
0x4d: {  	[tilespmem:$0x6320] =	vst v0  }
0x4e: {  	[tilespmem:$0x6330] =	vst v0  }
0x4f: {  	[tilespmem:$0x6340] =	vst v0  }
0x50: {  	[tilespmem:$0x6350] =	vst v0  }
0x51: {  	[tilespmem:$0x6360] =	vst v0  }
0x52: {  	[tilespmem:$0x6370] =	vst v0  }
0x53: {  	[tilespmem:$0x6380] =	vst v0  }
0x54: {  	[tilespmem:$0x6390] =	vst v0  }
0x55: {  	[tilespmem:$0x63A0] =	vst v0  }
0x56: {  	[tilespmem:$0x63B0] =	vst v0  }
0x57: {  	[tilespmem:$0x63C0] =	vst v0  }
0x58: {  	[tilespmem:$0x63D0] =	vst v0  }
0x59: {  	[tilespmem:$0x63E0] =	vst v0  }
0x5a: {  	[tilespmem:$0x63F0] =	vst v0  }
0x5b: {  	[tilespmem:$0x6400] =	vst v0  }
0x5c: {  	[tilespmem:$0x6410] =	vst v0  }
0x5d: {  	[tilespmem:$0x6420] =	vst v0  }
0x5e: {  	[tilespmem:$0x6430] =	vst v0  }
0x5f: {  	[tilespmem:$0x6440] =	vst v0  }
0x60: {  	[tilespmem:$0x6450] =	vst v0  }
0x61: {  	[tilespmem:$0x6460] =	vst v0  }
0x62: {  	[tilespmem:$0x6470] =	vst v0  }
0x63: {  	[tilespmem:$0x6480] =	vst v0  }
0x64: {  	[tilespmem:$0x6490] =	vst v0  }
0x65: {  	[tilespmem:$0x64A0] =	vst v0  }
0x66: {  	[tilespmem:$0x64B0] =	vst v0  }
0x67: {  	[tilespmem:$0x64C0] =	vst v0  }
0x68: {  	v2 =	vimm.s32 $0x0;
	[tilespmem:$0x64D0] =	vst v0  }
0x69: {  	[tilespmem:$0x5F40] =	vst v2  }
0x6a: {  	[tilespmem:$0x5F50] =	vst v2  }
0x6b: {  	[tilespmem:$0x5F60] =	vst v2  }
0x6c: {  	[tilespmem:$0x5F70] =	vst v2  }
0x6d: {  	[tilespmem:$0x5F80] =	vst v2  }
0x6e: {  	[tilespmem:$0x64E0] =	vst v0  }
0x6f: {  	[tilespmem:$0x64F0] =	vst v0  }
0x70: {  	[tilespmem:$0x6500] =	vst v0  }
0x71: {  	[tilespmem:$0x6510] =	vst v0  }
0x72: {  	[tilespmem:$0x6520] =	vst v0  }
0x73: {  	[tilespmem:$0x6530] =	vst v0  }
0x74: {  	[tilespmem:$0x6540] =	vst v0  }
0x75: {  	[tilespmem:$0x6550] =	vst v0  }
0x76: {  	[tilespmem:$0x6560] =	vst v0  }
0x77: {  	[tilespmem:$0x6570] =	vst v0  }
0x78: {  	[tilespmem:$0x6580] =	vst v0  }
0x79: {  	[tilespmem:$0x6590] =	vst v0  }
0x7a: {  	[tilespmem:$0x65A0] =	vst v0  }
0x7b: {  	[tilespmem:$0x65B0] =	vst v0  }
0x7c: {  	[tilespmem:$0x65C0] =	vst v0  }
0x7d: {  	[tilespmem:$0x65D0] =	vst v0  }
0x7e: {  	[tilespmem:$0x65E0] =	vst v0  }
0x7f: {  	[tilespmem:$0x65F0] =	vst v0  }
0x80: {  	[tilespmem:$0x6600] =	vst v0  }
0x81: {  	[tilespmem:$0x6610] =	vst v0  }
0x82: {  	[tilespmem:$0x6620] =	vst v0  }
0x83: {  	[tilespmem:$0x6630] =	vst v0  }
0x84: {  	[tilespmem:$0x6640] =	vst v0  }
0x85: {  	[tilespmem:$0x6650] =	vst v0  }
0x86: {  	[tilespmem:$0x6660] =	vst v0  }
0x87: {  	[tilespmem:$0x6670] =	vst v0  }
0x88: {  	[tilespmem:$0x6680] =	vst v0  }
0x89: {  	[tilespmem:$0x6690] =	vst v0  }
0x8a: {  	[tilespmem:$0x66A0] =	vst v0  }
0x8b: {  	[tilespmem:$0x66B0] =	vst v0  }
0x8c: {  	[tilespmem:$0x66C0] =	vst v0  }
0x8d: {  	[tilespmem:$0x66D0] =	vst v0  }
0x8e: {  	[tilespmem:$0x66E0] =	vst v0  }
0x8f: {  	[tilespmem:$0x66F0] =	vst v0  }
0x90: {  	[tilespmem:$0x6700] =	vst v0  }
0x91: {  	[tilespmem:$0x6710] =	vst v0  }
0x92: {  	[tilespmem:$0x6720] =	vst v0  }
0x93: {  	[tilespmem:$0x6730] =	vst v0  }
0x94: {  	[tilespmem:$0x6740] =	vst v0  }
0x95: {  	[tilespmem:$0x6750] =	vst v0  }
0x96: {  	[tilespmem:$0x6760] =	vst v0  }
0x97: {  	[tilespmem:$0x6770] =	vst v0  }
0x98: {  	[tilespmem:$0x6780] =	vst v0  }
0x99: {  	[tilespmem:$0x6790] =	vst v0  }
0x9a: {  	[tilespmem:$0x67A0] =	vst v0  }
0x9b: {  	[tilespmem:$0x67B0] =	vst v0  }
0x9c: {  	[tilespmem:$0x67C0] =	vst v0  }
0x9d: {  	[tilespmem:$0x67D0] =	vst v0  }
0x9e: {  	[tilespmem:$0x67E0] =	vst v0  }
0x9f: {  	[tilespmem:$0x67F0] =	vst v0  }
0xa0: {  	[tilespmem:$0x6800] =	vst v0  }
0xa1: {  	[tilespmem:$0x6810] =	vst v0  }
0xa2: {  	[tilespmem:$0x6820] =	vst v0  }
0xa3: {  	[tilespmem:$0x6830] =	vst v0  }
0xa4: {  	[tilespmem:$0x6840] =	vst v0  }
0xa5: {  	[tilespmem:$0x6850] =	vst v0  }
0xa6: {  	[tilespmem:$0x6860] =	vst v0  }
0xa7: {  	[tilespmem:$0x6870] =	vst v0  }
0xa8: {  	[tilespmem:$0x6880] =	vst v0  }
0xa9: {  	[tilespmem:$0x6890] =	vst v0  }
0xaa: {  	[tilespmem:$0x68A0] =	vst v0  }
0xab: {  	[tilespmem:$0x68B0] =	vst v0  }
0xac: {  	[tilespmem:$0x68C0] =	vst v0  }
0xad: {  	[tilespmem:$0x68D0] =	vst v0  }
0xae: {  	[tilespmem:$0x68E0] =	vst v0  }
0xaf: {  	[tilespmem:$0x68F0] =	vst v0  }
0xb0: {  	[tilespmem:$0x6900] =	vst v0  }
0xb1: {  	[tilespmem:$0x6910] =	vst v0  }
0xb2: {  	[tilespmem:$0x6920] =	vst v0  }
0xb3: {  	[tilespmem:$0x6930] =	vst v0  }
0xb4: {  	[tilespmem:$0x6940] =	vst v0  }
0xb5: {  	[tilespmem:$0x6950] =	vst v0  }
0xb6: {  	[tilespmem:$0x6960] =	vst v0  }
0xb7: {  	[tilespmem:$0x6970] =	vst v0  }
0xb8: {  	[tilespmem:$0x6980] =	vst v0  }
0xb9: {  	[tilespmem:$0x6990] =	vst v0  }
0xba: {  	[tilespmem:$0x69A0] =	vst v0  }
0xbb: {  	[tilespmem:$0x69B0] =	vst v0  }
0xbc: {  	[tilespmem:$0x69C0] =	vst v0  }
0xbd: {  	[tilespmem:$0x69D0] =	vst v0  }
0xbe: {  	[tilespmem:$0x5F90] =	vst v2  }
0xbf: {  	[tilespmem:$0x5FA0] =	vst v2  }
0xc0: {  	[tilespmem:$0x5FB0] =	vst v2  }
0xc1: {  	[tilespmem:$0x5FC0] =	vst v2  }
0xc2: {  	s0 =	sadd.s32 $0x0, s8;
	[tilespmem:$0x5FD0] =	vst v2  }
0xc3: {  	[spmem:s0] =	stream.linear.scatter [tilespmem:s19], [sflag:$0x5], $0x500, $0x38;
	[tilespmem:$0x1F080] =	vst v63  }
0xc4: {  	s0 =	simm.s32 $0x1400;
	_ =	swait.ge [sflag:s20], $0x500  }
.LBB2_2:
0xc5: {  	s1 =	sshra.s32 s0, $0x2;
	[sflag:s20] =	ssyncset.done $0x0;
	p1 =	sne.s32 s0, $0x5F000  }
.Ltmp0:
0xc6: {  	s1 =	sadd.s32 s1, s8;
	[sflag:s20] =	ssyncadd.s32 $0xFFFFFB00;
	(pc) =	sbr.rel @p1 .LBB2_2-.Ltmp0, $3  }
0xc7: {  	[spmem:s1] =	stream.linear.scatter [tilespmem:s19], [sflag:$0x5], $0x500, $0x38;
	[tilespmem:$0x1F080] =	vst v63  }
0xc8: {  	s0 =	sadd.s32 $0x1400, s0;
	_ =	sdelay $0x1  }
0xc9: {  	_ =	swait.ge [sflag:s20], $0x500  }
0xca: {  	[sflag:s20] =	ssyncset.done $0x0  }
0xcb: {  	s0 =	simm.s32 @!p0 $0x5FE0;
	s1 =	simm.s32 @!p0 $0x5;
	[sflag:s20] =	ssyncadd.s32 $0xFFFFFB00  }
0xcc: {  	[spmem:s9] =	stream.linear.scatter @!p0 [tilespmem:s0], [sflag:$0x5], $0x500, $0x38;
	[tilespmem:$0x1F080] =	vst v63  }
0xcd: {  	_ =	swait.ge @!p0 [sflag:s1], $0x500  }
0xce: {  	[sflag:s1] =	ssyncset.done @!p0 $0x0  }
0xcf: {  	[sflag:s1] =	ssyncadd.s32 @!p0 $0xFFFFFB00  }
0xd0: {  	[spmem:s10] =	stream.linear.scatter @!p0 [tilespmem:s0], [sflag:$0x5], $0x100, $0x38;
	[tilespmem:$0x1F080] =	vst v63  }
0xd1: {  	_ =	swait.ge @!p0 [sflag:s1], $0x100  }
0xd2: {  	[sflag:s1] =	ssyncset.done @!p0 $0x0  }
0xd3: {  	[sflag:s1] =	ssyncadd.s32 @!p0 $0xFFFFFF00  }
0xd4: {  	s1 =	simm.s32 $0x0;
	s11 =	rddreg [dreg:$0x0]  }
0xd5: {  	[tilespmem:s1], [sflag:$0x5] =	stream.linear.gather [hbm4b:s11+s1], $0x4000, $0x38;
	[tilespmem:$0x1F080] =	vst v63  }
0xd6: {  	_ =	swait.ge [sflag:s20], $0x4000  }
0xd7: {  	[sflag:s20] =	ssyncset.done $0x0  }
0xd8: {  	[sflag:s20] =	ssyncadd.s32 $0xFFFFC000  }
0xd9: {  	s12 =	simm.s32 $0x5F40;
	[bflag:$0x0] =	sbarrier.arrive $0xFFFF  }
0xda: {  	[spmem:s2] =	stream.indirect.scatter.add.f32 [tilespmem:s19], [sflag:$0x3], $0x10, s12, s21, $0xb8;
	[tilespmem:$0x1F080] =	vst v63  }
0xdb: {  	s22 =	simm.s32 $0x5F90;
	s5 =	simm.s32 $0x64E0  }
0xdc: {  	[spmem:s2] =	stream.indirect.scatter.add.f32 [tilespmem:s5], [sflag:$0x4], $0x10, s22, s21, $0xb8;
	[tilespmem:$0x1F080] =	vst v63  }
0xdd: {  	s24 =	simm.s32 $0x4000;
	s23 =	rddreg [dreg:$0x4]  }
0xde: {  	[tilespmem:s24], [sflag:$0x1] =	stream.linear.gather [hbm4b:s23+s1], $0x320, $0x38;
	[tilespmem:$0x1F080] =	vst v63  }
0xdf: {  	s26 =	simm.s32 $0x4640;
	s25 =	rddreg [dreg:$0x5]  }
0xe0: {  	[tilespmem:s26], [sflag:$0x1] =	stream.linear.gather [hbm4b:s25+s1], $0x320, $0x38;
	[tilespmem:$0x1F080] =	vst v63  }
0xe1: {  	s28 =	simm.s32 $0x4C80;
	p1 =	por $0x0, $0x0  }
0xe2: {  	[tilespmem:s28], [sflag:$0x1] =	stream.linear.gather [hbm4b:s13+s1], $0x960, $0x38;
	[tilespmem:$0x1F080] =	vst v63  }
.LBB2_4:
0xe3: {  	s0 =	sand.u32 $0x1, s1  }
0xe4: {  	s5 =	sadd.s32 $0x1, s0  }
0xe5: {  	_ =	swait.ge [sflag:s5], $0x320  }
0xe6: {  	[sflag:s5] =	ssyncset.done $0x0  }
0xe7: {  	s22 =	simm.s32 $0x1;
	p2 =	seq.s32 s1, $0x7C;
	[sflag:s5] =	ssyncadd.s32 $0xFFFFFCE0  }
0xe8: {  	s22 =	simm.s32 @!p1 $0x0;
	s23 =	smul.u32 @!p2 $0x320, s1;
	_ =	swait.ge [sflag:s5], $0x320  }
0xe9: {  	s24 =	sxor.u32 @!p2 $0x1, s0;
	s12 =	simm.s32 @!p2 $0x0;
	[sflag:s5] =	ssyncset.done $0x0  }
0xea: {  	s25 =	smul.u32 @!p2 $0x320, s24;
	s23 =	sadd.s32 @!p2 s23, s14;
	[sflag:s5] =	ssyncadd.s32 $0xFFFFFCE0  }
0xeb: {  	s22 =	smul.u32 $0xC80, s22;
	s26 =	sshrl.u32 @!p2 s23, $0x3;
	_ =	swait.ge [sflag:s5], $0x960  }
0xec: {  	s28 =	sor.u32 @!p2 $0x4000, s25;
	s23 =	smul.u32 @!p2 $0x3, s23;
	[sflag:s5] =	ssyncset.done $0x0  }
0xed: {  	s11 =	sadd.s32 @!p2 s4, s26;
	[sflag:s5] =	ssyncadd.s32 $0xFFFFF6A0;
	s5 =	sadd.s32 @!p2 $0x1, s24  }
0xee: {  	[tilespmem:s28], [sflag:s5] =	stream.linear.gather @!p2 [hbm4b:s11+s12], $0x320, $0x38;
	[tilespmem:$0x1F080] =	vst v63  }
0xef: {  	s22 =	sshrl.u32 s22, $0x2;
	s23 =	sshrl.u32 @!p2 s23, $0x3;
	s11 =	smul.u32 @!p2 $0x2580, s24  }
0xf0: {  	s24 =	sadd.s32 @!p2 $0x4640, s25;
	s25 =	sadd.s32 @!p2 s6, s26;
	s26 =	smul.u32 $0x2580, s0  }
0xf1: {  	[tilespmem:s24], [sflag:s5] =	stream.linear.gather @!p2 [hbm4b:s25+s12], $0x320, $0x38;
	[tilespmem:$0x1F080] =	vst v63  }
0xf2: {  	s11 =	sshrl.u32 @!p2 s11, $0x2;
	s28 =	sshrl.u32 s26, $0x2;
	s24 =	simm.s32 $0x0  }
0xf3: {  	s0 =	sadd.s32 @!p2 $0x4C80, s11;
	s11 =	sadd.s32 @!p2 s7, s23;
	s23 =	simm.s32 $0x40  }
0xf4: {  	[tilespmem:s0], [sflag:s5] =	stream.linear.gather @!p2 [hbm4b:s11+s12], $0x960, $0x38;
	[tilespmem:$0x1F080] =	vst v63  }
0xf5: {  	s5 =	sadd.s32 $0x4660, s22;
	s0 =	sadd.s32 $0x4020, s22;
	s22 =	sadd.s32 $0x4C80, s28  }
.LBB2_5:
0xf6: {  	s11 =	sand.u32 $0x1, s24  }
0xf7: {  	s25 =	sadd.s32 $0x3, s11  }
0xf8: {  	_ =	swait.ge [sflag:s25], $0x500  }
0xf9: {  	[sflag:s25] =	ssyncset.done $0x0  }
0xfa: {  	[sflag:s25] =	ssyncadd.s32 $0xFFFFFB00  }
0xfb: {  	s12 =	sadd.s32 $0xFFFFFFC0, s23;
	v63 =	vld [tilespmem:s0+$0xFFFFFFE0]  }
0xfc: {  	v2 =	vmov s12  }
0xfd: {  	v2 =	vmul.u32 $0x3, v2;
	_ =	sdelay $0x1  }
0xfe: {  	v2 =	vbroadcast v2, $0x0  }
0xff: {  	v0 =	vand.u32 $0x3FFF, v63  }
0x100: {  	v3 =	vadd.s32 v1, v2  }
0x101: {  	v6 =	vadd.s32 v4, v2;
	v3 =	vand.u32 $0xFFFFFFF8, v3  }
0x102: {  	v2 =	vadd.s32 v9, v2;
	v6 =	vand.u32 $0xFFFFFFF8, v6;
	v3 =	vor.u32 v13, v3  }
0x103: {  	v2 =	vand.u32 $0xFFFFFFF8, v2;
	v6 =	vor.u32 v14, v6  }
0x104: {  	v2 =	vor.u32 v15, v2;
	v0 =	vld.idx.msk [tilespmem:v0+s3+$0x0], $0xffff  }
0x105: {  	v12 =	vld [tilespmem:$0x1FFB0];
	_ =	sdelay $0x1  }
0x106: {  	v63 =	vshrl.u32 v63, $0xC;
	v3 =	vld.idx.msk [tilespmem:v3+s22+$0x0], $0xffff  }
0x107: {  	v63 =	vand.u32 $0x1C, v63;
	v6 =	vld.idx.msk [tilespmem:v6+s22+$0x0], $0xffff  }
0x108: {  	v2 =	vld.idx.msk [tilespmem:v2+s22+$0x0], $0xffff;
	v0 =	vshra.s32 v0, v63  }
0x109: {  	s28 =	smul.u32 $0x1400, s11;
	v0 =	vand.u32 $0xF, v0  }
0x10a: {  	vm0 =	veq.s32 v0, $0x0  }
0x10b: {  	s26 =	sshrl.u32 s28, $0x2;
	v35 =	vnsel vm0, $0x0, v3  }
0x10c: {  	[tilespmem:v12+s26+$0x5FE0] =	vst.idx.msk $0xffff, v35;
	v35 =	vnsel vm0, $0x0, v6  }
0x10d: {  	vm10 =	veq.s32 v0, $0x1;
	[tilespmem:v11+s26+$0x5FE0] =	vst.idx.msk $0xffff, v35;
	v35 =	vnsel vm0, $0x0, v2  }
0x10e: {  	[tilespmem:v17+s26+$0x5FE0] =	vst.idx.msk $0xffff, v35;
	v35 =	vnsel vm10, $0x0, v3  }
0x10f: {  	[tilespmem:v18+s26+$0x5FE0] =	vst.idx.msk $0xffff, v35;
	v35 =	vnsel vm10, $0x0, v6  }
0x110: {  	vm11 =	veq.s32 v0, $0x2;
	[tilespmem:v19+s26+$0x5FE0] =	vst.idx.msk $0xffff, v35;
	v35 =	vnsel vm10, $0x0, v2  }
0x111: {  	[tilespmem:v20+s26+$0x5FE0] =	vst.idx.msk $0xffff, v35;
	v35 =	vnsel vm11, $0x0, v3  }
0x112: {  	[tilespmem:v16+s26+$0x5FE0] =	vst.idx.msk $0xffff, v35;
	v35 =	vnsel vm11, $0x0, v6  }
0x113: {  	vm12 =	veq.s32 v0, $0x3;
	[tilespmem:v22+s26+$0x5FE0] =	vst.idx.msk $0xffff, v35;
	v35 =	vnsel vm11, $0x0, v2  }
0x114: {  	v0 =	vnsel vm12, $0x0, v3;
	[tilespmem:v23+s26+$0x5FE0] =	vst.idx.msk $0xffff, v35  }
0x115: {  	[tilespmem:v24+s26+$0x5FE0] =	vst.idx.msk $0xffff, v0;
	v0 =	vnsel vm12, $0x0, v6  }
0x116: {  	[tilespmem:v25+s26+$0x5FE0] =	vst.idx.msk $0xffff, v0;
	v0 =	vnsel vm12, $0x0, v2  }
0x117: {  	[tilespmem:v21+s26+$0x5FE0] =	vst.idx.msk $0xffff, v0  }
0x118: {  	v0 =	vld [tilespmem:s5+$0xFFFFFFE0];
	_ =	sdelay $0x1  }
0x119: {  	s11 =	smul.u32 $0x140, s11;
	_ =	sdelay $0x1  }
0x11a: {  	s28 =	sshrl.u32 s11, $0x2  }
0x11b: {  	[tilespmem:s28+$0x5F40] =	vst v0  }
0x11c: {  	v0 =	vld [tilespmem:s0+$0xFFFFFFF0];
	_ =	sdelay $0x1  }
0x11d: {  	s12 =	sadd.s32 $0xFFFFFFD0, s23  }
0x11e: {  	v2 =	vmov s12  }
0x11f: {  	v2 =	vmul.u32 $0x3, v2  }
0x120: {  	v3 =	vand.u32 $0x3FFF, v0  }
0x121: {  	v2 =	vbroadcast v2, $0x0;
	_ =	sdelay $0x1  }
0x122: {  	v6 =	vadd.s32 v1, v2  }
0x123: {  	v35 =	vadd.s32 v4, v2  }
0x124: {  	v2 =	vadd.s32 v9, v2;
	v3 =	vld.idx.msk [tilespmem:v3+s3+$0x0], $0xffff;
	_ =	sdelay $0x2  }
0x125: {  	v6 =	vld.idx.msk [tilespmem:v6+s22+$0x0], $0xffff;
	v0 =	vshrl.u32 v0, $0xC  }
0x126: {  	v63 =	vld.idx.msk [tilespmem:v35+s22+$0x0], $0xffff;
	v0 =	vand.u32 $0x1C, v0  }
0x127: {  	v2 =	vld.idx.msk [tilespmem:v2+s22+$0x0], $0xffff;
	v0 =	vshra.s32 v3, v0  }
0x128: {  	v0 =	vand.u32 $0xF, v0  }
0x129: {  	vm13 =	veq.s32 v0, $0x0  }
0x12a: {  	vm14 =	veq.s32 v0, $0x1;
	v3 =	vnsel vm13, $0x0, v6  }
0x12b: {  	vm15 =	veq.s32 v0, $0x2;
	vm4 =	veq.s32 v0, $0x3;
	v0 =	vld [tilespmem:$0x1FF70];
	[tilespmem:v27+s26+$0x5FE0] =	vst.idx.msk $0xffff, v3;
	v3 =	vnsel vm13, $0x0, v63  }
0x12c: {  	[tilespmem:v28+s26+$0x5FE0] =	vst.idx.msk $0xffff, v3;
	v3 =	vnsel vm13, $0x0, v2  }
0x12d: {  	[tilespmem:v29+s26+$0x5FE0] =	vst.idx.msk $0xffff, v3;
	v3 =	vnsel vm14, $0x0, v6  }
0x12e: {  	[tilespmem:v30+s26+$0x5FE0] =	vst.idx.msk $0xffff, v3;
	v3 =	vnsel vm14, $0x0, v63  }
0x12f: {  	[tilespmem:v26+s26+$0x5FE0] =	vst.idx.msk $0xffff, v3;
	v3 =	vnsel vm14, $0x0, v2  }
0x130: {  	[tilespmem:v32+s26+$0x5FE0] =	vst.idx.msk $0xffff, v3;
	v3 =	vnsel vm15, $0x0, v6  }
0x131: {  	[tilespmem:v33+s26+$0x5FE0] =	vst.idx.msk $0xffff, v3;
	v3 =	vnsel vm15, $0x0, v63  }
0x132: {  	[tilespmem:v34+s26+$0x5FE0] =	vst.idx.msk $0xffff, v3;
	v3 =	vnsel vm15, $0x0, v2  }
0x133: {  	[tilespmem:v0+s26+$0x5FE0] =	vst.idx.msk $0xffff, v3;
	v0 =	vnsel vm4, $0x0, v6  }
0x134: {  	[tilespmem:v31+s26+$0x5FE0] =	vst.idx.msk $0xffff, v0;
	v0 =	vnsel vm4, $0x0, v63  }
0x135: {  	[tilespmem:v37+s26+$0x5FE0] =	vst.idx.msk $0xffff, v0;
	v0 =	vnsel vm4, $0x0, v2  }
0x136: {  	[tilespmem:v8+s26+$0x5FE0] =	vst.idx.msk $0xffff, v0  }
0x137: {  	v0 =	vld [tilespmem:s5+$0xFFFFFFF0];
	_ =	sdelay $0x4  }
0x138: {  	[tilespmem:s28+$0x5F50] =	vst v0  }
0x139: {  	v0 =	vld [tilespmem:s0+$0x0];
	_ =	sdelay $0x1  }
0x13a: {  	s12 =	sadd.s32 $0xFFFFFFE0, s23  }
0x13b: {  	v2 =	vmov s12  }
0x13c: {  	v2 =	vmul.u32 $0x3, v2  }
0x13d: {  	v3 =	vand.u32 $0x3FFF, v0  }
0x13e: {  	v2 =	vbroadcast v2, $0x0;
	_ =	sdelay $0x1  }
0x13f: {  	v6 =	vadd.s32 v1, v2;
	_ =	sdelay $0x1  }
0x140: {  	v3 =	vld.idx.msk [tilespmem:v3+s3+$0x0], $0xffff  }
0x141: {  	v7 =	vmov v8;
	v8 =	vld [tilespmem:$0x1FF80]  }
0x142: {  	v35 =	vadd.s32 v4, v2  }
0x143: {  	v2 =	vadd.s32 v9, v2;
	v6 =	vld.idx.msk [tilespmem:v6+s22+$0x0], $0xffff;
	v0 =	vshrl.u32 v0, $0xC  }
0x144: {  	v0 =	vand.u32 $0x1C, v0  }
0x145: {  	v0 =	vshra.s32 v3, v0  }
0x146: {  	v0 =	vand.u32 $0xF, v0  }
0x147: {  	v63 =	vld.idx.msk [tilespmem:v35+s22+$0x0], $0xffff;
	vm5 =	veq.s32 v0, $0x0  }
0x148: {  	v2 =	vld.idx.msk [tilespmem:v2+s22+$0x0], $0xffff;
	v3 =	vnsel vm5, $0x0, v6  }
0x149: {  	[tilespmem:v8+s26+$0x5FE0] =	vst.idx.msk $0xffff, v3;
	v8 =	vld [tilespmem:$0x1FF90];
	_ =	sdelay $0x6  }
0x14a: {  	v3 =	vnsel vm5, $0x0, v63  }
0x14b: {  	[tilespmem:v8+s26+$0x5FE0] =	vst.idx.msk $0xffff, v3;
	v8 =	vld [tilespmem:$0x1FFA0];
	_ =	sdelay $0x2  }
0x14c: {  	vm6 =	veq.s32 v0, $0x1;
	v3 =	vnsel vm5, $0x0, v2  }
0x14d: {  	[tilespmem:v36+s26+$0x5FE0] =	vst.idx.msk $0xffff, v3;
	v3 =	vnsel vm6, $0x0, v6  }
0x14e: {  	[tilespmem:v42+s26+$0x5FE0] =	vst.idx.msk $0xffff, v3;
	v3 =	vnsel vm6, $0x0, v63  }
0x14f: {  	vm7 =	veq.s32 v0, $0x2;
	[tilespmem:v38+s26+$0x5FE0] =	vst.idx.msk $0xffff, v3;
	v3 =	vnsel vm6, $0x0, v2  }
0x150: {  	[tilespmem:v10+s26+$0x5FE0] =	vst.idx.msk $0xffff, v3;
	v3 =	vnsel vm7, $0x0, v6  }
0x151: {  	[tilespmem:v8+s26+$0x5FE0] =	vst.idx.msk $0xffff, v3;
	v3 =	vnsel vm7, $0x0, v63  }
0x152: {  	vm8 =	veq.s32 v0, $0x3;
	[tilespmem:v41+s26+$0x5FE0] =	vst.idx.msk $0xffff, v3;
	v3 =	vnsel vm7, $0x0, v2  }
0x153: {  	v0 =	vnsel vm8, $0x0, v6;
	[tilespmem:v39+s26+$0x5FE0] =	vst.idx.msk $0xffff, v3  }
0x154: {  	[tilespmem:v43+s26+$0x5FE0] =	vst.idx.msk $0xffff, v0;
	v0 =	vnsel vm8, $0x0, v63  }
0x155: {  	[tilespmem:v44+s26+$0x5FE0] =	vst.idx.msk $0xffff, v0;
	v0 =	vnsel vm8, $0x0, v2  }
0x156: {  	[tilespmem:v45+s26+$0x5FE0] =	vst.idx.msk $0xffff, v0  }
0x157: {  	v0 =	vld [tilespmem:s5+$0x0];
	_ =	sdelay $0x4  }
0x158: {  	[tilespmem:s28+$0x5F60] =	vst v0  }
0x159: {  	v0 =	vld [tilespmem:s0+$0x10];
	_ =	sdelay $0x1  }
0x15a: {  	s12 =	sadd.s32 $0xFFFFFFF0, s23  }
0x15b: {  	v2 =	vmov s12  }
0x15c: {  	v2 =	vmul.u32 $0x3, v2  }
0x15d: {  	v3 =	vand.u32 $0x3FFF, v0  }
0x15e: {  	v2 =	vbroadcast v2, $0x0;
	_ =	sdelay $0x1  }
0x15f: {  	v6 =	vadd.s32 v1, v2  }
0x160: {  	v35 =	vadd.s32 v4, v2  }
0x161: {  	v2 =	vadd.s32 v9, v2;
	v3 =	vld.idx.msk [tilespmem:v3+s3+$0x0], $0xffff;
	_ =	sdelay $0x2  }
0x162: {  	v6 =	vld.idx.msk [tilespmem:v6+s22+$0x0], $0xffff;
	v0 =	vshrl.u32 v0, $0xC  }
0x163: {  	v63 =	vld.idx.msk [tilespmem:v35+s22+$0x0], $0xffff;
	v0 =	vand.u32 $0x1C, v0  }
0x164: {  	v2 =	vld.idx.msk [tilespmem:v2+s22+$0x0], $0xffff;
	v0 =	vshra.s32 v3, v0  }
0x165: {  	v0 =	vand.u32 $0xF, v0  }
0x166: {  	vm9 =	veq.s32 v0, $0x0  }
0x167: {  	v3 =	vnsel vm9, $0x0, v6  }
0x168: {  	[tilespmem:v46+s26+$0x5FE0] =	vst.idx.msk $0xffff, v3;
	v3 =	vnsel vm9, $0x0, v63  }
0x169: {  	vm10 =	veq.s32 v0, $0x1;
	[tilespmem:v47+s26+$0x5FE0] =	vst.idx.msk $0xffff, v3;
	v3 =	vnsel vm9, $0x0, v2  }
0x16a: {  	[tilespmem:v48+s26+$0x5FE0] =	vst.idx.msk $0xffff, v3;
	v3 =	vnsel vm10, $0x0, v6  }
0x16b: {  	[tilespmem:v49+s26+$0x5FE0] =	vst.idx.msk $0xffff, v3;
	v3 =	vnsel vm10, $0x0, v63  }
0x16c: {  	vm11 =	veq.s32 v0, $0x2;
	[tilespmem:v50+s26+$0x5FE0] =	vst.idx.msk $0xffff, v3;
	v3 =	vnsel vm10, $0x0, v2  }
0x16d: {  	[tilespmem:v51+s26+$0x5FE0] =	vst.idx.msk $0xffff, v3;
	v3 =	vnsel vm11, $0x0, v6  }
0x16e: {  	[tilespmem:v52+s26+$0x5FE0] =	vst.idx.msk $0xffff, v3;
	v3 =	vnsel vm11, $0x0, v63  }
0x16f: {  	vm12 =	veq.s32 v0, $0x3;
	[tilespmem:v53+s26+$0x5FE0] =	vst.idx.msk $0xffff, v3;
	v3 =	vnsel vm11, $0x0, v2  }
0x170: {  	v0 =	vnsel vm12, $0x0, v6;
	[tilespmem:v54+s26+$0x5FE0] =	vst.idx.msk $0xffff, v3  }
0x171: {  	[tilespmem:v55+s26+$0x5FE0] =	vst.idx.msk $0xffff, v0;
	v0 =	vnsel vm12, $0x0, v63  }
0x172: {  	[tilespmem:v56+s26+$0x5FE0] =	vst.idx.msk $0xffff, v0;
	v0 =	vnsel vm12, $0x0, v2  }
0x173: {  	[tilespmem:v57+s26+$0x5FE0] =	vst.idx.msk $0xffff, v0  }
0x174: {  	v0 =	vld [tilespmem:s5+$0x10];
	_ =	sdelay $0x4  }
0x175: {  	[tilespmem:s28+$0x5F70] =	vst v0  }
0x176: {  	v0 =	vld [tilespmem:s0+$0x20];
	_ =	sdelay $0x2  }
0x177: {  	v2 =	vmov s23  }
0x178: {  	v2 =	vmul.u32 $0x3, v2  }
0x179: {  	v3 =	vand.u32 $0x3FFF, v0  }
0x17a: {  	v2 =	vbroadcast v2, $0x0;
	_ =	sdelay $0x1  }
0x17b: {  	v6 =	vadd.s32 v1, v2  }
0x17c: {  	v35 =	vadd.s32 v4, v2  }
0x17d: {  	v2 =	vadd.s32 v9, v2;
	v3 =	vld.idx.msk [tilespmem:v3+s3+$0x0], $0xffff;
	_ =	sdelay $0x2  }
0x17e: {  	v6 =	vld.idx.msk [tilespmem:v6+s22+$0x0], $0xffff;
	v0 =	vshrl.u32 v0, $0xC  }
0x17f: {  	v63 =	vld.idx.msk [tilespmem:v35+s22+$0x0], $0xffff;
	v0 =	vand.u32 $0x1C, v0  }
0x180: {  	v2 =	vld.idx.msk [tilespmem:v2+s22+$0x0], $0xffff;
	v0 =	vshra.s32 v3, v0  }
0x181: {  	v0 =	vand.u32 $0xF, v0  }
0x182: {  	vm13 =	veq.s32 v0, $0x0  }
0x183: {  	v3 =	vnsel vm13, $0x0, v6  }
0x184: {  	v8 =	vor.u32 $0x407, v12;
	v4 =	vmovc v1;
	v1 =	vmovc v58;
	v9 =	vor.u32 $0x408, v12;
	[tilespmem:v58+s26+$0x5FE0] =	vst.idx.msk $0xffff, v3;
	v3 =	vnsel vm13, $0x0, v63  }
0x185: {  	vm14 =	veq.s32 v0, $0x1;
	vm15 =	veq.s32 v0, $0x2;
	v58 =	vmovc v53;
	v53 =	vmovc v48;
	[tilespmem:v60+s26+$0x5FE0] =	vst.idx.msk $0xffff, v3;
	v3 =	vnsel vm13, $0x0, v2  }
0x186: {  	v48 =	vmovc v43;
	v43 =	vmovc v38;
	v38 =	vmov v7;
	v7 =	vmov v61;
	[tilespmem:v59+s26+$0x5FE0] =	vst.idx.msk $0xffff, v3;
	v3 =	vnsel vm14, $0x0, v6  }
0x187: {  	[tilespmem:v5+s26+$0x5FE0] =	vst.idx.msk $0xffff, v3;
	v3 =	vnsel vm14, $0x0, v63;
	v5 =	vmovc v59;
	v59 =	vmovc v54;
	v54 =	vmov v49;
	v49 =	vmov v44  }
0x188: {  	v44 =	vmovc v10;
	v10 =	vor.u32 $0x409, v12;
	[tilespmem:v61+s26+$0x5FE0] =	vst.idx.msk $0xffff, v3;
	v3 =	vnsel vm14, $0x0, v2;
	v61 =	vmovc v56;
	v56 =	vmov v51  }
0x189: {  	v51 =	vmovc v46;
	v46 =	vmovc v41;
	v41 =	vmov v36;
	v36 =	vmov v31;
	v31 =	vmov v26  }
0x18a: {  	v26 =	vmovc v21;
	v21 =	vmovc v16;
	v16 =	vmov v11;
	v11 =	vor.u32 $0x40A, v12;
	[tilespmem:v62+s26+$0x5FE0] =	vst.idx.msk $0xffff, v3;
	v3 =	vnsel vm15, $0x0, v6  }
0x18b: {  	v12 =	vor.u32 $0x40B, v12;
	[tilespmem:v40+s26+$0x5FE0] =	vst.idx.msk $0xffff, v3;
	v3 =	vnsel vm15, $0x0, v63  }
0x18c: {  	vm1 =	veq.s32 v0, $0x3;
	v0 =	vnsel vm15, $0x0, v2;
	[tilespmem:v8+s26+$0x5FE0] =	vst.idx.msk $0xffff, v3  }
0x18d: {  	[tilespmem:v9+s26+$0x5FE0] =	vst.idx.msk $0xffff, v0;
	v0 =	vnsel vm1, $0x0, v6  }
0x18e: {  	[tilespmem:v10+s26+$0x5FE0] =	vst.idx.msk $0xffff, v0;
	v0 =	vnsel vm1, $0x0, v63  }
0x18f: {  	[tilespmem:v11+s26+$0x5FE0] =	vst.idx.msk $0xffff, v0;
	v0 =	vnsel vm1, $0x0, v2  }
0x190: {  	[tilespmem:v12+s26+$0x5FE0] =	vst.idx.msk $0xffff, v0  }
0x191: {  	v35 =	vmov v62;
	v60 =	vmov v55;
	v62 =	vmov v57;
	v0 =	vld [tilespmem:s5+$0x20]  }
0x192: {  	p2 =	sne.s32 s23, $0x310;
	v55 =	vmov v60  }
.Ltmp1:
0x193: {  	v57 =	vmovc v62;
	v8 =	vmovc v38;
	v38 =	vmov v43;
	v43 =	vmov v48;
	v48 =	vmov v53;
	(pc) =	sbr.rel @p2 .LBB2_5-.Ltmp1, $4  }
0x194: {  	v60 =	vld [tilespmem:$0x1FFC0];
	v53 =	vmovc v58;
	v58 =	vmovc v1;
	v1 =	vmov v4;
	v62 =	vmov v35;
	v10 =	vmov v44  }
0x195: {  	s24 =	sadd.s32 $0x1, s24;
	s23 =	sadd.s32 $0x50, s23;
	s0 =	sadd.s32 $0x50, s0;
	v4 =	vld [tilespmem:$0x1FFF0];
	v44 =	vmovc v49;
	v49 =	vmovc v54;
	v54 =	vmov v59;
	v59 =	vmov v5;
	v11 =	vmov v16  }
0x196: {  	v9 =	vld [tilespmem:$0x1FFD0];
	v16 =	vmovc v21;
	v21 =	vmovc v26;
	v26 =	vmov v31;
	v31 =	vmov v36;
	v36 =	vmov v41;
	s26 =	sadd.s32 $0x5FE0, s26;
	s5 =	sadd.s32 $0x50, s5;
	[tilespmem:s28+$0x5F80] =	vst v0;
	s28 =	sadd.s32 $0x5F40, s28  }
0x197: {  	v5 =	vld [tilespmem:$0x1FFE0];
	v41 =	vmovc v46;
	v46 =	vmovc v51;
	v51 =	vmov v56;
	v56 =	vmov v61;
	v61 =	vmov v7;
	[spmem:s2] =	stream.indirect.scatter.add.f32 [tilespmem:s26], [sflag:s25], $0x10, s28, s21, $0xb8  }
0x198: {  	s1 =	sadd.s32 $0x1, s1  }
0x199: {  	p2 =	sne.s32 s1, $0x7D  }
.Ltmp2:
0x19a: {  	_ = 	snop;
	(pc) =	sbr.rel @p2 .LBB2_4-.Ltmp2, $2  }
0x19b: {  	_ =	sdelay $0x2  }
0x19c: {  	p1 =	por !p1, !p1  }
0x19d: {  	_ =	swait.ge [sflag:s29], $0x500  }
0x19e: {  	[sflag:s29] =	ssyncset.done $0x0  }
0x19f: {  	[sflag:s29] =	ssyncadd.s32 $0xFFFFFB00  }
0x1a0: {  	_ =	swait.ge [sflag:s30], $0x500  }
0x1a1: {  	[sflag:s30] =	ssyncset.done $0x0  }
0x1a2: {  	[sflag:s30] =	ssyncadd.s32 $0xFFFFFB00  }
0x1a3: {  	[bflag:$0x0] =	sbarrier.arrive $0xFFFF  }
0x1a4: {  	[tilespmem:s19], [sflag:$0x5] =	stream.linear.gather [spmem:s8], $0x500, $0x38;
	[tilespmem:$0x1F080] =	vst v63  }
0x1a5: {  	_ =	swait.ge [sflag:s20], $0x500  }
0x1a6: {  	[sflag:s20] =	ssyncset.done $0x0  }
0x1a7: {  	s0 =	sadd.s32 $0x0, s18;
	[sflag:s20] =	ssyncadd.s32 $0xFFFFFB00  }
0x1a8: {  	[hbm4b:s0+s3] =	stream.linear.scatter [tilespmem:s19], [sflag:$0x5], $0x500, $0x38;
	[tilespmem:$0x1F080] =	vst v63  }
0x1a9: {  	_ =	swait.ge [sflag:s20], $0x500  }
0x1aa: {  	s1 =	smov.u32 s8;
	s0 =	simm.s32 $0xA0;
	[sflag:s20] =	ssyncset.done $0x0  }
.LBB2_8:
0x1ab: {  	p1 =	sne.s32 s0, $0x2F80;
	[sflag:s20] =	ssyncadd.s32 $0xFFFFFB00;
	s1 =	sadd.s32 $0x500, s1  }
0x1ac: {  	[tilespmem:s19], [sflag:$0x5] =	stream.linear.gather [spmem:s1], $0x500, $0x38;
	[tilespmem:$0x1F080] =	vst v63  }
0x1ad: {  	s5 =	smov.u32 s0;
	s0 =	sadd.s32 $0xA0, s0;
	_ =	swait.ge [sflag:s20], $0x500  }
.Ltmp3:
0x1ae: {  	[sflag:s20] =	ssyncset.done $0x0;
	(pc) =	sbr.rel @p1 .LBB2_8-.Ltmp3, $4  }
0x1af: {  	s5 =	sadd.s32 s5, s18;
	[sflag:s20] =	ssyncadd.s32 $0xFFFFFB00  }
0x1b0: {  	[hbm4b:s5+s3] =	stream.linear.scatter [tilespmem:s19], [sflag:$0x5], $0x500, $0x38;
	[tilespmem:$0x1F080] =	vst v63  }
0x1b1: {  	_ =	swait.ge [sflag:s20], $0x500  }
0x1b2: {  	[sflag:s20] =	ssyncset.done $0x0  }
0x1b3: {  	[sflag:s20] =	ssyncadd.s32 $0xFFFFFB00;
	s0 =	simm.s32 @!p0 $0x5FE0;
	s1 =	simm.s32 @!p0 $0x5  }
0x1b4: {  	[tilespmem:s0], [sflag:$0x5] =	stream.linear.gather @!p0 [spmem:s9], $0x500, $0x38;
	[tilespmem:$0x1F080] =	vst v63  }
0x1b5: {  	_ =	swait.ge @!p0 [sflag:s1], $0x500  }
0x1b6: {  	[sflag:s1] =	ssyncset.done @!p0 $0x0  }
0x1b7: {  	s5 =	simm.s32 @!p0 $0x0;
	[sflag:s1] =	ssyncadd.s32 @!p0 $0xFFFFFB00  }
0x1b8: {  	[hbm4b:s15+s5] =	stream.linear.scatter @!p0 [tilespmem:s0], [sflag:$0x5], $0x500, $0x38;
	[tilespmem:$0x1F080] =	vst v63  }
0x1b9: {  	_ =	swait.ge @!p0 [sflag:s1], $0x500  }
0x1ba: {  	[sflag:s1] =	ssyncset.done @!p0 $0x0  }
0x1bb: {  	[sflag:s1] =	ssyncadd.s32 @!p0 $0xFFFFFB00  }
0x1bc: {  	[tilespmem:s0], [sflag:$0x5] =	stream.linear.gather @!p0 [spmem:s10], $0x100, $0x38;
	[tilespmem:$0x1F080] =	vst v63  }
0x1bd: {  	s31 =	sadd.s32 $0x1, s31;
	_ =	swait.ge @!p0 [sflag:s1], $0x100  }
0x1be: {  	p1 =	sne.s32 s31, s17;
	[sflag:s1] =	ssyncset.done @!p0 $0x0  }
.Ltmp4:
0x1bf: {  	[sflag:s1] =	ssyncadd.s32 @!p0 $0xFFFFFF00;
	(pc) =	sbr.rel @p1 .LBB2_1-.Ltmp4, $4  }
0x1c0: {  	[hbm4b:s16+s5] =	stream.linear.scatter @!p0 [tilespmem:s0], [sflag:$0x5], $0x100, $0x38;
	[tilespmem:$0x1F080] =	vst v63  }
0x1c1: {  	_ =	swait.ge @!p0 [sflag:s1], $0x100  }
0x1c2: {  	[sflag:s1] =	ssyncset.done @!p0 $0x0  }
0x1c3: {  	[sflag:s1] =	ssyncadd.s32 @!p0 $0xFFFFFF00  }
0x1c4: {  	_ =	sfence.sel $0x180000  }
0x1c5: {  	[bflag:$0x0] =	sbarrier.arrive $0xFFFF  }
0x1c6: {  	_ =	strace $0x90000047  }
0x1c7: {  	s0 =	stileid.u32;
	[bflag:$0x2] =	sbarrier.arrive $0xFFFF  }
0x1c8: {  	p0 =	sne.s32 s0, $0x0;
	s0 =	rddreg [dreg:$0x3]  }
0x1c9: {  	s0 =	sadd.s32 @!p0 $0x100000, s0  }
0x1ca: {  	[sflag:s0] =	ssyncadd.tile.s32 @!p0 $0x1;
	_ =	shalt  }
.Lfunc_end2:
_tile_overlayer_lowered:
.L_overlay_start_2:
0x1cb: {  	(tag) =	ssettag $0x2  }
0x1cc: {  	s0 =	rddreg [dreg:$0x0];
	s2 =	stileid.u32  }
0x1cd: {  	s1 =	rddreg [dreg:$0x1];
	p0 =	sne.s32 s2, $0x0  }
0x1ce: {  	s3 =	rddreg [dreg:$0x2];
	[bflag:$0x3] =	sbarrier.arrive $0xFFFF;
	s2 =	simm.s32 @!p0 $0x1C05  }
0x1cf: {  	[timem:s3], [sflag:s2] =	dma.local @!p0 [hbm:s0], s1  }
0x1d0: {  	s0 =	simm.s32 @!p0 $0x5  }
0x1d1: {  	_ =	swait.ge @!p0 [sflag:s0], s1  }
0x1d2: {  	s1 =	ssub.s32 @!p0 $0x0, s1;
	[sflag:s0] =	ssyncset.done @!p0 $0x0  }
0x1d3: {  	[sflag:s0] =	ssyncadd.s32 @!p0 s1  }
0x1d4: {  	[bflag:$0x3] =	sbarrier.arrive $0xFFFF  }
0x1d5: {  	_ =	shalt  }

</sc_bundles>
